<compile_context>
chip_gen: v7x
topology: tpu7x:2x2x1
jax: 0.10.2.dev20260603
libtpu: 0.0.44.dev20260713+nightly
codegen_flags: <defaults>
</compile_context>

<pallas_src>
import functools

import jax
import jax.numpy as jnp
from jax import lax
from jax.experimental import pallas as pl
from jax.experimental.pallas import tpu as pltpu
from jax.experimental.pallas import tpu_sc as plsc

promise = lax.GatherScatterMode.PROMISE_IN_BOUNDS

_INFO = plsc.get_sparse_core_info()
_NC = _INFO.num_cores
_NS = _INFO.num_subcores
_NW = _NC * _NS

_TOK = 256


@functools.lru_cache(maxsize=None)
def _make_kernel(n_l: int, n_b: int, embed: int):
    assert embed == 64 and n_b % _TOK == 0
    n_j2 = n_b // _TOK
    units = n_l * n_j2
    assert units % _NW == 0
    per_w = units // _NW
    assert per_w % 2 == 0 and per_w >= 6
    t_words = 16 * 8 * 128

    mesh = plsc.VectorSubcoreMesh(core_axis_name="c", subcore_axis_name="s")

    @functools.partial(
        pl.kernel,
        mesh=mesh,
        out_type=jax.ShapeDtypeStruct((n_l * 8 * (n_b // 128) * 8 * 128,),
                                      jnp.float32),
        scratch_types=[
            pltpu.VMEM((per_w * _TOK,), jnp.int32),
            pltpu.VMEM((_TOK, 2 * embed), jnp.float32),
            pltpu.VMEM((_TOK, 2 * embed), jnp.float32),
            pltpu.VMEM((t_words,), jnp.float32),
            pltpu.VMEM((t_words,), jnp.float32),
            pltpu.SemaphoreType.DMA,
            pltpu.SemaphoreType.DMA,
            pltpu.SemaphoreType.DMA,
            pltpu.SemaphoreType.DMA,
        ],
        compiler_params=pltpu.CompilerParams(use_tc_tiling_on_sc=True,
                                             needs_layout_passes=False),
    )
    def gather_kernel(idx_hbm, table_hbm, out_hbm, idx_v, rows_a, rows_b,
                      t_a, t_b, sem_ga, sem_gb, sem_sa, sem_sb):
        wid = lax.axis_index("s") * _NC + lax.axis_index("c")
        u0 = wid * per_w
        pltpu.sync_copy(idx_hbm.at[pl.ds(u0 * _TOK, per_w * _TOK)], idx_v)

        rows = (rows_a, rows_b)
        tbuf = (t_a, t_b)
        sem_g = (sem_ga, sem_gb)
        sem_s = (sem_sa, sem_sb)

        iota = lax.iota(jnp.int32, 16)
        rot16 = tuple((iota + k) % 16 for k in range(16))
        col = tuple(iota + dg * 16 for dg in range(4))
        stv = tuple(
            (dg * 4096) + (iota // 8) * 2048 + (iota % 8) * 128
            for dg in range(4)
        )

        def start_gather(i, s):
            return pltpu.async_copy(
                table_hbm.at[idx_v.at[pl.ds(i * _TOK, _TOK)]],
                rows[s], sem_g[s])

        def start_store(i, s):
            u = u0 + i
            l = u // n_j2
            j2 = u - l * n_j2
            for blk in range(8):
                dst = ((l * 8 + blk) * (n_b // 128) + 2 * j2) * 1024
                pltpu.async_copy(tbuf[s].at[pl.ds(blk * 2048, 2048)],
                                 out_hbm.at[pl.ds(dst, 2048)], sem_s[s])

        def wait_gather(s):
            pltpu.make_async_copy(table_hbm.at[idx_v.at[pl.ds(0, _TOK)]],
                                  rows[s], sem_g[s]).wait()

        def wait_store(s):
            pltpu.make_async_copy(tbuf[s], out_hbm.at[pl.ds(0, t_words)],
                                  sem_s[s]).wait()

        def transpose_unit(s):
            rows_ref = rows[s]
            t_ref = tbuf[s]

            def body_g(g, carry):
                n0 = g * 16
                cbase = (g // 8) * 1024 + (g % 8) * 16
                for kk in range(8):
                    vals = []
                    idxs = []
                    for k in (2 * kk, 2 * kk + 1):
                        rk = rot16[k] + n0
                        ck = rot16[k] + cbase
                        for dg in range(4):
                            vals.append(
                                plsc.load_gather(rows_ref, [rk, col[dg]]))
                            idxs.append(stv[dg] + ck)
                    for ix, val in zip(idxs, vals):
                        plsc.store_scatter(t_ref, [ix], val)
                return carry

            lax.fori_loop(0, 16, body_g, 0, unroll=False)

        start_gather(0, 0)
        start_gather(1, 1)
        for i in (0, 1):
            s = i % 2
            wait_gather(s)
            transpose_unit(s)
            start_store(i, s)
            start_gather(i + 2, s)

        def body(jj, carry):
            for p in range(2):
                i = 2 + 2 * jj + p
                s = p
                wait_gather(s)
                wait_store(s)
                transpose_unit(s)
                start_store(i, s)
                start_gather(i + 2, s)
            return carry

        lax.fori_loop(0, (per_w - 4) // 2, body, 0, unroll=False)

        for i in (per_w - 2, per_w - 1):
            s = i % 2
            wait_gather(s)
            wait_store(s)
            transpose_unit(s)
            start_store(i, s)
        wait_store(0)
        wait_store(1)

    return gather_kernel


def kernel(token_id, table):
    b, s = token_id.shape
    v, d = table.shape
    flat_t = jnp.transpose(token_id).reshape(-1).astype(jnp.int32)
    table2 = jnp.pad(table, ((0, 0), (0, d)))
    out1 = _make_kernel(s, b, d)(flat_t, table2)
    out5 = out1.reshape(s, 8, b // 128, 8, 128)
    return out5.transpose(2, 4, 0, 1, 3).reshape(b, s, d)

# --- scband reference (transcript-rebuilt; emitter-appended) ---
"""Pipeline reference for scband-embedding-48017734370050 (READ-ONLY COPY).

The authoritative reference and input builder live on the scoring server;
editing this copy changes nothing except your own understanding.
"""

import jax, jax.numpy as jnp
import numpy as np

VOCAB = 1000000
EMBED = 64
BATCH = 4096
SEQ = 200

def setup_inputs(seed: int = 0) -> dict:
    key = jax.random.key(seed)
    k1, k2 = jax.random.split(key)
    token_id = jax.random.randint(k1, (BATCH, SEQ), 0, VOCAB, dtype=jnp.int64 if jax.config.jax_enable_x64 else jnp.int32)
    table = jax.random.normal(k2, (VOCAB, EMBED), dtype=jnp.float32) * 0.02
    return {"token_id": token_id, "table": table}

def reference(token_id, table):
    # Faithful to nn.Embedding lookup: out[b, l, :] = table[token_id[b, l], :]
    return jnp.take(table, token_id, axis=0)

if __name__ == "__main__":
    import jax
    _d = setup_inputs()
    print(jax.jit(kernel)(*tuple(_d.values())))

</pallas_src>

<mosaic_0001>
#map = affine_map<(d0, d1) -> (0)>
#map1 = affine_map<(d0, d1) -> (0, 0)>
module attributes {stable_mosaic.version = 14 : i64} {
  func.func @gather_kernel(%arg0: i32, %arg1: i32, %arg2: memref<819200xi32, #tpu.memory_space<hbm>>, %arg3: memref<1000000x128xf32, #tpu.memory_space<hbm>>, %arg4: memref<52428800xf32, #tpu.memory_space<hbm>>, %arg5: memref<25600xi32, #tpu.memory_space<vmem>>, %arg6: memref<256x128xf32, #tpu.memory_space<vmem>>, %arg7: memref<256x128xf32, #tpu.memory_space<vmem>>, %arg8: memref<16384xf32, #tpu.memory_space<vmem>>, %arg9: memref<16384xf32, #tpu.memory_space<vmem>>, %arg10: memref<!tpu.dma_semaphore, #tpu.memory_space<semaphore_mem>>, %arg11: memref<!tpu.dma_semaphore, #tpu.memory_space<semaphore_mem>>, %arg12: memref<!tpu.dma_semaphore, #tpu.memory_space<semaphore_mem>>, %arg13: memref<!tpu.dma_semaphore, #tpu.memory_space<semaphore_mem>>) attributes {dimension_semantics = [#tpu.dimension_semantics<core_parallel>, #tpu.dimension_semantics<subcore_parallel>], iteration_bounds = array<i64: 2, 16>, scalar_prefetch = 0 : i64, scratch_operands = 9 : i64, tpu.core_type = #tpu.core_type<sc_vector_subcore>, window_params = [{transform_indices = #map}, {transform_indices = #map1}, {transform_indices = #map}]} {
    %mul3A = arith.constant 2 : i32
    %mul3A_0 = arith.muli %arg1, %mul3A : i32
    %add3A = arith.addi %mul3A_0, %arg0 : i32
    %mul3A_1 = arith.constant 100 : i32
    %mul3A_2 = arith.muli %add3A, %mul3A_1 : i32
    %mul3A_3 = arith.constant 256 : i32
    %mul3A_4 = arith.muli %mul3A_2, %mul3A_3 : i32
    "tpu.region"() ({
      %run_scoped3A = tpu.sem_alloc : memref<!tpu.dma_semaphore, #tpu.memory_space<semaphore_mem>>
      %dma_start3A_1402 = tpu.memref_slice %arg2[%mul3A_4] : memref<819200xi32, #tpu.memory_space<hbm>> -> memref<25600xi32, #tpu.memory_space<hbm>>
      %dma_start3A_1403 = tpu.memref_slice %arg2[%mul3A_4] : memref<819200xi32, #tpu.memory_space<hbm>> -> memref<25600xi32, #tpu.memory_space<hbm>>
      tpu.enqueue_dma source(%dma_start3A_1403 : memref<25600xi32, #tpu.memory_space<hbm>>) target(%arg5 : memref<25600xi32, #tpu.memory_space<vmem>>) target_semaphore(%run_scoped3A : memref<!tpu.dma_semaphore, #tpu.memory_space<semaphore_mem>>)
      %dma_wait3A_1404 = tpu.memref_slice %arg2[%mul3A_4] : memref<819200xi32, #tpu.memory_space<hbm>> -> memref<25600xi32, #tpu.memory_space<hbm>>
      %dma_wait3A_1405 = tpu.memref_slice %arg2[%mul3A_4] : memref<819200xi32, #tpu.memory_space<hbm>> -> memref<25600xi32, #tpu.memory_space<hbm>>
      tpu.wait_dma2 semaphore(%run_scoped3A : memref<!tpu.dma_semaphore, #tpu.memory_space<semaphore_mem>>) src(%dma_wait3A_1405 : memref<25600xi32, #tpu.memory_space<hbm>>) dst(%arg5 : memref<25600xi32, #tpu.memory_space<vmem>>)
      tpu.yield
    }) : () -> ()
    %iota3A = tpu.iota {dimensions = array<i32: 0>} : vector<16xi32>
    %add3A_5 = arith.constant 0 : i32
    %add3A_6 = vector.broadcast %add3A_5 : i32 to vector<16xi32>
    %add3A_7 = arith.addi %iota3A, %add3A_6 : vector<16xi32>
    %jit3A = arith.constant 16 : i32
    %eq3A = arith.constant 0 : i32
    %eq3A_8 = arith.cmpi eq, %jit3A, %eq3A : i32
    %jit3A_9 = arith.constant 1 : i32
    %select_n3A = arith.select %eq3A_8, %jit3A_9, %jit3A : i32
    %rem3A = vector.broadcast %select_n3A : i32 to vector<16xi32>
    %rem3A_10 = arith.remsi %add3A_7, %rem3A : vector<16xi32>
    %ne3A = arith.constant 0 : i32
    %ne3A_11 = vector.broadcast %ne3A : i32 to vector<16xi32>
    %ne3A_12 = arith.cmpi ne, %rem3A_10, %ne3A_11 : vector<16xi32>
    %lt3A = arith.constant 0 : i32
    %lt3A_13 = vector.broadcast %lt3A : i32 to vector<16xi32>
    %lt3A_14 = arith.cmpi slt, %rem3A_10, %lt3A_13 : vector<16xi32>
    %lt3A_15 = arith.constant 0 : i32
    %lt3A_16 = arith.cmpi slt, %select_n3A, %lt3A_15 : i32
    %ne3A_17 = vector.broadcast %lt3A_16 : i1 to vector<16xi1>
    %ne3A_18 = vector.broadcast %ne3A_17 : vector<16xi1> to vector<16xi1>
    %ne3A_19 = arith.xori %lt3A_14, %ne3A_18 : vector<16xi1>
    %and3A = arith.andi %ne3A_19, %ne3A_12 : vector<16xi1>
    %add3A_20 = vector.broadcast %select_n3A : i32 to vector<16xi32>
    %add3A_21 = arith.addi %rem3A_10, %add3A_20 : vector<16xi32>
    %select_n3A_22 = arith.select %and3A, %add3A_21, %rem3A_10 : vector<16xi1>, vector<16xi32>
    %add3A_23 = arith.constant 1 : i32
    %add3A_24 = vector.broadcast %add3A_23 : i32 to vector<16xi32>
    %add3A_25 = arith.addi %iota3A, %add3A_24 : vector<16xi32>
    %jit3A_26 = arith.constant 16 : i32
    %eq3A_27 = arith.constant 0 : i32
    %eq3A_28 = arith.cmpi eq, %jit3A_26, %eq3A_27 : i32
    %jit3A_29 = arith.constant 1 : i32
    %select_n3A_30 = arith.select %eq3A_28, %jit3A_29, %jit3A_26 : i32
    %rem3A_31 = vector.broadcast %select_n3A_30 : i32 to vector<16xi32>
    %rem3A_32 = arith.remsi %add3A_25, %rem3A_31 : vector<16xi32>
    %ne3A_33 = arith.constant 0 : i32
    %ne3A_34 = vector.broadcast %ne3A_33 : i32 to vector<16xi32>
    %ne3A_35 = arith.cmpi ne, %rem3A_32, %ne3A_34 : vector<16xi32>
    %lt3A_36 = arith.constant 0 : i32
    %lt3A_37 = vector.broadcast %lt3A_36 : i32 to vector<16xi32>
    %lt3A_38 = arith.cmpi slt, %rem3A_32, %lt3A_37 : vector<16xi32>
    %lt3A_39 = arith.constant 0 : i32
    %lt3A_40 = arith.cmpi slt, %select_n3A_30, %lt3A_39 : i32
    %ne3A_41 = vector.broadcast %lt3A_40 : i1 to vector<16xi1>
    %ne3A_42 = vector.broadcast %ne3A_41 : vector<16xi1> to vector<16xi1>
    %ne3A_43 = arith.xori %lt3A_38, %ne3A_42 : vector<16xi1>
    %and3A_44 = arith.andi %ne3A_43, %ne3A_35 : vector<16xi1>
    %add3A_45 = vector.broadcast %select_n3A_30 : i32 to vector<16xi32>
    %add3A_46 = arith.addi %rem3A_32, %add3A_45 : vector<16xi32>
    %select_n3A_47 = arith.select %and3A_44, %add3A_46, %rem3A_32 : vector<16xi1>, vector<16xi32>
    %add3A_48 = arith.constant 2 : i32
    %add3A_49 = vector.broadcast %add3A_48 : i32 to vector<16xi32>
    %add3A_50 = arith.addi %iota3A, %add3A_49 : vector<16xi32>
    %jit3A_51 = arith.constant 16 : i32
    %eq3A_52 = arith.constant 0 : i32
    %eq3A_53 = arith.cmpi eq, %jit3A_51, %eq3A_52 : i32
    %jit3A_54 = arith.constant 1 : i32
    %select_n3A_55 = arith.select %eq3A_53, %jit3A_54, %jit3A_51 : i32
    %rem3A_56 = vector.broadcast %select_n3A_55 : i32 to vector<16xi32>
    %rem3A_57 = arith.remsi %add3A_50, %rem3A_56 : vector<16xi32>
    %ne3A_58 = arith.constant 0 : i32
    %ne3A_59 = vector.broadcast %ne3A_58 : i32 to vector<16xi32>
    %ne3A_60 = arith.cmpi ne, %rem3A_57, %ne3A_59 : vector<16xi32>
    %lt3A_61 = arith.constant 0 : i32
    %lt3A_62 = vector.broadcast %lt3A_61 : i32 to vector<16xi32>
    %lt3A_63 = arith.cmpi slt, %rem3A_57, %lt3A_62 : vector<16xi32>
    %lt3A_64 = arith.constant 0 : i32
    %lt3A_65 = arith.cmpi slt, %select_n3A_55, %lt3A_64 : i32
    %ne3A_66 = vector.broadcast %lt3A_65 : i1 to vector<16xi1>
    %ne3A_67 = vector.broadcast %ne3A_66 : vector<16xi1> to vector<16xi1>
    %ne3A_68 = arith.xori %lt3A_63, %ne3A_67 : vector<16xi1>
    %and3A_69 = arith.andi %ne3A_68, %ne3A_60 : vector<16xi1>
    %add3A_70 = vector.broadcast %select_n3A_55 : i32 to vector<16xi32>
    %add3A_71 = arith.addi %rem3A_57, %add3A_70 : vector<16xi32>
    %select_n3A_72 = arith.select %and3A_69, %add3A_71, %rem3A_57 : vector<16xi1>, vector<16xi32>
    %add3A_73 = arith.constant 3 : i32
    %add3A_74 = vector.broadcast %add3A_73 : i32 to vector<16xi32>
    %add3A_75 = arith.addi %iota3A, %add3A_74 : vector<16xi32>
    %jit3A_76 = arith.constant 16 : i32
    %eq3A_77 = arith.constant 0 : i32
    %eq3A_78 = arith.cmpi eq, %jit3A_76, %eq3A_77 : i32
    %jit3A_79 = arith.constant 1 : i32
    %select_n3A_80 = arith.select %eq3A_78, %jit3A_79, %jit3A_76 : i32
    %rem3A_81 = vector.broadcast %select_n3A_80 : i32 to vector<16xi32>
    %rem3A_82 = arith.remsi %add3A_75, %rem3A_81 : vector<16xi32>
    %ne3A_83 = arith.constant 0 : i32
    %ne3A_84 = vector.broadcast %ne3A_83 : i32 to vector<16xi32>
    %ne3A_85 = arith.cmpi ne, %rem3A_82, %ne3A_84 : vector<16xi32>
    %lt3A_86 = arith.constant 0 : i32
    %lt3A_87 = vector.broadcast %lt3A_86 : i32 to vector<16xi32>
    %lt3A_88 = arith.cmpi slt, %rem3A_82, %lt3A_87 : vector<16xi32>
    %lt3A_89 = arith.constant 0 : i32
    %lt3A_90 = arith.cmpi slt, %select_n3A_80, %lt3A_89 : i32
    %ne3A_91 = vector.broadcast %lt3A_90 : i1 to vector<16xi1>
    %ne3A_92 = vector.broadcast %ne3A_91 : vector<16xi1> to vector<16xi1>
    %ne3A_93 = arith.xori %lt3A_88, %ne3A_92 : vector<16xi1>
    %and3A_94 = arith.andi %ne3A_93, %ne3A_85 : vector<16xi1>
    %add3A_95 = vector.broadcast %select_n3A_80 : i32 to vector<16xi32>
    %add3A_96 = arith.addi %rem3A_82, %add3A_95 : vector<16xi32>
    %select_n3A_97 = arith.select %and3A_94, %add3A_96, %rem3A_82 : vector<16xi1>, vector<16xi32>
    %add3A_98 = arith.constant 4 : i32
    %add3A_99 = vector.broadcast %add3A_98 : i32 to vector<16xi32>
    %add3A_100 = arith.addi %iota3A, %add3A_99 : vector<16xi32>
    %jit3A_101 = arith.constant 16 : i32
    %eq3A_102 = arith.constant 0 : i32
    %eq3A_103 = arith.cmpi eq, %jit3A_101, %eq3A_102 : i32
    %jit3A_104 = arith.constant 1 : i32
    %select_n3A_105 = arith.select %eq3A_103, %jit3A_104, %jit3A_101 : i32
    %rem3A_106 = vector.broadcast %select_n3A_105 : i32 to vector<16xi32>
    %rem3A_107 = arith.remsi %add3A_100, %rem3A_106 : vector<16xi32>
    %ne3A_108 = arith.constant 0 : i32
    %ne3A_109 = vector.broadcast %ne3A_108 : i32 to vector<16xi32>
    %ne3A_110 = arith.cmpi ne, %rem3A_107, %ne3A_109 : vector<16xi32>
    %lt3A_111 = arith.constant 0 : i32
    %lt3A_112 = vector.broadcast %lt3A_111 : i32 to vector<16xi32>
    %lt3A_113 = arith.cmpi slt, %rem3A_107, %lt3A_112 : vector<16xi32>
    %lt3A_114 = arith.constant 0 : i32
    %lt3A_115 = arith.cmpi slt, %select_n3A_105, %lt3A_114 : i32
    %ne3A_116 = vector.broadcast %lt3A_115 : i1 to vector<16xi1>
    %ne3A_117 = vector.broadcast %ne3A_116 : vector<16xi1> to vector<16xi1>
    %ne3A_118 = arith.xori %lt3A_113, %ne3A_117 : vector<16xi1>
    %and3A_119 = arith.andi %ne3A_118, %ne3A_110 : vector<16xi1>
    %add3A_120 = vector.broadcast %select_n3A_105 : i32 to vector<16xi32>
    %add3A_121 = arith.addi %rem3A_107, %add3A_120 : vector<16xi32>
    %select_n3A_122 = arith.select %and3A_119, %add3A_121, %rem3A_107 : vector<16xi1>, vector<16xi32>
    %add3A_123 = arith.constant 5 : i32
    %add3A_124 = vector.broadcast %add3A_123 : i32 to vector<16xi32>
    %add3A_125 = arith.addi %iota3A, %add3A_124 : vector<16xi32>
    %jit3A_126 = arith.constant 16 : i32
    %eq3A_127 = arith.constant 0 : i32
    %eq3A_128 = arith.cmpi eq, %jit3A_126, %eq3A_127 : i32
    %jit3A_129 = arith.constant 1 : i32
    %select_n3A_130 = arith.select %eq3A_128, %jit3A_129, %jit3A_126 : i32
    %rem3A_131 = vector.broadcast %select_n3A_130 : i32 to vector<16xi32>
    %rem3A_132 = arith.remsi %add3A_125, %rem3A_131 : vector<16xi32>
    %ne3A_133 = arith.constant 0 : i32
    %ne3A_134 = vector.broadcast %ne3A_133 : i32 to vector<16xi32>
    %ne3A_135 = arith.cmpi ne, %rem3A_132, %ne3A_134 : vector<16xi32>
    %lt3A_136 = arith.constant 0 : i32
    %lt3A_137 = vector.broadcast %lt3A_136 : i32 to vector<16xi32>
    %lt3A_138 = arith.cmpi slt, %rem3A_132, %lt3A_137 : vector<16xi32>
    %lt3A_139 = arith.constant 0 : i32
    %lt3A_140 = arith.cmpi slt, %select_n3A_130, %lt3A_139 : i32
    %ne3A_141 = vector.broadcast %lt3A_140 : i1 to vector<16xi1>
    %ne3A_142 = vector.broadcast %ne3A_141 : vector<16xi1> to vector<16xi1>
    %ne3A_143 = arith.xori %lt3A_138, %ne3A_142 : vector<16xi1>
    %and3A_144 = arith.andi %ne3A_143, %ne3A_135 : vector<16xi1>
    %add3A_145 = vector.broadcast %select_n3A_130 : i32 to vector<16xi32>
    %add3A_146 = arith.addi %rem3A_132, %add3A_145 : vector<16xi32>
    %select_n3A_147 = arith.select %and3A_144, %add3A_146, %rem3A_132 : vector<16xi1>, vector<16xi32>
    %add3A_148 = arith.constant 6 : i32
    %add3A_149 = vector.broadcast %add3A_148 : i32 to vector<16xi32>
    %add3A_150 = arith.addi %iota3A, %add3A_149 : vector<16xi32>
    %jit3A_151 = arith.constant 16 : i32
    %eq3A_152 = arith.constant 0 : i32
    %eq3A_153 = arith.cmpi eq, %jit3A_151, %eq3A_152 : i32
    %jit3A_154 = arith.constant 1 : i32
    %select_n3A_155 = arith.select %eq3A_153, %jit3A_154, %jit3A_151 : i32
    %rem3A_156 = vector.broadcast %select_n3A_155 : i32 to vector<16xi32>
    %rem3A_157 = arith.remsi %add3A_150, %rem3A_156 : vector<16xi32>
    %ne3A_158 = arith.constant 0 : i32
    %ne3A_159 = vector.broadcast %ne3A_158 : i32 to vector<16xi32>
    %ne3A_160 = arith.cmpi ne, %rem3A_157, %ne3A_159 : vector<16xi32>
    %lt3A_161 = arith.constant 0 : i32
    %lt3A_162 = vector.broadcast %lt3A_161 : i32 to vector<16xi32>
    %lt3A_163 = arith.cmpi slt, %rem3A_157, %lt3A_162 : vector<16xi32>
    %lt3A_164 = arith.constant 0 : i32
    %lt3A_165 = arith.cmpi slt, %select_n3A_155, %lt3A_164 : i32
    %ne3A_166 = vector.broadcast %lt3A_165 : i1 to vector<16xi1>
    %ne3A_167 = vector.broadcast %ne3A_166 : vector<16xi1> to vector<16xi1>
    %ne3A_168 = arith.xori %lt3A_163, %ne3A_167 : vector<16xi1>
    %and3A_169 = arith.andi %ne3A_168, %ne3A_160 : vector<16xi1>
    %add3A_170 = vector.broadcast %select_n3A_155 : i32 to vector<16xi32>
    %add3A_171 = arith.addi %rem3A_157, %add3A_170 : vector<16xi32>
    %select_n3A_172 = arith.select %and3A_169, %add3A_171, %rem3A_157 : vector<16xi1>, vector<16xi32>
    %add3A_173 = arith.constant 7 : i32
    %add3A_174 = vector.broadcast %add3A_173 : i32 to vector<16xi32>
    %add3A_175 = arith.addi %iota3A, %add3A_174 : vector<16xi32>
    %jit3A_176 = arith.constant 16 : i32
    %eq3A_177 = arith.constant 0 : i32
    %eq3A_178 = arith.cmpi eq, %jit3A_176, %eq3A_177 : i32
    %jit3A_179 = arith.constant 1 : i32
    %select_n3A_180 = arith.select %eq3A_178, %jit3A_179, %jit3A_176 : i32
    %rem3A_181 = vector.broadcast %select_n3A_180 : i32 to vector<16xi32>
    %rem3A_182 = arith.remsi %add3A_175, %rem3A_181 : vector<16xi32>
    %ne3A_183 = arith.constant 0 : i32
    %ne3A_184 = vector.broadcast %ne3A_183 : i32 to vector<16xi32>
    %ne3A_185 = arith.cmpi ne, %rem3A_182, %ne3A_184 : vector<16xi32>
    %lt3A_186 = arith.constant 0 : i32
    %lt3A_187 = vector.broadcast %lt3A_186 : i32 to vector<16xi32>
    %lt3A_188 = arith.cmpi slt, %rem3A_182, %lt3A_187 : vector<16xi32>
    %lt3A_189 = arith.constant 0 : i32
    %lt3A_190 = arith.cmpi slt, %select_n3A_180, %lt3A_189 : i32
    %ne3A_191 = vector.broadcast %lt3A_190 : i1 to vector<16xi1>
    %ne3A_192 = vector.broadcast %ne3A_191 : vector<16xi1> to vector<16xi1>
    %ne3A_193 = arith.xori %lt3A_188, %ne3A_192 : vector<16xi1>
    %and3A_194 = arith.andi %ne3A_193, %ne3A_185 : vector<16xi1>
    %add3A_195 = vector.broadcast %select_n3A_180 : i32 to vector<16xi32>
    %add3A_196 = arith.addi %rem3A_182, %add3A_195 : vector<16xi32>
    %select_n3A_197 = arith.select %and3A_194, %add3A_196, %rem3A_182 : vector<16xi1>, vector<16xi32>
    %add3A_198 = arith.constant 8 : i32
    %add3A_199 = vector.broadcast %add3A_198 : i32 to vector<16xi32>
    %add3A_200 = arith.addi %iota3A, %add3A_199 : vector<16xi32>
    %jit3A_201 = arith.constant 16 : i32
    %eq3A_202 = arith.constant 0 : i32
    %eq3A_203 = arith.cmpi eq, %jit3A_201, %eq3A_202 : i32
    %jit3A_204 = arith.constant 1 : i32
    %select_n3A_205 = arith.select %eq3A_203, %jit3A_204, %jit3A_201 : i32
    %rem3A_206 = vector.broadcast %select_n3A_205 : i32 to vector<16xi32>
    %rem3A_207 = arith.remsi %add3A_200, %rem3A_206 : vector<16xi32>
    %ne3A_208 = arith.constant 0 : i32
    %ne3A_209 = vector.broadcast %ne3A_208 : i32 to vector<16xi32>
    %ne3A_210 = arith.cmpi ne, %rem3A_207, %ne3A_209 : vector<16xi32>
    %lt3A_211 = arith.constant 0 : i32
    %lt3A_212 = vector.broadcast %lt3A_211 : i32 to vector<16xi32>
    %lt3A_213 = arith.cmpi slt, %rem3A_207, %lt3A_212 : vector<16xi32>
    %lt3A_214 = arith.constant 0 : i32
    %lt3A_215 = arith.cmpi slt, %select_n3A_205, %lt3A_214 : i32
    %ne3A_216 = vector.broadcast %lt3A_215 : i1 to vector<16xi1>
    %ne3A_217 = vector.broadcast %ne3A_216 : vector<16xi1> to vector<16xi1>
    %ne3A_218 = arith.xori %lt3A_213, %ne3A_217 : vector<16xi1>
    %and3A_219 = arith.andi %ne3A_218, %ne3A_210 : vector<16xi1>
    %add3A_220 = vector.broadcast %select_n3A_205 : i32 to vector<16xi32>
    %add3A_221 = arith.addi %rem3A_207, %add3A_220 : vector<16xi32>
    %select_n3A_222 = arith.select %and3A_219, %add3A_221, %rem3A_207 : vector<16xi1>, vector<16xi32>
    %add3A_223 = arith.constant 9 : i32
    %add3A_224 = vector.broadcast %add3A_223 : i32 to vector<16xi32>
    %add3A_225 = arith.addi %iota3A, %add3A_224 : vector<16xi32>
    %jit3A_226 = arith.constant 16 : i32
    %eq3A_227 = arith.constant 0 : i32
    %eq3A_228 = arith.cmpi eq, %jit3A_226, %eq3A_227 : i32
    %jit3A_229 = arith.constant 1 : i32
    %select_n3A_230 = arith.select %eq3A_228, %jit3A_229, %jit3A_226 : i32
    %rem3A_231 = vector.broadcast %select_n3A_230 : i32 to vector<16xi32>
    %rem3A_232 = arith.remsi %add3A_225, %rem3A_231 : vector<16xi32>
    %ne3A_233 = arith.constant 0 : i32
    %ne3A_234 = vector.broadcast %ne3A_233 : i32 to vector<16xi32>
    %ne3A_235 = arith.cmpi ne, %rem3A_232, %ne3A_234 : vector<16xi32>
    %lt3A_236 = arith.constant 0 : i32
    %lt3A_237 = vector.broadcast %lt3A_236 : i32 to vector<16xi32>
    %lt3A_238 = arith.cmpi slt, %rem3A_232, %lt3A_237 : vector<16xi32>
    %lt3A_239 = arith.constant 0 : i32
    %lt3A_240 = arith.cmpi slt, %select_n3A_230, %lt3A_239 : i32
    %ne3A_241 = vector.broadcast %lt3A_240 : i1 to vector<16xi1>
    %ne3A_242 = vector.broadcast %ne3A_241 : vector<16xi1> to vector<16xi1>
    %ne3A_243 = arith.xori %lt3A_238, %ne3A_242 : vector<16xi1>
    %and3A_244 = arith.andi %ne3A_243, %ne3A_235 : vector<16xi1>
    %add3A_245 = vector.broadcast %select_n3A_230 : i32 to vector<16xi32>
    %add3A_246 = arith.addi %rem3A_232, %add3A_245 : vector<16xi32>
    %select_n3A_247 = arith.select %and3A_244, %add3A_246, %rem3A_232 : vector<16xi1>, vector<16xi32>
    %add3A_248 = arith.constant 10 : i32
    %add3A_249 = vector.broadcast %add3A_248 : i32 to vector<16xi32>
    %add3A_250 = arith.addi %iota3A, %add3A_249 : vector<16xi32>
    %jit3A_251 = arith.constant 16 : i32
    %eq3A_252 = arith.constant 0 : i32
    %eq3A_253 = arith.cmpi eq, %jit3A_251, %eq3A_252 : i32
    %jit3A_254 = arith.constant 1 : i32
    %select_n3A_255 = arith.select %eq3A_253, %jit3A_254, %jit3A_251 : i32
    %rem3A_256 = vector.broadcast %select_n3A_255 : i32 to vector<16xi32>
    %rem3A_257 = arith.remsi %add3A_250, %rem3A_256 : vector<16xi32>
    %ne3A_258 = arith.constant 0 : i32
    %ne3A_259 = vector.broadcast %ne3A_258 : i32 to vector<16xi32>
    %ne3A_260 = arith.cmpi ne, %rem3A_257, %ne3A_259 : vector<16xi32>
    %lt3A_261 = arith.constant 0 : i32
    %lt3A_262 = vector.broadcast %lt3A_261 : i32 to vector<16xi32>
    %lt3A_263 = arith.cmpi slt, %rem3A_257, %lt3A_262 : vector<16xi32>
    %lt3A_264 = arith.constant 0 : i32
    %lt3A_265 = arith.cmpi slt, %select_n3A_255, %lt3A_264 : i32
    %ne3A_266 = vector.broadcast %lt3A_265 : i1 to vector<16xi1>
    %ne3A_267 = vector.broadcast %ne3A_266 : vector<16xi1> to vector<16xi1>
    %ne3A_268 = arith.xori %lt3A_263, %ne3A_267 : vector<16xi1>
    %and3A_269 = arith.andi %ne3A_268, %ne3A_260 : vector<16xi1>
    %add3A_270 = vector.broadcast %select_n3A_255 : i32 to vector<16xi32>
    %add3A_271 = arith.addi %rem3A_257, %add3A_270 : vector<16xi32>
    %select_n3A_272 = arith.select %and3A_269, %add3A_271, %rem3A_257 : vector<16xi1>, vector<16xi32>
    %add3A_273 = arith.constant 11 : i32
    %add3A_274 = vector.broadcast %add3A_273 : i32 to vector<16xi32>
    %add3A_275 = arith.addi %iota3A, %add3A_274 : vector<16xi32>
    %jit3A_276 = arith.constant 16 : i32
    %eq3A_277 = arith.constant 0 : i32
    %eq3A_278 = arith.cmpi eq, %jit3A_276, %eq3A_277 : i32
    %jit3A_279 = arith.constant 1 : i32
    %select_n3A_280 = arith.select %eq3A_278, %jit3A_279, %jit3A_276 : i32
    %rem3A_281 = vector.broadcast %select_n3A_280 : i32 to vector<16xi32>
    %rem3A_282 = arith.remsi %add3A_275, %rem3A_281 : vector<16xi32>
    %ne3A_283 = arith.constant 0 : i32
    %ne3A_284 = vector.broadcast %ne3A_283 : i32 to vector<16xi32>
    %ne3A_285 = arith.cmpi ne, %rem3A_282, %ne3A_284 : vector<16xi32>
    %lt3A_286 = arith.constant 0 : i32
    %lt3A_287 = vector.broadcast %lt3A_286 : i32 to vector<16xi32>
    %lt3A_288 = arith.cmpi slt, %rem3A_282, %lt3A_287 : vector<16xi32>
    %lt3A_289 = arith.constant 0 : i32
    %lt3A_290 = arith.cmpi slt, %select_n3A_280, %lt3A_289 : i32
    %ne3A_291 = vector.broadcast %lt3A_290 : i1 to vector<16xi1>
    %ne3A_292 = vector.broadcast %ne3A_291 : vector<16xi1> to vector<16xi1>
    %ne3A_293 = arith.xori %lt3A_288, %ne3A_292 : vector<16xi1>
    %and3A_294 = arith.andi %ne3A_293, %ne3A_285 : vector<16xi1>
    %add3A_295 = vector.broadcast %select_n3A_280 : i32 to vector<16xi32>
    %add3A_296 = arith.addi %rem3A_282, %add3A_295 : vector<16xi32>
    %select_n3A_297 = arith.select %and3A_294, %add3A_296, %rem3A_282 : vector<16xi1>, vector<16xi32>
    %add3A_298 = arith.constant 12 : i32
    %add3A_299 = vector.broadcast %add3A_298 : i32 to vector<16xi32>
    %add3A_300 = arith.addi %iota3A, %add3A_299 : vector<16xi32>
    %jit3A_301 = arith.constant 16 : i32
    %eq3A_302 = arith.constant 0 : i32
    %eq3A_303 = arith.cmpi eq, %jit3A_301, %eq3A_302 : i32
    %jit3A_304 = arith.constant 1 : i32
    %select_n3A_305 = arith.select %eq3A_303, %jit3A_304, %jit3A_301 : i32
    %rem3A_306 = vector.broadcast %select_n3A_305 : i32 to vector<16xi32>
    %rem3A_307 = arith.remsi %add3A_300, %rem3A_306 : vector<16xi32>
    %ne3A_308 = arith.constant 0 : i32
    %ne3A_309 = vector.broadcast %ne3A_308 : i32 to vector<16xi32>
    %ne3A_310 = arith.cmpi ne, %rem3A_307, %ne3A_309 : vector<16xi32>
    %lt3A_311 = arith.constant 0 : i32
    %lt3A_312 = vector.broadcast %lt3A_311 : i32 to vector<16xi32>
    %lt3A_313 = arith.cmpi slt, %rem3A_307, %lt3A_312 : vector<16xi32>
    %lt3A_314 = arith.constant 0 : i32
    %lt3A_315 = arith.cmpi slt, %select_n3A_305, %lt3A_314 : i32
    %ne3A_316 = vector.broadcast %lt3A_315 : i1 to vector<16xi1>
    %ne3A_317 = vector.broadcast %ne3A_316 : vector<16xi1> to vector<16xi1>
    %ne3A_318 = arith.xori %lt3A_313, %ne3A_317 : vector<16xi1>
    %and3A_319 = arith.andi %ne3A_318, %ne3A_310 : vector<16xi1>
    %add3A_320 = vector.broadcast %select_n3A_305 : i32 to vector<16xi32>
    %add3A_321 = arith.addi %rem3A_307, %add3A_320 : vector<16xi32>
    %select_n3A_322 = arith.select %and3A_319, %add3A_321, %rem3A_307 : vector<16xi1>, vector<16xi32>
    %add3A_323 = arith.constant 13 : i32
    %add3A_324 = vector.broadcast %add3A_323 : i32 to vector<16xi32>
    %add3A_325 = arith.addi %iota3A, %add3A_324 : vector<16xi32>
    %jit3A_326 = arith.constant 16 : i32
    %eq3A_327 = arith.constant 0 : i32
    %eq3A_328 = arith.cmpi eq, %jit3A_326, %eq3A_327 : i32
    %jit3A_329 = arith.constant 1 : i32
    %select_n3A_330 = arith.select %eq3A_328, %jit3A_329, %jit3A_326 : i32
    %rem3A_331 = vector.broadcast %select_n3A_330 : i32 to vector<16xi32>
    %rem3A_332 = arith.remsi %add3A_325, %rem3A_331 : vector<16xi32>
    %ne3A_333 = arith.constant 0 : i32
    %ne3A_334 = vector.broadcast %ne3A_333 : i32 to vector<16xi32>
    %ne3A_335 = arith.cmpi ne, %rem3A_332, %ne3A_334 : vector<16xi32>
    %lt3A_336 = arith.constant 0 : i32
    %lt3A_337 = vector.broadcast %lt3A_336 : i32 to vector<16xi32>
    %lt3A_338 = arith.cmpi slt, %rem3A_332, %lt3A_337 : vector<16xi32>
    %lt3A_339 = arith.constant 0 : i32
    %lt3A_340 = arith.cmpi slt, %select_n3A_330, %lt3A_339 : i32
    %ne3A_341 = vector.broadcast %lt3A_340 : i1 to vector<16xi1>
    %ne3A_342 = vector.broadcast %ne3A_341 : vector<16xi1> to vector<16xi1>
    %ne3A_343 = arith.xori %lt3A_338, %ne3A_342 : vector<16xi1>
    %and3A_344 = arith.andi %ne3A_343, %ne3A_335 : vector<16xi1>
    %add3A_345 = vector.broadcast %select_n3A_330 : i32 to vector<16xi32>
    %add3A_346 = arith.addi %rem3A_332, %add3A_345 : vector<16xi32>
    %select_n3A_347 = arith.select %and3A_344, %add3A_346, %rem3A_332 : vector<16xi1>, vector<16xi32>
    %add3A_348 = arith.constant 14 : i32
    %add3A_349 = vector.broadcast %add3A_348 : i32 to vector<16xi32>
    %add3A_350 = arith.addi %iota3A, %add3A_349 : vector<16xi32>
    %jit3A_351 = arith.constant 16 : i32
    %eq3A_352 = arith.constant 0 : i32
    %eq3A_353 = arith.cmpi eq, %jit3A_351, %eq3A_352 : i32
    %jit3A_354 = arith.constant 1 : i32
    %select_n3A_355 = arith.select %eq3A_353, %jit3A_354, %jit3A_351 : i32
    %rem3A_356 = vector.broadcast %select_n3A_355 : i32 to vector<16xi32>
    %rem3A_357 = arith.remsi %add3A_350, %rem3A_356 : vector<16xi32>
    %ne3A_358 = arith.constant 0 : i32
    %ne3A_359 = vector.broadcast %ne3A_358 : i32 to vector<16xi32>
    %ne3A_360 = arith.cmpi ne, %rem3A_357, %ne3A_359 : vector<16xi32>
    %lt3A_361 = arith.constant 0 : i32
    %lt3A_362 = vector.broadcast %lt3A_361 : i32 to vector<16xi32>
    %lt3A_363 = arith.cmpi slt, %rem3A_357, %lt3A_362 : vector<16xi32>
    %lt3A_364 = arith.constant 0 : i32
    %lt3A_365 = arith.cmpi slt, %select_n3A_355, %lt3A_364 : i32
    %ne3A_366 = vector.broadcast %lt3A_365 : i1 to vector<16xi1>
    %ne3A_367 = vector.broadcast %ne3A_366 : vector<16xi1> to vector<16xi1>
    %ne3A_368 = arith.xori %lt3A_363, %ne3A_367 : vector<16xi1>
    %and3A_369 = arith.andi %ne3A_368, %ne3A_360 : vector<16xi1>
    %add3A_370 = vector.broadcast %select_n3A_355 : i32 to vector<16xi32>
    %add3A_371 = arith.addi %rem3A_357, %add3A_370 : vector<16xi32>
    %select_n3A_372 = arith.select %and3A_369, %add3A_371, %rem3A_357 : vector<16xi1>, vector<16xi32>
    %add3A_373 = arith.constant 15 : i32
    %add3A_374 = vector.broadcast %add3A_373 : i32 to vector<16xi32>
    %add3A_375 = arith.addi %iota3A, %add3A_374 : vector<16xi32>
    %jit3A_376 = arith.constant 16 : i32
    %eq3A_377 = arith.constant 0 : i32
    %eq3A_378 = arith.cmpi eq, %jit3A_376, %eq3A_377 : i32
    %jit3A_379 = arith.constant 1 : i32
    %select_n3A_380 = arith.select %eq3A_378, %jit3A_379, %jit3A_376 : i32
    %rem3A_381 = vector.broadcast %select_n3A_380 : i32 to vector<16xi32>
    %rem3A_382 = arith.remsi %add3A_375, %rem3A_381 : vector<16xi32>
    %ne3A_383 = arith.constant 0 : i32
    %ne3A_384 = vector.broadcast %ne3A_383 : i32 to vector<16xi32>
    %ne3A_385 = arith.cmpi ne, %rem3A_382, %ne3A_384 : vector<16xi32>
    %lt3A_386 = arith.constant 0 : i32
    %lt3A_387 = vector.broadcast %lt3A_386 : i32 to vector<16xi32>
    %lt3A_388 = arith.cmpi slt, %rem3A_382, %lt3A_387 : vector<16xi32>
    %lt3A_389 = arith.constant 0 : i32
    %lt3A_390 = arith.cmpi slt, %select_n3A_380, %lt3A_389 : i32
    %ne3A_391 = vector.broadcast %lt3A_390 : i1 to vector<16xi1>
    %ne3A_392 = vector.broadcast %ne3A_391 : vector<16xi1> to vector<16xi1>
    %ne3A_393 = arith.xori %lt3A_388, %ne3A_392 : vector<16xi1>
    %and3A_394 = arith.andi %ne3A_393, %ne3A_385 : vector<16xi1>
    %add3A_395 = vector.broadcast %select_n3A_380 : i32 to vector<16xi32>
    %add3A_396 = arith.addi %rem3A_382, %add3A_395 : vector<16xi32>
    %select_n3A_397 = arith.select %and3A_394, %add3A_396, %rem3A_382 : vector<16xi1>, vector<16xi32>
    %add3A_398 = arith.constant 0 : i32
    %add3A_399 = vector.broadcast %add3A_398 : i32 to vector<16xi32>
    %add3A_400 = arith.addi %iota3A, %add3A_399 : vector<16xi32>
    %add3A_401 = arith.constant 16 : i32
    %add3A_402 = vector.broadcast %add3A_401 : i32 to vector<16xi32>
    %add3A_403 = arith.addi %iota3A, %add3A_402 : vector<16xi32>
    %add3A_404 = arith.constant 32 : i32
    %add3A_405 = vector.broadcast %add3A_404 : i32 to vector<16xi32>
    %add3A_406 = arith.addi %iota3A, %add3A_405 : vector<16xi32>
    %add3A_407 = arith.constant 48 : i32
    %add3A_408 = vector.broadcast %add3A_407 : i32 to vector<16xi32>
    %add3A_409 = arith.addi %iota3A, %add3A_408 : vector<16xi32>
    %jit3A_410 = arith.constant 8 : i32
    %div3A = vector.broadcast %jit3A_410 : i32 to vector<16xi32>
    %div3A_411 = arith.divsi %iota3A, %div3A : vector<16xi32>
    %sign3A = arith.constant 0 : i32
    %sign3A_412 = vector.broadcast %sign3A : i32 to vector<16xi32>
    %sign3A_413 = arith.cmpi sgt, %iota3A, %sign3A_412 : vector<16xi32>
    %sign3A_414 = arith.extui %sign3A_413 : vector<16xi1> to vector<16xi32>
    %sign3A_415 = arith.constant 0 : i32
    %sign3A_416 = vector.broadcast %sign3A_415 : i32 to vector<16xi32>
    %sign3A_417 = arith.cmpi slt, %iota3A, %sign3A_416 : vector<16xi32>
    %sign3A_418 = arith.extui %sign3A_417 : vector<16xi1> to vector<16xi32>
    %sign3A_419 = arith.subi %sign3A_414, %sign3A_418 : vector<16xi32>
    %sign3A_420 = arith.constant 0 : i32
    %sign3A_421 = arith.cmpi sgt, %jit3A_410, %sign3A_420 : i32
    %sign3A_422 = arith.extui %sign3A_421 : i1 to i32
    %sign3A_423 = arith.constant 0 : i32
    %sign3A_424 = arith.cmpi slt, %jit3A_410, %sign3A_423 : i32
    %sign3A_425 = arith.extui %sign3A_424 : i1 to i32
    %sign3A_426 = arith.subi %sign3A_422, %sign3A_425 : i32
    %ne3A_427 = vector.broadcast %sign3A_426 : i32 to vector<16xi32>
    %ne3A_428 = arith.cmpi ne, %sign3A_419, %ne3A_427 : vector<16xi32>
    %rem3A_429 = vector.broadcast %jit3A_410 : i32 to vector<16xi32>
    %rem3A_430 = arith.remsi %iota3A, %rem3A_429 : vector<16xi32>
    %ne3A_431 = arith.constant 0 : i32
    %ne3A_432 = vector.broadcast %ne3A_431 : i32 to vector<16xi32>
    %ne3A_433 = arith.cmpi ne, %rem3A_430, %ne3A_432 : vector<16xi32>
    %and3A_434 = arith.andi %ne3A_428, %ne3A_433 : vector<16xi1>
    %sub3A = arith.constant 1 : i32
    %sub3A_435 = vector.broadcast %sub3A : i32 to vector<16xi32>
    %sub3A_436 = arith.subi %div3A_411, %sub3A_435 : vector<16xi32>
    %select_n3A_437 = arith.select %and3A_434, %sub3A_436, %div3A_411 : vector<16xi1>, vector<16xi32>
    %mul3A_438 = arith.constant 2048 : i32
    %mul3A_439 = vector.broadcast %mul3A_438 : i32 to vector<16xi32>
    %mul3A_440 = arith.muli %select_n3A_437, %mul3A_439 : vector<16xi32>
    %add3A_441 = arith.constant 0 : i32
    %add3A_442 = vector.broadcast %add3A_441 : i32 to vector<16xi32>
    %add3A_443 = arith.addi %add3A_442, %mul3A_440 : vector<16xi32>
    %jit3A_444 = arith.constant 8 : i32
    %eq3A_445 = arith.constant 0 : i32
    %eq3A_446 = arith.cmpi eq, %jit3A_444, %eq3A_445 : i32
    %jit3A_447 = arith.constant 1 : i32
    %select_n3A_448 = arith.select %eq3A_446, %jit3A_447, %jit3A_444 : i32
    %rem3A_449 = vector.broadcast %select_n3A_448 : i32 to vector<16xi32>
    %rem3A_450 = arith.remsi %iota3A, %rem3A_449 : vector<16xi32>
    %ne3A_451 = arith.constant 0 : i32
    %ne3A_452 = vector.broadcast %ne3A_451 : i32 to vector<16xi32>
    %ne3A_453 = arith.cmpi ne, %rem3A_450, %ne3A_452 : vector<16xi32>
    %lt3A_454 = arith.constant 0 : i32
    %lt3A_455 = vector.broadcast %lt3A_454 : i32 to vector<16xi32>
    %lt3A_456 = arith.cmpi slt, %rem3A_450, %lt3A_455 : vector<16xi32>
    %lt3A_457 = arith.constant 0 : i32
    %lt3A_458 = arith.cmpi slt, %select_n3A_448, %lt3A_457 : i32
    %ne3A_459 = vector.broadcast %lt3A_458 : i1 to vector<16xi1>
    %ne3A_460 = vector.broadcast %ne3A_459 : vector<16xi1> to vector<16xi1>
    %ne3A_461 = arith.xori %lt3A_456, %ne3A_460 : vector<16xi1>
    %and3A_462 = arith.andi %ne3A_461, %ne3A_453 : vector<16xi1>
    %add3A_463 = vector.broadcast %select_n3A_448 : i32 to vector<16xi32>
    %add3A_464 = arith.addi %rem3A_450, %add3A_463 : vector<16xi32>
    %select_n3A_465 = arith.select %and3A_462, %add3A_464, %rem3A_450 : vector<16xi1>, vector<16xi32>
    %mul3A_466 = arith.constant 128 : i32
    %mul3A_467 = vector.broadcast %mul3A_466 : i32 to vector<16xi32>
    %mul3A_468 = arith.muli %select_n3A_465, %mul3A_467 : vector<16xi32>
    %add3A_469 = arith.addi %add3A_443, %mul3A_468 : vector<16xi32>
    %jit3A_470 = arith.constant 8 : i32
    %div3A_471 = vector.broadcast %jit3A_470 : i32 to vector<16xi32>
    %div3A_472 = arith.divsi %iota3A, %div3A_471 : vector<16xi32>
    %sign3A_473 = arith.constant 0 : i32
    %sign3A_474 = vector.broadcast %sign3A_473 : i32 to vector<16xi32>
    %sign3A_475 = arith.cmpi sgt, %iota3A, %sign3A_474 : vector<16xi32>
    %sign3A_476 = arith.extui %sign3A_475 : vector<16xi1> to vector<16xi32>
    %sign3A_477 = arith.constant 0 : i32
    %sign3A_478 = vector.broadcast %sign3A_477 : i32 to vector<16xi32>
    %sign3A_479 = arith.cmpi slt, %iota3A, %sign3A_478 : vector<16xi32>
    %sign3A_480 = arith.extui %sign3A_479 : vector<16xi1> to vector<16xi32>
    %sign3A_481 = arith.subi %sign3A_476, %sign3A_480 : vector<16xi32>
    %sign3A_482 = arith.constant 0 : i32
    %sign3A_483 = arith.cmpi sgt, %jit3A_470, %sign3A_482 : i32
    %sign3A_484 = arith.extui %sign3A_483 : i1 to i32
    %sign3A_485 = arith.constant 0 : i32
    %sign3A_486 = arith.cmpi slt, %jit3A_470, %sign3A_485 : i32
    %sign3A_487 = arith.extui %sign3A_486 : i1 to i32
    %sign3A_488 = arith.subi %sign3A_484, %sign3A_487 : i32
    %ne3A_489 = vector.broadcast %sign3A_488 : i32 to vector<16xi32>
    %ne3A_490 = arith.cmpi ne, %sign3A_481, %ne3A_489 : vector<16xi32>
    %rem3A_491 = vector.broadcast %jit3A_470 : i32 to vector<16xi32>
    %rem3A_492 = arith.remsi %iota3A, %rem3A_491 : vector<16xi32>
    %ne3A_493 = arith.constant 0 : i32
    %ne3A_494 = vector.broadcast %ne3A_493 : i32 to vector<16xi32>
    %ne3A_495 = arith.cmpi ne, %rem3A_492, %ne3A_494 : vector<16xi32>
    %and3A_496 = arith.andi %ne3A_490, %ne3A_495 : vector<16xi1>
    %sub3A_497 = arith.constant 1 : i32
    %sub3A_498 = vector.broadcast %sub3A_497 : i32 to vector<16xi32>
    %sub3A_499 = arith.subi %div3A_472, %sub3A_498 : vector<16xi32>
    %select_n3A_500 = arith.select %and3A_496, %sub3A_499, %div3A_472 : vector<16xi1>, vector<16xi32>
    %mul3A_501 = arith.constant 2048 : i32
    %mul3A_502 = vector.broadcast %mul3A_501 : i32 to vector<16xi32>
    %mul3A_503 = arith.muli %select_n3A_500, %mul3A_502 : vector<16xi32>
    %add3A_504 = arith.constant 4096 : i32
    %add3A_505 = vector.broadcast %add3A_504 : i32 to vector<16xi32>
    %add3A_506 = arith.addi %add3A_505, %mul3A_503 : vector<16xi32>
    %jit3A_507 = arith.constant 8 : i32
    %eq3A_508 = arith.constant 0 : i32
    %eq3A_509 = arith.cmpi eq, %jit3A_507, %eq3A_508 : i32
    %jit3A_510 = arith.constant 1 : i32
    %select_n3A_511 = arith.select %eq3A_509, %jit3A_510, %jit3A_507 : i32
    %rem3A_512 = vector.broadcast %select_n3A_511 : i32 to vector<16xi32>
    %rem3A_513 = arith.remsi %iota3A, %rem3A_512 : vector<16xi32>
    %ne3A_514 = arith.constant 0 : i32
    %ne3A_515 = vector.broadcast %ne3A_514 : i32 to vector<16xi32>
    %ne3A_516 = arith.cmpi ne, %rem3A_513, %ne3A_515 : vector<16xi32>
    %lt3A_517 = arith.constant 0 : i32
    %lt3A_518 = vector.broadcast %lt3A_517 : i32 to vector<16xi32>
    %lt3A_519 = arith.cmpi slt, %rem3A_513, %lt3A_518 : vector<16xi32>
    %lt3A_520 = arith.constant 0 : i32
    %lt3A_521 = arith.cmpi slt, %select_n3A_511, %lt3A_520 : i32
    %ne3A_522 = vector.broadcast %lt3A_521 : i1 to vector<16xi1>
    %ne3A_523 = vector.broadcast %ne3A_522 : vector<16xi1> to vector<16xi1>
    %ne3A_524 = arith.xori %lt3A_519, %ne3A_523 : vector<16xi1>
    %and3A_525 = arith.andi %ne3A_524, %ne3A_516 : vector<16xi1>
    %add3A_526 = vector.broadcast %select_n3A_511 : i32 to vector<16xi32>
    %add3A_527 = arith.addi %rem3A_513, %add3A_526 : vector<16xi32>
    %select_n3A_528 = arith.select %and3A_525, %add3A_527, %rem3A_513 : vector<16xi1>, vector<16xi32>
    %mul3A_529 = arith.constant 128 : i32
    %mul3A_530 = vector.broadcast %mul3A_529 : i32 to vector<16xi32>
    %mul3A_531 = arith.muli %select_n3A_528, %mul3A_530 : vector<16xi32>
    %add3A_532 = arith.addi %add3A_506, %mul3A_531 : vector<16xi32>
    %jit3A_533 = arith.constant 8 : i32
    %div3A_534 = vector.broadcast %jit3A_533 : i32 to vector<16xi32>
    %div3A_535 = arith.divsi %iota3A, %div3A_534 : vector<16xi32>
    %sign3A_536 = arith.constant 0 : i32
    %sign3A_537 = vector.broadcast %sign3A_536 : i32 to vector<16xi32>
    %sign3A_538 = arith.cmpi sgt, %iota3A, %sign3A_537 : vector<16xi32>
    %sign3A_539 = arith.extui %sign3A_538 : vector<16xi1> to vector<16xi32>
    %sign3A_540 = arith.constant 0 : i32
    %sign3A_541 = vector.broadcast %sign3A_540 : i32 to vector<16xi32>
    %sign3A_542 = arith.cmpi slt, %iota3A, %sign3A_541 : vector<16xi32>
    %sign3A_543 = arith.extui %sign3A_542 : vector<16xi1> to vector<16xi32>
    %sign3A_544 = arith.subi %sign3A_539, %sign3A_543 : vector<16xi32>
    %sign3A_545 = arith.constant 0 : i32
    %sign3A_546 = arith.cmpi sgt, %jit3A_533, %sign3A_545 : i32
    %sign3A_547 = arith.extui %sign3A_546 : i1 to i32
    %sign3A_548 = arith.constant 0 : i32
    %sign3A_549 = arith.cmpi slt, %jit3A_533, %sign3A_548 : i32
    %sign3A_550 = arith.extui %sign3A_549 : i1 to i32
    %sign3A_551 = arith.subi %sign3A_547, %sign3A_550 : i32
    %ne3A_552 = vector.broadcast %sign3A_551 : i32 to vector<16xi32>
    %ne3A_553 = arith.cmpi ne, %sign3A_544, %ne3A_552 : vector<16xi32>
    %rem3A_554 = vector.broadcast %jit3A_533 : i32 to vector<16xi32>
    %rem3A_555 = arith.remsi %iota3A, %rem3A_554 : vector<16xi32>
    %ne3A_556 = arith.constant 0 : i32
    %ne3A_557 = vector.broadcast %ne3A_556 : i32 to vector<16xi32>
    %ne3A_558 = arith.cmpi ne, %rem3A_555, %ne3A_557 : vector<16xi32>
    %and3A_559 = arith.andi %ne3A_553, %ne3A_558 : vector<16xi1>
    %sub3A_560 = arith.constant 1 : i32
    %sub3A_561 = vector.broadcast %sub3A_560 : i32 to vector<16xi32>
    %sub3A_562 = arith.subi %div3A_535, %sub3A_561 : vector<16xi32>
    %select_n3A_563 = arith.select %and3A_559, %sub3A_562, %div3A_535 : vector<16xi1>, vector<16xi32>
    %mul3A_564 = arith.constant 2048 : i32
    %mul3A_565 = vector.broadcast %mul3A_564 : i32 to vector<16xi32>
    %mul3A_566 = arith.muli %select_n3A_563, %mul3A_565 : vector<16xi32>
    %add3A_567 = arith.constant 8192 : i32
    %add3A_568 = vector.broadcast %add3A_567 : i32 to vector<16xi32>
    %add3A_569 = arith.addi %add3A_568, %mul3A_566 : vector<16xi32>
    %jit3A_570 = arith.constant 8 : i32
    %eq3A_571 = arith.constant 0 : i32
    %eq3A_572 = arith.cmpi eq, %jit3A_570, %eq3A_571 : i32
    %jit3A_573 = arith.constant 1 : i32
    %select_n3A_574 = arith.select %eq3A_572, %jit3A_573, %jit3A_570 : i32
    %rem3A_575 = vector.broadcast %select_n3A_574 : i32 to vector<16xi32>
    %rem3A_576 = arith.remsi %iota3A, %rem3A_575 : vector<16xi32>
    %ne3A_577 = arith.constant 0 : i32
    %ne3A_578 = vector.broadcast %ne3A_577 : i32 to vector<16xi32>
    %ne3A_579 = arith.cmpi ne, %rem3A_576, %ne3A_578 : vector<16xi32>
    %lt3A_580 = arith.constant 0 : i32
    %lt3A_581 = vector.broadcast %lt3A_580 : i32 to vector<16xi32>
    %lt3A_582 = arith.cmpi slt, %rem3A_576, %lt3A_581 : vector<16xi32>
    %lt3A_583 = arith.constant 0 : i32
    %lt3A_584 = arith.cmpi slt, %select_n3A_574, %lt3A_583 : i32
    %ne3A_585 = vector.broadcast %lt3A_584 : i1 to vector<16xi1>
    %ne3A_586 = vector.broadcast %ne3A_585 : vector<16xi1> to vector<16xi1>
    %ne3A_587 = arith.xori %lt3A_582, %ne3A_586 : vector<16xi1>
    %and3A_588 = arith.andi %ne3A_587, %ne3A_579 : vector<16xi1>
    %add3A_589 = vector.broadcast %select_n3A_574 : i32 to vector<16xi32>
    %add3A_590 = arith.addi %rem3A_576, %add3A_589 : vector<16xi32>
    %select_n3A_591 = arith.select %and3A_588, %add3A_590, %rem3A_576 : vector<16xi1>, vector<16xi32>
    %mul3A_592 = arith.constant 128 : i32
    %mul3A_593 = vector.broadcast %mul3A_592 : i32 to vector<16xi32>
    %mul3A_594 = arith.muli %select_n3A_591, %mul3A_593 : vector<16xi32>
    %add3A_595 = arith.addi %add3A_569, %mul3A_594 : vector<16xi32>
    %jit3A_596 = arith.constant 8 : i32
    %div3A_597 = vector.broadcast %jit3A_596 : i32 to vector<16xi32>
    %div3A_598 = arith.divsi %iota3A, %div3A_597 : vector<16xi32>
    %sign3A_599 = arith.constant 0 : i32
    %sign3A_600 = vector.broadcast %sign3A_599 : i32 to vector<16xi32>
    %sign3A_601 = arith.cmpi sgt, %iota3A, %sign3A_600 : vector<16xi32>
    %sign3A_602 = arith.extui %sign3A_601 : vector<16xi1> to vector<16xi32>
    %sign3A_603 = arith.constant 0 : i32
    %sign3A_604 = vector.broadcast %sign3A_603 : i32 to vector<16xi32>
    %sign3A_605 = arith.cmpi slt, %iota3A, %sign3A_604 : vector<16xi32>
    %sign3A_606 = arith.extui %sign3A_605 : vector<16xi1> to vector<16xi32>
    %sign3A_607 = arith.subi %sign3A_602, %sign3A_606 : vector<16xi32>
    %sign3A_608 = arith.constant 0 : i32
    %sign3A_609 = arith.cmpi sgt, %jit3A_596, %sign3A_608 : i32
    %sign3A_610 = arith.extui %sign3A_609 : i1 to i32
    %sign3A_611 = arith.constant 0 : i32
    %sign3A_612 = arith.cmpi slt, %jit3A_596, %sign3A_611 : i32
    %sign3A_613 = arith.extui %sign3A_612 : i1 to i32
    %sign3A_614 = arith.subi %sign3A_610, %sign3A_613 : i32
    %ne3A_615 = vector.broadcast %sign3A_614 : i32 to vector<16xi32>
    %ne3A_616 = arith.cmpi ne, %sign3A_607, %ne3A_615 : vector<16xi32>
    %rem3A_617 = vector.broadcast %jit3A_596 : i32 to vector<16xi32>
    %rem3A_618 = arith.remsi %iota3A, %rem3A_617 : vector<16xi32>
    %ne3A_619 = arith.constant 0 : i32
    %ne3A_620 = vector.broadcast %ne3A_619 : i32 to vector<16xi32>
    %ne3A_621 = arith.cmpi ne, %rem3A_618, %ne3A_620 : vector<16xi32>
    %and3A_622 = arith.andi %ne3A_616, %ne3A_621 : vector<16xi1>
    %sub3A_623 = arith.constant 1 : i32
    %sub3A_624 = vector.broadcast %sub3A_623 : i32 to vector<16xi32>
    %sub3A_625 = arith.subi %div3A_598, %sub3A_624 : vector<16xi32>
    %select_n3A_626 = arith.select %and3A_622, %sub3A_625, %div3A_598 : vector<16xi1>, vector<16xi32>
    %mul3A_627 = arith.constant 2048 : i32
    %mul3A_628 = vector.broadcast %mul3A_627 : i32 to vector<16xi32>
    %mul3A_629 = arith.muli %select_n3A_626, %mul3A_628 : vector<16xi32>
    %add3A_630 = arith.constant 12288 : i32
    %add3A_631 = vector.broadcast %add3A_630 : i32 to vector<16xi32>
    %add3A_632 = arith.addi %add3A_631, %mul3A_629 : vector<16xi32>
    %jit3A_633 = arith.constant 8 : i32
    %eq3A_634 = arith.constant 0 : i32
    %eq3A_635 = arith.cmpi eq, %jit3A_633, %eq3A_634 : i32
    %jit3A_636 = arith.constant 1 : i32
    %select_n3A_637 = arith.select %eq3A_635, %jit3A_636, %jit3A_633 : i32
    %rem3A_638 = vector.broadcast %select_n3A_637 : i32 to vector<16xi32>
    %rem3A_639 = arith.remsi %iota3A, %rem3A_638 : vector<16xi32>
    %ne3A_640 = arith.constant 0 : i32
    %ne3A_641 = vector.broadcast %ne3A_640 : i32 to vector<16xi32>
    %ne3A_642 = arith.cmpi ne, %rem3A_639, %ne3A_641 : vector<16xi32>
    %lt3A_643 = arith.constant 0 : i32
    %lt3A_644 = vector.broadcast %lt3A_643 : i32 to vector<16xi32>
    %lt3A_645 = arith.cmpi slt, %rem3A_639, %lt3A_644 : vector<16xi32>
    %lt3A_646 = arith.constant 0 : i32
    %lt3A_647 = arith.cmpi slt, %select_n3A_637, %lt3A_646 : i32
    %ne3A_648 = vector.broadcast %lt3A_647 : i1 to vector<16xi1>
    %ne3A_649 = vector.broadcast %ne3A_648 : vector<16xi1> to vector<16xi1>
    %ne3A_650 = arith.xori %lt3A_645, %ne3A_649 : vector<16xi1>
    %and3A_651 = arith.andi %ne3A_650, %ne3A_642 : vector<16xi1>
    %add3A_652 = vector.broadcast %select_n3A_637 : i32 to vector<16xi32>
    %add3A_653 = arith.addi %rem3A_639, %add3A_652 : vector<16xi32>
    %select_n3A_654 = arith.select %and3A_651, %add3A_653, %rem3A_639 : vector<16xi1>, vector<16xi32>
    %mul3A_655 = arith.constant 128 : i32
    %mul3A_656 = vector.broadcast %mul3A_655 : i32 to vector<16xi32>
    %mul3A_657 = arith.muli %select_n3A_654, %mul3A_656 : vector<16xi32>
    %add3A_658 = arith.addi %add3A_632, %mul3A_657 : vector<16xi32>
    %dma_start3A = arith.constant 0 : i32
    %dma_start3A_659 = tpu.memref_slice %arg5[%dma_start3A] : memref<25600xi32, #tpu.memory_space<vmem>> -> memref<256xi32, #tpu.memory_space<vmem>>
    %dma_start3A_660 = arith.constant 0 : i32
    %dma_start3A_661 = arith.constant 0 : i32
    %dma_start3A_662 = tpu.memref_slice %arg3[%dma_start3A_660, %dma_start3A_661] : memref<1000000x128xf32, #tpu.memory_space<hbm>> -> memref<1000000x128xf32, #tpu.memory_space<hbm>>
    tpu.enqueue_indirect_dma source(%dma_start3A_662 : memref<1000000x128xf32, #tpu.memory_space<hbm>>) target(%arg6 : memref<256x128xf32, #tpu.memory_space<vmem>>) offsets(%dma_start3A_659 : memref<256xi32, #tpu.memory_space<vmem>>) semaphore(%arg10 : memref<!tpu.dma_semaphore, #tpu.memory_space<semaphore_mem>>)
    %dma_start3A_663 = arith.constant 256 : i32
    %dma_start3A_664 = tpu.memref_slice %arg5[%dma_start3A_663] : memref<25600xi32, #tpu.memory_space<vmem>> -> memref<256xi32, #tpu.memory_space<vmem>>
    %dma_start3A_665 = arith.constant 0 : i32
    %dma_start3A_666 = arith.constant 0 : i32
    %dma_start3A_667 = tpu.memref_slice %arg3[%dma_start3A_665, %dma_start3A_666] : memref<1000000x128xf32, #tpu.memory_space<hbm>> -> memref<1000000x128xf32, #tpu.memory_space<hbm>>
    tpu.enqueue_indirect_dma source(%dma_start3A_667 : memref<1000000x128xf32, #tpu.memory_space<hbm>>) target(%arg7 : memref<256x128xf32, #tpu.memory_space<vmem>>) offsets(%dma_start3A_664 : memref<256xi32, #tpu.memory_space<vmem>>) semaphore(%arg11 : memref<!tpu.dma_semaphore, #tpu.memory_space<semaphore_mem>>)
    %dma_wait3A = arith.constant 0 : i32
    %dma_wait3A_668 = tpu.memref_slice %arg5[%dma_wait3A] : memref<25600xi32, #tpu.memory_space<vmem>> -> memref<256xi32, #tpu.memory_space<vmem>>
    %dma_wait3A_669 = arith.constant 0 : i32
    %dma_wait3A_670 = arith.constant 0 : i32
    %dma_wait3A_671 = tpu.memref_slice %arg3[%dma_wait3A_669, %dma_wait3A_670] : memref<1000000x128xf32, #tpu.memory_space<hbm>> -> memref<1000000x128xf32, #tpu.memory_space<hbm>>
    tpu.wait_indirect_dma semaphore(%arg10 : memref<!tpu.dma_semaphore, #tpu.memory_space<semaphore_mem>>) src(%dma_wait3A_671 : memref<1000000x128xf32, #tpu.memory_space<hbm>>) dst(%arg6 : memref<256x128xf32, #tpu.memory_space<vmem>>)
    %scan3A = arith.constant 0 : i32
    %scan3A_672 = arith.constant 0 : i32
    %scan3A_673 = arith.constant 16 : i32
    %scan3A_674 = arith.addi %scan3A_672, %scan3A_673 : i32
    %scan3A_675 = arith.constant 1 : i32
    scf.for %scan3A_1402 = %scan3A_672 to %scan3A_674 step %scan3A_675  : i32 {
      %mul3A_1403 = arith.constant 16 : i32
      %mul3A_1404 = arith.muli %scan3A_1402, %mul3A_1403 : i32
      %jit3A_1405 = arith.constant 8 : i32
      %div3A_1406 = arith.divsi %scan3A_1402, %jit3A_1405 : i32
      %sign3A_1407 = arith.constant 0 : i32
      %sign3A_1408 = arith.cmpi sgt, %scan3A_1402, %sign3A_1407 : i32
      %sign3A_1409 = arith.extui %sign3A_1408 : i1 to i32
      %sign3A_1410 = arith.constant 0 : i32
      %sign3A_1411 = arith.cmpi slt, %scan3A_1402, %sign3A_1410 : i32
      %sign3A_1412 = arith.extui %sign3A_1411 : i1 to i32
      %sign3A_1413 = arith.subi %sign3A_1409, %sign3A_1412 : i32
      %sign3A_1414 = arith.constant 0 : i32
      %sign3A_1415 = arith.cmpi sgt, %jit3A_1405, %sign3A_1414 : i32
      %sign3A_1416 = arith.extui %sign3A_1415 : i1 to i32
      %sign3A_1417 = arith.constant 0 : i32
      %sign3A_1418 = arith.cmpi slt, %jit3A_1405, %sign3A_1417 : i32
      %sign3A_1419 = arith.extui %sign3A_1418 : i1 to i32
      %sign3A_1420 = arith.subi %sign3A_1416, %sign3A_1419 : i32
      %ne3A_1421 = arith.cmpi ne, %sign3A_1413, %sign3A_1420 : i32
      %rem3A_1422 = arith.remsi %scan3A_1402, %jit3A_1405 : i32
      %ne3A_1423 = arith.constant 0 : i32
      %ne3A_1424 = arith.cmpi ne, %rem3A_1422, %ne3A_1423 : i32
      %and3A_1425 = arith.andi %ne3A_1421, %ne3A_1424 : i1
      %sub3A_1426 = arith.constant 1 : i32
      %sub3A_1427 = arith.subi %div3A_1406, %sub3A_1426 : i32
      %select_n3A_1428 = arith.select %and3A_1425, %sub3A_1427, %div3A_1406 : i32
      %mul3A_1429 = arith.constant 1024 : i32
      %mul3A_1430 = arith.muli %select_n3A_1428, %mul3A_1429 : i32
      %jit3A_1431 = arith.constant 8 : i32
      %eq3A_1432 = arith.constant 0 : i32
      %eq3A_1433 = arith.cmpi eq, %jit3A_1431, %eq3A_1432 : i32
      %jit3A_1434 = arith.constant 1 : i32
      %select_n3A_1435 = arith.select %eq3A_1433, %jit3A_1434, %jit3A_1431 : i32
      %rem3A_1436 = arith.remsi %scan3A_1402, %select_n3A_1435 : i32
      %ne3A_1437 = arith.constant 0 : i32
      %ne3A_1438 = arith.cmpi ne, %rem3A_1436, %ne3A_1437 : i32
      %lt3A_1439 = arith.constant 0 : i32
      %lt3A_1440 = arith.cmpi slt, %rem3A_1436, %lt3A_1439 : i32
      %lt3A_1441 = arith.constant 0 : i32
      %lt3A_1442 = arith.cmpi slt, %select_n3A_1435, %lt3A_1441 : i32
      %ne3A_1443 = arith.xori %lt3A_1440, %lt3A_1442 : i1
      %and3A_1444 = arith.andi %ne3A_1443, %ne3A_1438 : i1
      %add3A_1445 = arith.addi %rem3A_1436, %select_n3A_1435 : i32
      %select_n3A_1446 = arith.select %and3A_1444, %add3A_1445, %rem3A_1436 : i32
      %mul3A_1447 = arith.constant 16 : i32
      %mul3A_1448 = arith.muli %select_n3A_1446, %mul3A_1447 : i32
      %add3A_1449 = arith.addi %mul3A_1430, %mul3A_1448 : i32
      %add3A_1450 = vector.broadcast %mul3A_1404 : i32 to vector<16xi32>
      %add3A_1451 = arith.addi %select_n3A_22, %add3A_1450 : vector<16xi32>
      %add3A_1452 = vector.broadcast %add3A_1449 : i32 to vector<16xi32>
      %add3A_1453 = arith.addi %select_n3A_22, %add3A_1452 : vector<16xi32>
      %gather3A = tpu.vector_load_idx %arg6[%add3A_1451, %add3A_400] : memref<256x128xf32, #tpu.memory_space<vmem>>[vector<16xi32>, vector<16xi32>], vector<16xf32>,
      %add3A_1454 = arith.addi %add3A_469, %add3A_1453 : vector<16xi32>
      %gather3A_1455 = tpu.vector_load_idx %arg6[%add3A_1451, %add3A_403] : memref<256x128xf32, #tpu.memory_space<vmem>>[vector<16xi32>, vector<16xi32>], vector<16xf32>,
      %add3A_1456 = arith.addi %add3A_532, %add3A_1453 : vector<16xi32>
      %gather3A_1457 = tpu.vector_load_idx %arg6[%add3A_1451, %add3A_406] : memref<256x128xf32, #tpu.memory_space<vmem>>[vector<16xi32>, vector<16xi32>], vector<16xf32>,
      %add3A_1458 = arith.addi %add3A_595, %add3A_1453 : vector<16xi32>
      %gather3A_1459 = tpu.vector_load_idx %arg6[%add3A_1451, %add3A_409] : memref<256x128xf32, #tpu.memory_space<vmem>>[vector<16xi32>, vector<16xi32>], vector<16xf32>,
      %add3A_1460 = arith.addi %add3A_658, %add3A_1453 : vector<16xi32>
      %add3A_1461 = vector.broadcast %mul3A_1404 : i32 to vector<16xi32>
      %add3A_1462 = arith.addi %select_n3A_47, %add3A_1461 : vector<16xi32>
      %add3A_1463 = vector.broadcast %add3A_1449 : i32 to vector<16xi32>
      %add3A_1464 = arith.addi %select_n3A_47, %add3A_1463 : vector<16xi32>
      %gather3A_1465 = tpu.vector_load_idx %arg6[%add3A_1462, %add3A_400] : memref<256x128xf32, #tpu.memory_space<vmem>>[vector<16xi32>, vector<16xi32>], vector<16xf32>,
      %add3A_1466 = arith.addi %add3A_469, %add3A_1464 : vector<16xi32>
      %gather3A_1467 = tpu.vector_load_idx %arg6[%add3A_1462, %add3A_403] : memref<256x128xf32, #tpu.memory_space<vmem>>[vector<16xi32>, vector<16xi32>], vector<16xf32>,
      %add3A_1468 = arith.addi %add3A_532, %add3A_1464 : vector<16xi32>
      %gather3A_1469 = tpu.vector_load_idx %arg6[%add3A_1462, %add3A_406] : memref<256x128xf32, #tpu.memory_space<vmem>>[vector<16xi32>, vector<16xi32>], vector<16xf32>,
      %add3A_1470 = arith.addi %add3A_595, %add3A_1464 : vector<16xi32>
      %gather3A_1471 = tpu.vector_load_idx %arg6[%add3A_1462, %add3A_409] : memref<256x128xf32, #tpu.memory_space<vmem>>[vector<16xi32>, vector<16xi32>], vector<16xf32>,
      %add3A_1472 = arith.addi %add3A_658, %add3A_1464 : vector<16xi32>
      tpu.vector_store_idx %arg8[%add3A_1454], %gather3A : memref<16384xf32, #tpu.memory_space<vmem>>[vector<16xi32>], vector<16xf32>,
      tpu.vector_store_idx %arg8[%add3A_1456], %gather3A_1455 : memref<16384xf32, #tpu.memory_space<vmem>>[vector<16xi32>], vector<16xf32>,
      tpu.vector_store_idx %arg8[%add3A_1458], %gather3A_1457 : memref<16384xf32, #tpu.memory_space<vmem>>[vector<16xi32>], vector<16xf32>,
      tpu.vector_store_idx %arg8[%add3A_1460], %gather3A_1459 : memref<16384xf32, #tpu.memory_space<vmem>>[vector<16xi32>], vector<16xf32>,
      tpu.vector_store_idx %arg8[%add3A_1466], %gather3A_1465 : memref<16384xf32, #tpu.memory_space<vmem>>[vector<16xi32>], vector<16xf32>,
      tpu.vector_store_idx %arg8[%add3A_1468], %gather3A_1467 : memref<16384xf32, #tpu.memory_space<vmem>>[vector<16xi32>], vector<16xf32>,
      tpu.vector_store_idx %arg8[%add3A_1470], %gather3A_1469 : memref<16384xf32, #tpu.memory_space<vmem>>[vector<16xi32>], vector<16xf32>,
      tpu.vector_store_idx %arg8[%add3A_1472], %gather3A_1471 : memref<16384xf32, #tpu.memory_space<vmem>>[vector<16xi32>], vector<16xf32>,
      %add3A_1473 = vector.broadcast %mul3A_1404 : i32 to vector<16xi32>
      %add3A_1474 = arith.addi %select_n3A_72, %add3A_1473 : vector<16xi32>
      %add3A_1475 = vector.broadcast %add3A_1449 : i32 to vector<16xi32>
      %add3A_1476 = arith.addi %select_n3A_72, %add3A_1475 : vector<16xi32>
      %gather3A_1477 = tpu.vector_load_idx %arg6[%add3A_1474, %add3A_400] : memref<256x128xf32, #tpu.memory_space<vmem>>[vector<16xi32>, vector<16xi32>], vector<16xf32>,
      %add3A_1478 = arith.addi %add3A_469, %add3A_1476 : vector<16xi32>
      %gather3A_1479 = tpu.vector_load_idx %arg6[%add3A_1474, %add3A_403] : memref<256x128xf32, #tpu.memory_space<vmem>>[vector<16xi32>, vector<16xi32>], vector<16xf32>,
      %add3A_1480 = arith.addi %add3A_532, %add3A_1476 : vector<16xi32>
      %gather3A_1481 = tpu.vector_load_idx %arg6[%add3A_1474, %add3A_406] : memref<256x128xf32, #tpu.memory_space<vmem>>[vector<16xi32>, vector<16xi32>], vector<16xf32>,
      %add3A_1482 = arith.addi %add3A_595, %add3A_1476 : vector<16xi32>
      %gather3A_1483 = tpu.vector_load_idx %arg6[%add3A_1474, %add3A_409] : memref<256x128xf32, #tpu.memory_space<vmem>>[vector<16xi32>, vector<16xi32>], vector<16xf32>,
      %add3A_1484 = arith.addi %add3A_658, %add3A_1476 : vector<16xi32>
      %add3A_1485 = vector.broadcast %mul3A_1404 : i32 to vector<16xi32>
      %add3A_1486 = arith.addi %select_n3A_97, %add3A_1485 : vector<16xi32>
      %add3A_1487 = vector.broadcast %add3A_1449 : i32 to vector<16xi32>
      %add3A_1488 = arith.addi %select_n3A_97, %add3A_1487 : vector<16xi32>
      %gather3A_1489 = tpu.vector_load_idx %arg6[%add3A_1486, %add3A_400] : memref<256x128xf32, #tpu.memory_space<vmem>>[vector<16xi32>, vector<16xi32>], vector<16xf32>,
      %add3A_1490 = arith.addi %add3A_469, %add3A_1488 : vector<16xi32>
      %gather3A_1491 = tpu.vector_load_idx %arg6[%add3A_1486, %add3A_403] : memref<256x128xf32, #tpu.memory_space<vmem>>[vector<16xi32>, vector<16xi32>], vector<16xf32>,
      %add3A_1492 = arith.addi %add3A_532, %add3A_1488 : vector<16xi32>
      %gather3A_1493 = tpu.vector_load_idx %arg6[%add3A_1486, %add3A_406] : memref<256x128xf32, #tpu.memory_space<vmem>>[vector<16xi32>, vector<16xi32>], vector<16xf32>,
      %add3A_1494 = arith.addi %add3A_595, %add3A_1488 : vector<16xi32>
      %gather3A_1495 = tpu.vector_load_idx %arg6[%add3A_1486, %add3A_409] : memref<256x128xf32, #tpu.memory_space<vmem>>[vector<16xi32>, vector<16xi32>], vector<16xf32>,
      %add3A_1496 = arith.addi %add3A_658, %add3A_1488 : vector<16xi32>
      tpu.vector_store_idx %arg8[%add3A_1478], %gather3A_1477 : memref<16384xf32, #tpu.memory_space<vmem>>[vector<16xi32>], vector<16xf32>,
      tpu.vector_store_idx %arg8[%add3A_1480], %gather3A_1479 : memref<16384xf32, #tpu.memory_space<vmem>>[vector<16xi32>], vector<16xf32>,
      tpu.vector_store_idx %arg8[%add3A_1482], %gather3A_1481 : memref<16384xf32, #tpu.memory_space<vmem>>[vector<16xi32>], vector<16xf32>,
      tpu.vector_store_idx %arg8[%add3A_1484], %gather3A_1483 : memref<16384xf32, #tpu.memory_space<vmem>>[vector<16xi32>], vector<16xf32>,
      tpu.vector_store_idx %arg8[%add3A_1490], %gather3A_1489 : memref<16384xf32, #tpu.memory_space<vmem>>[vector<16xi32>], vector<16xf32>,
      tpu.vector_store_idx %arg8[%add3A_1492], %gather3A_1491 : memref<16384xf32, #tpu.memory_space<vmem>>[vector<16xi32>], vector<16xf32>,
      tpu.vector_store_idx %arg8[%add3A_1494], %gather3A_1493 : memref<16384xf32, #tpu.memory_space<vmem>>[vector<16xi32>], vector<16xf32>,
      tpu.vector_store_idx %arg8[%add3A_1496], %gather3A_1495 : memref<16384xf32, #tpu.memory_space<vmem>>[vector<16xi32>], vector<16xf32>,
      %add3A_1497 = vector.broadcast %mul3A_1404 : i32 to vector<16xi32>
      %add3A_1498 = arith.addi %select_n3A_122, %add3A_1497 : vector<16xi32>
      %add3A_1499 = vector.broadcast %add3A_1449 : i32 to vector<16xi32>
      %add3A_1500 = arith.addi %select_n3A_122, %add3A_1499 : vector<16xi32>
      %gather3A_1501 = tpu.vector_load_idx %arg6[%add3A_1498, %add3A_400] : memref<256x128xf32, #tpu.memory_space<vmem>>[vector<16xi32>, vector<16xi32>], vector<16xf32>,
      %add3A_1502 = arith.addi %add3A_469, %add3A_1500 : vector<16xi32>
      %gather3A_1503 = tpu.vector_load_idx %arg6[%add3A_1498, %add3A_403] : memref<256x128xf32, #tpu.memory_space<vmem>>[vector<16xi32>, vector<16xi32>], vector<16xf32>,
      %add3A_1504 = arith.addi %add3A_532, %add3A_1500 : vector<16xi32>
      %gather3A_1505 = tpu.vector_load_idx %arg6[%add3A_1498, %add3A_406] : memref<256x128xf32, #tpu.memory_space<vmem>>[vector<16xi32>, vector<16xi32>], vector<16xf32>,
      %add3A_1506 = arith.addi %add3A_595, %add3A_1500 : vector<16xi32>
      %gather3A_1507 = tpu.vector_load_idx %arg6[%add3A_1498, %add3A_409] : memref<256x128xf32, #tpu.memory_space<vmem>>[vector<16xi32>, vector<16xi32>], vector<16xf32>,
      %add3A_1508 = arith.addi %add3A_658, %add3A_1500 : vector<16xi32>
      %add3A_1509 = vector.broadcast %mul3A_1404 : i32 to vector<16xi32>
      %add3A_1510 = arith.addi %select_n3A_147, %add3A_1509 : vector<16xi32>
      %add3A_1511 = vector.broadcast %add3A_1449 : i32 to vector<16xi32>
      %add3A_1512 = arith.addi %select_n3A_147, %add3A_1511 : vector<16xi32>
      %gather3A_1513 = tpu.vector_load_idx %arg6[%add3A_1510, %add3A_400] : memref<256x128xf32, #tpu.memory_space<vmem>>[vector<16xi32>, vector<16xi32>], vector<16xf32>,
      %add3A_1514 = arith.addi %add3A_469, %add3A_1512 : vector<16xi32>
      %gather3A_1515 = tpu.vector_load_idx %arg6[%add3A_1510, %add3A_403] : memref<256x128xf32, #tpu.memory_space<vmem>>[vector<16xi32>, vector<16xi32>], vector<16xf32>,
      %add3A_1516 = arith.addi %add3A_532, %add3A_1512 : vector<16xi32>
      %gather3A_1517 = tpu.vector_load_idx %arg6[%add3A_1510, %add3A_406] : memref<256x128xf32, #tpu.memory_space<vmem>>[vector<16xi32>, vector<16xi32>], vector<16xf32>,
      %add3A_1518 = arith.addi %add3A_595, %add3A_1512 : vector<16xi32>
      %gather3A_1519 = tpu.vector_load_idx %arg6[%add3A_1510, %add3A_409] : memref<256x128xf32, #tpu.memory_space<vmem>>[vector<16xi32>, vector<16xi32>], vector<16xf32>,
      %add3A_1520 = arith.addi %add3A_658, %add3A_1512 : vector<16xi32>
      tpu.vector_store_idx %arg8[%add3A_1502], %gather3A_1501 : memref<16384xf32, #tpu.memory_space<vmem>>[vector<16xi32>], vector<16xf32>,
      tpu.vector_store_idx %arg8[%add3A_1504], %gather3A_1503 : memref<16384xf32, #tpu.memory_space<vmem>>[vector<16xi32>], vector<16xf32>,
      tpu.vector_store_idx %arg8[%add3A_1506], %gather3A_1505 : memref<16384xf32, #tpu.memory_space<vmem>>[vector<16xi32>], vector<16xf32>,
      tpu.vector_store_idx %arg8[%add3A_1508], %gather3A_1507 : memref<16384xf32, #tpu.memory_space<vmem>>[vector<16xi32>], vector<16xf32>,
      tpu.vector_store_idx %arg8[%add3A_1514], %gather3A_1513 : memref<16384xf32, #tpu.memory_space<vmem>>[vector<16xi32>], vector<16xf32>,
      tpu.vector_store_idx %arg8[%add3A_1516], %gather3A_1515 : memref<16384xf32, #tpu.memory_space<vmem>>[vector<16xi32>], vector<16xf32>,
      tpu.vector_store_idx %arg8[%add3A_1518], %gather3A_1517 : memref<16384xf32, #tpu.memory_space<vmem>>[vector<16xi32>], vector<16xf32>,
      tpu.vector_store_idx %arg8[%add3A_1520], %gather3A_1519 : memref<16384xf32, #tpu.memory_space<vmem>>[vector<16xi32>], vector<16xf32>,
      %add3A_1521 = vector.broadcast %mul3A_1404 : i32 to vector<16xi32>
      %add3A_1522 = arith.addi %select_n3A_172, %add3A_1521 : vector<16xi32>
      %add3A_1523 = vector.broadcast %add3A_1449 : i32 to vector<16xi32>
      %add3A_1524 = arith.addi %select_n3A_172, %add3A_1523 : vector<16xi32>
      %gather3A_1525 = tpu.vector_load_idx %arg6[%add3A_1522, %add3A_400] : memref<256x128xf32, #tpu.memory_space<vmem>>[vector<16xi32>, vector<16xi32>], vector<16xf32>,
      %add3A_1526 = arith.addi %add3A_469, %add3A_1524 : vector<16xi32>
      %gather3A_1527 = tpu.vector_load_idx %arg6[%add3A_1522, %add3A_403] : memref<256x128xf32, #tpu.memory_space<vmem>>[vector<16xi32>, vector<16xi32>], vector<16xf32>,
      %add3A_1528 = arith.addi %add3A_532, %add3A_1524 : vector<16xi32>
      %gather3A_1529 = tpu.vector_load_idx %arg6[%add3A_1522, %add3A_406] : memref<256x128xf32, #tpu.memory_space<vmem>>[vector<16xi32>, vector<16xi32>], vector<16xf32>,
      %add3A_1530 = arith.addi %add3A_595, %add3A_1524 : vector<16xi32>
      %gather3A_1531 = tpu.vector_load_idx %arg6[%add3A_1522, %add3A_409] : memref<256x128xf32, #tpu.memory_space<vmem>>[vector<16xi32>, vector<16xi32>], vector<16xf32>,
      %add3A_1532 = arith.addi %add3A_658, %add3A_1524 : vector<16xi32>
      %add3A_1533 = vector.broadcast %mul3A_1404 : i32 to vector<16xi32>
      %add3A_1534 = arith.addi %select_n3A_197, %add3A_1533 : vector<16xi32>
      %add3A_1535 = vector.broadcast %add3A_1449 : i32 to vector<16xi32>
      %add3A_1536 = arith.addi %select_n3A_197, %add3A_1535 : vector<16xi32>
      %gather3A_1537 = tpu.vector_load_idx %arg6[%add3A_1534, %add3A_400] : memref<256x128xf32, #tpu.memory_space<vmem>>[vector<16xi32>, vector<16xi32>], vector<16xf32>,
      %add3A_1538 = arith.addi %add3A_469, %add3A_1536 : vector<16xi32>
      %gather3A_1539 = tpu.vector_load_idx %arg6[%add3A_1534, %add3A_403] : memref<256x128xf32, #tpu.memory_space<vmem>>[vector<16xi32>, vector<16xi32>], vector<16xf32>,
      %add3A_1540 = arith.addi %add3A_532, %add3A_1536 : vector<16xi32>
      %gather3A_1541 = tpu.vector_load_idx %arg6[%add3A_1534, %add3A_406] : memref<256x128xf32, #tpu.memory_space<vmem>>[vector<16xi32>, vector<16xi32>], vector<16xf32>,
      %add3A_1542 = arith.addi %add3A_595, %add3A_1536 : vector<16xi32>
      %gather3A_1543 = tpu.vector_load_idx %arg6[%add3A_1534, %add3A_409] : memref<256x128xf32, #tpu.memory_space<vmem>>[vector<16xi32>, vector<16xi32>], vector<16xf32>,
      %add3A_1544 = arith.addi %add3A_658, %add3A_1536 : vector<16xi32>
      tpu.vector_store_idx %arg8[%add3A_1526], %gather3A_1525 : memref<16384xf32, #tpu.memory_space<vmem>>[vector<16xi32>], vector<16xf32>,
      tpu.vector_store_idx %arg8[%add3A_1528], %gather3A_1527 : memref<16384xf32, #tpu.memory_space<vmem>>[vector<16xi32>], vector<16xf32>,
      tpu.vector_store_idx %arg8[%add3A_1530], %gather3A_1529 : memref<16384xf32, #tpu.memory_space<vmem>>[vector<16xi32>], vector<16xf32>,
      tpu.vector_store_idx %arg8[%add3A_1532], %gather3A_1531 : memref<16384xf32, #tpu.memory_space<vmem>>[vector<16xi32>], vector<16xf32>,
      tpu.vector_store_idx %arg8[%add3A_1538], %gather3A_1537 : memref<16384xf32, #tpu.memory_space<vmem>>[vector<16xi32>], vector<16xf32>,
      tpu.vector_store_idx %arg8[%add3A_1540], %gather3A_1539 : memref<16384xf32, #tpu.memory_space<vmem>>[vector<16xi32>], vector<16xf32>,
      tpu.vector_store_idx %arg8[%add3A_1542], %gather3A_1541 : memref<16384xf32, #tpu.memory_space<vmem>>[vector<16xi32>], vector<16xf32>,
      tpu.vector_store_idx %arg8[%add3A_1544], %gather3A_1543 : memref<16384xf32, #tpu.memory_space<vmem>>[vector<16xi32>], vector<16xf32>,
      %add3A_1545 = vector.broadcast %mul3A_1404 : i32 to vector<16xi32>
      %add3A_1546 = arith.addi %select_n3A_222, %add3A_1545 : vector<16xi32>
      %add3A_1547 = vector.broadcast %add3A_1449 : i32 to vector<16xi32>
      %add3A_1548 = arith.addi %select_n3A_222, %add3A_1547 : vector<16xi32>
      %gather3A_1549 = tpu.vector_load_idx %arg6[%add3A_1546, %add3A_400] : memref<256x128xf32, #tpu.memory_space<vmem>>[vector<16xi32>, vector<16xi32>], vector<16xf32>,
      %add3A_1550 = arith.addi %add3A_469, %add3A_1548 : vector<16xi32>
      %gather3A_1551 = tpu.vector_load_idx %arg6[%add3A_1546, %add3A_403] : memref<256x128xf32, #tpu.memory_space<vmem>>[vector<16xi32>, vector<16xi32>], vector<16xf32>,
      %add3A_1552 = arith.addi %add3A_532, %add3A_1548 : vector<16xi32>
      %gather3A_1553 = tpu.vector_load_idx %arg6[%add3A_1546, %add3A_406] : memref<256x128xf32, #tpu.memory_space<vmem>>[vector<16xi32>, vector<16xi32>], vector<16xf32>,
      %add3A_1554 = arith.addi %add3A_595, %add3A_1548 : vector<16xi32>
      %gather3A_1555 = tpu.vector_load_idx %arg6[%add3A_1546, %add3A_409] : memref<256x128xf32, #tpu.memory_space<vmem>>[vector<16xi32>, vector<16xi32>], vector<16xf32>,
      %add3A_1556 = arith.addi %add3A_658, %add3A_1548 : vector<16xi32>
      %add3A_1557 = vector.broadcast %mul3A_1404 : i32 to vector<16xi32>
      %add3A_1558 = arith.addi %select_n3A_247, %add3A_1557 : vector<16xi32>
      %add3A_1559 = vector.broadcast %add3A_1449 : i32 to vector<16xi32>
      %add3A_1560 = arith.addi %select_n3A_247, %add3A_1559 : vector<16xi32>
      %gather3A_1561 = tpu.vector_load_idx %arg6[%add3A_1558, %add3A_400] : memref<256x128xf32, #tpu.memory_space<vmem>>[vector<16xi32>, vector<16xi32>], vector<16xf32>,
      %add3A_1562 = arith.addi %add3A_469, %add3A_1560 : vector<16xi32>
      %gather3A_1563 = tpu.vector_load_idx %arg6[%add3A_1558, %add3A_403] : memref<256x128xf32, #tpu.memory_space<vmem>>[vector<16xi32>, vector<16xi32>], vector<16xf32>,
      %add3A_1564 = arith.addi %add3A_532, %add3A_1560 : vector<16xi32>
      %gather3A_1565 = tpu.vector_load_idx %arg6[%add3A_1558, %add3A_406] : memref<256x128xf32, #tpu.memory_space<vmem>>[vector<16xi32>, vector<16xi32>], vector<16xf32>,
      %add3A_1566 = arith.addi %add3A_595, %add3A_1560 : vector<16xi32>
      %gather3A_1567 = tpu.vector_load_idx %arg6[%add3A_1558, %add3A_409] : memref<256x128xf32, #tpu.memory_space<vmem>>[vector<16xi32>, vector<16xi32>], vector<16xf32>,
      %add3A_1568 = arith.addi %add3A_658, %add3A_1560 : vector<16xi32>
      tpu.vector_store_idx %arg8[%add3A_1550], %gather3A_1549 : memref<16384xf32, #tpu.memory_space<vmem>>[vector<16xi32>], vector<16xf32>,
      tpu.vector_store_idx %arg8[%add3A_1552], %gather3A_1551 : memref<16384xf32, #tpu.memory_space<vmem>>[vector<16xi32>], vector<16xf32>,
      tpu.vector_store_idx %arg8[%add3A_1554], %gather3A_1553 : memref<16384xf32, #tpu.memory_space<vmem>>[vector<16xi32>], vector<16xf32>,
      tpu.vector_store_idx %arg8[%add3A_1556], %gather3A_1555 : memref<16384xf32, #tpu.memory_space<vmem>>[vector<16xi32>], vector<16xf32>,
      tpu.vector_store_idx %arg8[%add3A_1562], %gather3A_1561 : memref<16384xf32, #tpu.memory_space<vmem>>[vector<16xi32>], vector<16xf32>,
      tpu.vector_store_idx %arg8[%add3A_1564], %gather3A_1563 : memref<16384xf32, #tpu.memory_space<vmem>>[vector<16xi32>], vector<16xf32>,
      tpu.vector_store_idx %arg8[%add3A_1566], %gather3A_1565 : memref<16384xf32, #tpu.memory_space<vmem>>[vector<16xi32>], vector<16xf32>,
      tpu.vector_store_idx %arg8[%add3A_1568], %gather3A_1567 : memref<16384xf32, #tpu.memory_space<vmem>>[vector<16xi32>], vector<16xf32>,
      %add3A_1569 = vector.broadcast %mul3A_1404 : i32 to vector<16xi32>
      %add3A_1570 = arith.addi %select_n3A_272, %add3A_1569 : vector<16xi32>
      %add3A_1571 = vector.broadcast %add3A_1449 : i32 to vector<16xi32>
      %add3A_1572 = arith.addi %select_n3A_272, %add3A_1571 : vector<16xi32>
      %gather3A_1573 = tpu.vector_load_idx %arg6[%add3A_1570, %add3A_400] : memref<256x128xf32, #tpu.memory_space<vmem>>[vector<16xi32>, vector<16xi32>], vector<16xf32>,
      %add3A_1574 = arith.addi %add3A_469, %add3A_1572 : vector<16xi32>
      %gather3A_1575 = tpu.vector_load_idx %arg6[%add3A_1570, %add3A_403] : memref<256x128xf32, #tpu.memory_space<vmem>>[vector<16xi32>, vector<16xi32>], vector<16xf32>,
      %add3A_1576 = arith.addi %add3A_532, %add3A_1572 : vector<16xi32>
      %gather3A_1577 = tpu.vector_load_idx %arg6[%add3A_1570, %add3A_406] : memref<256x128xf32, #tpu.memory_space<vmem>>[vector<16xi32>, vector<16xi32>], vector<16xf32>,
      %add3A_1578 = arith.addi %add3A_595, %add3A_1572 : vector<16xi32>
      %gather3A_1579 = tpu.vector_load_idx %arg6[%add3A_1570, %add3A_409] : memref<256x128xf32, #tpu.memory_space<vmem>>[vector<16xi32>, vector<16xi32>], vector<16xf32>,
      %add3A_1580 = arith.addi %add3A_658, %add3A_1572 : vector<16xi32>
      %add3A_1581 = vector.broadcast %mul3A_1404 : i32 to vector<16xi32>
      %add3A_1582 = arith.addi %select_n3A_297, %add3A_1581 : vector<16xi32>
      %add3A_1583 = vector.broadcast %add3A_1449 : i32 to vector<16xi32>
      %add3A_1584 = arith.addi %select_n3A_297, %add3A_1583 : vector<16xi32>
      %gather3A_1585 = tpu.vector_load_idx %arg6[%add3A_1582, %add3A_400] : memref<256x128xf32, #tpu.memory_space<vmem>>[vector<16xi32>, vector<16xi32>], vector<16xf32>,
      %add3A_1586 = arith.addi %add3A_469, %add3A_1584 : vector<16xi32>
      %gather3A_1587 = tpu.vector_load_idx %arg6[%add3A_1582, %add3A_403] : memref<256x128xf32, #tpu.memory_space<vmem>>[vector<16xi32>, vector<16xi32>], vector<16xf32>,
      %add3A_1588 = arith.addi %add3A_532, %add3A_1584 : vector<16xi32>
      %gather3A_1589 = tpu.vector_load_idx %arg6[%add3A_1582, %add3A_406] : memref<256x128xf32, #tpu.memory_space<vmem>>[vector<16xi32>, vector<16xi32>], vector<16xf32>,
      %add3A_1590 = arith.addi %add3A_595, %add3A_1584 : vector<16xi32>
      %gather3A_1591 = tpu.vector_load_idx %arg6[%add3A_1582, %add3A_409] : memref<256x128xf32, #tpu.memory_space<vmem>>[vector<16xi32>, vector<16xi32>], vector<16xf32>,
      %add3A_1592 = arith.addi %add3A_658, %add3A_1584 : vector<16xi32>
      tpu.vector_store_idx %arg8[%add3A_1574], %gather3A_1573 : memref<16384xf32, #tpu.memory_space<vmem>>[vector<16xi32>], vector<16xf32>,
      tpu.vector_store_idx %arg8[%add3A_1576], %gather3A_1575 : memref<16384xf32, #tpu.memory_space<vmem>>[vector<16xi32>], vector<16xf32>,
      tpu.vector_store_idx %arg8[%add3A_1578], %gather3A_1577 : memref<16384xf32, #tpu.memory_space<vmem>>[vector<16xi32>], vector<16xf32>,
      tpu.vector_store_idx %arg8[%add3A_1580], %gather3A_1579 : memref<16384xf32, #tpu.memory_space<vmem>>[vector<16xi32>], vector<16xf32>,
      tpu.vector_store_idx %arg8[%add3A_1586], %gather3A_1585 : memref<16384xf32, #tpu.memory_space<vmem>>[vector<16xi32>], vector<16xf32>,
      tpu.vector_store_idx %arg8[%add3A_1588], %gather3A_1587 : memref<16384xf32, #tpu.memory_space<vmem>>[vector<16xi32>], vector<16xf32>,
      tpu.vector_store_idx %arg8[%add3A_1590], %gather3A_1589 : memref<16384xf32, #tpu.memory_space<vmem>>[vector<16xi32>], vector<16xf32>,
      tpu.vector_store_idx %arg8[%add3A_1592], %gather3A_1591 : memref<16384xf32, #tpu.memory_space<vmem>>[vector<16xi32>], vector<16xf32>,
      %add3A_1593 = vector.broadcast %mul3A_1404 : i32 to vector<16xi32>
      %add3A_1594 = arith.addi %select_n3A_322, %add3A_1593 : vector<16xi32>
      %add3A_1595 = vector.broadcast %add3A_1449 : i32 to vector<16xi32>
      %add3A_1596 = arith.addi %select_n3A_322, %add3A_1595 : vector<16xi32>
      %gather3A_1597 = tpu.vector_load_idx %arg6[%add3A_1594, %add3A_400] : memref<256x128xf32, #tpu.memory_space<vmem>>[vector<16xi32>, vector<16xi32>], vector<16xf32>,
      %add3A_1598 = arith.addi %add3A_469, %add3A_1596 : vector<16xi32>
      %gather3A_1599 = tpu.vector_load_idx %arg6[%add3A_1594, %add3A_403] : memref<256x128xf32, #tpu.memory_space<vmem>>[vector<16xi32>, vector<16xi32>], vector<16xf32>,
      %add3A_1600 = arith.addi %add3A_532, %add3A_1596 : vector<16xi32>
      %gather3A_1601 = tpu.vector_load_idx %arg6[%add3A_1594, %add3A_406] : memref<256x128xf32, #tpu.memory_space<vmem>>[vector<16xi32>, vector<16xi32>], vector<16xf32>,
      %add3A_1602 = arith.addi %add3A_595, %add3A_1596 : vector<16xi32>
      %gather3A_1603 = tpu.vector_load_idx %arg6[%add3A_1594, %add3A_409] : memref<256x128xf32, #tpu.memory_space<vmem>>[vector<16xi32>, vector<16xi32>], vector<16xf32>,
      %add3A_1604 = arith.addi %add3A_658, %add3A_1596 : vector<16xi32>
      %add3A_1605 = vector.broadcast %mul3A_1404 : i32 to vector<16xi32>
      %add3A_1606 = arith.addi %select_n3A_347, %add3A_1605 : vector<16xi32>
      %add3A_1607 = vector.broadcast %add3A_1449 : i32 to vector<16xi32>
      %add3A_1608 = arith.addi %select_n3A_347, %add3A_1607 : vector<16xi32>
      %gather3A_1609 = tpu.vector_load_idx %arg6[%add3A_1606, %add3A_400] : memref<256x128xf32, #tpu.memory_space<vmem>>[vector<16xi32>, vector<16xi32>], vector<16xf32>,
      %add3A_1610 = arith.addi %add3A_469, %add3A_1608 : vector<16xi32>
      %gather3A_1611 = tpu.vector_load_idx %arg6[%add3A_1606, %add3A_403] : memref<256x128xf32, #tpu.memory_space<vmem>>[vector<16xi32>, vector<16xi32>], vector<16xf32>,
      %add3A_1612 = arith.addi %add3A_532, %add3A_1608 : vector<16xi32>
      %gather3A_1613 = tpu.vector_load_idx %arg6[%add3A_1606, %add3A_406] : memref<256x128xf32, #tpu.memory_space<vmem>>[vector<16xi32>, vector<16xi32>], vector<16xf32>,
      %add3A_1614 = arith.addi %add3A_595, %add3A_1608 : vector<16xi32>
      %gather3A_1615 = tpu.vector_load_idx %arg6[%add3A_1606, %add3A_409] : memref<256x128xf32, #tpu.memory_space<vmem>>[vector<16xi32>, vector<16xi32>], vector<16xf32>,
      %add3A_1616 = arith.addi %add3A_658, %add3A_1608 : vector<16xi32>
      tpu.vector_store_idx %arg8[%add3A_1598], %gather3A_1597 : memref<16384xf32, #tpu.memory_space<vmem>>[vector<16xi32>], vector<16xf32>,
      tpu.vector_store_idx %arg8[%add3A_1600], %gather3A_1599 : memref<16384xf32, #tpu.memory_space<vmem>>[vector<16xi32>], vector<16xf32>,
      tpu.vector_store_idx %arg8[%add3A_1602], %gather3A_1601 : memref<16384xf32, #tpu.memory_space<vmem>>[vector<16xi32>], vector<16xf32>,
      tpu.vector_store_idx %arg8[%add3A_1604], %gather3A_1603 : memref<16384xf32, #tpu.memory_space<vmem>>[vector<16xi32>], vector<16xf32>,
      tpu.vector_store_idx %arg8[%add3A_1610], %gather3A_1609 : memref<16384xf32, #tpu.memory_space<vmem>>[vector<16xi32>], vector<16xf32>,
      tpu.vector_store_idx %arg8[%add3A_1612], %gather3A_1611 : memref<16384xf32, #tpu.memory_space<vmem>>[vector<16xi32>], vector<16xf32>,
      tpu.vector_store_idx %arg8[%add3A_1614], %gather3A_1613 : memref<16384xf32, #tpu.memory_space<vmem>>[vector<16xi32>], vector<16xf32>,
      tpu.vector_store_idx %arg8[%add3A_1616], %gather3A_1615 : memref<16384xf32, #tpu.memory_space<vmem>>[vector<16xi32>], vector<16xf32>,
      %add3A_1617 = vector.broadcast %mul3A_1404 : i32 to vector<16xi32>
      %add3A_1618 = arith.addi %select_n3A_372, %add3A_1617 : vector<16xi32>
      %add3A_1619 = vector.broadcast %add3A_1449 : i32 to vector<16xi32>
      %add3A_1620 = arith.addi %select_n3A_372, %add3A_1619 : vector<16xi32>
      %gather3A_1621 = tpu.vector_load_idx %arg6[%add3A_1618, %add3A_400] : memref<256x128xf32, #tpu.memory_space<vmem>>[vector<16xi32>, vector<16xi32>], vector<16xf32>,
      %add3A_1622 = arith.addi %add3A_469, %add3A_1620 : vector<16xi32>
      %gather3A_1623 = tpu.vector_load_idx %arg6[%add3A_1618, %add3A_403] : memref<256x128xf32, #tpu.memory_space<vmem>>[vector<16xi32>, vector<16xi32>], vector<16xf32>,
      %add3A_1624 = arith.addi %add3A_532, %add3A_1620 : vector<16xi32>
      %gather3A_1625 = tpu.vector_load_idx %arg6[%add3A_1618, %add3A_406] : memref<256x128xf32, #tpu.memory_space<vmem>>[vector<16xi32>, vector<16xi32>], vector<16xf32>,
      %add3A_1626 = arith.addi %add3A_595, %add3A_1620 : vector<16xi32>
      %gather3A_1627 = tpu.vector_load_idx %arg6[%add3A_1618, %add3A_409] : memref<256x128xf32, #tpu.memory_space<vmem>>[vector<16xi32>, vector<16xi32>], vector<16xf32>,
      %add3A_1628 = arith.addi %add3A_658, %add3A_1620 : vector<16xi32>
      %add3A_1629 = vector.broadcast %mul3A_1404 : i32 to vector<16xi32>
      %add3A_1630 = arith.addi %select_n3A_397, %add3A_1629 : vector<16xi32>
      %add3A_1631 = vector.broadcast %add3A_1449 : i32 to vector<16xi32>
      %add3A_1632 = arith.addi %select_n3A_397, %add3A_1631 : vector<16xi32>
      %gather3A_1633 = tpu.vector_load_idx %arg6[%add3A_1630, %add3A_400] : memref<256x128xf32, #tpu.memory_space<vmem>>[vector<16xi32>, vector<16xi32>], vector<16xf32>,
      %add3A_1634 = arith.addi %add3A_469, %add3A_1632 : vector<16xi32>
      %gather3A_1635 = tpu.vector_load_idx %arg6[%add3A_1630, %add3A_403] : memref<256x128xf32, #tpu.memory_space<vmem>>[vector<16xi32>, vector<16xi32>], vector<16xf32>,
      %add3A_1636 = arith.addi %add3A_532, %add3A_1632 : vector<16xi32>
      %gather3A_1637 = tpu.vector_load_idx %arg6[%add3A_1630, %add3A_406] : memref<256x128xf32, #tpu.memory_space<vmem>>[vector<16xi32>, vector<16xi32>], vector<16xf32>,
      %add3A_1638 = arith.addi %add3A_595, %add3A_1632 : vector<16xi32>
      %gather3A_1639 = tpu.vector_load_idx %arg6[%add3A_1630, %add3A_409] : memref<256x128xf32, #tpu.memory_space<vmem>>[vector<16xi32>, vector<16xi32>], vector<16xf32>,
      %add3A_1640 = arith.addi %add3A_658, %add3A_1632 : vector<16xi32>
      tpu.vector_store_idx %arg8[%add3A_1622], %gather3A_1621 : memref<16384xf32, #tpu.memory_space<vmem>>[vector<16xi32>], vector<16xf32>,
      tpu.vector_store_idx %arg8[%add3A_1624], %gather3A_1623 : memref<16384xf32, #tpu.memory_space<vmem>>[vector<16xi32>], vector<16xf32>,
      tpu.vector_store_idx %arg8[%add3A_1626], %gather3A_1625 : memref<16384xf32, #tpu.memory_space<vmem>>[vector<16xi32>], vector<16xf32>,
      tpu.vector_store_idx %arg8[%add3A_1628], %gather3A_1627 : memref<16384xf32, #tpu.memory_space<vmem>>[vector<16xi32>], vector<16xf32>,
      tpu.vector_store_idx %arg8[%add3A_1634], %gather3A_1633 : memref<16384xf32, #tpu.memory_space<vmem>>[vector<16xi32>], vector<16xf32>,
      tpu.vector_store_idx %arg8[%add3A_1636], %gather3A_1635 : memref<16384xf32, #tpu.memory_space<vmem>>[vector<16xi32>], vector<16xf32>,
      tpu.vector_store_idx %arg8[%add3A_1638], %gather3A_1637 : memref<16384xf32, #tpu.memory_space<vmem>>[vector<16xi32>], vector<16xf32>,
      tpu.vector_store_idx %arg8[%add3A_1640], %gather3A_1639 : memref<16384xf32, #tpu.memory_space<vmem>>[vector<16xi32>], vector<16xf32>,
    }
    %scan3A_676 = arith.constant 16 : i32
    %add3A_677 = arith.constant 0 : i32
    %add3A_678 = arith.addi %mul3A_2, %add3A_677 : i32
    %jit3A_679 = arith.constant 16 : i32
    %div3A_680 = arith.divsi %add3A_678, %jit3A_679 : i32
    %sign3A_681 = arith.constant 0 : i32
    %sign3A_682 = arith.cmpi sgt, %add3A_678, %sign3A_681 : i32
    %sign3A_683 = arith.extui %sign3A_682 : i1 to i32
    %sign3A_684 = arith.constant 0 : i32
    %sign3A_685 = arith.cmpi slt, %add3A_678, %sign3A_684 : i32
    %sign3A_686 = arith.extui %sign3A_685 : i1 to i32
    %sign3A_687 = arith.subi %sign3A_683, %sign3A_686 : i32
    %sign3A_688 = arith.constant 0 : i32
    %sign3A_689 = arith.cmpi sgt, %jit3A_679, %sign3A_688 : i32
    %sign3A_690 = arith.extui %sign3A_689 : i1 to i32
    %sign3A_691 = arith.constant 0 : i32
    %sign3A_692 = arith.cmpi slt, %jit3A_679, %sign3A_691 : i32
    %sign3A_693 = arith.extui %sign3A_692 : i1 to i32
    %sign3A_694 = arith.subi %sign3A_690, %sign3A_693 : i32
    %ne3A_695 = arith.cmpi ne, %sign3A_687, %sign3A_694 : i32
    %rem3A_696 = arith.remsi %add3A_678, %jit3A_679 : i32
    %ne3A_697 = arith.constant 0 : i32
    %ne3A_698 = arith.cmpi ne, %rem3A_696, %ne3A_697 : i32
    %and3A_699 = arith.andi %ne3A_695, %ne3A_698 : i1
    %sub3A_700 = arith.constant 1 : i32
    %sub3A_701 = arith.subi %div3A_680, %sub3A_700 : i32
    %select_n3A_702 = arith.select %and3A_699, %sub3A_701, %div3A_680 : i32
    %mul3A_703 = arith.constant 16 : i32
    %mul3A_704 = arith.muli %select_n3A_702, %mul3A_703 : i32
    %sub3A_705 = arith.subi %add3A_678, %mul3A_704 : i32
    %mul3A_706 = arith.constant 8 : i32
    %mul3A_707 = arith.muli %select_n3A_702, %mul3A_706 : i32
    %add3A_708 = arith.constant 0 : i32
    %add3A_709 = arith.addi %mul3A_707, %add3A_708 : i32
    %mul3A_710 = arith.constant 32 : i32
    %mul3A_711 = arith.muli %add3A_709, %mul3A_710 : i32
    %mul3A_712 = arith.constant 2 : i32
    %mul3A_713 = arith.muli %mul3A_712, %sub3A_705 : i32
    %add3A_714 = arith.addi %mul3A_711, %mul3A_713 : i32
    %mul3A_715 = arith.constant 1024 : i32
    %mul3A_716 = arith.muli %add3A_714, %mul3A_715 : i32
    %dma_start3A_717 = arith.constant 0 : i32
    %dma_start3A_718 = tpu.memref_slice %arg8[%dma_start3A_717] : memref<16384xf32, #tpu.memory_space<vmem>> -> memref<2048xf32, #tpu.memory_space<vmem>>
    %dma_start3A_719 = tpu.memref_slice %arg4[%mul3A_716] : memref<52428800xf32, #tpu.memory_space<hbm>> -> memref<2048xf32, #tpu.memory_space<hbm>>
    %dma_start3A_720 = tpu.memref_slice %arg4[%mul3A_716] : memref<52428800xf32, #tpu.memory_space<hbm>> -> memref<2048xf32, #tpu.memory_space<hbm>>
    %dma_start3A_721 = arith.constant 0 : i32
    %dma_start3A_722 = tpu.memref_slice %arg8[%dma_start3A_721] : memref<16384xf32, #tpu.memory_space<vmem>> -> memref<2048xf32, #tpu.memory_space<vmem>>
    tpu.enqueue_dma source(%dma_start3A_722 : memref<2048xf32, #tpu.memory_space<vmem>>) target(%dma_start3A_720 : memref<2048xf32, #tpu.memory_space<hbm>>) target_semaphore(%arg12 : memref<!tpu.dma_semaphore, #tpu.memory_space<semaphore_mem>>)
    %mul3A_723 = arith.constant 8 : i32
    %mul3A_724 = arith.muli %select_n3A_702, %mul3A_723 : i32
    %add3A_725 = arith.constant 1 : i32
    %add3A_726 = arith.addi %mul3A_724, %add3A_725 : i32
    %mul3A_727 = arith.constant 32 : i32
    %mul3A_728 = arith.muli %add3A_726, %mul3A_727 : i32
    %mul3A_729 = arith.constant 2 : i32
    %mul3A_730 = arith.muli %mul3A_729, %sub3A_705 : i32
    %add3A_731 = arith.addi %mul3A_728, %mul3A_730 : i32
    %mul3A_732 = arith.constant 1024 : i32
    %mul3A_733 = arith.muli %add3A_731, %mul3A_732 : i32
    %dma_start3A_734 = arith.constant 2048 : i32
    %dma_start3A_735 = tpu.memref_slice %arg8[%dma_start3A_734] : memref<16384xf32, #tpu.memory_space<vmem>> -> memref<2048xf32, #tpu.memory_space<vmem>>
    %dma_start3A_736 = tpu.memref_slice %arg4[%mul3A_733] : memref<52428800xf32, #tpu.memory_space<hbm>> -> memref<2048xf32, #tpu.memory_space<hbm>>
    %dma_start3A_737 = tpu.memref_slice %arg4[%mul3A_733] : memref<52428800xf32, #tpu.memory_space<hbm>> -> memref<2048xf32, #tpu.memory_space<hbm>>
    %dma_start3A_738 = arith.constant 2048 : i32
    %dma_start3A_739 = tpu.memref_slice %arg8[%dma_start3A_738] : memref<16384xf32, #tpu.memory_space<vmem>> -> memref<2048xf32, #tpu.memory_space<vmem>>
    tpu.enqueue_dma source(%dma_start3A_739 : memref<2048xf32, #tpu.memory_space<vmem>>) target(%dma_start3A_737 : memref<2048xf32, #tpu.memory_space<hbm>>) target_semaphore(%arg12 : memref<!tpu.dma_semaphore, #tpu.memory_space<semaphore_mem>>)
    %mul3A_740 = arith.constant 8 : i32
    %mul3A_741 = arith.muli %select_n3A_702, %mul3A_740 : i32
    %add3A_742 = arith.constant 2 : i32
    %add3A_743 = arith.addi %mul3A_741, %add3A_742 : i32
    %mul3A_744 = arith.constant 32 : i32
    %mul3A_745 = arith.muli %add3A_743, %mul3A_744 : i32
    %mul3A_746 = arith.constant 2 : i32
    %mul3A_747 = arith.muli %mul3A_746, %sub3A_705 : i32
    %add3A_748 = arith.addi %mul3A_745, %mul3A_747 : i32
    %mul3A_749 = arith.constant 1024 : i32
    %mul3A_750 = arith.muli %add3A_748, %mul3A_749 : i32
    %dma_start3A_751 = arith.constant 4096 : i32
    %dma_start3A_752 = tpu.memref_slice %arg8[%dma_start3A_751] : memref<16384xf32, #tpu.memory_space<vmem>> -> memref<2048xf32, #tpu.memory_space<vmem>>
    %dma_start3A_753 = tpu.memref_slice %arg4[%mul3A_750] : memref<52428800xf32, #tpu.memory_space<hbm>> -> memref<2048xf32, #tpu.memory_space<hbm>>
    %dma_start3A_754 = tpu.memref_slice %arg4[%mul3A_750] : memref<52428800xf32, #tpu.memory_space<hbm>> -> memref<2048xf32, #tpu.memory_space<hbm>>
    %dma_start3A_755 = arith.constant 4096 : i32
    %dma_start3A_756 = tpu.memref_slice %arg8[%dma_start3A_755] : memref<16384xf32, #tpu.memory_space<vmem>> -> memref<2048xf32, #tpu.memory_space<vmem>>
    tpu.enqueue_dma source(%dma_start3A_756 : memref<2048xf32, #tpu.memory_space<vmem>>) target(%dma_start3A_754 : memref<2048xf32, #tpu.memory_space<hbm>>) target_semaphore(%arg12 : memref<!tpu.dma_semaphore, #tpu.memory_space<semaphore_mem>>)
    %mul3A_757 = arith.constant 8 : i32
    %mul3A_758 = arith.muli %select_n3A_702, %mul3A_757 : i32
    %add3A_759 = arith.constant 3 : i32
    %add3A_760 = arith.addi %mul3A_758, %add3A_759 : i32
    %mul3A_761 = arith.constant 32 : i32
    %mul3A_762 = arith.muli %add3A_760, %mul3A_761 : i32
    %mul3A_763 = arith.constant 2 : i32
    %mul3A_764 = arith.muli %mul3A_763, %sub3A_705 : i32
    %add3A_765 = arith.addi %mul3A_762, %mul3A_764 : i32
    %mul3A_766 = arith.constant 1024 : i32
    %mul3A_767 = arith.muli %add3A_765, %mul3A_766 : i32
    %dma_start3A_768 = arith.constant 6144 : i32
    %dma_start3A_769 = tpu.memref_slice %arg8[%dma_start3A_768] : memref<16384xf32, #tpu.memory_space<vmem>> -> memref<2048xf32, #tpu.memory_space<vmem>>
    %dma_start3A_770 = tpu.memref_slice %arg4[%mul3A_767] : memref<52428800xf32, #tpu.memory_space<hbm>> -> memref<2048xf32, #tpu.memory_space<hbm>>
    %dma_start3A_771 = tpu.memref_slice %arg4[%mul3A_767] : memref<52428800xf32, #tpu.memory_space<hbm>> -> memref<2048xf32, #tpu.memory_space<hbm>>
    %dma_start3A_772 = arith.constant 6144 : i32
    %dma_start3A_773 = tpu.memref_slice %arg8[%dma_start3A_772] : memref<16384xf32, #tpu.memory_space<vmem>> -> memref<2048xf32, #tpu.memory_space<vmem>>
    tpu.enqueue_dma source(%dma_start3A_773 : memref<2048xf32, #tpu.memory_space<vmem>>) target(%dma_start3A_771 : memref<2048xf32, #tpu.memory_space<hbm>>) target_semaphore(%arg12 : memref<!tpu.dma_semaphore, #tpu.memory_space<semaphore_mem>>)
    %mul3A_774 = arith.constant 8 : i32
    %mul3A_775 = arith.muli %select_n3A_702, %mul3A_774 : i32
    %add3A_776 = arith.constant 4 : i32
    %add3A_777 = arith.addi %mul3A_775, %add3A_776 : i32
    %mul3A_778 = arith.constant 32 : i32
    %mul3A_779 = arith.muli %add3A_777, %mul3A_778 : i32
    %mul3A_780 = arith.constant 2 : i32
    %mul3A_781 = arith.muli %mul3A_780, %sub3A_705 : i32
    %add3A_782 = arith.addi %mul3A_779, %mul3A_781 : i32
    %mul3A_783 = arith.constant 1024 : i32
    %mul3A_784 = arith.muli %add3A_782, %mul3A_783 : i32
    %dma_start3A_785 = arith.constant 8192 : i32
    %dma_start3A_786 = tpu.memref_slice %arg8[%dma_start3A_785] : memref<16384xf32, #tpu.memory_space<vmem>> -> memref<2048xf32, #tpu.memory_space<vmem>>
    %dma_start3A_787 = tpu.memref_slice %arg4[%mul3A_784] : memref<52428800xf32, #tpu.memory_space<hbm>> -> memref<2048xf32, #tpu.memory_space<hbm>>
    %dma_start3A_788 = tpu.memref_slice %arg4[%mul3A_784] : memref<52428800xf32, #tpu.memory_space<hbm>> -> memref<2048xf32, #tpu.memory_space<hbm>>
    %dma_start3A_789 = arith.constant 8192 : i32
    %dma_start3A_790 = tpu.memref_slice %arg8[%dma_start3A_789] : memref<16384xf32, #tpu.memory_space<vmem>> -> memref<2048xf32, #tpu.memory_space<vmem>>
    tpu.enqueue_dma source(%dma_start3A_790 : memref<2048xf32, #tpu.memory_space<vmem>>) target(%dma_start3A_788 : memref<2048xf32, #tpu.memory_space<hbm>>) target_semaphore(%arg12 : memref<!tpu.dma_semaphore, #tpu.memory_space<semaphore_mem>>)
    %mul3A_791 = arith.constant 8 : i32
    %mul3A_792 = arith.muli %select_n3A_702, %mul3A_791 : i32
    %add3A_793 = arith.constant 5 : i32
    %add3A_794 = arith.addi %mul3A_792, %add3A_793 : i32
    %mul3A_795 = arith.constant 32 : i32
    %mul3A_796 = arith.muli %add3A_794, %mul3A_795 : i32
    %mul3A_797 = arith.constant 2 : i32
    %mul3A_798 = arith.muli %mul3A_797, %sub3A_705 : i32
    %add3A_799 = arith.addi %mul3A_796, %mul3A_798 : i32
    %mul3A_800 = arith.constant 1024 : i32
    %mul3A_801 = arith.muli %add3A_799, %mul3A_800 : i32
    %dma_start3A_802 = arith.constant 10240 : i32
    %dma_start3A_803 = tpu.memref_slice %arg8[%dma_start3A_802] : memref<16384xf32, #tpu.memory_space<vmem>> -> memref<2048xf32, #tpu.memory_space<vmem>>
    %dma_start3A_804 = tpu.memref_slice %arg4[%mul3A_801] : memref<52428800xf32, #tpu.memory_space<hbm>> -> memref<2048xf32, #tpu.memory_space<hbm>>
    %dma_start3A_805 = tpu.memref_slice %arg4[%mul3A_801] : memref<52428800xf32, #tpu.memory_space<hbm>> -> memref<2048xf32, #tpu.memory_space<hbm>>
    %dma_start3A_806 = arith.constant 10240 : i32
    %dma_start3A_807 = tpu.memref_slice %arg8[%dma_start3A_806] : memref<16384xf32, #tpu.memory_space<vmem>> -> memref<2048xf32, #tpu.memory_space<vmem>>
    tpu.enqueue_dma source(%dma_start3A_807 : memref<2048xf32, #tpu.memory_space<vmem>>) target(%dma_start3A_805 : memref<2048xf32, #tpu.memory_space<hbm>>) target_semaphore(%arg12 : memref<!tpu.dma_semaphore, #tpu.memory_space<semaphore_mem>>)
    %mul3A_808 = arith.constant 8 : i32
    %mul3A_809 = arith.muli %select_n3A_702, %mul3A_808 : i32
    %add3A_810 = arith.constant 6 : i32
    %add3A_811 = arith.addi %mul3A_809, %add3A_810 : i32
    %mul3A_812 = arith.constant 32 : i32
    %mul3A_813 = arith.muli %add3A_811, %mul3A_812 : i32
    %mul3A_814 = arith.constant 2 : i32
    %mul3A_815 = arith.muli %mul3A_814, %sub3A_705 : i32
    %add3A_816 = arith.addi %mul3A_813, %mul3A_815 : i32
    %mul3A_817 = arith.constant 1024 : i32
    %mul3A_818 = arith.muli %add3A_816, %mul3A_817 : i32
    %dma_start3A_819 = arith.constant 12288 : i32
    %dma_start3A_820 = tpu.memref_slice %arg8[%dma_start3A_819] : memref<16384xf32, #tpu.memory_space<vmem>> -> memref<2048xf32, #tpu.memory_space<vmem>>
    %dma_start3A_821 = tpu.memref_slice %arg4[%mul3A_818] : memref<52428800xf32, #tpu.memory_space<hbm>> -> memref<2048xf32, #tpu.memory_space<hbm>>
    %dma_start3A_822 = tpu.memref_slice %arg4[%mul3A_818] : memref<52428800xf32, #tpu.memory_space<hbm>> -> memref<2048xf32, #tpu.memory_space<hbm>>
    %dma_start3A_823 = arith.constant 12288 : i32
    %dma_start3A_824 = tpu.memref_slice %arg8[%dma_start3A_823] : memref<16384xf32, #tpu.memory_space<vmem>> -> memref<2048xf32, #tpu.memory_space<vmem>>
    tpu.enqueue_dma source(%dma_start3A_824 : memref<2048xf32, #tpu.memory_space<vmem>>) target(%dma_start3A_822 : memref<2048xf32, #tpu.memory_space<hbm>>) target_semaphore(%arg12 : memref<!tpu.dma_semaphore, #tpu.memory_space<semaphore_mem>>)
    %mul3A_825 = arith.constant 8 : i32
    %mul3A_826 = arith.muli %select_n3A_702, %mul3A_825 : i32
    %add3A_827 = arith.constant 7 : i32
    %add3A_828 = arith.addi %mul3A_826, %add3A_827 : i32
    %mul3A_829 = arith.constant 32 : i32
    %mul3A_830 = arith.muli %add3A_828, %mul3A_829 : i32
    %mul3A_831 = arith.constant 2 : i32
    %mul3A_832 = arith.muli %mul3A_831, %sub3A_705 : i32
    %add3A_833 = arith.addi %mul3A_830, %mul3A_832 : i32
    %mul3A_834 = arith.constant 1024 : i32
    %mul3A_835 = arith.muli %add3A_833, %mul3A_834 : i32
    %dma_start3A_836 = arith.constant 14336 : i32
    %dma_start3A_837 = tpu.memref_slice %arg8[%dma_start3A_836] : memref<16384xf32, #tpu.memory_space<vmem>> -> memref<2048xf32, #tpu.memory_space<vmem>>
    %dma_start3A_838 = tpu.memref_slice %arg4[%mul3A_835] : memref<52428800xf32, #tpu.memory_space<hbm>> -> memref<2048xf32, #tpu.memory_space<hbm>>
    %dma_start3A_839 = tpu.memref_slice %arg4[%mul3A_835] : memref<52428800xf32, #tpu.memory_space<hbm>> -> memref<2048xf32, #tpu.memory_space<hbm>>
    %dma_start3A_840 = arith.constant 14336 : i32
    %dma_start3A_841 = tpu.memref_slice %arg8[%dma_start3A_840] : memref<16384xf32, #tpu.memory_space<vmem>> -> memref<2048xf32, #tpu.memory_space<vmem>>
    tpu.enqueue_dma source(%dma_start3A_841 : memref<2048xf32, #tpu.memory_space<vmem>>) target(%dma_start3A_839 : memref<2048xf32, #tpu.memory_space<hbm>>) target_semaphore(%arg12 : memref<!tpu.dma_semaphore, #tpu.memory_space<semaphore_mem>>)
    %dma_start3A_842 = arith.constant 512 : i32
    %dma_start3A_843 = tpu.memref_slice %arg5[%dma_start3A_842] : memref<25600xi32, #tpu.memory_space<vmem>> -> memref<256xi32, #tpu.memory_space<vmem>>
    %dma_start3A_844 = arith.constant 0 : i32
    %dma_start3A_845 = arith.constant 0 : i32
    %dma_start3A_846 = tpu.memref_slice %arg3[%dma_start3A_844, %dma_start3A_845] : memref<1000000x128xf32, #tpu.memory_space<hbm>> -> memref<1000000x128xf32, #tpu.memory_space<hbm>>
    tpu.enqueue_indirect_dma source(%dma_start3A_846 : memref<1000000x128xf32, #tpu.memory_space<hbm>>) target(%arg6 : memref<256x128xf32, #tpu.memory_space<vmem>>) offsets(%dma_start3A_843 : memref<256xi32, #tpu.memory_space<vmem>>) semaphore(%arg10 : memref<!tpu.dma_semaphore, #tpu.memory_space<semaphore_mem>>)
    %dma_wait3A_847 = arith.constant 0 : i32
    %dma_wait3A_848 = tpu.memref_slice %arg5[%dma_wait3A_847] : memref<25600xi32, #tpu.memory_space<vmem>> -> memref<256xi32, #tpu.memory_space<vmem>>
    %dma_wait3A_849 = arith.constant 0 : i32
    %dma_wait3A_850 = arith.constant 0 : i32
    %dma_wait3A_851 = tpu.memref_slice %arg3[%dma_wait3A_849, %dma_wait3A_850] : memref<1000000x128xf32, #tpu.memory_space<hbm>> -> memref<1000000x128xf32, #tpu.memory_space<hbm>>
    tpu.wait_indirect_dma semaphore(%arg11 : memref<!tpu.dma_semaphore, #tpu.memory_space<semaphore_mem>>) src(%dma_wait3A_851 : memref<1000000x128xf32, #tpu.memory_space<hbm>>) dst(%arg7 : memref<256x128xf32, #tpu.memory_space<vmem>>)
    %scan3A_852 = arith.constant 0 : i32
    %scan3A_853 = arith.constant 0 : i32
    %scan3A_854 = arith.constant 16 : i32
    %scan3A_855 = arith.addi %scan3A_853, %scan3A_854 : i32
    %scan3A_856 = arith.constant 1 : i32
    scf.for %scan3A_1402 = %scan3A_853 to %scan3A_855 step %scan3A_856  : i32 {
      %mul3A_1403 = arith.constant 16 : i32
      %mul3A_1404 = arith.muli %scan3A_1402, %mul3A_1403 : i32
      %jit3A_1405 = arith.constant 8 : i32
      %div3A_1406 = arith.divsi %scan3A_1402, %jit3A_1405 : i32
      %sign3A_1407 = arith.constant 0 : i32
      %sign3A_1408 = arith.cmpi sgt, %scan3A_1402, %sign3A_1407 : i32
      %sign3A_1409 = arith.extui %sign3A_1408 : i1 to i32
      %sign3A_1410 = arith.constant 0 : i32
      %sign3A_1411 = arith.cmpi slt, %scan3A_1402, %sign3A_1410 : i32
      %sign3A_1412 = arith.extui %sign3A_1411 : i1 to i32
      %sign3A_1413 = arith.subi %sign3A_1409, %sign3A_1412 : i32
      %sign3A_1414 = arith.constant 0 : i32
      %sign3A_1415 = arith.cmpi sgt, %jit3A_1405, %sign3A_1414 : i32
      %sign3A_1416 = arith.extui %sign3A_1415 : i1 to i32
      %sign3A_1417 = arith.constant 0 : i32
      %sign3A_1418 = arith.cmpi slt, %jit3A_1405, %sign3A_1417 : i32
      %sign3A_1419 = arith.extui %sign3A_1418 : i1 to i32
      %sign3A_1420 = arith.subi %sign3A_1416, %sign3A_1419 : i32
      %ne3A_1421 = arith.cmpi ne, %sign3A_1413, %sign3A_1420 : i32
      %rem3A_1422 = arith.remsi %scan3A_1402, %jit3A_1405 : i32
      %ne3A_1423 = arith.constant 0 : i32
      %ne3A_1424 = arith.cmpi ne, %rem3A_1422, %ne3A_1423 : i32
      %and3A_1425 = arith.andi %ne3A_1421, %ne3A_1424 : i1
      %sub3A_1426 = arith.constant 1 : i32
      %sub3A_1427 = arith.subi %div3A_1406, %sub3A_1426 : i32
      %select_n3A_1428 = arith.select %and3A_1425, %sub3A_1427, %div3A_1406 : i32
      %mul3A_1429 = arith.constant 1024 : i32
      %mul3A_1430 = arith.muli %select_n3A_1428, %mul3A_1429 : i32
      %jit3A_1431 = arith.constant 8 : i32
      %eq3A_1432 = arith.constant 0 : i32
      %eq3A_1433 = arith.cmpi eq, %jit3A_1431, %eq3A_1432 : i32
      %jit3A_1434 = arith.constant 1 : i32
      %select_n3A_1435 = arith.select %eq3A_1433, %jit3A_1434, %jit3A_1431 : i32
      %rem3A_1436 = arith.remsi %scan3A_1402, %select_n3A_1435 : i32
      %ne3A_1437 = arith.constant 0 : i32
      %ne3A_1438 = arith.cmpi ne, %rem3A_1436, %ne3A_1437 : i32
      %lt3A_1439 = arith.constant 0 : i32
      %lt3A_1440 = arith.cmpi slt, %rem3A_1436, %lt3A_1439 : i32
      %lt3A_1441 = arith.constant 0 : i32
      %lt3A_1442 = arith.cmpi slt, %select_n3A_1435, %lt3A_1441 : i32
      %ne3A_1443 = arith.xori %lt3A_1440, %lt3A_1442 : i1
      %and3A_1444 = arith.andi %ne3A_1443, %ne3A_1438 : i1
      %add3A_1445 = arith.addi %rem3A_1436, %select_n3A_1435 : i32
      %select_n3A_1446 = arith.select %and3A_1444, %add3A_1445, %rem3A_1436 : i32
      %mul3A_1447 = arith.constant 16 : i32
      %mul3A_1448 = arith.muli %select_n3A_1446, %mul3A_1447 : i32
      %add3A_1449 = arith.addi %mul3A_1430, %mul3A_1448 : i32
      %add3A_1450 = vector.broadcast %mul3A_1404 : i32 to vector<16xi32>
      %add3A_1451 = arith.addi %select_n3A_22, %add3A_1450 : vector<16xi32>
      %add3A_1452 = vector.broadcast %add3A_1449 : i32 to vector<16xi32>
      %add3A_1453 = arith.addi %select_n3A_22, %add3A_1452 : vector<16xi32>
      %gather3A = tpu.vector_load_idx %arg7[%add3A_1451, %add3A_400] : memref<256x128xf32, #tpu.memory_space<vmem>>[vector<16xi32>, vector<16xi32>], vector<16xf32>,
      %add3A_1454 = arith.addi %add3A_469, %add3A_1453 : vector<16xi32>
      %gather3A_1455 = tpu.vector_load_idx %arg7[%add3A_1451, %add3A_403] : memref<256x128xf32, #tpu.memory_space<vmem>>[vector<16xi32>, vector<16xi32>], vector<16xf32>,
      %add3A_1456 = arith.addi %add3A_532, %add3A_1453 : vector<16xi32>
      %gather3A_1457 = tpu.vector_load_idx %arg7[%add3A_1451, %add3A_406] : memref<256x128xf32, #tpu.memory_space<vmem>>[vector<16xi32>, vector<16xi32>], vector<16xf32>,
      %add3A_1458 = arith.addi %add3A_595, %add3A_1453 : vector<16xi32>
      %gather3A_1459 = tpu.vector_load_idx %arg7[%add3A_1451, %add3A_409] : memref<256x128xf32, #tpu.memory_space<vmem>>[vector<16xi32>, vector<16xi32>], vector<16xf32>,
      %add3A_1460 = arith.addi %add3A_658, %add3A_1453 : vector<16xi32>
      %add3A_1461 = vector.broadcast %mul3A_1404 : i32 to vector<16xi32>
      %add3A_1462 = arith.addi %select_n3A_47, %add3A_1461 : vector<16xi32>
      %add3A_1463 = vector.broadcast %add3A_1449 : i32 to vector<16xi32>
      %add3A_1464 = arith.addi %select_n3A_47, %add3A_1463 : vector<16xi32>
      %gather3A_1465 = tpu.vector_load_idx %arg7[%add3A_1462, %add3A_400] : memref<256x128xf32, #tpu.memory_space<vmem>>[vector<16xi32>, vector<16xi32>], vector<16xf32>,
      %add3A_1466 = arith.addi %add3A_469, %add3A_1464 : vector<16xi32>
      %gather3A_1467 = tpu.vector_load_idx %arg7[%add3A_1462, %add3A_403] : memref<256x128xf32, #tpu.memory_space<vmem>>[vector<16xi32>, vector<16xi32>], vector<16xf32>,
      %add3A_1468 = arith.addi %add3A_532, %add3A_1464 : vector<16xi32>
      %gather3A_1469 = tpu.vector_load_idx %arg7[%add3A_1462, %add3A_406] : memref<256x128xf32, #tpu.memory_space<vmem>>[vector<16xi32>, vector<16xi32>], vector<16xf32>,
      %add3A_1470 = arith.addi %add3A_595, %add3A_1464 : vector<16xi32>
      %gather3A_1471 = tpu.vector_load_idx %arg7[%add3A_1462, %add3A_409] : memref<256x128xf32, #tpu.memory_space<vmem>>[vector<16xi32>, vector<16xi32>], vector<16xf32>,
      %add3A_1472 = arith.addi %add3A_658, %add3A_1464 : vector<16xi32>
      tpu.vector_store_idx %arg9[%add3A_1454], %gather3A : memref<16384xf32, #tpu.memory_space<vmem>>[vector<16xi32>], vector<16xf32>,
      tpu.vector_store_idx %arg9[%add3A_1456], %gather3A_1455 : memref<16384xf32, #tpu.memory_space<vmem>>[vector<16xi32>], vector<16xf32>,
      tpu.vector_store_idx %arg9[%add3A_1458], %gather3A_1457 : memref<16384xf32, #tpu.memory_space<vmem>>[vector<16xi32>], vector<16xf32>,
      tpu.vector_store_idx %arg9[%add3A_1460], %gather3A_1459 : memref<16384xf32, #tpu.memory_space<vmem>>[vector<16xi32>], vector<16xf32>,
      tpu.vector_store_idx %arg9[%add3A_1466], %gather3A_1465 : memref<16384xf32, #tpu.memory_space<vmem>>[vector<16xi32>], vector<16xf32>,
      tpu.vector_store_idx %arg9[%add3A_1468], %gather3A_1467 : memref<16384xf32, #tpu.memory_space<vmem>>[vector<16xi32>], vector<16xf32>,
      tpu.vector_store_idx %arg9[%add3A_1470], %gather3A_1469 : memref<16384xf32, #tpu.memory_space<vmem>>[vector<16xi32>], vector<16xf32>,
      tpu.vector_store_idx %arg9[%add3A_1472], %gather3A_1471 : memref<16384xf32, #tpu.memory_space<vmem>>[vector<16xi32>], vector<16xf32>,
      %add3A_1473 = vector.broadcast %mul3A_1404 : i32 to vector<16xi32>
      %add3A_1474 = arith.addi %select_n3A_72, %add3A_1473 : vector<16xi32>
      %add3A_1475 = vector.broadcast %add3A_1449 : i32 to vector<16xi32>
      %add3A_1476 = arith.addi %select_n3A_72, %add3A_1475 : vector<16xi32>
      %gather3A_1477 = tpu.vector_load_idx %arg7[%add3A_1474, %add3A_400] : memref<256x128xf32, #tpu.memory_space<vmem>>[vector<16xi32>, vector<16xi32>], vector<16xf32>,
      %add3A_1478 = arith.addi %add3A_469, %add3A_1476 : vector<16xi32>
      %gather3A_1479 = tpu.vector_load_idx %arg7[%add3A_1474, %add3A_403] : memref<256x128xf32, #tpu.memory_space<vmem>>[vector<16xi32>, vector<16xi32>], vector<16xf32>,
      %add3A_1480 = arith.addi %add3A_532, %add3A_1476 : vector<16xi32>
      %gather3A_1481 = tpu.vector_load_idx %arg7[%add3A_1474, %add3A_406] : memref<256x128xf32, #tpu.memory_space<vmem>>[vector<16xi32>, vector<16xi32>], vector<16xf32>,
      %add3A_1482 = arith.addi %add3A_595, %add3A_1476 : vector<16xi32>
      %gather3A_1483 = tpu.vector_load_idx %arg7[%add3A_1474, %add3A_409] : memref<256x128xf32, #tpu.memory_space<vmem>>[vector<16xi32>, vector<16xi32>], vector<16xf32>,
      %add3A_1484 = arith.addi %add3A_658, %add3A_1476 : vector<16xi32>
      %add3A_1485 = vector.broadcast %mul3A_1404 : i32 to vector<16xi32>
      %add3A_1486 = arith.addi %select_n3A_97, %add3A_1485 : vector<16xi32>
      %add3A_1487 = vector.broadcast %add3A_1449 : i32 to vector<16xi32>
      %add3A_1488 = arith.addi %select_n3A_97, %add3A_1487 : vector<16xi32>
      %gather3A_1489 = tpu.vector_load_idx %arg7[%add3A_1486, %add3A_400] : memref<256x128xf32, #tpu.memory_space<vmem>>[vector<16xi32>, vector<16xi32>], vector<16xf32>,
      %add3A_1490 = arith.addi %add3A_469, %add3A_1488 : vector<16xi32>
      %gather3A_1491 = tpu.vector_load_idx %arg7[%add3A_1486, %add3A_403] : memref<256x128xf32, #tpu.memory_space<vmem>>[vector<16xi32>, vector<16xi32>], vector<16xf32>,
      %add3A_1492 = arith.addi %add3A_532, %add3A_1488 : vector<16xi32>
      %gather3A_1493 = tpu.vector_load_idx %arg7[%add3A_1486, %add3A_406] : memref<256x128xf32, #tpu.memory_space<vmem>>[vector<16xi32>, vector<16xi32>], vector<16xf32>,
      %add3A_1494 = arith.addi %add3A_595, %add3A_1488 : vector<16xi32>
      %gather3A_1495 = tpu.vector_load_idx %arg7[%add3A_1486, %add3A_409] : memref<256x128xf32, #tpu.memory_space<vmem>>[vector<16xi32>, vector<16xi32>], vector<16xf32>,
      %add3A_1496 = arith.addi %add3A_658, %add3A_1488 : vector<16xi32>
      tpu.vector_store_idx %arg9[%add3A_1478], %gather3A_1477 : memref<16384xf32, #tpu.memory_space<vmem>>[vector<16xi32>], vector<16xf32>,
      tpu.vector_store_idx %arg9[%add3A_1480], %gather3A_1479 : memref<16384xf32, #tpu.memory_space<vmem>>[vector<16xi32>], vector<16xf32>,
      tpu.vector_store_idx %arg9[%add3A_1482], %gather3A_1481 : memref<16384xf32, #tpu.memory_space<vmem>>[vector<16xi32>], vector<16xf32>,
      tpu.vector_store_idx %arg9[%add3A_1484], %gather3A_1483 : memref<16384xf32, #tpu.memory_space<vmem>>[vector<16xi32>], vector<16xf32>,
      tpu.vector_store_idx %arg9[%add3A_1490], %gather3A_1489 : memref<16384xf32, #tpu.memory_space<vmem>>[vector<16xi32>], vector<16xf32>,
      tpu.vector_store_idx %arg9[%add3A_1492], %gather3A_1491 : memref<16384xf32, #tpu.memory_space<vmem>>[vector<16xi32>], vector<16xf32>,
      tpu.vector_store_idx %arg9[%add3A_1494], %gather3A_1493 : memref<16384xf32, #tpu.memory_space<vmem>>[vector<16xi32>], vector<16xf32>,
      tpu.vector_store_idx %arg9[%add3A_1496], %gather3A_1495 : memref<16384xf32, #tpu.memory_space<vmem>>[vector<16xi32>], vector<16xf32>,
      %add3A_1497 = vector.broadcast %mul3A_1404 : i32 to vector<16xi32>
      %add3A_1498 = arith.addi %select_n3A_122, %add3A_1497 : vector<16xi32>
      %add3A_1499 = vector.broadcast %add3A_1449 : i32 to vector<16xi32>
      %add3A_1500 = arith.addi %select_n3A_122, %add3A_1499 : vector<16xi32>
      %gather3A_1501 = tpu.vector_load_idx %arg7[%add3A_1498, %add3A_400] : memref<256x128xf32, #tpu.memory_space<vmem>>[vector<16xi32>, vector<16xi32>], vector<16xf32>,
      %add3A_1502 = arith.addi %add3A_469, %add3A_1500 : vector<16xi32>
      %gather3A_1503 = tpu.vector_load_idx %arg7[%add3A_1498, %add3A_403] : memref<256x128xf32, #tpu.memory_space<vmem>>[vector<16xi32>, vector<16xi32>], vector<16xf32>,
      %add3A_1504 = arith.addi %add3A_532, %add3A_1500 : vector<16xi32>
      %gather3A_1505 = tpu.vector_load_idx %arg7[%add3A_1498, %add3A_406] : memref<256x128xf32, #tpu.memory_space<vmem>>[vector<16xi32>, vector<16xi32>], vector<16xf32>,
      %add3A_1506 = arith.addi %add3A_595, %add3A_1500 : vector<16xi32>
      %gather3A_1507 = tpu.vector_load_idx %arg7[%add3A_1498, %add3A_409] : memref<256x128xf32, #tpu.memory_space<vmem>>[vector<16xi32>, vector<16xi32>], vector<16xf32>,
      %add3A_1508 = arith.addi %add3A_658, %add3A_1500 : vector<16xi32>
      %add3A_1509 = vector.broadcast %mul3A_1404 : i32 to vector<16xi32>
      %add3A_1510 = arith.addi %select_n3A_147, %add3A_1509 : vector<16xi32>
      %add3A_1511 = vector.broadcast %add3A_1449 : i32 to vector<16xi32>
      %add3A_1512 = arith.addi %select_n3A_147, %add3A_1511 : vector<16xi32>
      %gather3A_1513 = tpu.vector_load_idx %arg7[%add3A_1510, %add3A_400] : memref<256x128xf32, #tpu.memory_space<vmem>>[vector<16xi32>, vector<16xi32>], vector<16xf32>,
      %add3A_1514 = arith.addi %add3A_469, %add3A_1512 : vector<16xi32>
      %gather3A_1515 = tpu.vector_load_idx %arg7[%add3A_1510, %add3A_403] : memref<256x128xf32, #tpu.memory_space<vmem>>[vector<16xi32>, vector<16xi32>], vector<16xf32>,
      %add3A_1516 = arith.addi %add3A_532, %add3A_1512 : vector<16xi32>
      %gather3A_1517 = tpu.vector_load_idx %arg7[%add3A_1510, %add3A_406] : memref<256x128xf32, #tpu.memory_space<vmem>>[vector<16xi32>, vector<16xi32>], vector<16xf32>,
      %add3A_1518 = arith.addi %add3A_595, %add3A_1512 : vector<16xi32>
      %gather3A_1519 = tpu.vector_load_idx %arg7[%add3A_1510, %add3A_409] : memref<256x128xf32, #tpu.memory_space<vmem>>[vector<16xi32>, vector<16xi32>], vector<16xf32>,
      %add3A_1520 = arith.addi %add3A_658, %add3A_1512 : vector<16xi32>
      tpu.vector_store_idx %arg9[%add3A_1502], %gather3A_1501 : memref<16384xf32, #tpu.memory_space<vmem>>[vector<16xi32>], vector<16xf32>,
      tpu.vector_store_idx %arg9[%add3A_1504], %gather3A_1503 : memref<16384xf32, #tpu.memory_space<vmem>>[vector<16xi32>], vector<16xf32>,
      tpu.vector_store_idx %arg9[%add3A_1506], %gather3A_1505 : memref<16384xf32, #tpu.memory_space<vmem>>[vector<16xi32>], vector<16xf32>,
      tpu.vector_store_idx %arg9[%add3A_1508], %gather3A_1507 : memref<16384xf32, #tpu.memory_space<vmem>>[vector<16xi32>], vector<16xf32>,
      tpu.vector_store_idx %arg9[%add3A_1514], %gather3A_1513 : memref<16384xf32, #tpu.memory_space<vmem>>[vector<16xi32>], vector<16xf32>,
      tpu.vector_store_idx %arg9[%add3A_1516], %gather3A_1515 : memref<16384xf32, #tpu.memory_space<vmem>>[vector<16xi32>], vector<16xf32>,
      tpu.vector_store_idx %arg9[%add3A_1518], %gather3A_1517 : memref<16384xf32, #tpu.memory_space<vmem>>[vector<16xi32>], vector<16xf32>,
      tpu.vector_store_idx %arg9[%add3A_1520], %gather3A_1519 : memref<16384xf32, #tpu.memory_space<vmem>>[vector<16xi32>], vector<16xf32>,
      %add3A_1521 = vector.broadcast %mul3A_1404 : i32 to vector<16xi32>
      %add3A_1522 = arith.addi %select_n3A_172, %add3A_1521 : vector<16xi32>
      %add3A_1523 = vector.broadcast %add3A_1449 : i32 to vector<16xi32>
      %add3A_1524 = arith.addi %select_n3A_172, %add3A_1523 : vector<16xi32>
      %gather3A_1525 = tpu.vector_load_idx %arg7[%add3A_1522, %add3A_400] : memref<256x128xf32, #tpu.memory_space<vmem>>[vector<16xi32>, vector<16xi32>], vector<16xf32>,
      %add3A_1526 = arith.addi %add3A_469, %add3A_1524 : vector<16xi32>
      %gather3A_1527 = tpu.vector_load_idx %arg7[%add3A_1522, %add3A_403] : memref<256x128xf32, #tpu.memory_space<vmem>>[vector<16xi32>, vector<16xi32>], vector<16xf32>,
      %add3A_1528 = arith.addi %add3A_532, %add3A_1524 : vector<16xi32>
      %gather3A_1529 = tpu.vector_load_idx %arg7[%add3A_1522, %add3A_406] : memref<256x128xf32, #tpu.memory_space<vmem>>[vector<16xi32>, vector<16xi32>], vector<16xf32>,
      %add3A_1530 = arith.addi %add3A_595, %add3A_1524 : vector<16xi32>
      %gather3A_1531 = tpu.vector_load_idx %arg7[%add3A_1522, %add3A_409] : memref<256x128xf32, #tpu.memory_space<vmem>>[vector<16xi32>, vector<16xi32>], vector<16xf32>,
      %add3A_1532 = arith.addi %add3A_658, %add3A_1524 : vector<16xi32>
      %add3A_1533 = vector.broadcast %mul3A_1404 : i32 to vector<16xi32>
      %add3A_1534 = arith.addi %select_n3A_197, %add3A_1533 : vector<16xi32>
      %add3A_1535 = vector.broadcast %add3A_1449 : i32 to vector<16xi32>
      %add3A_1536 = arith.addi %select_n3A_197, %add3A_1535 : vector<16xi32>
      %gather3A_1537 = tpu.vector_load_idx %arg7[%add3A_1534, %add3A_400] : memref<256x128xf32, #tpu.memory_space<vmem>>[vector<16xi32>, vector<16xi32>], vector<16xf32>,
      %add3A_1538 = arith.addi %add3A_469, %add3A_1536 : vector<16xi32>
      %gather3A_1539 = tpu.vector_load_idx %arg7[%add3A_1534, %add3A_403] : memref<256x128xf32, #tpu.memory_space<vmem>>[vector<16xi32>, vector<16xi32>], vector<16xf32>,
      %add3A_1540 = arith.addi %add3A_532, %add3A_1536 : vector<16xi32>
      %gather3A_1541 = tpu.vector_load_idx %arg7[%add3A_1534, %add3A_406] : memref<256x128xf32, #tpu.memory_space<vmem>>[vector<16xi32>, vector<16xi32>], vector<16xf32>,
      %add3A_1542 = arith.addi %add3A_595, %add3A_1536 : vector<16xi32>
      %gather3A_1543 = tpu.vector_load_idx %arg7[%add3A_1534, %add3A_409] : memref<256x128xf32, #tpu.memory_space<vmem>>[vector<16xi32>, vector<16xi32>], vector<16xf32>,
      %add3A_1544 = arith.addi %add3A_658, %add3A_1536 : vector<16xi32>
      tpu.vector_store_idx %arg9[%add3A_1526], %gather3A_1525 : memref<16384xf32, #tpu.memory_space<vmem>>[vector<16xi32>], vector<16xf32>,
      tpu.vector_store_idx %arg9[%add3A_1528], %gather3A_1527 : memref<16384xf32, #tpu.memory_space<vmem>>[vector<16xi32>], vector<16xf32>,
      tpu.vector_store_idx %arg9[%add3A_1530], %gather3A_1529 : memref<16384xf32, #tpu.memory_space<vmem>>[vector<16xi32>], vector<16xf32>,
      tpu.vector_store_idx %arg9[%add3A_1532], %gather3A_1531 : memref<16384xf32, #tpu.memory_space<vmem>>[vector<16xi32>], vector<16xf32>,
      tpu.vector_store_idx %arg9[%add3A_1538], %gather3A_1537 : memref<16384xf32, #tpu.memory_space<vmem>>[vector<16xi32>], vector<16xf32>,
      tpu.vector_store_idx %arg9[%add3A_1540], %gather3A_1539 : memref<16384xf32, #tpu.memory_space<vmem>>[vector<16xi32>], vector<16xf32>,
      tpu.vector_store_idx %arg9[%add3A_1542], %gather3A_1541 : memref<16384xf32, #tpu.memory_space<vmem>>[vector<16xi32>], vector<16xf32>,
      tpu.vector_store_idx %arg9[%add3A_1544], %gather3A_1543 : memref<16384xf32, #tpu.memory_space<vmem>>[vector<16xi32>], vector<16xf32>,
      %add3A_1545 = vector.broadcast %mul3A_1404 : i32 to vector<16xi32>
      %add3A_1546 = arith.addi %select_n3A_222, %add3A_1545 : vector<16xi32>
      %add3A_1547 = vector.broadcast %add3A_1449 : i32 to vector<16xi32>
      %add3A_1548 = arith.addi %select_n3A_222, %add3A_1547 : vector<16xi32>
      %gather3A_1549 = tpu.vector_load_idx %arg7[%add3A_1546, %add3A_400] : memref<256x128xf32, #tpu.memory_space<vmem>>[vector<16xi32>, vector<16xi32>], vector<16xf32>,
      %add3A_1550 = arith.addi %add3A_469, %add3A_1548 : vector<16xi32>
      %gather3A_1551 = tpu.vector_load_idx %arg7[%add3A_1546, %add3A_403] : memref<256x128xf32, #tpu.memory_space<vmem>>[vector<16xi32>, vector<16xi32>], vector<16xf32>,
      %add3A_1552 = arith.addi %add3A_532, %add3A_1548 : vector<16xi32>
      %gather3A_1553 = tpu.vector_load_idx %arg7[%add3A_1546, %add3A_406] : memref<256x128xf32, #tpu.memory_space<vmem>>[vector<16xi32>, vector<16xi32>], vector<16xf32>,
      %add3A_1554 = arith.addi %add3A_595, %add3A_1548 : vector<16xi32>
      %gather3A_1555 = tpu.vector_load_idx %arg7[%add3A_1546, %add3A_409] : memref<256x128xf32, #tpu.memory_space<vmem>>[vector<16xi32>, vector<16xi32>], vector<16xf32>,
      %add3A_1556 = arith.addi %add3A_658, %add3A_1548 : vector<16xi32>
      %add3A_1557 = vector.broadcast %mul3A_1404 : i32 to vector<16xi32>
      %add3A_1558 = arith.addi %select_n3A_247, %add3A_1557 : vector<16xi32>
      %add3A_1559 = vector.broadcast %add3A_1449 : i32 to vector<16xi32>
      %add3A_1560 = arith.addi %select_n3A_247, %add3A_1559 : vector<16xi32>
      %gather3A_1561 = tpu.vector_load_idx %arg7[%add3A_1558, %add3A_400] : memref<256x128xf32, #tpu.memory_space<vmem>>[vector<16xi32>, vector<16xi32>], vector<16xf32>,
      %add3A_1562 = arith.addi %add3A_469, %add3A_1560 : vector<16xi32>
      %gather3A_1563 = tpu.vector_load_idx %arg7[%add3A_1558, %add3A_403] : memref<256x128xf32, #tpu.memory_space<vmem>>[vector<16xi32>, vector<16xi32>], vector<16xf32>,
      %add3A_1564 = arith.addi %add3A_532, %add3A_1560 : vector<16xi32>
      %gather3A_1565 = tpu.vector_load_idx %arg7[%add3A_1558, %add3A_406] : memref<256x128xf32, #tpu.memory_space<vmem>>[vector<16xi32>, vector<16xi32>], vector<16xf32>,
      %add3A_1566 = arith.addi %add3A_595, %add3A_1560 : vector<16xi32>
      %gather3A_1567 = tpu.vector_load_idx %arg7[%add3A_1558, %add3A_409] : memref<256x128xf32, #tpu.memory_space<vmem>>[vector<16xi32>, vector<16xi32>], vector<16xf32>,
      %add3A_1568 = arith.addi %add3A_658, %add3A_1560 : vector<16xi32>
      tpu.vector_store_idx %arg9[%add3A_1550], %gather3A_1549 : memref<16384xf32, #tpu.memory_space<vmem>>[vector<16xi32>], vector<16xf32>,
      tpu.vector_store_idx %arg9[%add3A_1552], %gather3A_1551 : memref<16384xf32, #tpu.memory_space<vmem>>[vector<16xi32>], vector<16xf32>,
      tpu.vector_store_idx %arg9[%add3A_1554], %gather3A_1553 : memref<16384xf32, #tpu.memory_space<vmem>>[vector<16xi32>], vector<16xf32>,
      tpu.vector_store_idx %arg9[%add3A_1556], %gather3A_1555 : memref<16384xf32, #tpu.memory_space<vmem>>[vector<16xi32>], vector<16xf32>,
      tpu.vector_store_idx %arg9[%add3A_1562], %gather3A_1561 : memref<16384xf32, #tpu.memory_space<vmem>>[vector<16xi32>], vector<16xf32>,
      tpu.vector_store_idx %arg9[%add3A_1564], %gather3A_1563 : memref<16384xf32, #tpu.memory_space<vmem>>[vector<16xi32>], vector<16xf32>,
      tpu.vector_store_idx %arg9[%add3A_1566], %gather3A_1565 : memref<16384xf32, #tpu.memory_space<vmem>>[vector<16xi32>], vector<16xf32>,
      tpu.vector_store_idx %arg9[%add3A_1568], %gather3A_1567 : memref<16384xf32, #tpu.memory_space<vmem>>[vector<16xi32>], vector<16xf32>,
      %add3A_1569 = vector.broadcast %mul3A_1404 : i32 to vector<16xi32>
      %add3A_1570 = arith.addi %select_n3A_272, %add3A_1569 : vector<16xi32>
      %add3A_1571 = vector.broadcast %add3A_1449 : i32 to vector<16xi32>
      %add3A_1572 = arith.addi %select_n3A_272, %add3A_1571 : vector<16xi32>
      %gather3A_1573 = tpu.vector_load_idx %arg7[%add3A_1570, %add3A_400] : memref<256x128xf32, #tpu.memory_space<vmem>>[vector<16xi32>, vector<16xi32>], vector<16xf32>,
      %add3A_1574 = arith.addi %add3A_469, %add3A_1572 : vector<16xi32>
      %gather3A_1575 = tpu.vector_load_idx %arg7[%add3A_1570, %add3A_403] : memref<256x128xf32, #tpu.memory_space<vmem>>[vector<16xi32>, vector<16xi32>], vector<16xf32>,
      %add3A_1576 = arith.addi %add3A_532, %add3A_1572 : vector<16xi32>
      %gather3A_1577 = tpu.vector_load_idx %arg7[%add3A_1570, %add3A_406] : memref<256x128xf32, #tpu.memory_space<vmem>>[vector<16xi32>, vector<16xi32>], vector<16xf32>,
      %add3A_1578 = arith.addi %add3A_595, %add3A_1572 : vector<16xi32>
      %gather3A_1579 = tpu.vector_load_idx %arg7[%add3A_1570, %add3A_409] : memref<256x128xf32, #tpu.memory_space<vmem>>[vector<16xi32>, vector<16xi32>], vector<16xf32>,
      %add3A_1580 = arith.addi %add3A_658, %add3A_1572 : vector<16xi32>
      %add3A_1581 = vector.broadcast %mul3A_1404 : i32 to vector<16xi32>
      %add3A_1582 = arith.addi %select_n3A_297, %add3A_1581 : vector<16xi32>
      %add3A_1583 = vector.broadcast %add3A_1449 : i32 to vector<16xi32>
      %add3A_1584 = arith.addi %select_n3A_297, %add3A_1583 : vector<16xi32>
      %gather3A_1585 = tpu.vector_load_idx %arg7[%add3A_1582, %add3A_400] : memref<256x128xf32, #tpu.memory_space<vmem>>[vector<16xi32>, vector<16xi32>], vector<16xf32>,
      %add3A_1586 = arith.addi %add3A_469, %add3A_1584 : vector<16xi32>
      %gather3A_1587 = tpu.vector_load_idx %arg7[%add3A_1582, %add3A_403] : memref<256x128xf32, #tpu.memory_space<vmem>>[vector<16xi32>, vector<16xi32>], vector<16xf32>,
      %add3A_1588 = arith.addi %add3A_532, %add3A_1584 : vector<16xi32>
      %gather3A_1589 = tpu.vector_load_idx %arg7[%add3A_1582, %add3A_406] : memref<256x128xf32, #tpu.memory_space<vmem>>[vector<16xi32>, vector<16xi32>], vector<16xf32>,
      %add3A_1590 = arith.addi %add3A_595, %add3A_1584 : vector<16xi32>
      %gather3A_1591 = tpu.vector_load_idx %arg7[%add3A_1582, %add3A_409] : memref<256x128xf32, #tpu.memory_space<vmem>>[vector<16xi32>, vector<16xi32>], vector<16xf32>,
      %add3A_1592 = arith.addi %add3A_658, %add3A_1584 : vector<16xi32>
      tpu.vector_store_idx %arg9[%add3A_1574], %gather3A_1573 : memref<16384xf32, #tpu.memory_space<vmem>>[vector<16xi32>], vector<16xf32>,
      tpu.vector_store_idx %arg9[%add3A_1576], %gather3A_1575 : memref<16384xf32, #tpu.memory_space<vmem>>[vector<16xi32>], vector<16xf32>,
      tpu.vector_store_idx %arg9[%add3A_1578], %gather3A_1577 : memref<16384xf32, #tpu.memory_space<vmem>>[vector<16xi32>], vector<16xf32>,
      tpu.vector_store_idx %arg9[%add3A_1580], %gather3A_1579 : memref<16384xf32, #tpu.memory_space<vmem>>[vector<16xi32>], vector<16xf32>,
      tpu.vector_store_idx %arg9[%add3A_1586], %gather3A_1585 : memref<16384xf32, #tpu.memory_space<vmem>>[vector<16xi32>], vector<16xf32>,
      tpu.vector_store_idx %arg9[%add3A_1588], %gather3A_1587 : memref<16384xf32, #tpu.memory_space<vmem>>[vector<16xi32>], vector<16xf32>,
      tpu.vector_store_idx %arg9[%add3A_1590], %gather3A_1589 : memref<16384xf32, #tpu.memory_space<vmem>>[vector<16xi32>], vector<16xf32>,
      tpu.vector_store_idx %arg9[%add3A_1592], %gather3A_1591 : memref<16384xf32, #tpu.memory_space<vmem>>[vector<16xi32>], vector<16xf32>,
      %add3A_1593 = vector.broadcast %mul3A_1404 : i32 to vector<16xi32>
      %add3A_1594 = arith.addi %select_n3A_322, %add3A_1593 : vector<16xi32>
      %add3A_1595 = vector.broadcast %add3A_1449 : i32 to vector<16xi32>
      %add3A_1596 = arith.addi %select_n3A_322, %add3A_1595 : vector<16xi32>
      %gather3A_1597 = tpu.vector_load_idx %arg7[%add3A_1594, %add3A_400] : memref<256x128xf32, #tpu.memory_space<vmem>>[vector<16xi32>, vector<16xi32>], vector<16xf32>,
      %add3A_1598 = arith.addi %add3A_469, %add3A_1596 : vector<16xi32>
      %gather3A_1599 = tpu.vector_load_idx %arg7[%add3A_1594, %add3A_403] : memref<256x128xf32, #tpu.memory_space<vmem>>[vector<16xi32>, vector<16xi32>], vector<16xf32>,
      %add3A_1600 = arith.addi %add3A_532, %add3A_1596 : vector<16xi32>
      %gather3A_1601 = tpu.vector_load_idx %arg7[%add3A_1594, %add3A_406] : memref<256x128xf32, #tpu.memory_space<vmem>>[vector<16xi32>, vector<16xi32>], vector<16xf32>,
      %add3A_1602 = arith.addi %add3A_595, %add3A_1596 : vector<16xi32>
      %gather3A_1603 = tpu.vector_load_idx %arg7[%add3A_1594, %add3A_409] : memref<256x128xf32, #tpu.memory_space<vmem>>[vector<16xi32>, vector<16xi32>], vector<16xf32>,
      %add3A_1604 = arith.addi %add3A_658, %add3A_1596 : vector<16xi32>
      %add3A_1605 = vector.broadcast %mul3A_1404 : i32 to vector<16xi32>
      %add3A_1606 = arith.addi %select_n3A_347, %add3A_1605 : vector<16xi32>
      %add3A_1607 = vector.broadcast %add3A_1449 : i32 to vector<16xi32>
      %add3A_1608 = arith.addi %select_n3A_347, %add3A_1607 : vector<16xi32>
      %gather3A_1609 = tpu.vector_load_idx %arg7[%add3A_1606, %add3A_400] : memref<256x128xf32, #tpu.memory_space<vmem>>[vector<16xi32>, vector<16xi32>], vector<16xf32>,
      %add3A_1610 = arith.addi %add3A_469, %add3A_1608 : vector<16xi32>
      %gather3A_1611 = tpu.vector_load_idx %arg7[%add3A_1606, %add3A_403] : memref<256x128xf32, #tpu.memory_space<vmem>>[vector<16xi32>, vector<16xi32>], vector<16xf32>,
      %add3A_1612 = arith.addi %add3A_532, %add3A_1608 : vector<16xi32>
      %gather3A_1613 = tpu.vector_load_idx %arg7[%add3A_1606, %add3A_406] : memref<256x128xf32, #tpu.memory_space<vmem>>[vector<16xi32>, vector<16xi32>], vector<16xf32>,
      %add3A_1614 = arith.addi %add3A_595, %add3A_1608 : vector<16xi32>
      %gather3A_1615 = tpu.vector_load_idx %arg7[%add3A_1606, %add3A_409] : memref<256x128xf32, #tpu.memory_space<vmem>>[vector<16xi32>, vector<16xi32>], vector<16xf32>,
      %add3A_1616 = arith.addi %add3A_658, %add3A_1608 : vector<16xi32>
      tpu.vector_store_idx %arg9[%add3A_1598], %gather3A_1597 : memref<16384xf32, #tpu.memory_space<vmem>>[vector<16xi32>], vector<16xf32>,
      tpu.vector_store_idx %arg9[%add3A_1600], %gather3A_1599 : memref<16384xf32, #tpu.memory_space<vmem>>[vector<16xi32>], vector<16xf32>,
      tpu.vector_store_idx %arg9[%add3A_1602], %gather3A_1601 : memref<16384xf32, #tpu.memory_space<vmem>>[vector<16xi32>], vector<16xf32>,
      tpu.vector_store_idx %arg9[%add3A_1604], %gather3A_1603 : memref<16384xf32, #tpu.memory_space<vmem>>[vector<16xi32>], vector<16xf32>,
      tpu.vector_store_idx %arg9[%add3A_1610], %gather3A_1609 : memref<16384xf32, #tpu.memory_space<vmem>>[vector<16xi32>], vector<16xf32>,
      tpu.vector_store_idx %arg9[%add3A_1612], %gather3A_1611 : memref<16384xf32, #tpu.memory_space<vmem>>[vector<16xi32>], vector<16xf32>,
      tpu.vector_store_idx %arg9[%add3A_1614], %gather3A_1613 : memref<16384xf32, #tpu.memory_space<vmem>>[vector<16xi32>], vector<16xf32>,
      tpu.vector_store_idx %arg9[%add3A_1616], %gather3A_1615 : memref<16384xf32, #tpu.memory_space<vmem>>[vector<16xi32>], vector<16xf32>,
      %add3A_1617 = vector.broadcast %mul3A_1404 : i32 to vector<16xi32>
      %add3A_1618 = arith.addi %select_n3A_372, %add3A_1617 : vector<16xi32>
      %add3A_1619 = vector.broadcast %add3A_1449 : i32 to vector<16xi32>
      %add3A_1620 = arith.addi %select_n3A_372, %add3A_1619 : vector<16xi32>
      %gather3A_1621 = tpu.vector_load_idx %arg7[%add3A_1618, %add3A_400] : memref<256x128xf32, #tpu.memory_space<vmem>>[vector<16xi32>, vector<16xi32>], vector<16xf32>,
      %add3A_1622 = arith.addi %add3A_469, %add3A_1620 : vector<16xi32>
      %gather3A_1623 = tpu.vector_load_idx %arg7[%add3A_1618, %add3A_403] : memref<256x128xf32, #tpu.memory_space<vmem>>[vector<16xi32>, vector<16xi32>], vector<16xf32>,
      %add3A_1624 = arith.addi %add3A_532, %add3A_1620 : vector<16xi32>
      %gather3A_1625 = tpu.vector_load_idx %arg7[%add3A_1618, %add3A_406] : memref<256x128xf32, #tpu.memory_space<vmem>>[vector<16xi32>, vector<16xi32>], vector<16xf32>,
      %add3A_1626 = arith.addi %add3A_595, %add3A_1620 : vector<16xi32>
      %gather3A_1627 = tpu.vector_load_idx %arg7[%add3A_1618, %add3A_409] : memref<256x128xf32, #tpu.memory_space<vmem>>[vector<16xi32>, vector<16xi32>], vector<16xf32>,
      %add3A_1628 = arith.addi %add3A_658, %add3A_1620 : vector<16xi32>
      %add3A_1629 = vector.broadcast %mul3A_1404 : i32 to vector<16xi32>
      %add3A_1630 = arith.addi %select_n3A_397, %add3A_1629 : vector<16xi32>
      %add3A_1631 = vector.broadcast %add3A_1449 : i32 to vector<16xi32>
      %add3A_1632 = arith.addi %select_n3A_397, %add3A_1631 : vector<16xi32>
      %gather3A_1633 = tpu.vector_load_idx %arg7[%add3A_1630, %add3A_400] : memref<256x128xf32, #tpu.memory_space<vmem>>[vector<16xi32>, vector<16xi32>], vector<16xf32>,
      %add3A_1634 = arith.addi %add3A_469, %add3A_1632 : vector<16xi32>
      %gather3A_1635 = tpu.vector_load_idx %arg7[%add3A_1630, %add3A_403] : memref<256x128xf32, #tpu.memory_space<vmem>>[vector<16xi32>, vector<16xi32>], vector<16xf32>,
      %add3A_1636 = arith.addi %add3A_532, %add3A_1632 : vector<16xi32>
      %gather3A_1637 = tpu.vector_load_idx %arg7[%add3A_1630, %add3A_406] : memref<256x128xf32, #tpu.memory_space<vmem>>[vector<16xi32>, vector<16xi32>], vector<16xf32>,
      %add3A_1638 = arith.addi %add3A_595, %add3A_1632 : vector<16xi32>
      %gather3A_1639 = tpu.vector_load_idx %arg7[%add3A_1630, %add3A_409] : memref<256x128xf32, #tpu.memory_space<vmem>>[vector<16xi32>, vector<16xi32>], vector<16xf32>,
      %add3A_1640 = arith.addi %add3A_658, %add3A_1632 : vector<16xi32>
      tpu.vector_store_idx %arg9[%add3A_1622], %gather3A_1621 : memref<16384xf32, #tpu.memory_space<vmem>>[vector<16xi32>], vector<16xf32>,
      tpu.vector_store_idx %arg9[%add3A_1624], %gather3A_1623 : memref<16384xf32, #tpu.memory_space<vmem>>[vector<16xi32>], vector<16xf32>,
      tpu.vector_store_idx %arg9[%add3A_1626], %gather3A_1625 : memref<16384xf32, #tpu.memory_space<vmem>>[vector<16xi32>], vector<16xf32>,
      tpu.vector_store_idx %arg9[%add3A_1628], %gather3A_1627 : memref<16384xf32, #tpu.memory_space<vmem>>[vector<16xi32>], vector<16xf32>,
      tpu.vector_store_idx %arg9[%add3A_1634], %gather3A_1633 : memref<16384xf32, #tpu.memory_space<vmem>>[vector<16xi32>], vector<16xf32>,
      tpu.vector_store_idx %arg9[%add3A_1636], %gather3A_1635 : memref<16384xf32, #tpu.memory_space<vmem>>[vector<16xi32>], vector<16xf32>,
      tpu.vector_store_idx %arg9[%add3A_1638], %gather3A_1637 : memref<16384xf32, #tpu.memory_space<vmem>>[vector<16xi32>], vector<16xf32>,
      tpu.vector_store_idx %arg9[%add3A_1640], %gather3A_1639 : memref<16384xf32, #tpu.memory_space<vmem>>[vector<16xi32>], vector<16xf32>,
    }
    %scan3A_857 = arith.constant 16 : i32
    %add3A_858 = arith.constant 1 : i32
    %add3A_859 = arith.addi %mul3A_2, %add3A_858 : i32
    %jit3A_860 = arith.constant 16 : i32
    %div3A_861 = arith.divsi %add3A_859, %jit3A_860 : i32
    %sign3A_862 = arith.constant 0 : i32
    %sign3A_863 = arith.cmpi sgt, %add3A_859, %sign3A_862 : i32
    %sign3A_864 = arith.extui %sign3A_863 : i1 to i32
    %sign3A_865 = arith.constant 0 : i32
    %sign3A_866 = arith.cmpi slt, %add3A_859, %sign3A_865 : i32
    %sign3A_867 = arith.extui %sign3A_866 : i1 to i32
    %sign3A_868 = arith.subi %sign3A_864, %sign3A_867 : i32
    %sign3A_869 = arith.constant 0 : i32
    %sign3A_870 = arith.cmpi sgt, %jit3A_860, %sign3A_869 : i32
    %sign3A_871 = arith.extui %sign3A_870 : i1 to i32
    %sign3A_872 = arith.constant 0 : i32
    %sign3A_873 = arith.cmpi slt, %jit3A_860, %sign3A_872 : i32
    %sign3A_874 = arith.extui %sign3A_873 : i1 to i32
    %sign3A_875 = arith.subi %sign3A_871, %sign3A_874 : i32
    %ne3A_876 = arith.cmpi ne, %sign3A_868, %sign3A_875 : i32
    %rem3A_877 = arith.remsi %add3A_859, %jit3A_860 : i32
    %ne3A_878 = arith.constant 0 : i32
    %ne3A_879 = arith.cmpi ne, %rem3A_877, %ne3A_878 : i32
    %and3A_880 = arith.andi %ne3A_876, %ne3A_879 : i1
    %sub3A_881 = arith.constant 1 : i32
    %sub3A_882 = arith.subi %div3A_861, %sub3A_881 : i32
    %select_n3A_883 = arith.select %and3A_880, %sub3A_882, %div3A_861 : i32
    %mul3A_884 = arith.constant 16 : i32
    %mul3A_885 = arith.muli %select_n3A_883, %mul3A_884 : i32
    %sub3A_886 = arith.subi %add3A_859, %mul3A_885 : i32
    %mul3A_887 = arith.constant 8 : i32
    %mul3A_888 = arith.muli %select_n3A_883, %mul3A_887 : i32
    %add3A_889 = arith.constant 0 : i32
    %add3A_890 = arith.addi %mul3A_888, %add3A_889 : i32
    %mul3A_891 = arith.constant 32 : i32
    %mul3A_892 = arith.muli %add3A_890, %mul3A_891 : i32
    %mul3A_893 = arith.constant 2 : i32
    %mul3A_894 = arith.muli %mul3A_893, %sub3A_886 : i32
    %add3A_895 = arith.addi %mul3A_892, %mul3A_894 : i32
    %mul3A_896 = arith.constant 1024 : i32
    %mul3A_897 = arith.muli %add3A_895, %mul3A_896 : i32
    %dma_start3A_898 = arith.constant 0 : i32
    %dma_start3A_899 = tpu.memref_slice %arg9[%dma_start3A_898] : memref<16384xf32, #tpu.memory_space<vmem>> -> memref<2048xf32, #tpu.memory_space<vmem>>
    %dma_start3A_900 = tpu.memref_slice %arg4[%mul3A_897] : memref<52428800xf32, #tpu.memory_space<hbm>> -> memref<2048xf32, #tpu.memory_space<hbm>>
    %dma_start3A_901 = tpu.memref_slice %arg4[%mul3A_897] : memref<52428800xf32, #tpu.memory_space<hbm>> -> memref<2048xf32, #tpu.memory_space<hbm>>
    %dma_start3A_902 = arith.constant 0 : i32
    %dma_start3A_903 = tpu.memref_slice %arg9[%dma_start3A_902] : memref<16384xf32, #tpu.memory_space<vmem>> -> memref<2048xf32, #tpu.memory_space<vmem>>
    tpu.enqueue_dma source(%dma_start3A_903 : memref<2048xf32, #tpu.memory_space<vmem>>) target(%dma_start3A_901 : memref<2048xf32, #tpu.memory_space<hbm>>) target_semaphore(%arg13 : memref<!tpu.dma_semaphore, #tpu.memory_space<semaphore_mem>>)
    %mul3A_904 = arith.constant 8 : i32
    %mul3A_905 = arith.muli %select_n3A_883, %mul3A_904 : i32
    %add3A_906 = arith.constant 1 : i32
    %add3A_907 = arith.addi %mul3A_905, %add3A_906 : i32
    %mul3A_908 = arith.constant 32 : i32
    %mul3A_909 = arith.muli %add3A_907, %mul3A_908 : i32
    %mul3A_910 = arith.constant 2 : i32
    %mul3A_911 = arith.muli %mul3A_910, %sub3A_886 : i32
    %add3A_912 = arith.addi %mul3A_909, %mul3A_911 : i32
    %mul3A_913 = arith.constant 1024 : i32
    %mul3A_914 = arith.muli %add3A_912, %mul3A_913 : i32
    %dma_start3A_915 = arith.constant 2048 : i32
    %dma_start3A_916 = tpu.memref_slice %arg9[%dma_start3A_915] : memref<16384xf32, #tpu.memory_space<vmem>> -> memref<2048xf32, #tpu.memory_space<vmem>>
    %dma_start3A_917 = tpu.memref_slice %arg4[%mul3A_914] : memref<52428800xf32, #tpu.memory_space<hbm>> -> memref<2048xf32, #tpu.memory_space<hbm>>
    %dma_start3A_918 = tpu.memref_slice %arg4[%mul3A_914] : memref<52428800xf32, #tpu.memory_space<hbm>> -> memref<2048xf32, #tpu.memory_space<hbm>>
    %dma_start3A_919 = arith.constant 2048 : i32
    %dma_start3A_920 = tpu.memref_slice %arg9[%dma_start3A_919] : memref<16384xf32, #tpu.memory_space<vmem>> -> memref<2048xf32, #tpu.memory_space<vmem>>
    tpu.enqueue_dma source(%dma_start3A_920 : memref<2048xf32, #tpu.memory_space<vmem>>) target(%dma_start3A_918 : memref<2048xf32, #tpu.memory_space<hbm>>) target_semaphore(%arg13 : memref<!tpu.dma_semaphore, #tpu.memory_space<semaphore_mem>>)
    %mul3A_921 = arith.constant 8 : i32
    %mul3A_922 = arith.muli %select_n3A_883, %mul3A_921 : i32
    %add3A_923 = arith.constant 2 : i32
    %add3A_924 = arith.addi %mul3A_922, %add3A_923 : i32
    %mul3A_925 = arith.constant 32 : i32
    %mul3A_926 = arith.muli %add3A_924, %mul3A_925 : i32
    %mul3A_927 = arith.constant 2 : i32
    %mul3A_928 = arith.muli %mul3A_927, %sub3A_886 : i32
    %add3A_929 = arith.addi %mul3A_926, %mul3A_928 : i32
    %mul3A_930 = arith.constant 1024 : i32
    %mul3A_931 = arith.muli %add3A_929, %mul3A_930 : i32
    %dma_start3A_932 = arith.constant 4096 : i32
    %dma_start3A_933 = tpu.memref_slice %arg9[%dma_start3A_932] : memref<16384xf32, #tpu.memory_space<vmem>> -> memref<2048xf32, #tpu.memory_space<vmem>>
    %dma_start3A_934 = tpu.memref_slice %arg4[%mul3A_931] : memref<52428800xf32, #tpu.memory_space<hbm>> -> memref<2048xf32, #tpu.memory_space<hbm>>
    %dma_start3A_935 = tpu.memref_slice %arg4[%mul3A_931] : memref<52428800xf32, #tpu.memory_space<hbm>> -> memref<2048xf32, #tpu.memory_space<hbm>>
    %dma_start3A_936 = arith.constant 4096 : i32
    %dma_start3A_937 = tpu.memref_slice %arg9[%dma_start3A_936] : memref<16384xf32, #tpu.memory_space<vmem>> -> memref<2048xf32, #tpu.memory_space<vmem>>
    tpu.enqueue_dma source(%dma_start3A_937 : memref<2048xf32, #tpu.memory_space<vmem>>) target(%dma_start3A_935 : memref<2048xf32, #tpu.memory_space<hbm>>) target_semaphore(%arg13 : memref<!tpu.dma_semaphore, #tpu.memory_space<semaphore_mem>>)
    %mul3A_938 = arith.constant 8 : i32
    %mul3A_939 = arith.muli %select_n3A_883, %mul3A_938 : i32
    %add3A_940 = arith.constant 3 : i32
    %add3A_941 = arith.addi %mul3A_939, %add3A_940 : i32
    %mul3A_942 = arith.constant 32 : i32
    %mul3A_943 = arith.muli %add3A_941, %mul3A_942 : i32
    %mul3A_944 = arith.constant 2 : i32
    %mul3A_945 = arith.muli %mul3A_944, %sub3A_886 : i32
    %add3A_946 = arith.addi %mul3A_943, %mul3A_945 : i32
    %mul3A_947 = arith.constant 1024 : i32
    %mul3A_948 = arith.muli %add3A_946, %mul3A_947 : i32
    %dma_start3A_949 = arith.constant 6144 : i32
    %dma_start3A_950 = tpu.memref_slice %arg9[%dma_start3A_949] : memref<16384xf32, #tpu.memory_space<vmem>> -> memref<2048xf32, #tpu.memory_space<vmem>>
    %dma_start3A_951 = tpu.memref_slice %arg4[%mul3A_948] : memref<52428800xf32, #tpu.memory_space<hbm>> -> memref<2048xf32, #tpu.memory_space<hbm>>
    %dma_start3A_952 = tpu.memref_slice %arg4[%mul3A_948] : memref<52428800xf32, #tpu.memory_space<hbm>> -> memref<2048xf32, #tpu.memory_space<hbm>>
    %dma_start3A_953 = arith.constant 6144 : i32
    %dma_start3A_954 = tpu.memref_slice %arg9[%dma_start3A_953] : memref<16384xf32, #tpu.memory_space<vmem>> -> memref<2048xf32, #tpu.memory_space<vmem>>
    tpu.enqueue_dma source(%dma_start3A_954 : memref<2048xf32, #tpu.memory_space<vmem>>) target(%dma_start3A_952 : memref<2048xf32, #tpu.memory_space<hbm>>) target_semaphore(%arg13 : memref<!tpu.dma_semaphore, #tpu.memory_space<semaphore_mem>>)
    %mul3A_955 = arith.constant 8 : i32
    %mul3A_956 = arith.muli %select_n3A_883, %mul3A_955 : i32
    %add3A_957 = arith.constant 4 : i32
    %add3A_958 = arith.addi %mul3A_956, %add3A_957 : i32
    %mul3A_959 = arith.constant 32 : i32
    %mul3A_960 = arith.muli %add3A_958, %mul3A_959 : i32
    %mul3A_961 = arith.constant 2 : i32
    %mul3A_962 = arith.muli %mul3A_961, %sub3A_886 : i32
    %add3A_963 = arith.addi %mul3A_960, %mul3A_962 : i32
    %mul3A_964 = arith.constant 1024 : i32
    %mul3A_965 = arith.muli %add3A_963, %mul3A_964 : i32
    %dma_start3A_966 = arith.constant 8192 : i32
    %dma_start3A_967 = tpu.memref_slice %arg9[%dma_start3A_966] : memref<16384xf32, #tpu.memory_space<vmem>> -> memref<2048xf32, #tpu.memory_space<vmem>>
    %dma_start3A_968 = tpu.memref_slice %arg4[%mul3A_965] : memref<52428800xf32, #tpu.memory_space<hbm>> -> memref<2048xf32, #tpu.memory_space<hbm>>
    %dma_start3A_969 = tpu.memref_slice %arg4[%mul3A_965] : memref<52428800xf32, #tpu.memory_space<hbm>> -> memref<2048xf32, #tpu.memory_space<hbm>>
    %dma_start3A_970 = arith.constant 8192 : i32
    %dma_start3A_971 = tpu.memref_slice %arg9[%dma_start3A_970] : memref<16384xf32, #tpu.memory_space<vmem>> -> memref<2048xf32, #tpu.memory_space<vmem>>
    tpu.enqueue_dma source(%dma_start3A_971 : memref<2048xf32, #tpu.memory_space<vmem>>) target(%dma_start3A_969 : memref<2048xf32, #tpu.memory_space<hbm>>) target_semaphore(%arg13 : memref<!tpu.dma_semaphore, #tpu.memory_space<semaphore_mem>>)
    %mul3A_972 = arith.constant 8 : i32
    %mul3A_973 = arith.muli %select_n3A_883, %mul3A_972 : i32
    %add3A_974 = arith.constant 5 : i32
    %add3A_975 = arith.addi %mul3A_973, %add3A_974 : i32
    %mul3A_976 = arith.constant 32 : i32
    %mul3A_977 = arith.muli %add3A_975, %mul3A_976 : i32
    %mul3A_978 = arith.constant 2 : i32
    %mul3A_979 = arith.muli %mul3A_978, %sub3A_886 : i32
    %add3A_980 = arith.addi %mul3A_977, %mul3A_979 : i32
    %mul3A_981 = arith.constant 1024 : i32
    %mul3A_982 = arith.muli %add3A_980, %mul3A_981 : i32
    %dma_start3A_983 = arith.constant 10240 : i32
    %dma_start3A_984 = tpu.memref_slice %arg9[%dma_start3A_983] : memref<16384xf32, #tpu.memory_space<vmem>> -> memref<2048xf32, #tpu.memory_space<vmem>>
    %dma_start3A_985 = tpu.memref_slice %arg4[%mul3A_982] : memref<52428800xf32, #tpu.memory_space<hbm>> -> memref<2048xf32, #tpu.memory_space<hbm>>
    %dma_start3A_986 = tpu.memref_slice %arg4[%mul3A_982] : memref<52428800xf32, #tpu.memory_space<hbm>> -> memref<2048xf32, #tpu.memory_space<hbm>>
    %dma_start3A_987 = arith.constant 10240 : i32
    %dma_start3A_988 = tpu.memref_slice %arg9[%dma_start3A_987] : memref<16384xf32, #tpu.memory_space<vmem>> -> memref<2048xf32, #tpu.memory_space<vmem>>
    tpu.enqueue_dma source(%dma_start3A_988 : memref<2048xf32, #tpu.memory_space<vmem>>) target(%dma_start3A_986 : memref<2048xf32, #tpu.memory_space<hbm>>) target_semaphore(%arg13 : memref<!tpu.dma_semaphore, #tpu.memory_space<semaphore_mem>>)
    %mul3A_989 = arith.constant 8 : i32
    %mul3A_990 = arith.muli %select_n3A_883, %mul3A_989 : i32
    %add3A_991 = arith.constant 6 : i32
    %add3A_992 = arith.addi %mul3A_990, %add3A_991 : i32
    %mul3A_993 = arith.constant 32 : i32
    %mul3A_994 = arith.muli %add3A_992, %mul3A_993 : i32
    %mul3A_995 = arith.constant 2 : i32
    %mul3A_996 = arith.muli %mul3A_995, %sub3A_886 : i32
    %add3A_997 = arith.addi %mul3A_994, %mul3A_996 : i32
    %mul3A_998 = arith.constant 1024 : i32
    %mul3A_999 = arith.muli %add3A_997, %mul3A_998 : i32
    %dma_start3A_1000 = arith.constant 12288 : i32
    %dma_start3A_1001 = tpu.memref_slice %arg9[%dma_start3A_1000] : memref<16384xf32, #tpu.memory_space<vmem>> -> memref<2048xf32, #tpu.memory_space<vmem>>
    %dma_start3A_1002 = tpu.memref_slice %arg4[%mul3A_999] : memref<52428800xf32, #tpu.memory_space<hbm>> -> memref<2048xf32, #tpu.memory_space<hbm>>
    %dma_start3A_1003 = tpu.memref_slice %arg4[%mul3A_999] : memref<52428800xf32, #tpu.memory_space<hbm>> -> memref<2048xf32, #tpu.memory_space<hbm>>
    %dma_start3A_1004 = arith.constant 12288 : i32
    %dma_start3A_1005 = tpu.memref_slice %arg9[%dma_start3A_1004] : memref<16384xf32, #tpu.memory_space<vmem>> -> memref<2048xf32, #tpu.memory_space<vmem>>
    tpu.enqueue_dma source(%dma_start3A_1005 : memref<2048xf32, #tpu.memory_space<vmem>>) target(%dma_start3A_1003 : memref<2048xf32, #tpu.memory_space<hbm>>) target_semaphore(%arg13 : memref<!tpu.dma_semaphore, #tpu.memory_space<semaphore_mem>>)
    %mul3A_1006 = arith.constant 8 : i32
    %mul3A_1007 = arith.muli %select_n3A_883, %mul3A_1006 : i32
    %add3A_1008 = arith.constant 7 : i32
    %add3A_1009 = arith.addi %mul3A_1007, %add3A_1008 : i32
    %mul3A_1010 = arith.constant 32 : i32
    %mul3A_1011 = arith.muli %add3A_1009, %mul3A_1010 : i32
    %mul3A_1012 = arith.constant 2 : i32
    %mul3A_1013 = arith.muli %mul3A_1012, %sub3A_886 : i32
    %add3A_1014 = arith.addi %mul3A_1011, %mul3A_1013 : i32
    %mul3A_1015 = arith.constant 1024 : i32
    %mul3A_1016 = arith.muli %add3A_1014, %mul3A_1015 : i32
    %dma_start3A_1017 = arith.constant 14336 : i32
    %dma_start3A_1018 = tpu.memref_slice %arg9[%dma_start3A_1017] : memref<16384xf32, #tpu.memory_space<vmem>> -> memref<2048xf32, #tpu.memory_space<vmem>>
    %dma_start3A_1019 = tpu.memref_slice %arg4[%mul3A_1016] : memref<52428800xf32, #tpu.memory_space<hbm>> -> memref<2048xf32, #tpu.memory_space<hbm>>
    %dma_start3A_1020 = tpu.memref_slice %arg4[%mul3A_1016] : memref<52428800xf32, #tpu.memory_space<hbm>> -> memref<2048xf32, #tpu.memory_space<hbm>>
    %dma_start3A_1021 = arith.constant 14336 : i32
    %dma_start3A_1022 = tpu.memref_slice %arg9[%dma_start3A_1021] : memref<16384xf32, #tpu.memory_space<vmem>> -> memref<2048xf32, #tpu.memory_space<vmem>>
    tpu.enqueue_dma source(%dma_start3A_1022 : memref<2048xf32, #tpu.memory_space<vmem>>) target(%dma_start3A_1020 : memref<2048xf32, #tpu.memory_space<hbm>>) target_semaphore(%arg13 : memref<!tpu.dma_semaphore, #tpu.memory_space<semaphore_mem>>)
    %dma_start3A_1023 = arith.constant 768 : i32
    %dma_start3A_1024 = tpu.memref_slice %arg5[%dma_start3A_1023] : memref<25600xi32, #tpu.memory_space<vmem>> -> memref<256xi32, #tpu.memory_space<vmem>>
    %dma_start3A_1025 = arith.constant 0 : i32
    %dma_start3A_1026 = arith.constant 0 : i32
    %dma_start3A_1027 = tpu.memref_slice %arg3[%dma_start3A_1025, %dma_start3A_1026] : memref<1000000x128xf32, #tpu.memory_space<hbm>> -> memref<1000000x128xf32, #tpu.memory_space<hbm>>
    tpu.enqueue_indirect_dma source(%dma_start3A_1027 : memref<1000000x128xf32, #tpu.memory_space<hbm>>) target(%arg7 : memref<256x128xf32, #tpu.memory_space<vmem>>) offsets(%dma_start3A_1024 : memref<256xi32, #tpu.memory_space<vmem>>) semaphore(%arg11 : memref<!tpu.dma_semaphore, #tpu.memory_space<semaphore_mem>>)
    %scan3A_1028 = arith.constant 0 : i32
    %scan3A_1029 = arith.constant 0 : i32
    %scan3A_1030 = arith.constant 48 : i32
    %scan3A_1031 = arith.addi %scan3A_1029, %scan3A_1030 : i32
    %scan3A_1032 = arith.constant 1 : i32
    scf.for %scan3A_1402 = %scan3A_1029 to %scan3A_1031 step %scan3A_1032  : i32 {
      %mul3A_1403 = arith.constant 2 : i32
      %mul3A_1404 = arith.muli %mul3A_1403, %scan3A_1402 : i32
      %add3A_1405 = arith.constant 2 : i32
      %add3A_1406 = arith.addi %add3A_1405, %mul3A_1404 : i32
      %add3A_1407 = arith.constant 0 : i32
      %add3A_1408 = arith.addi %add3A_1406, %add3A_1407 : i32
      %dma_wait3A_1409 = arith.constant 0 : i32
      %dma_wait3A_1410 = tpu.memref_slice %arg5[%dma_wait3A_1409] : memref<25600xi32, #tpu.memory_space<vmem>> -> memref<256xi32, #tpu.memory_space<vmem>>
      %dma_wait3A_1411 = arith.constant 0 : i32
      %dma_wait3A_1412 = arith.constant 0 : i32
      %dma_wait3A_1413 = tpu.memref_slice %arg3[%dma_wait3A_1411, %dma_wait3A_1412] : memref<1000000x128xf32, #tpu.memory_space<hbm>> -> memref<1000000x128xf32, #tpu.memory_space<hbm>>
      tpu.wait_indirect_dma semaphore(%arg10 : memref<!tpu.dma_semaphore, #tpu.memory_space<semaphore_mem>>) src(%dma_wait3A_1413 : memref<1000000x128xf32, #tpu.memory_space<hbm>>) dst(%arg6 : memref<256x128xf32, #tpu.memory_space<vmem>>)
      %dma_wait3A_1414 = arith.constant 0 : i32
      %dma_wait3A_1415 = tpu.memref_slice %arg4[%dma_wait3A_1414] : memref<52428800xf32, #tpu.memory_space<hbm>> -> memref<16384xf32, #tpu.memory_space<hbm>>
      %dma_wait3A_1416 = arith.constant 0 : i32
      %dma_wait3A_1417 = tpu.memref_slice %arg4[%dma_wait3A_1416] : memref<52428800xf32, #tpu.memory_space<hbm>> -> memref<16384xf32, #tpu.memory_space<hbm>>
      tpu.wait_dma2 semaphore(%arg12 : memref<!tpu.dma_semaphore, #tpu.memory_space<semaphore_mem>>) src(%arg8 : memref<16384xf32, #tpu.memory_space<vmem>>) dst(%dma_wait3A_1417 : memref<16384xf32, #tpu.memory_space<hbm>>)
      %scan3A_1418 = arith.constant 0 : i32
      %scan3A_1419 = arith.constant 0 : i32
      %scan3A_1420 = arith.constant 16 : i32
      %scan3A_1421 = arith.addi %scan3A_1419, %scan3A_1420 : i32
      %scan3A_1422 = arith.constant 1 : i32
      scf.for %scan3A_1789 = %scan3A_1419 to %scan3A_1421 step %scan3A_1422  : i32 {
        %mul3A_1790 = arith.constant 16 : i32
        %mul3A_1791 = arith.muli %scan3A_1789, %mul3A_1790 : i32
        %jit3A_1792 = arith.constant 8 : i32
        %div3A_1793 = arith.divsi %scan3A_1789, %jit3A_1792 : i32
        %sign3A_1794 = arith.constant 0 : i32
        %sign3A_1795 = arith.cmpi sgt, %scan3A_1789, %sign3A_1794 : i32
        %sign3A_1796 = arith.extui %sign3A_1795 : i1 to i32
        %sign3A_1797 = arith.constant 0 : i32
        %sign3A_1798 = arith.cmpi slt, %scan3A_1789, %sign3A_1797 : i32
        %sign3A_1799 = arith.extui %sign3A_1798 : i1 to i32
        %sign3A_1800 = arith.subi %sign3A_1796, %sign3A_1799 : i32
        %sign3A_1801 = arith.constant 0 : i32
        %sign3A_1802 = arith.cmpi sgt, %jit3A_1792, %sign3A_1801 : i32
        %sign3A_1803 = arith.extui %sign3A_1802 : i1 to i32
        %sign3A_1804 = arith.constant 0 : i32
        %sign3A_1805 = arith.cmpi slt, %jit3A_1792, %sign3A_1804 : i32
        %sign3A_1806 = arith.extui %sign3A_1805 : i1 to i32
        %sign3A_1807 = arith.subi %sign3A_1803, %sign3A_1806 : i32
        %ne3A_1808 = arith.cmpi ne, %sign3A_1800, %sign3A_1807 : i32
        %rem3A_1809 = arith.remsi %scan3A_1789, %jit3A_1792 : i32
        %ne3A_1810 = arith.constant 0 : i32
        %ne3A_1811 = arith.cmpi ne, %rem3A_1809, %ne3A_1810 : i32
        %and3A_1812 = arith.andi %ne3A_1808, %ne3A_1811 : i1
        %sub3A_1813 = arith.constant 1 : i32
        %sub3A_1814 = arith.subi %div3A_1793, %sub3A_1813 : i32
        %select_n3A_1815 = arith.select %and3A_1812, %sub3A_1814, %div3A_1793 : i32
        %mul3A_1816 = arith.constant 1024 : i32
        %mul3A_1817 = arith.muli %select_n3A_1815, %mul3A_1816 : i32
        %jit3A_1818 = arith.constant 8 : i32
        %eq3A_1819 = arith.constant 0 : i32
        %eq3A_1820 = arith.cmpi eq, %jit3A_1818, %eq3A_1819 : i32
        %jit3A_1821 = arith.constant 1 : i32
        %select_n3A_1822 = arith.select %eq3A_1820, %jit3A_1821, %jit3A_1818 : i32
        %rem3A_1823 = arith.remsi %scan3A_1789, %select_n3A_1822 : i32
        %ne3A_1824 = arith.constant 0 : i32
        %ne3A_1825 = arith.cmpi ne, %rem3A_1823, %ne3A_1824 : i32
        %lt3A_1826 = arith.constant 0 : i32
        %lt3A_1827 = arith.cmpi slt, %rem3A_1823, %lt3A_1826 : i32
        %lt3A_1828 = arith.constant 0 : i32
        %lt3A_1829 = arith.cmpi slt, %select_n3A_1822, %lt3A_1828 : i32
        %ne3A_1830 = arith.xori %lt3A_1827, %lt3A_1829 : i1
        %and3A_1831 = arith.andi %ne3A_1830, %ne3A_1825 : i1
        %add3A_1832 = arith.addi %rem3A_1823, %select_n3A_1822 : i32
        %select_n3A_1833 = arith.select %and3A_1831, %add3A_1832, %rem3A_1823 : i32
        %mul3A_1834 = arith.constant 16 : i32
        %mul3A_1835 = arith.muli %select_n3A_1833, %mul3A_1834 : i32
        %add3A_1836 = arith.addi %mul3A_1817, %mul3A_1835 : i32
        %add3A_1837 = vector.broadcast %mul3A_1791 : i32 to vector<16xi32>
        %add3A_1838 = arith.addi %select_n3A_22, %add3A_1837 : vector<16xi32>
        %add3A_1839 = vector.broadcast %add3A_1836 : i32 to vector<16xi32>
        %add3A_1840 = arith.addi %select_n3A_22, %add3A_1839 : vector<16xi32>
        %gather3A = tpu.vector_load_idx %arg6[%add3A_1838, %add3A_400] : memref<256x128xf32, #tpu.memory_space<vmem>>[vector<16xi32>, vector<16xi32>], vector<16xf32>,
        %add3A_1841 = arith.addi %add3A_469, %add3A_1840 : vector<16xi32>
        %gather3A_1842 = tpu.vector_load_idx %arg6[%add3A_1838, %add3A_403] : memref<256x128xf32, #tpu.memory_space<vmem>>[vector<16xi32>, vector<16xi32>], vector<16xf32>,
        %add3A_1843 = arith.addi %add3A_532, %add3A_1840 : vector<16xi32>
        %gather3A_1844 = tpu.vector_load_idx %arg6[%add3A_1838, %add3A_406] : memref<256x128xf32, #tpu.memory_space<vmem>>[vector<16xi32>, vector<16xi32>], vector<16xf32>,
        %add3A_1845 = arith.addi %add3A_595, %add3A_1840 : vector<16xi32>
        %gather3A_1846 = tpu.vector_load_idx %arg6[%add3A_1838, %add3A_409] : memref<256x128xf32, #tpu.memory_space<vmem>>[vector<16xi32>, vector<16xi32>], vector<16xf32>,
        %add3A_1847 = arith.addi %add3A_658, %add3A_1840 : vector<16xi32>
        %add3A_1848 = vector.broadcast %mul3A_1791 : i32 to vector<16xi32>
        %add3A_1849 = arith.addi %select_n3A_47, %add3A_1848 : vector<16xi32>
        %add3A_1850 = vector.broadcast %add3A_1836 : i32 to vector<16xi32>
        %add3A_1851 = arith.addi %select_n3A_47, %add3A_1850 : vector<16xi32>
        %gather3A_1852 = tpu.vector_load_idx %arg6[%add3A_1849, %add3A_400] : memref<256x128xf32, #tpu.memory_space<vmem>>[vector<16xi32>, vector<16xi32>], vector<16xf32>,
        %add3A_1853 = arith.addi %add3A_469, %add3A_1851 : vector<16xi32>
        %gather3A_1854 = tpu.vector_load_idx %arg6[%add3A_1849, %add3A_403] : memref<256x128xf32, #tpu.memory_space<vmem>>[vector<16xi32>, vector<16xi32>], vector<16xf32>,
        %add3A_1855 = arith.addi %add3A_532, %add3A_1851 : vector<16xi32>
        %gather3A_1856 = tpu.vector_load_idx %arg6[%add3A_1849, %add3A_406] : memref<256x128xf32, #tpu.memory_space<vmem>>[vector<16xi32>, vector<16xi32>], vector<16xf32>,
        %add3A_1857 = arith.addi %add3A_595, %add3A_1851 : vector<16xi32>
        %gather3A_1858 = tpu.vector_load_idx %arg6[%add3A_1849, %add3A_409] : memref<256x128xf32, #tpu.memory_space<vmem>>[vector<16xi32>, vector<16xi32>], vector<16xf32>,
        %add3A_1859 = arith.addi %add3A_658, %add3A_1851 : vector<16xi32>
        tpu.vector_store_idx %arg8[%add3A_1841], %gather3A : memref<16384xf32, #tpu.memory_space<vmem>>[vector<16xi32>], vector<16xf32>,
        tpu.vector_store_idx %arg8[%add3A_1843], %gather3A_1842 : memref<16384xf32, #tpu.memory_space<vmem>>[vector<16xi32>], vector<16xf32>,
        tpu.vector_store_idx %arg8[%add3A_1845], %gather3A_1844 : memref<16384xf32, #tpu.memory_space<vmem>>[vector<16xi32>], vector<16xf32>,
        tpu.vector_store_idx %arg8[%add3A_1847], %gather3A_1846 : memref<16384xf32, #tpu.memory_space<vmem>>[vector<16xi32>], vector<16xf32>,
        tpu.vector_store_idx %arg8[%add3A_1853], %gather3A_1852 : memref<16384xf32, #tpu.memory_space<vmem>>[vector<16xi32>], vector<16xf32>,
        tpu.vector_store_idx %arg8[%add3A_1855], %gather3A_1854 : memref<16384xf32, #tpu.memory_space<vmem>>[vector<16xi32>], vector<16xf32>,
        tpu.vector_store_idx %arg8[%add3A_1857], %gather3A_1856 : memref<16384xf32, #tpu.memory_space<vmem>>[vector<16xi32>], vector<16xf32>,
        tpu.vector_store_idx %arg8[%add3A_1859], %gather3A_1858 : memref<16384xf32, #tpu.memory_space<vmem>>[vector<16xi32>], vector<16xf32>,
        %add3A_1860 = vector.broadcast %mul3A_1791 : i32 to vector<16xi32>
        %add3A_1861 = arith.addi %select_n3A_72, %add3A_1860 : vector<16xi32>
        %add3A_1862 = vector.broadcast %add3A_1836 : i32 to vector<16xi32>
        %add3A_1863 = arith.addi %select_n3A_72, %add3A_1862 : vector<16xi32>
        %gather3A_1864 = tpu.vector_load_idx %arg6[%add3A_1861, %add3A_400] : memref<256x128xf32, #tpu.memory_space<vmem>>[vector<16xi32>, vector<16xi32>], vector<16xf32>,
        %add3A_1865 = arith.addi %add3A_469, %add3A_1863 : vector<16xi32>
        %gather3A_1866 = tpu.vector_load_idx %arg6[%add3A_1861, %add3A_403] : memref<256x128xf32, #tpu.memory_space<vmem>>[vector<16xi32>, vector<16xi32>], vector<16xf32>,
        %add3A_1867 = arith.addi %add3A_532, %add3A_1863 : vector<16xi32>
        %gather3A_1868 = tpu.vector_load_idx %arg6[%add3A_1861, %add3A_406] : memref<256x128xf32, #tpu.memory_space<vmem>>[vector<16xi32>, vector<16xi32>], vector<16xf32>,
        %add3A_1869 = arith.addi %add3A_595, %add3A_1863 : vector<16xi32>
        %gather3A_1870 = tpu.vector_load_idx %arg6[%add3A_1861, %add3A_409] : memref<256x128xf32, #tpu.memory_space<vmem>>[vector<16xi32>, vector<16xi32>], vector<16xf32>,
        %add3A_1871 = arith.addi %add3A_658, %add3A_1863 : vector<16xi32>
        %add3A_1872 = vector.broadcast %mul3A_1791 : i32 to vector<16xi32>
        %add3A_1873 = arith.addi %select_n3A_97, %add3A_1872 : vector<16xi32>
        %add3A_1874 = vector.broadcast %add3A_1836 : i32 to vector<16xi32>
        %add3A_1875 = arith.addi %select_n3A_97, %add3A_1874 : vector<16xi32>
        %gather3A_1876 = tpu.vector_load_idx %arg6[%add3A_1873, %add3A_400] : memref<256x128xf32, #tpu.memory_space<vmem>>[vector<16xi32>, vector<16xi32>], vector<16xf32>,
        %add3A_1877 = arith.addi %add3A_469, %add3A_1875 : vector<16xi32>
        %gather3A_1878 = tpu.vector_load_idx %arg6[%add3A_1873, %add3A_403] : memref<256x128xf32, #tpu.memory_space<vmem>>[vector<16xi32>, vector<16xi32>], vector<16xf32>,
        %add3A_1879 = arith.addi %add3A_532, %add3A_1875 : vector<16xi32>
        %gather3A_1880 = tpu.vector_load_idx %arg6[%add3A_1873, %add3A_406] : memref<256x128xf32, #tpu.memory_space<vmem>>[vector<16xi32>, vector<16xi32>], vector<16xf32>,
        %add3A_1881 = arith.addi %add3A_595, %add3A_1875 : vector<16xi32>
        %gather3A_1882 = tpu.vector_load_idx %arg6[%add3A_1873, %add3A_409] : memref<256x128xf32, #tpu.memory_space<vmem>>[vector<16xi32>, vector<16xi32>], vector<16xf32>,
        %add3A_1883 = arith.addi %add3A_658, %add3A_1875 : vector<16xi32>
        tpu.vector_store_idx %arg8[%add3A_1865], %gather3A_1864 : memref<16384xf32, #tpu.memory_space<vmem>>[vector<16xi32>], vector<16xf32>,
        tpu.vector_store_idx %arg8[%add3A_1867], %gather3A_1866 : memref<16384xf32, #tpu.memory_space<vmem>>[vector<16xi32>], vector<16xf32>,
        tpu.vector_store_idx %arg8[%add3A_1869], %gather3A_1868 : memref<16384xf32, #tpu.memory_space<vmem>>[vector<16xi32>], vector<16xf32>,
        tpu.vector_store_idx %arg8[%add3A_1871], %gather3A_1870 : memref<16384xf32, #tpu.memory_space<vmem>>[vector<16xi32>], vector<16xf32>,
        tpu.vector_store_idx %arg8[%add3A_1877], %gather3A_1876 : memref<16384xf32, #tpu.memory_space<vmem>>[vector<16xi32>], vector<16xf32>,
        tpu.vector_store_idx %arg8[%add3A_1879], %gather3A_1878 : memref<16384xf32, #tpu.memory_space<vmem>>[vector<16xi32>], vector<16xf32>,
        tpu.vector_store_idx %arg8[%add3A_1881], %gather3A_1880 : memref<16384xf32, #tpu.memory_space<vmem>>[vector<16xi32>], vector<16xf32>,
        tpu.vector_store_idx %arg8[%add3A_1883], %gather3A_1882 : memref<16384xf32, #tpu.memory_space<vmem>>[vector<16xi32>], vector<16xf32>,
        %add3A_1884 = vector.broadcast %mul3A_1791 : i32 to vector<16xi32>
        %add3A_1885 = arith.addi %select_n3A_122, %add3A_1884 : vector<16xi32>
        %add3A_1886 = vector.broadcast %add3A_1836 : i32 to vector<16xi32>
        %add3A_1887 = arith.addi %select_n3A_122, %add3A_1886 : vector<16xi32>
        %gather3A_1888 = tpu.vector_load_idx %arg6[%add3A_1885, %add3A_400] : memref<256x128xf32, #tpu.memory_space<vmem>>[vector<16xi32>, vector<16xi32>], vector<16xf32>,
        %add3A_1889 = arith.addi %add3A_469, %add3A_1887 : vector<16xi32>
        %gather3A_1890 = tpu.vector_load_idx %arg6[%add3A_1885, %add3A_403] : memref<256x128xf32, #tpu.memory_space<vmem>>[vector<16xi32>, vector<16xi32>], vector<16xf32>,
        %add3A_1891 = arith.addi %add3A_532, %add3A_1887 : vector<16xi32>
        %gather3A_1892 = tpu.vector_load_idx %arg6[%add3A_1885, %add3A_406] : memref<256x128xf32, #tpu.memory_space<vmem>>[vector<16xi32>, vector<16xi32>], vector<16xf32>,
        %add3A_1893 = arith.addi %add3A_595, %add3A_1887 : vector<16xi32>
        %gather3A_1894 = tpu.vector_load_idx %arg6[%add3A_1885, %add3A_409] : memref<256x128xf32, #tpu.memory_space<vmem>>[vector<16xi32>, vector<16xi32>], vector<16xf32>,
        %add3A_1895 = arith.addi %add3A_658, %add3A_1887 : vector<16xi32>
        %add3A_1896 = vector.broadcast %mul3A_1791 : i32 to vector<16xi32>
        %add3A_1897 = arith.addi %select_n3A_147, %add3A_1896 : vector<16xi32>
        %add3A_1898 = vector.broadcast %add3A_1836 : i32 to vector<16xi32>
        %add3A_1899 = arith.addi %select_n3A_147, %add3A_1898 : vector<16xi32>
        %gather3A_1900 = tpu.vector_load_idx %arg6[%add3A_1897, %add3A_400] : memref<256x128xf32, #tpu.memory_space<vmem>>[vector<16xi32>, vector<16xi32>], vector<16xf32>,
        %add3A_1901 = arith.addi %add3A_469, %add3A_1899 : vector<16xi32>
        %gather3A_1902 = tpu.vector_load_idx %arg6[%add3A_1897, %add3A_403] : memref<256x128xf32, #tpu.memory_space<vmem>>[vector<16xi32>, vector<16xi32>], vector<16xf32>,
        %add3A_1903 = arith.addi %add3A_532, %add3A_1899 : vector<16xi32>
        %gather3A_1904 = tpu.vector_load_idx %arg6[%add3A_1897, %add3A_406] : memref<256x128xf32, #tpu.memory_space<vmem>>[vector<16xi32>, vector<16xi32>], vector<16xf32>,
        %add3A_1905 = arith.addi %add3A_595, %add3A_1899 : vector<16xi32>
        %gather3A_1906 = tpu.vector_load_idx %arg6[%add3A_1897, %add3A_409] : memref<256x128xf32, #tpu.memory_space<vmem>>[vector<16xi32>, vector<16xi32>], vector<16xf32>,
        %add3A_1907 = arith.addi %add3A_658, %add3A_1899 : vector<16xi32>
        tpu.vector_store_idx %arg8[%add3A_1889], %gather3A_1888 : memref<16384xf32, #tpu.memory_space<vmem>>[vector<16xi32>], vector<16xf32>,
        tpu.vector_store_idx %arg8[%add3A_1891], %gather3A_1890 : memref<16384xf32, #tpu.memory_space<vmem>>[vector<16xi32>], vector<16xf32>,
        tpu.vector_store_idx %arg8[%add3A_1893], %gather3A_1892 : memref<16384xf32, #tpu.memory_space<vmem>>[vector<16xi32>], vector<16xf32>,
        tpu.vector_store_idx %arg8[%add3A_1895], %gather3A_1894 : memref<16384xf32, #tpu.memory_space<vmem>>[vector<16xi32>], vector<16xf32>,
        tpu.vector_store_idx %arg8[%add3A_1901], %gather3A_1900 : memref<16384xf32, #tpu.memory_space<vmem>>[vector<16xi32>], vector<16xf32>,
        tpu.vector_store_idx %arg8[%add3A_1903], %gather3A_1902 : memref<16384xf32, #tpu.memory_space<vmem>>[vector<16xi32>], vector<16xf32>,
        tpu.vector_store_idx %arg8[%add3A_1905], %gather3A_1904 : memref<16384xf32, #tpu.memory_space<vmem>>[vector<16xi32>], vector<16xf32>,
        tpu.vector_store_idx %arg8[%add3A_1907], %gather3A_1906 : memref<16384xf32, #tpu.memory_space<vmem>>[vector<16xi32>], vector<16xf32>,
        %add3A_1908 = vector.broadcast %mul3A_1791 : i32 to vector<16xi32>
        %add3A_1909 = arith.addi %select_n3A_172, %add3A_1908 : vector<16xi32>
        %add3A_1910 = vector.broadcast %add3A_1836 : i32 to vector<16xi32>
        %add3A_1911 = arith.addi %select_n3A_172, %add3A_1910 : vector<16xi32>
        %gather3A_1912 = tpu.vector_load_idx %arg6[%add3A_1909, %add3A_400] : memref<256x128xf32, #tpu.memory_space<vmem>>[vector<16xi32>, vector<16xi32>], vector<16xf32>,
        %add3A_1913 = arith.addi %add3A_469, %add3A_1911 : vector<16xi32>
        %gather3A_1914 = tpu.vector_load_idx %arg6[%add3A_1909, %add3A_403] : memref<256x128xf32, #tpu.memory_space<vmem>>[vector<16xi32>, vector<16xi32>], vector<16xf32>,
        %add3A_1915 = arith.addi %add3A_532, %add3A_1911 : vector<16xi32>
        %gather3A_1916 = tpu.vector_load_idx %arg6[%add3A_1909, %add3A_406] : memref<256x128xf32, #tpu.memory_space<vmem>>[vector<16xi32>, vector<16xi32>], vector<16xf32>,
        %add3A_1917 = arith.addi %add3A_595, %add3A_1911 : vector<16xi32>
        %gather3A_1918 = tpu.vector_load_idx %arg6[%add3A_1909, %add3A_409] : memref<256x128xf32, #tpu.memory_space<vmem>>[vector<16xi32>, vector<16xi32>], vector<16xf32>,
        %add3A_1919 = arith.addi %add3A_658, %add3A_1911 : vector<16xi32>
        %add3A_1920 = vector.broadcast %mul3A_1791 : i32 to vector<16xi32>
        %add3A_1921 = arith.addi %select_n3A_197, %add3A_1920 : vector<16xi32>
        %add3A_1922 = vector.broadcast %add3A_1836 : i32 to vector<16xi32>
        %add3A_1923 = arith.addi %select_n3A_197, %add3A_1922 : vector<16xi32>
        %gather3A_1924 = tpu.vector_load_idx %arg6[%add3A_1921, %add3A_400] : memref<256x128xf32, #tpu.memory_space<vmem>>[vector<16xi32>, vector<16xi32>], vector<16xf32>,
        %add3A_1925 = arith.addi %add3A_469, %add3A_1923 : vector<16xi32>
        %gather3A_1926 = tpu.vector_load_idx %arg6[%add3A_1921, %add3A_403] : memref<256x128xf32, #tpu.memory_space<vmem>>[vector<16xi32>, vector<16xi32>], vector<16xf32>,
        %add3A_1927 = arith.addi %add3A_532, %add3A_1923 : vector<16xi32>
        %gather3A_1928 = tpu.vector_load_idx %arg6[%add3A_1921, %add3A_406] : memref<256x128xf32, #tpu.memory_space<vmem>>[vector<16xi32>, vector<16xi32>], vector<16xf32>,
        %add3A_1929 = arith.addi %add3A_595, %add3A_1923 : vector<16xi32>
        %gather3A_1930 = tpu.vector_load_idx %arg6[%add3A_1921, %add3A_409] : memref<256x128xf32, #tpu.memory_space<vmem>>[vector<16xi32>, vector<16xi32>], vector<16xf32>,
        %add3A_1931 = arith.addi %add3A_658, %add3A_1923 : vector<16xi32>
        tpu.vector_store_idx %arg8[%add3A_1913], %gather3A_1912 : memref<16384xf32, #tpu.memory_space<vmem>>[vector<16xi32>], vector<16xf32>,
        tpu.vector_store_idx %arg8[%add3A_1915], %gather3A_1914 : memref<16384xf32, #tpu.memory_space<vmem>>[vector<16xi32>], vector<16xf32>,
        tpu.vector_store_idx %arg8[%add3A_1917], %gather3A_1916 : memref<16384xf32, #tpu.memory_space<vmem>>[vector<16xi32>], vector<16xf32>,
        tpu.vector_store_idx %arg8[%add3A_1919], %gather3A_1918 : memref<16384xf32, #tpu.memory_space<vmem>>[vector<16xi32>], vector<16xf32>,
        tpu.vector_store_idx %arg8[%add3A_1925], %gather3A_1924 : memref<16384xf32, #tpu.memory_space<vmem>>[vector<16xi32>], vector<16xf32>,
        tpu.vector_store_idx %arg8[%add3A_1927], %gather3A_1926 : memref<16384xf32, #tpu.memory_space<vmem>>[vector<16xi32>], vector<16xf32>,
        tpu.vector_store_idx %arg8[%add3A_1929], %gather3A_1928 : memref<16384xf32, #tpu.memory_space<vmem>>[vector<16xi32>], vector<16xf32>,
        tpu.vector_store_idx %arg8[%add3A_1931], %gather3A_1930 : memref<16384xf32, #tpu.memory_space<vmem>>[vector<16xi32>], vector<16xf32>,
        %add3A_1932 = vector.broadcast %mul3A_1791 : i32 to vector<16xi32>
        %add3A_1933 = arith.addi %select_n3A_222, %add3A_1932 : vector<16xi32>
        %add3A_1934 = vector.broadcast %add3A_1836 : i32 to vector<16xi32>
        %add3A_1935 = arith.addi %select_n3A_222, %add3A_1934 : vector<16xi32>
        %gather3A_1936 = tpu.vector_load_idx %arg6[%add3A_1933, %add3A_400] : memref<256x128xf32, #tpu.memory_space<vmem>>[vector<16xi32>, vector<16xi32>], vector<16xf32>,
        %add3A_1937 = arith.addi %add3A_469, %add3A_1935 : vector<16xi32>
        %gather3A_1938 = tpu.vector_load_idx %arg6[%add3A_1933, %add3A_403] : memref<256x128xf32, #tpu.memory_space<vmem>>[vector<16xi32>, vector<16xi32>], vector<16xf32>,
        %add3A_1939 = arith.addi %add3A_532, %add3A_1935 : vector<16xi32>
        %gather3A_1940 = tpu.vector_load_idx %arg6[%add3A_1933, %add3A_406] : memref<256x128xf32, #tpu.memory_space<vmem>>[vector<16xi32>, vector<16xi32>], vector<16xf32>,
        %add3A_1941 = arith.addi %add3A_595, %add3A_1935 : vector<16xi32>
        %gather3A_1942 = tpu.vector_load_idx %arg6[%add3A_1933, %add3A_409] : memref<256x128xf32, #tpu.memory_space<vmem>>[vector<16xi32>, vector<16xi32>], vector<16xf32>,
        %add3A_1943 = arith.addi %add3A_658, %add3A_1935 : vector<16xi32>
        %add3A_1944 = vector.broadcast %mul3A_1791 : i32 to vector<16xi32>
        %add3A_1945 = arith.addi %select_n3A_247, %add3A_1944 : vector<16xi32>
        %add3A_1946 = vector.broadcast %add3A_1836 : i32 to vector<16xi32>
        %add3A_1947 = arith.addi %select_n3A_247, %add3A_1946 : vector<16xi32>
        %gather3A_1948 = tpu.vector_load_idx %arg6[%add3A_1945, %add3A_400] : memref<256x128xf32, #tpu.memory_space<vmem>>[vector<16xi32>, vector<16xi32>], vector<16xf32>,
        %add3A_1949 = arith.addi %add3A_469, %add3A_1947 : vector<16xi32>
        %gather3A_1950 = tpu.vector_load_idx %arg6[%add3A_1945, %add3A_403] : memref<256x128xf32, #tpu.memory_space<vmem>>[vector<16xi32>, vector<16xi32>], vector<16xf32>,
        %add3A_1951 = arith.addi %add3A_532, %add3A_1947 : vector<16xi32>
        %gather3A_1952 = tpu.vector_load_idx %arg6[%add3A_1945, %add3A_406] : memref<256x128xf32, #tpu.memory_space<vmem>>[vector<16xi32>, vector<16xi32>], vector<16xf32>,
        %add3A_1953 = arith.addi %add3A_595, %add3A_1947 : vector<16xi32>
        %gather3A_1954 = tpu.vector_load_idx %arg6[%add3A_1945, %add3A_409] : memref<256x128xf32, #tpu.memory_space<vmem>>[vector<16xi32>, vector<16xi32>], vector<16xf32>,
        %add3A_1955 = arith.addi %add3A_658, %add3A_1947 : vector<16xi32>
        tpu.vector_store_idx %arg8[%add3A_1937], %gather3A_1936 : memref<16384xf32, #tpu.memory_space<vmem>>[vector<16xi32>], vector<16xf32>,
        tpu.vector_store_idx %arg8[%add3A_1939], %gather3A_1938 : memref<16384xf32, #tpu.memory_space<vmem>>[vector<16xi32>], vector<16xf32>,
        tpu.vector_store_idx %arg8[%add3A_1941], %gather3A_1940 : memref<16384xf32, #tpu.memory_space<vmem>>[vector<16xi32>], vector<16xf32>,
        tpu.vector_store_idx %arg8[%add3A_1943], %gather3A_1942 : memref<16384xf32, #tpu.memory_space<vmem>>[vector<16xi32>], vector<16xf32>,
        tpu.vector_store_idx %arg8[%add3A_1949], %gather3A_1948 : memref<16384xf32, #tpu.memory_space<vmem>>[vector<16xi32>], vector<16xf32>,
        tpu.vector_store_idx %arg8[%add3A_1951], %gather3A_1950 : memref<16384xf32, #tpu.memory_space<vmem>>[vector<16xi32>], vector<16xf32>,
        tpu.vector_store_idx %arg8[%add3A_1953], %gather3A_1952 : memref<16384xf32, #tpu.memory_space<vmem>>[vector<16xi32>], vector<16xf32>,
        tpu.vector_store_idx %arg8[%add3A_1955], %gather3A_1954 : memref<16384xf32, #tpu.memory_space<vmem>>[vector<16xi32>], vector<16xf32>,
        %add3A_1956 = vector.broadcast %mul3A_1791 : i32 to vector<16xi32>
        %add3A_1957 = arith.addi %select_n3A_272, %add3A_1956 : vector<16xi32>
        %add3A_1958 = vector.broadcast %add3A_1836 : i32 to vector<16xi32>
        %add3A_1959 = arith.addi %select_n3A_272, %add3A_1958 : vector<16xi32>
        %gather3A_1960 = tpu.vector_load_idx %arg6[%add3A_1957, %add3A_400] : memref<256x128xf32, #tpu.memory_space<vmem>>[vector<16xi32>, vector<16xi32>], vector<16xf32>,
        %add3A_1961 = arith.addi %add3A_469, %add3A_1959 : vector<16xi32>
        %gather3A_1962 = tpu.vector_load_idx %arg6[%add3A_1957, %add3A_403] : memref<256x128xf32, #tpu.memory_space<vmem>>[vector<16xi32>, vector<16xi32>], vector<16xf32>,
        %add3A_1963 = arith.addi %add3A_532, %add3A_1959 : vector<16xi32>
        %gather3A_1964 = tpu.vector_load_idx %arg6[%add3A_1957, %add3A_406] : memref<256x128xf32, #tpu.memory_space<vmem>>[vector<16xi32>, vector<16xi32>], vector<16xf32>,
        %add3A_1965 = arith.addi %add3A_595, %add3A_1959 : vector<16xi32>
        %gather3A_1966 = tpu.vector_load_idx %arg6[%add3A_1957, %add3A_409] : memref<256x128xf32, #tpu.memory_space<vmem>>[vector<16xi32>, vector<16xi32>], vector<16xf32>,
        %add3A_1967 = arith.addi %add3A_658, %add3A_1959 : vector<16xi32>
        %add3A_1968 = vector.broadcast %mul3A_1791 : i32 to vector<16xi32>
        %add3A_1969 = arith.addi %select_n3A_297, %add3A_1968 : vector<16xi32>
        %add3A_1970 = vector.broadcast %add3A_1836 : i32 to vector<16xi32>
        %add3A_1971 = arith.addi %select_n3A_297, %add3A_1970 : vector<16xi32>
        %gather3A_1972 = tpu.vector_load_idx %arg6[%add3A_1969, %add3A_400] : memref<256x128xf32, #tpu.memory_space<vmem>>[vector<16xi32>, vector<16xi32>], vector<16xf32>,
        %add3A_1973 = arith.addi %add3A_469, %add3A_1971 : vector<16xi32>
        %gather3A_1974 = tpu.vector_load_idx %arg6[%add3A_1969, %add3A_403] : memref<256x128xf32, #tpu.memory_space<vmem>>[vector<16xi32>, vector<16xi32>], vector<16xf32>,
        %add3A_1975 = arith.addi %add3A_532, %add3A_1971 : vector<16xi32>
        %gather3A_1976 = tpu.vector_load_idx %arg6[%add3A_1969, %add3A_406] : memref<256x128xf32, #tpu.memory_space<vmem>>[vector<16xi32>, vector<16xi32>], vector<16xf32>,
        %add3A_1977 = arith.addi %add3A_595, %add3A_1971 : vector<16xi32>
        %gather3A_1978 = tpu.vector_load_idx %arg6[%add3A_1969, %add3A_409] : memref<256x128xf32, #tpu.memory_space<vmem>>[vector<16xi32>, vector<16xi32>], vector<16xf32>,
        %add3A_1979 = arith.addi %add3A_658, %add3A_1971 : vector<16xi32>
        tpu.vector_store_idx %arg8[%add3A_1961], %gather3A_1960 : memref<16384xf32, #tpu.memory_space<vmem>>[vector<16xi32>], vector<16xf32>,
        tpu.vector_store_idx %arg8[%add3A_1963], %gather3A_1962 : memref<16384xf32, #tpu.memory_space<vmem>>[vector<16xi32>], vector<16xf32>,
        tpu.vector_store_idx %arg8[%add3A_1965], %gather3A_1964 : memref<16384xf32, #tpu.memory_space<vmem>>[vector<16xi32>], vector<16xf32>,
        tpu.vector_store_idx %arg8[%add3A_1967], %gather3A_1966 : memref<16384xf32, #tpu.memory_space<vmem>>[vector<16xi32>], vector<16xf32>,
        tpu.vector_store_idx %arg8[%add3A_1973], %gather3A_1972 : memref<16384xf32, #tpu.memory_space<vmem>>[vector<16xi32>], vector<16xf32>,
        tpu.vector_store_idx %arg8[%add3A_1975], %gather3A_1974 : memref<16384xf32, #tpu.memory_space<vmem>>[vector<16xi32>], vector<16xf32>,
        tpu.vector_store_idx %arg8[%add3A_1977], %gather3A_1976 : memref<16384xf32, #tpu.memory_space<vmem>>[vector<16xi32>], vector<16xf32>,
        tpu.vector_store_idx %arg8[%add3A_1979], %gather3A_1978 : memref<16384xf32, #tpu.memory_space<vmem>>[vector<16xi32>], vector<16xf32>,
        %add3A_1980 = vector.broadcast %mul3A_1791 : i32 to vector<16xi32>
        %add3A_1981 = arith.addi %select_n3A_322, %add3A_1980 : vector<16xi32>
        %add3A_1982 = vector.broadcast %add3A_1836 : i32 to vector<16xi32>
        %add3A_1983 = arith.addi %select_n3A_322, %add3A_1982 : vector<16xi32>
        %gather3A_1984 = tpu.vector_load_idx %arg6[%add3A_1981, %add3A_400] : memref<256x128xf32, #tpu.memory_space<vmem>>[vector<16xi32>, vector<16xi32>], vector<16xf32>,
        %add3A_1985 = arith.addi %add3A_469, %add3A_1983 : vector<16xi32>
        %gather3A_1986 = tpu.vector_load_idx %arg6[%add3A_1981, %add3A_403] : memref<256x128xf32, #tpu.memory_space<vmem>>[vector<16xi32>, vector<16xi32>], vector<16xf32>,
        %add3A_1987 = arith.addi %add3A_532, %add3A_1983 : vector<16xi32>
        %gather3A_1988 = tpu.vector_load_idx %arg6[%add3A_1981, %add3A_406] : memref<256x128xf32, #tpu.memory_space<vmem>>[vector<16xi32>, vector<16xi32>], vector<16xf32>,
        %add3A_1989 = arith.addi %add3A_595, %add3A_1983 : vector<16xi32>
        %gather3A_1990 = tpu.vector_load_idx %arg6[%add3A_1981, %add3A_409] : memref<256x128xf32, #tpu.memory_space<vmem>>[vector<16xi32>, vector<16xi32>], vector<16xf32>,
        %add3A_1991 = arith.addi %add3A_658, %add3A_1983 : vector<16xi32>
        %add3A_1992 = vector.broadcast %mul3A_1791 : i32 to vector<16xi32>
        %add3A_1993 = arith.addi %select_n3A_347, %add3A_1992 : vector<16xi32>
        %add3A_1994 = vector.broadcast %add3A_1836 : i32 to vector<16xi32>
        %add3A_1995 = arith.addi %select_n3A_347, %add3A_1994 : vector<16xi32>
        %gather3A_1996 = tpu.vector_load_idx %arg6[%add3A_1993, %add3A_400] : memref<256x128xf32, #tpu.memory_space<vmem>>[vector<16xi32>, vector<16xi32>], vector<16xf32>,
        %add3A_1997 = arith.addi %add3A_469, %add3A_1995 : vector<16xi32>
        %gather3A_1998 = tpu.vector_load_idx %arg6[%add3A_1993, %add3A_403] : memref<256x128xf32, #tpu.memory_space<vmem>>[vector<16xi32>, vector<16xi32>], vector<16xf32>,
        %add3A_1999 = arith.addi %add3A_532, %add3A_1995 : vector<16xi32>
        %gather3A_2000 = tpu.vector_load_idx %arg6[%add3A_1993, %add3A_406] : memref<256x128xf32, #tpu.memory_space<vmem>>[vector<16xi32>, vector<16xi32>], vector<16xf32>,
        %add3A_2001 = arith.addi %add3A_595, %add3A_1995 : vector<16xi32>
        %gather3A_2002 = tpu.vector_load_idx %arg6[%add3A_1993, %add3A_409] : memref<256x128xf32, #tpu.memory_space<vmem>>[vector<16xi32>, vector<16xi32>], vector<16xf32>,
        %add3A_2003 = arith.addi %add3A_658, %add3A_1995 : vector<16xi32>
        tpu.vector_store_idx %arg8[%add3A_1985], %gather3A_1984 : memref<16384xf32, #tpu.memory_space<vmem>>[vector<16xi32>], vector<16xf32>,
        tpu.vector_store_idx %arg8[%add3A_1987], %gather3A_1986 : memref<16384xf32, #tpu.memory_space<vmem>>[vector<16xi32>], vector<16xf32>,
        tpu.vector_store_idx %arg8[%add3A_1989], %gather3A_1988 : memref<16384xf32, #tpu.memory_space<vmem>>[vector<16xi32>], vector<16xf32>,
        tpu.vector_store_idx %arg8[%add3A_1991], %gather3A_1990 : memref<16384xf32, #tpu.memory_space<vmem>>[vector<16xi32>], vector<16xf32>,
        tpu.vector_store_idx %arg8[%add3A_1997], %gather3A_1996 : memref<16384xf32, #tpu.memory_space<vmem>>[vector<16xi32>], vector<16xf32>,
        tpu.vector_store_idx %arg8[%add3A_1999], %gather3A_1998 : memref<16384xf32, #tpu.memory_space<vmem>>[vector<16xi32>], vector<16xf32>,
        tpu.vector_store_idx %arg8[%add3A_2001], %gather3A_2000 : memref<16384xf32, #tpu.memory_space<vmem>>[vector<16xi32>], vector<16xf32>,
        tpu.vector_store_idx %arg8[%add3A_2003], %gather3A_2002 : memref<16384xf32, #tpu.memory_space<vmem>>[vector<16xi32>], vector<16xf32>,
        %add3A_2004 = vector.broadcast %mul3A_1791 : i32 to vector<16xi32>
        %add3A_2005 = arith.addi %select_n3A_372, %add3A_2004 : vector<16xi32>
        %add3A_2006 = vector.broadcast %add3A_1836 : i32 to vector<16xi32>
        %add3A_2007 = arith.addi %select_n3A_372, %add3A_2006 : vector<16xi32>
        %gather3A_2008 = tpu.vector_load_idx %arg6[%add3A_2005, %add3A_400] : memref<256x128xf32, #tpu.memory_space<vmem>>[vector<16xi32>, vector<16xi32>], vector<16xf32>,
        %add3A_2009 = arith.addi %add3A_469, %add3A_2007 : vector<16xi32>
        %gather3A_2010 = tpu.vector_load_idx %arg6[%add3A_2005, %add3A_403] : memref<256x128xf32, #tpu.memory_space<vmem>>[vector<16xi32>, vector<16xi32>], vector<16xf32>,
        %add3A_2011 = arith.addi %add3A_532, %add3A_2007 : vector<16xi32>
        %gather3A_2012 = tpu.vector_load_idx %arg6[%add3A_2005, %add3A_406] : memref<256x128xf32, #tpu.memory_space<vmem>>[vector<16xi32>, vector<16xi32>], vector<16xf32>,
        %add3A_2013 = arith.addi %add3A_595, %add3A_2007 : vector<16xi32>
        %gather3A_2014 = tpu.vector_load_idx %arg6[%add3A_2005, %add3A_409] : memref<256x128xf32, #tpu.memory_space<vmem>>[vector<16xi32>, vector<16xi32>], vector<16xf32>,
        %add3A_2015 = arith.addi %add3A_658, %add3A_2007 : vector<16xi32>
        %add3A_2016 = vector.broadcast %mul3A_1791 : i32 to vector<16xi32>
        %add3A_2017 = arith.addi %select_n3A_397, %add3A_2016 : vector<16xi32>
        %add3A_2018 = vector.broadcast %add3A_1836 : i32 to vector<16xi32>
        %add3A_2019 = arith.addi %select_n3A_397, %add3A_2018 : vector<16xi32>
        %gather3A_2020 = tpu.vector_load_idx %arg6[%add3A_2017, %add3A_400] : memref<256x128xf32, #tpu.memory_space<vmem>>[vector<16xi32>, vector<16xi32>], vector<16xf32>,
        %add3A_2021 = arith.addi %add3A_469, %add3A_2019 : vector<16xi32>
        %gather3A_2022 = tpu.vector_load_idx %arg6[%add3A_2017, %add3A_403] : memref<256x128xf32, #tpu.memory_space<vmem>>[vector<16xi32>, vector<16xi32>], vector<16xf32>,
        %add3A_2023 = arith.addi %add3A_532, %add3A_2019 : vector<16xi32>
        %gather3A_2024 = tpu.vector_load_idx %arg6[%add3A_2017, %add3A_406] : memref<256x128xf32, #tpu.memory_space<vmem>>[vector<16xi32>, vector<16xi32>], vector<16xf32>,
        %add3A_2025 = arith.addi %add3A_595, %add3A_2019 : vector<16xi32>
        %gather3A_2026 = tpu.vector_load_idx %arg6[%add3A_2017, %add3A_409] : memref<256x128xf32, #tpu.memory_space<vmem>>[vector<16xi32>, vector<16xi32>], vector<16xf32>,
        %add3A_2027 = arith.addi %add3A_658, %add3A_2019 : vector<16xi32>
        tpu.vector_store_idx %arg8[%add3A_2009], %gather3A_2008 : memref<16384xf32, #tpu.memory_space<vmem>>[vector<16xi32>], vector<16xf32>,
        tpu.vector_store_idx %arg8[%add3A_2011], %gather3A_2010 : memref<16384xf32, #tpu.memory_space<vmem>>[vector<16xi32>], vector<16xf32>,
        tpu.vector_store_idx %arg8[%add3A_2013], %gather3A_2012 : memref<16384xf32, #tpu.memory_space<vmem>>[vector<16xi32>], vector<16xf32>,
        tpu.vector_store_idx %arg8[%add3A_2015], %gather3A_2014 : memref<16384xf32, #tpu.memory_space<vmem>>[vector<16xi32>], vector<16xf32>,
        tpu.vector_store_idx %arg8[%add3A_2021], %gather3A_2020 : memref<16384xf32, #tpu.memory_space<vmem>>[vector<16xi32>], vector<16xf32>,
        tpu.vector_store_idx %arg8[%add3A_2023], %gather3A_2022 : memref<16384xf32, #tpu.memory_space<vmem>>[vector<16xi32>], vector<16xf32>,
        tpu.vector_store_idx %arg8[%add3A_2025], %gather3A_2024 : memref<16384xf32, #tpu.memory_space<vmem>>[vector<16xi32>], vector<16xf32>,
        tpu.vector_store_idx %arg8[%add3A_2027], %gather3A_2026 : memref<16384xf32, #tpu.memory_space<vmem>>[vector<16xi32>], vector<16xf32>,
      }
      %scan3A_1423 = arith.constant 16 : i32
      %add3A_1424 = arith.addi %mul3A_2, %add3A_1408 : i32
      %jit3A_1425 = arith.constant 16 : i32
      %div3A_1426 = arith.divsi %add3A_1424, %jit3A_1425 : i32
      %sign3A_1427 = arith.constant 0 : i32
      %sign3A_1428 = arith.cmpi sgt, %add3A_1424, %sign3A_1427 : i32
      %sign3A_1429 = arith.extui %sign3A_1428 : i1 to i32
      %sign3A_1430 = arith.constant 0 : i32
      %sign3A_1431 = arith.cmpi slt, %add3A_1424, %sign3A_1430 : i32
      %sign3A_1432 = arith.extui %sign3A_1431 : i1 to i32
      %sign3A_1433 = arith.subi %sign3A_1429, %sign3A_1432 : i32
      %sign3A_1434 = arith.constant 0 : i32
      %sign3A_1435 = arith.cmpi sgt, %jit3A_1425, %sign3A_1434 : i32
      %sign3A_1436 = arith.extui %sign3A_1435 : i1 to i32
      %sign3A_1437 = arith.constant 0 : i32
      %sign3A_1438 = arith.cmpi slt, %jit3A_1425, %sign3A_1437 : i32
      %sign3A_1439 = arith.extui %sign3A_1438 : i1 to i32
      %sign3A_1440 = arith.subi %sign3A_1436, %sign3A_1439 : i32
      %ne3A_1441 = arith.cmpi ne, %sign3A_1433, %sign3A_1440 : i32
      %rem3A_1442 = arith.remsi %add3A_1424, %jit3A_1425 : i32
      %ne3A_1443 = arith.constant 0 : i32
      %ne3A_1444 = arith.cmpi ne, %rem3A_1442, %ne3A_1443 : i32
      %and3A_1445 = arith.andi %ne3A_1441, %ne3A_1444 : i1
      %sub3A_1446 = arith.constant 1 : i32
      %sub3A_1447 = arith.subi %div3A_1426, %sub3A_1446 : i32
      %select_n3A_1448 = arith.select %and3A_1445, %sub3A_1447, %div3A_1426 : i32
      %mul3A_1449 = arith.constant 16 : i32
      %mul3A_1450 = arith.muli %select_n3A_1448, %mul3A_1449 : i32
      %sub3A_1451 = arith.subi %add3A_1424, %mul3A_1450 : i32
      %mul3A_1452 = arith.constant 8 : i32
      %mul3A_1453 = arith.muli %select_n3A_1448, %mul3A_1452 : i32
      %add3A_1454 = arith.constant 0 : i32
      %add3A_1455 = arith.addi %mul3A_1453, %add3A_1454 : i32
      %mul3A_1456 = arith.constant 32 : i32
      %mul3A_1457 = arith.muli %add3A_1455, %mul3A_1456 : i32
      %mul3A_1458 = arith.constant 2 : i32
      %mul3A_1459 = arith.muli %mul3A_1458, %sub3A_1451 : i32
      %add3A_1460 = arith.addi %mul3A_1457, %mul3A_1459 : i32
      %mul3A_1461 = arith.constant 1024 : i32
      %mul3A_1462 = arith.muli %add3A_1460, %mul3A_1461 : i32
      %dma_start3A_1463 = arith.constant 0 : i32
      %dma_start3A_1464 = tpu.memref_slice %arg8[%dma_start3A_1463] : memref<16384xf32, #tpu.memory_space<vmem>> -> memref<2048xf32, #tpu.memory_space<vmem>>
      %dma_start3A_1465 = tpu.memref_slice %arg4[%mul3A_1462] : memref<52428800xf32, #tpu.memory_space<hbm>> -> memref<2048xf32, #tpu.memory_space<hbm>>
      %dma_start3A_1466 = tpu.memref_slice %arg4[%mul3A_1462] : memref<52428800xf32, #tpu.memory_space<hbm>> -> memref<2048xf32, #tpu.memory_space<hbm>>
      %dma_start3A_1467 = arith.constant 0 : i32
      %dma_start3A_1468 = tpu.memref_slice %arg8[%dma_start3A_1467] : memref<16384xf32, #tpu.memory_space<vmem>> -> memref<2048xf32, #tpu.memory_space<vmem>>
      tpu.enqueue_dma source(%dma_start3A_1468 : memref<2048xf32, #tpu.memory_space<vmem>>) target(%dma_start3A_1466 : memref<2048xf32, #tpu.memory_space<hbm>>) target_semaphore(%arg12 : memref<!tpu.dma_semaphore, #tpu.memory_space<semaphore_mem>>)
      %mul3A_1469 = arith.constant 8 : i32
      %mul3A_1470 = arith.muli %select_n3A_1448, %mul3A_1469 : i32
      %add3A_1471 = arith.constant 1 : i32
      %add3A_1472 = arith.addi %mul3A_1470, %add3A_1471 : i32
      %mul3A_1473 = arith.constant 32 : i32
      %mul3A_1474 = arith.muli %add3A_1472, %mul3A_1473 : i32
      %mul3A_1475 = arith.constant 2 : i32
      %mul3A_1476 = arith.muli %mul3A_1475, %sub3A_1451 : i32
      %add3A_1477 = arith.addi %mul3A_1474, %mul3A_1476 : i32
      %mul3A_1478 = arith.constant 1024 : i32
      %mul3A_1479 = arith.muli %add3A_1477, %mul3A_1478 : i32
      %dma_start3A_1480 = arith.constant 2048 : i32
      %dma_start3A_1481 = tpu.memref_slice %arg8[%dma_start3A_1480] : memref<16384xf32, #tpu.memory_space<vmem>> -> memref<2048xf32, #tpu.memory_space<vmem>>
      %dma_start3A_1482 = tpu.memref_slice %arg4[%mul3A_1479] : memref<52428800xf32, #tpu.memory_space<hbm>> -> memref<2048xf32, #tpu.memory_space<hbm>>
      %dma_start3A_1483 = tpu.memref_slice %arg4[%mul3A_1479] : memref<52428800xf32, #tpu.memory_space<hbm>> -> memref<2048xf32, #tpu.memory_space<hbm>>
      %dma_start3A_1484 = arith.constant 2048 : i32
      %dma_start3A_1485 = tpu.memref_slice %arg8[%dma_start3A_1484] : memref<16384xf32, #tpu.memory_space<vmem>> -> memref<2048xf32, #tpu.memory_space<vmem>>
      tpu.enqueue_dma source(%dma_start3A_1485 : memref<2048xf32, #tpu.memory_space<vmem>>) target(%dma_start3A_1483 : memref<2048xf32, #tpu.memory_space<hbm>>) target_semaphore(%arg12 : memref<!tpu.dma_semaphore, #tpu.memory_space<semaphore_mem>>)
      %mul3A_1486 = arith.constant 8 : i32
      %mul3A_1487 = arith.muli %select_n3A_1448, %mul3A_1486 : i32
      %add3A_1488 = arith.constant 2 : i32
      %add3A_1489 = arith.addi %mul3A_1487, %add3A_1488 : i32
      %mul3A_1490 = arith.constant 32 : i32
      %mul3A_1491 = arith.muli %add3A_1489, %mul3A_1490 : i32
      %mul3A_1492 = arith.constant 2 : i32
      %mul3A_1493 = arith.muli %mul3A_1492, %sub3A_1451 : i32
      %add3A_1494 = arith.addi %mul3A_1491, %mul3A_1493 : i32
      %mul3A_1495 = arith.constant 1024 : i32
      %mul3A_1496 = arith.muli %add3A_1494, %mul3A_1495 : i32
      %dma_start3A_1497 = arith.constant 4096 : i32
      %dma_start3A_1498 = tpu.memref_slice %arg8[%dma_start3A_1497] : memref<16384xf32, #tpu.memory_space<vmem>> -> memref<2048xf32, #tpu.memory_space<vmem>>
      %dma_start3A_1499 = tpu.memref_slice %arg4[%mul3A_1496] : memref<52428800xf32, #tpu.memory_space<hbm>> -> memref<2048xf32, #tpu.memory_space<hbm>>
      %dma_start3A_1500 = tpu.memref_slice %arg4[%mul3A_1496] : memref<52428800xf32, #tpu.memory_space<hbm>> -> memref<2048xf32, #tpu.memory_space<hbm>>
      %dma_start3A_1501 = arith.constant 4096 : i32
      %dma_start3A_1502 = tpu.memref_slice %arg8[%dma_start3A_1501] : memref<16384xf32, #tpu.memory_space<vmem>> -> memref<2048xf32, #tpu.memory_space<vmem>>
      tpu.enqueue_dma source(%dma_start3A_1502 : memref<2048xf32, #tpu.memory_space<vmem>>) target(%dma_start3A_1500 : memref<2048xf32, #tpu.memory_space<hbm>>) target_semaphore(%arg12 : memref<!tpu.dma_semaphore, #tpu.memory_space<semaphore_mem>>)
      %mul3A_1503 = arith.constant 8 : i32
      %mul3A_1504 = arith.muli %select_n3A_1448, %mul3A_1503 : i32
      %add3A_1505 = arith.constant 3 : i32
      %add3A_1506 = arith.addi %mul3A_1504, %add3A_1505 : i32
      %mul3A_1507 = arith.constant 32 : i32
      %mul3A_1508 = arith.muli %add3A_1506, %mul3A_1507 : i32
      %mul3A_1509 = arith.constant 2 : i32
      %mul3A_1510 = arith.muli %mul3A_1509, %sub3A_1451 : i32
      %add3A_1511 = arith.addi %mul3A_1508, %mul3A_1510 : i32
      %mul3A_1512 = arith.constant 1024 : i32
      %mul3A_1513 = arith.muli %add3A_1511, %mul3A_1512 : i32
      %dma_start3A_1514 = arith.constant 6144 : i32
      %dma_start3A_1515 = tpu.memref_slice %arg8[%dma_start3A_1514] : memref<16384xf32, #tpu.memory_space<vmem>> -> memref<2048xf32, #tpu.memory_space<vmem>>
      %dma_start3A_1516 = tpu.memref_slice %arg4[%mul3A_1513] : memref<52428800xf32, #tpu.memory_space<hbm>> -> memref<2048xf32, #tpu.memory_space<hbm>>
      %dma_start3A_1517 = tpu.memref_slice %arg4[%mul3A_1513] : memref<52428800xf32, #tpu.memory_space<hbm>> -> memref<2048xf32, #tpu.memory_space<hbm>>
      %dma_start3A_1518 = arith.constant 6144 : i32
      %dma_start3A_1519 = tpu.memref_slice %arg8[%dma_start3A_1518] : memref<16384xf32, #tpu.memory_space<vmem>> -> memref<2048xf32, #tpu.memory_space<vmem>>
      tpu.enqueue_dma source(%dma_start3A_1519 : memref<2048xf32, #tpu.memory_space<vmem>>) target(%dma_start3A_1517 : memref<2048xf32, #tpu.memory_space<hbm>>) target_semaphore(%arg12 : memref<!tpu.dma_semaphore, #tpu.memory_space<semaphore_mem>>)
      %mul3A_1520 = arith.constant 8 : i32
      %mul3A_1521 = arith.muli %select_n3A_1448, %mul3A_1520 : i32
      %add3A_1522 = arith.constant 4 : i32
      %add3A_1523 = arith.addi %mul3A_1521, %add3A_1522 : i32
      %mul3A_1524 = arith.constant 32 : i32
      %mul3A_1525 = arith.muli %add3A_1523, %mul3A_1524 : i32
      %mul3A_1526 = arith.constant 2 : i32
      %mul3A_1527 = arith.muli %mul3A_1526, %sub3A_1451 : i32
      %add3A_1528 = arith.addi %mul3A_1525, %mul3A_1527 : i32
      %mul3A_1529 = arith.constant 1024 : i32
      %mul3A_1530 = arith.muli %add3A_1528, %mul3A_1529 : i32
      %dma_start3A_1531 = arith.constant 8192 : i32
      %dma_start3A_1532 = tpu.memref_slice %arg8[%dma_start3A_1531] : memref<16384xf32, #tpu.memory_space<vmem>> -> memref<2048xf32, #tpu.memory_space<vmem>>
      %dma_start3A_1533 = tpu.memref_slice %arg4[%mul3A_1530] : memref<52428800xf32, #tpu.memory_space<hbm>> -> memref<2048xf32, #tpu.memory_space<hbm>>
      %dma_start3A_1534 = tpu.memref_slice %arg4[%mul3A_1530] : memref<52428800xf32, #tpu.memory_space<hbm>> -> memref<2048xf32, #tpu.memory_space<hbm>>
      %dma_start3A_1535 = arith.constant 8192 : i32
      %dma_start3A_1536 = tpu.memref_slice %arg8[%dma_start3A_1535] : memref<16384xf32, #tpu.memory_space<vmem>> -> memref<2048xf32, #tpu.memory_space<vmem>>
      tpu.enqueue_dma source(%dma_start3A_1536 : memref<2048xf32, #tpu.memory_space<vmem>>) target(%dma_start3A_1534 : memref<2048xf32, #tpu.memory_space<hbm>>) target_semaphore(%arg12 : memref<!tpu.dma_semaphore, #tpu.memory_space<semaphore_mem>>)
      %mul3A_1537 = arith.constant 8 : i32
      %mul3A_1538 = arith.muli %select_n3A_1448, %mul3A_1537 : i32
      %add3A_1539 = arith.constant 5 : i32
      %add3A_1540 = arith.addi %mul3A_1538, %add3A_1539 : i32
      %mul3A_1541 = arith.constant 32 : i32
      %mul3A_1542 = arith.muli %add3A_1540, %mul3A_1541 : i32
      %mul3A_1543 = arith.constant 2 : i32
      %mul3A_1544 = arith.muli %mul3A_1543, %sub3A_1451 : i32
      %add3A_1545 = arith.addi %mul3A_1542, %mul3A_1544 : i32
      %mul3A_1546 = arith.constant 1024 : i32
      %mul3A_1547 = arith.muli %add3A_1545, %mul3A_1546 : i32
      %dma_start3A_1548 = arith.constant 10240 : i32
      %dma_start3A_1549 = tpu.memref_slice %arg8[%dma_start3A_1548] : memref<16384xf32, #tpu.memory_space<vmem>> -> memref<2048xf32, #tpu.memory_space<vmem>>
      %dma_start3A_1550 = tpu.memref_slice %arg4[%mul3A_1547] : memref<52428800xf32, #tpu.memory_space<hbm>> -> memref<2048xf32, #tpu.memory_space<hbm>>
      %dma_start3A_1551 = tpu.memref_slice %arg4[%mul3A_1547] : memref<52428800xf32, #tpu.memory_space<hbm>> -> memref<2048xf32, #tpu.memory_space<hbm>>
      %dma_start3A_1552 = arith.constant 10240 : i32
      %dma_start3A_1553 = tpu.memref_slice %arg8[%dma_start3A_1552] : memref<16384xf32, #tpu.memory_space<vmem>> -> memref<2048xf32, #tpu.memory_space<vmem>>
      tpu.enqueue_dma source(%dma_start3A_1553 : memref<2048xf32, #tpu.memory_space<vmem>>) target(%dma_start3A_1551 : memref<2048xf32, #tpu.memory_space<hbm>>) target_semaphore(%arg12 : memref<!tpu.dma_semaphore, #tpu.memory_space<semaphore_mem>>)
      %mul3A_1554 = arith.constant 8 : i32
      %mul3A_1555 = arith.muli %select_n3A_1448, %mul3A_1554 : i32
      %add3A_1556 = arith.constant 6 : i32
      %add3A_1557 = arith.addi %mul3A_1555, %add3A_1556 : i32
      %mul3A_1558 = arith.constant 32 : i32
      %mul3A_1559 = arith.muli %add3A_1557, %mul3A_1558 : i32
      %mul3A_1560 = arith.constant 2 : i32
      %mul3A_1561 = arith.muli %mul3A_1560, %sub3A_1451 : i32
      %add3A_1562 = arith.addi %mul3A_1559, %mul3A_1561 : i32
      %mul3A_1563 = arith.constant 1024 : i32
      %mul3A_1564 = arith.muli %add3A_1562, %mul3A_1563 : i32
      %dma_start3A_1565 = arith.constant 12288 : i32
      %dma_start3A_1566 = tpu.memref_slice %arg8[%dma_start3A_1565] : memref<16384xf32, #tpu.memory_space<vmem>> -> memref<2048xf32, #tpu.memory_space<vmem>>
      %dma_start3A_1567 = tpu.memref_slice %arg4[%mul3A_1564] : memref<52428800xf32, #tpu.memory_space<hbm>> -> memref<2048xf32, #tpu.memory_space<hbm>>
      %dma_start3A_1568 = tpu.memref_slice %arg4[%mul3A_1564] : memref<52428800xf32, #tpu.memory_space<hbm>> -> memref<2048xf32, #tpu.memory_space<hbm>>
      %dma_start3A_1569 = arith.constant 12288 : i32
      %dma_start3A_1570 = tpu.memref_slice %arg8[%dma_start3A_1569] : memref<16384xf32, #tpu.memory_space<vmem>> -> memref<2048xf32, #tpu.memory_space<vmem>>
      tpu.enqueue_dma source(%dma_start3A_1570 : memref<2048xf32, #tpu.memory_space<vmem>>) target(%dma_start3A_1568 : memref<2048xf32, #tpu.memory_space<hbm>>) target_semaphore(%arg12 : memref<!tpu.dma_semaphore, #tpu.memory_space<semaphore_mem>>)
      %mul3A_1571 = arith.constant 8 : i32
      %mul3A_1572 = arith.muli %select_n3A_1448, %mul3A_1571 : i32
      %add3A_1573 = arith.constant 7 : i32
      %add3A_1574 = arith.addi %mul3A_1572, %add3A_1573 : i32
      %mul3A_1575 = arith.constant 32 : i32
      %mul3A_1576 = arith.muli %add3A_1574, %mul3A_1575 : i32
      %mul3A_1577 = arith.constant 2 : i32
      %mul3A_1578 = arith.muli %mul3A_1577, %sub3A_1451 : i32
      %add3A_1579 = arith.addi %mul3A_1576, %mul3A_1578 : i32
      %mul3A_1580 = arith.constant 1024 : i32
      %mul3A_1581 = arith.muli %add3A_1579, %mul3A_1580 : i32
      %dma_start3A_1582 = arith.constant 14336 : i32
      %dma_start3A_1583 = tpu.memref_slice %arg8[%dma_start3A_1582] : memref<16384xf32, #tpu.memory_space<vmem>> -> memref<2048xf32, #tpu.memory_space<vmem>>
      %dma_start3A_1584 = tpu.memref_slice %arg4[%mul3A_1581] : memref<52428800xf32, #tpu.memory_space<hbm>> -> memref<2048xf32, #tpu.memory_space<hbm>>
      %dma_start3A_1585 = tpu.memref_slice %arg4[%mul3A_1581] : memref<52428800xf32, #tpu.memory_space<hbm>> -> memref<2048xf32, #tpu.memory_space<hbm>>
      %dma_start3A_1586 = arith.constant 14336 : i32
      %dma_start3A_1587 = tpu.memref_slice %arg8[%dma_start3A_1586] : memref<16384xf32, #tpu.memory_space<vmem>> -> memref<2048xf32, #tpu.memory_space<vmem>>
      tpu.enqueue_dma source(%dma_start3A_1587 : memref<2048xf32, #tpu.memory_space<vmem>>) target(%dma_start3A_1585 : memref<2048xf32, #tpu.memory_space<hbm>>) target_semaphore(%arg12 : memref<!tpu.dma_semaphore, #tpu.memory_space<semaphore_mem>>)
      %add3A_1588 = arith.constant 2 : i32
      %add3A_1589 = arith.addi %add3A_1408, %add3A_1588 : i32
      %mul3A_1590 = arith.constant 256 : i32
      %mul3A_1591 = arith.muli %add3A_1589, %mul3A_1590 : i32
      %dma_start3A_1592 = tpu.memref_slice %arg5[%mul3A_1591] : memref<25600xi32, #tpu.memory_space<vmem>> -> memref<256xi32, #tpu.memory_space<vmem>>
      %dma_start3A_1593 = arith.constant 0 : i32
      %dma_start3A_1594 = arith.constant 0 : i32
      %dma_start3A_1595 = tpu.memref_slice %arg3[%dma_start3A_1593, %dma_start3A_1594] : memref<1000000x128xf32, #tpu.memory_space<hbm>> -> memref<1000000x128xf32, #tpu.memory_space<hbm>>
      tpu.enqueue_indirect_dma source(%dma_start3A_1595 : memref<1000000x128xf32, #tpu.memory_space<hbm>>) target(%arg6 : memref<256x128xf32, #tpu.memory_space<vmem>>) offsets(%dma_start3A_1592 : memref<256xi32, #tpu.memory_space<vmem>>) semaphore(%arg10 : memref<!tpu.dma_semaphore, #tpu.memory_space<semaphore_mem>>)
      %mul3A_1596 = arith.constant 2 : i32
      %mul3A_1597 = arith.muli %mul3A_1596, %scan3A_1402 : i32
      %add3A_1598 = arith.constant 2 : i32
      %add3A_1599 = arith.addi %add3A_1598, %mul3A_1597 : i32
      %add3A_1600 = arith.constant 1 : i32
      %add3A_1601 = arith.addi %add3A_1599, %add3A_1600 : i32
      %dma_wait3A_1602 = arith.constant 0 : i32
      %dma_wait3A_1603 = tpu.memref_slice %arg5[%dma_wait3A_1602] : memref<25600xi32, #tpu.memory_space<vmem>> -> memref<256xi32, #tpu.memory_space<vmem>>
      %dma_wait3A_1604 = arith.constant 0 : i32
      %dma_wait3A_1605 = arith.constant 0 : i32
      %dma_wait3A_1606 = tpu.memref_slice %arg3[%dma_wait3A_1604, %dma_wait3A_1605] : memref<1000000x128xf32, #tpu.memory_space<hbm>> -> memref<1000000x128xf32, #tpu.memory_space<hbm>>
      tpu.wait_indirect_dma semaphore(%arg11 : memref<!tpu.dma_semaphore, #tpu.memory_space<semaphore_mem>>) src(%dma_wait3A_1606 : memref<1000000x128xf32, #tpu.memory_space<hbm>>) dst(%arg7 : memref<256x128xf32, #tpu.memory_space<vmem>>)
      %dma_wait3A_1607 = arith.constant 0 : i32
      %dma_wait3A_1608 = tpu.memref_slice %arg4[%dma_wait3A_1607] : memref<52428800xf32, #tpu.memory_space<hbm>> -> memref<16384xf32, #tpu.memory_space<hbm>>
      %dma_wait3A_1609 = arith.constant 0 : i32
      %dma_wait3A_1610 = tpu.memref_slice %arg4[%dma_wait3A_1609] : memref<52428800xf32, #tpu.memory_space<hbm>> -> memref<16384xf32, #tpu.memory_space<hbm>>
      tpu.wait_dma2 semaphore(%arg13 : memref<!tpu.dma_semaphore, #tpu.memory_space<semaphore_mem>>) src(%arg9 : memref<16384xf32, #tpu.memory_space<vmem>>) dst(%dma_wait3A_1610 : memref<16384xf32, #tpu.memory_space<hbm>>)
      %scan3A_1611 = arith.constant 0 : i32
      %scan3A_1612 = arith.constant 0 : i32
      %scan3A_1613 = arith.constant 16 : i32
      %scan3A_1614 = arith.addi %scan3A_1612, %scan3A_1613 : i32
      %scan3A_1615 = arith.constant 1 : i32
      scf.for %scan3A_1789 = %scan3A_1612 to %scan3A_1614 step %scan3A_1615  : i32 {
        %mul3A_1790 = arith.constant 16 : i32
        %mul3A_1791 = arith.muli %scan3A_1789, %mul3A_1790 : i32
        %jit3A_1792 = arith.constant 8 : i32
        %div3A_1793 = arith.divsi %scan3A_1789, %jit3A_1792 : i32
        %sign3A_1794 = arith.constant 0 : i32
        %sign3A_1795 = arith.cmpi sgt, %scan3A_1789, %sign3A_1794 : i32
        %sign3A_1796 = arith.extui %sign3A_1795 : i1 to i32
        %sign3A_1797 = arith.constant 0 : i32
        %sign3A_1798 = arith.cmpi slt, %scan3A_1789, %sign3A_1797 : i32
        %sign3A_1799 = arith.extui %sign3A_1798 : i1 to i32
        %sign3A_1800 = arith.subi %sign3A_1796, %sign3A_1799 : i32
        %sign3A_1801 = arith.constant 0 : i32
        %sign3A_1802 = arith.cmpi sgt, %jit3A_1792, %sign3A_1801 : i32
        %sign3A_1803 = arith.extui %sign3A_1802 : i1 to i32
        %sign3A_1804 = arith.constant 0 : i32
        %sign3A_1805 = arith.cmpi slt, %jit3A_1792, %sign3A_1804 : i32
        %sign3A_1806 = arith.extui %sign3A_1805 : i1 to i32
        %sign3A_1807 = arith.subi %sign3A_1803, %sign3A_1806 : i32
        %ne3A_1808 = arith.cmpi ne, %sign3A_1800, %sign3A_1807 : i32
        %rem3A_1809 = arith.remsi %scan3A_1789, %jit3A_1792 : i32
        %ne3A_1810 = arith.constant 0 : i32
        %ne3A_1811 = arith.cmpi ne, %rem3A_1809, %ne3A_1810 : i32
        %and3A_1812 = arith.andi %ne3A_1808, %ne3A_1811 : i1
        %sub3A_1813 = arith.constant 1 : i32
        %sub3A_1814 = arith.subi %div3A_1793, %sub3A_1813 : i32
        %select_n3A_1815 = arith.select %and3A_1812, %sub3A_1814, %div3A_1793 : i32
        %mul3A_1816 = arith.constant 1024 : i32
        %mul3A_1817 = arith.muli %select_n3A_1815, %mul3A_1816 : i32
        %jit3A_1818 = arith.constant 8 : i32
        %eq3A_1819 = arith.constant 0 : i32
        %eq3A_1820 = arith.cmpi eq, %jit3A_1818, %eq3A_1819 : i32
        %jit3A_1821 = arith.constant 1 : i32
        %select_n3A_1822 = arith.select %eq3A_1820, %jit3A_1821, %jit3A_1818 : i32
        %rem3A_1823 = arith.remsi %scan3A_1789, %select_n3A_1822 : i32
        %ne3A_1824 = arith.constant 0 : i32
        %ne3A_1825 = arith.cmpi ne, %rem3A_1823, %ne3A_1824 : i32
        %lt3A_1826 = arith.constant 0 : i32
        %lt3A_1827 = arith.cmpi slt, %rem3A_1823, %lt3A_1826 : i32
        %lt3A_1828 = arith.constant 0 : i32
        %lt3A_1829 = arith.cmpi slt, %select_n3A_1822, %lt3A_1828 : i32
        %ne3A_1830 = arith.xori %lt3A_1827, %lt3A_1829 : i1
        %and3A_1831 = arith.andi %ne3A_1830, %ne3A_1825 : i1
        %add3A_1832 = arith.addi %rem3A_1823, %select_n3A_1822 : i32
        %select_n3A_1833 = arith.select %and3A_1831, %add3A_1832, %rem3A_1823 : i32
        %mul3A_1834 = arith.constant 16 : i32
        %mul3A_1835 = arith.muli %select_n3A_1833, %mul3A_1834 : i32
        %add3A_1836 = arith.addi %mul3A_1817, %mul3A_1835 : i32
        %add3A_1837 = vector.broadcast %mul3A_1791 : i32 to vector<16xi32>
        %add3A_1838 = arith.addi %select_n3A_22, %add3A_1837 : vector<16xi32>
        %add3A_1839 = vector.broadcast %add3A_1836 : i32 to vector<16xi32>
        %add3A_1840 = arith.addi %select_n3A_22, %add3A_1839 : vector<16xi32>
        %gather3A = tpu.vector_load_idx %arg7[%add3A_1838, %add3A_400] : memref<256x128xf32, #tpu.memory_space<vmem>>[vector<16xi32>, vector<16xi32>], vector<16xf32>,
        %add3A_1841 = arith.addi %add3A_469, %add3A_1840 : vector<16xi32>
        %gather3A_1842 = tpu.vector_load_idx %arg7[%add3A_1838, %add3A_403] : memref<256x128xf32, #tpu.memory_space<vmem>>[vector<16xi32>, vector<16xi32>], vector<16xf32>,
        %add3A_1843 = arith.addi %add3A_532, %add3A_1840 : vector<16xi32>
        %gather3A_1844 = tpu.vector_load_idx %arg7[%add3A_1838, %add3A_406] : memref<256x128xf32, #tpu.memory_space<vmem>>[vector<16xi32>, vector<16xi32>], vector<16xf32>,
        %add3A_1845 = arith.addi %add3A_595, %add3A_1840 : vector<16xi32>
        %gather3A_1846 = tpu.vector_load_idx %arg7[%add3A_1838, %add3A_409] : memref<256x128xf32, #tpu.memory_space<vmem>>[vector<16xi32>, vector<16xi32>], vector<16xf32>,
        %add3A_1847 = arith.addi %add3A_658, %add3A_1840 : vector<16xi32>
        %add3A_1848 = vector.broadcast %mul3A_1791 : i32 to vector<16xi32>
        %add3A_1849 = arith.addi %select_n3A_47, %add3A_1848 : vector<16xi32>
        %add3A_1850 = vector.broadcast %add3A_1836 : i32 to vector<16xi32>
        %add3A_1851 = arith.addi %select_n3A_47, %add3A_1850 : vector<16xi32>
        %gather3A_1852 = tpu.vector_load_idx %arg7[%add3A_1849, %add3A_400] : memref<256x128xf32, #tpu.memory_space<vmem>>[vector<16xi32>, vector<16xi32>], vector<16xf32>,
        %add3A_1853 = arith.addi %add3A_469, %add3A_1851 : vector<16xi32>
        %gather3A_1854 = tpu.vector_load_idx %arg7[%add3A_1849, %add3A_403] : memref<256x128xf32, #tpu.memory_space<vmem>>[vector<16xi32>, vector<16xi32>], vector<16xf32>,
        %add3A_1855 = arith.addi %add3A_532, %add3A_1851 : vector<16xi32>
        %gather3A_1856 = tpu.vector_load_idx %arg7[%add3A_1849, %add3A_406] : memref<256x128xf32, #tpu.memory_space<vmem>>[vector<16xi32>, vector<16xi32>], vector<16xf32>,
        %add3A_1857 = arith.addi %add3A_595, %add3A_1851 : vector<16xi32>
        %gather3A_1858 = tpu.vector_load_idx %arg7[%add3A_1849, %add3A_409] : memref<256x128xf32, #tpu.memory_space<vmem>>[vector<16xi32>, vector<16xi32>], vector<16xf32>,
        %add3A_1859 = arith.addi %add3A_658, %add3A_1851 : vector<16xi32>
        tpu.vector_store_idx %arg9[%add3A_1841], %gather3A : memref<16384xf32, #tpu.memory_space<vmem>>[vector<16xi32>], vector<16xf32>,
        tpu.vector_store_idx %arg9[%add3A_1843], %gather3A_1842 : memref<16384xf32, #tpu.memory_space<vmem>>[vector<16xi32>], vector<16xf32>,
        tpu.vector_store_idx %arg9[%add3A_1845], %gather3A_1844 : memref<16384xf32, #tpu.memory_space<vmem>>[vector<16xi32>], vector<16xf32>,
        tpu.vector_store_idx %arg9[%add3A_1847], %gather3A_1846 : memref<16384xf32, #tpu.memory_space<vmem>>[vector<16xi32>], vector<16xf32>,
        tpu.vector_store_idx %arg9[%add3A_1853], %gather3A_1852 : memref<16384xf32, #tpu.memory_space<vmem>>[vector<16xi32>], vector<16xf32>,
        tpu.vector_store_idx %arg9[%add3A_1855], %gather3A_1854 : memref<16384xf32, #tpu.memory_space<vmem>>[vector<16xi32>], vector<16xf32>,
        tpu.vector_store_idx %arg9[%add3A_1857], %gather3A_1856 : memref<16384xf32, #tpu.memory_space<vmem>>[vector<16xi32>], vector<16xf32>,
        tpu.vector_store_idx %arg9[%add3A_1859], %gather3A_1858 : memref<16384xf32, #tpu.memory_space<vmem>>[vector<16xi32>], vector<16xf32>,
        %add3A_1860 = vector.broadcast %mul3A_1791 : i32 to vector<16xi32>
        %add3A_1861 = arith.addi %select_n3A_72, %add3A_1860 : vector<16xi32>
        %add3A_1862 = vector.broadcast %add3A_1836 : i32 to vector<16xi32>
        %add3A_1863 = arith.addi %select_n3A_72, %add3A_1862 : vector<16xi32>
        %gather3A_1864 = tpu.vector_load_idx %arg7[%add3A_1861, %add3A_400] : memref<256x128xf32, #tpu.memory_space<vmem>>[vector<16xi32>, vector<16xi32>], vector<16xf32>,
        %add3A_1865 = arith.addi %add3A_469, %add3A_1863 : vector<16xi32>
        %gather3A_1866 = tpu.vector_load_idx %arg7[%add3A_1861, %add3A_403] : memref<256x128xf32, #tpu.memory_space<vmem>>[vector<16xi32>, vector<16xi32>], vector<16xf32>,
        %add3A_1867 = arith.addi %add3A_532, %add3A_1863 : vector<16xi32>
        %gather3A_1868 = tpu.vector_load_idx %arg7[%add3A_1861, %add3A_406] : memref<256x128xf32, #tpu.memory_space<vmem>>[vector<16xi32>, vector<16xi32>], vector<16xf32>,
        %add3A_1869 = arith.addi %add3A_595, %add3A_1863 : vector<16xi32>
        %gather3A_1870 = tpu.vector_load_idx %arg7[%add3A_1861, %add3A_409] : memref<256x128xf32, #tpu.memory_space<vmem>>[vector<16xi32>, vector<16xi32>], vector<16xf32>,
        %add3A_1871 = arith.addi %add3A_658, %add3A_1863 : vector<16xi32>
        %add3A_1872 = vector.broadcast %mul3A_1791 : i32 to vector<16xi32>
        %add3A_1873 = arith.addi %select_n3A_97, %add3A_1872 : vector<16xi32>
        %add3A_1874 = vector.broadcast %add3A_1836 : i32 to vector<16xi32>
        %add3A_1875 = arith.addi %select_n3A_97, %add3A_1874 : vector<16xi32>
        %gather3A_1876 = tpu.vector_load_idx %arg7[%add3A_1873, %add3A_400] : memref<256x128xf32, #tpu.memory_space<vmem>>[vector<16xi32>, vector<16xi32>], vector<16xf32>,
        %add3A_1877 = arith.addi %add3A_469, %add3A_1875 : vector<16xi32>
        %gather3A_1878 = tpu.vector_load_idx %arg7[%add3A_1873, %add3A_403] : memref<256x128xf32, #tpu.memory_space<vmem>>[vector<16xi32>, vector<16xi32>], vector<16xf32>,
        %add3A_1879 = arith.addi %add3A_532, %add3A_1875 : vector<16xi32>
        %gather3A_1880 = tpu.vector_load_idx %arg7[%add3A_1873, %add3A_406] : memref<256x128xf32, #tpu.memory_space<vmem>>[vector<16xi32>, vector<16xi32>], vector<16xf32>,
        %add3A_1881 = arith.addi %add3A_595, %add3A_1875 : vector<16xi32>
        %gather3A_1882 = tpu.vector_load_idx %arg7[%add3A_1873, %add3A_409] : memref<256x128xf32, #tpu.memory_space<vmem>>[vector<16xi32>, vector<16xi32>], vector<16xf32>,
        %add3A_1883 = arith.addi %add3A_658, %add3A_1875 : vector<16xi32>
        tpu.vector_store_idx %arg9[%add3A_1865], %gather3A_1864 : memref<16384xf32, #tpu.memory_space<vmem>>[vector<16xi32>], vector<16xf32>,
        tpu.vector_store_idx %arg9[%add3A_1867], %gather3A_1866 : memref<16384xf32, #tpu.memory_space<vmem>>[vector<16xi32>], vector<16xf32>,
        tpu.vector_store_idx %arg9[%add3A_1869], %gather3A_1868 : memref<16384xf32, #tpu.memory_space<vmem>>[vector<16xi32>], vector<16xf32>,
        tpu.vector_store_idx %arg9[%add3A_1871], %gather3A_1870 : memref<16384xf32, #tpu.memory_space<vmem>>[vector<16xi32>], vector<16xf32>,
        tpu.vector_store_idx %arg9[%add3A_1877], %gather3A_1876 : memref<16384xf32, #tpu.memory_space<vmem>>[vector<16xi32>], vector<16xf32>,
        tpu.vector_store_idx %arg9[%add3A_1879], %gather3A_1878 : memref<16384xf32, #tpu.memory_space<vmem>>[vector<16xi32>], vector<16xf32>,
        tpu.vector_store_idx %arg9[%add3A_1881], %gather3A_1880 : memref<16384xf32, #tpu.memory_space<vmem>>[vector<16xi32>], vector<16xf32>,
        tpu.vector_store_idx %arg9[%add3A_1883], %gather3A_1882 : memref<16384xf32, #tpu.memory_space<vmem>>[vector<16xi32>], vector<16xf32>,
        %add3A_1884 = vector.broadcast %mul3A_1791 : i32 to vector<16xi32>
        %add3A_1885 = arith.addi %select_n3A_122, %add3A_1884 : vector<16xi32>
        %add3A_1886 = vector.broadcast %add3A_1836 : i32 to vector<16xi32>
        %add3A_1887 = arith.addi %select_n3A_122, %add3A_1886 : vector<16xi32>
        %gather3A_1888 = tpu.vector_load_idx %arg7[%add3A_1885, %add3A_400] : memref<256x128xf32, #tpu.memory_space<vmem>>[vector<16xi32>, vector<16xi32>], vector<16xf32>,
        %add3A_1889 = arith.addi %add3A_469, %add3A_1887 : vector<16xi32>
        %gather3A_1890 = tpu.vector_load_idx %arg7[%add3A_1885, %add3A_403] : memref<256x128xf32, #tpu.memory_space<vmem>>[vector<16xi32>, vector<16xi32>], vector<16xf32>,
        %add3A_1891 = arith.addi %add3A_532, %add3A_1887 : vector<16xi32>
        %gather3A_1892 = tpu.vector_load_idx %arg7[%add3A_1885, %add3A_406] : memref<256x128xf32, #tpu.memory_space<vmem>>[vector<16xi32>, vector<16xi32>], vector<16xf32>,
        %add3A_1893 = arith.addi %add3A_595, %add3A_1887 : vector<16xi32>
        %gather3A_1894 = tpu.vector_load_idx %arg7[%add3A_1885, %add3A_409] : memref<256x128xf32, #tpu.memory_space<vmem>>[vector<16xi32>, vector<16xi32>], vector<16xf32>,
        %add3A_1895 = arith.addi %add3A_658, %add3A_1887 : vector<16xi32>
        %add3A_1896 = vector.broadcast %mul3A_1791 : i32 to vector<16xi32>
        %add3A_1897 = arith.addi %select_n3A_147, %add3A_1896 : vector<16xi32>
        %add3A_1898 = vector.broadcast %add3A_1836 : i32 to vector<16xi32>
        %add3A_1899 = arith.addi %select_n3A_147, %add3A_1898 : vector<16xi32>
        %gather3A_1900 = tpu.vector_load_idx %arg7[%add3A_1897, %add3A_400] : memref<256x128xf32, #tpu.memory_space<vmem>>[vector<16xi32>, vector<16xi32>], vector<16xf32>,
        %add3A_1901 = arith.addi %add3A_469, %add3A_1899 : vector<16xi32>
        %gather3A_1902 = tpu.vector_load_idx %arg7[%add3A_1897, %add3A_403] : memref<256x128xf32, #tpu.memory_space<vmem>>[vector<16xi32>, vector<16xi32>], vector<16xf32>,
        %add3A_1903 = arith.addi %add3A_532, %add3A_1899 : vector<16xi32>
        %gather3A_1904 = tpu.vector_load_idx %arg7[%add3A_1897, %add3A_406] : memref<256x128xf32, #tpu.memory_space<vmem>>[vector<16xi32>, vector<16xi32>], vector<16xf32>,
        %add3A_1905 = arith.addi %add3A_595, %add3A_1899 : vector<16xi32>
        %gather3A_1906 = tpu.vector_load_idx %arg7[%add3A_1897, %add3A_409] : memref<256x128xf32, #tpu.memory_space<vmem>>[vector<16xi32>, vector<16xi32>], vector<16xf32>,
        %add3A_1907 = arith.addi %add3A_658, %add3A_1899 : vector<16xi32>
        tpu.vector_store_idx %arg9[%add3A_1889], %gather3A_1888 : memref<16384xf32, #tpu.memory_space<vmem>>[vector<16xi32>], vector<16xf32>,
        tpu.vector_store_idx %arg9[%add3A_1891], %gather3A_1890 : memref<16384xf32, #tpu.memory_space<vmem>>[vector<16xi32>], vector<16xf32>,
        tpu.vector_store_idx %arg9[%add3A_1893], %gather3A_1892 : memref<16384xf32, #tpu.memory_space<vmem>>[vector<16xi32>], vector<16xf32>,
        tpu.vector_store_idx %arg9[%add3A_1895], %gather3A_1894 : memref<16384xf32, #tpu.memory_space<vmem>>[vector<16xi32>], vector<16xf32>,
        tpu.vector_store_idx %arg9[%add3A_1901], %gather3A_1900 : memref<16384xf32, #tpu.memory_space<vmem>>[vector<16xi32>], vector<16xf32>,
        tpu.vector_store_idx %arg9[%add3A_1903], %gather3A_1902 : memref<16384xf32, #tpu.memory_space<vmem>>[vector<16xi32>], vector<16xf32>,
        tpu.vector_store_idx %arg9[%add3A_1905], %gather3A_1904 : memref<16384xf32, #tpu.memory_space<vmem>>[vector<16xi32>], vector<16xf32>,
        tpu.vector_store_idx %arg9[%add3A_1907], %gather3A_1906 : memref<16384xf32, #tpu.memory_space<vmem>>[vector<16xi32>], vector<16xf32>,
        %add3A_1908 = vector.broadcast %mul3A_1791 : i32 to vector<16xi32>
        %add3A_1909 = arith.addi %select_n3A_172, %add3A_1908 : vector<16xi32>
        %add3A_1910 = vector.broadcast %add3A_1836 : i32 to vector<16xi32>
        %add3A_1911 = arith.addi %select_n3A_172, %add3A_1910 : vector<16xi32>
        %gather3A_1912 = tpu.vector_load_idx %arg7[%add3A_1909, %add3A_400] : memref<256x128xf32, #tpu.memory_space<vmem>>[vector<16xi32>, vector<16xi32>], vector<16xf32>,
        %add3A_1913 = arith.addi %add3A_469, %add3A_1911 : vector<16xi32>
        %gather3A_1914 = tpu.vector_load_idx %arg7[%add3A_1909, %add3A_403] : memref<256x128xf32, #tpu.memory_space<vmem>>[vector<16xi32>, vector<16xi32>], vector<16xf32>,
        %add3A_1915 = arith.addi %add3A_532, %add3A_1911 : vector<16xi32>
        %gather3A_1916 = tpu.vector_load_idx %arg7[%add3A_1909, %add3A_406] : memref<256x128xf32, #tpu.memory_space<vmem>>[vector<16xi32>, vector<16xi32>], vector<16xf32>,
        %add3A_1917 = arith.addi %add3A_595, %add3A_1911 : vector<16xi32>
        %gather3A_1918 = tpu.vector_load_idx %arg7[%add3A_1909, %add3A_409] : memref<256x128xf32, #tpu.memory_space<vmem>>[vector<16xi32>, vector<16xi32>], vector<16xf32>,
        %add3A_1919 = arith.addi %add3A_658, %add3A_1911 : vector<16xi32>
        %add3A_1920 = vector.broadcast %mul3A_1791 : i32 to vector<16xi32>
        %add3A_1921 = arith.addi %select_n3A_197, %add3A_1920 : vector<16xi32>
        %add3A_1922 = vector.broadcast %add3A_1836 : i32 to vector<16xi32>
        %add3A_1923 = arith.addi %select_n3A_197, %add3A_1922 : vector<16xi32>
        %gather3A_1924 = tpu.vector_load_idx %arg7[%add3A_1921, %add3A_400] : memref<256x128xf32, #tpu.memory_space<vmem>>[vector<16xi32>, vector<16xi32>], vector<16xf32>,
        %add3A_1925 = arith.addi %add3A_469, %add3A_1923 : vector<16xi32>
        %gather3A_1926 = tpu.vector_load_idx %arg7[%add3A_1921, %add3A_403] : memref<256x128xf32, #tpu.memory_space<vmem>>[vector<16xi32>, vector<16xi32>], vector<16xf32>,
        %add3A_1927 = arith.addi %add3A_532, %add3A_1923 : vector<16xi32>
        %gather3A_1928 = tpu.vector_load_idx %arg7[%add3A_1921, %add3A_406] : memref<256x128xf32, #tpu.memory_space<vmem>>[vector<16xi32>, vector<16xi32>], vector<16xf32>,
        %add3A_1929 = arith.addi %add3A_595, %add3A_1923 : vector<16xi32>
        %gather3A_1930 = tpu.vector_load_idx %arg7[%add3A_1921, %add3A_409] : memref<256x128xf32, #tpu.memory_space<vmem>>[vector<16xi32>, vector<16xi32>], vector<16xf32>,
        %add3A_1931 = arith.addi %add3A_658, %add3A_1923 : vector<16xi32>
        tpu.vector_store_idx %arg9[%add3A_1913], %gather3A_1912 : memref<16384xf32, #tpu.memory_space<vmem>>[vector<16xi32>], vector<16xf32>,
        tpu.vector_store_idx %arg9[%add3A_1915], %gather3A_1914 : memref<16384xf32, #tpu.memory_space<vmem>>[vector<16xi32>], vector<16xf32>,
        tpu.vector_store_idx %arg9[%add3A_1917], %gather3A_1916 : memref<16384xf32, #tpu.memory_space<vmem>>[vector<16xi32>], vector<16xf32>,
        tpu.vector_store_idx %arg9[%add3A_1919], %gather3A_1918 : memref<16384xf32, #tpu.memory_space<vmem>>[vector<16xi32>], vector<16xf32>,
        tpu.vector_store_idx %arg9[%add3A_1925], %gather3A_1924 : memref<16384xf32, #tpu.memory_space<vmem>>[vector<16xi32>], vector<16xf32>,
        tpu.vector_store_idx %arg9[%add3A_1927], %gather3A_1926 : memref<16384xf32, #tpu.memory_space<vmem>>[vector<16xi32>], vector<16xf32>,
        tpu.vector_store_idx %arg9[%add3A_1929], %gather3A_1928 : memref<16384xf32, #tpu.memory_space<vmem>>[vector<16xi32>], vector<16xf32>,
        tpu.vector_store_idx %arg9[%add3A_1931], %gather3A_1930 : memref<16384xf32, #tpu.memory_space<vmem>>[vector<16xi32>], vector<16xf32>,
        %add3A_1932 = vector.broadcast %mul3A_1791 : i32 to vector<16xi32>
        %add3A_1933 = arith.addi %select_n3A_222, %add3A_1932 : vector<16xi32>
        %add3A_1934 = vector.broadcast %add3A_1836 : i32 to vector<16xi32>
        %add3A_1935 = arith.addi %select_n3A_222, %add3A_1934 : vector<16xi32>
        %gather3A_1936 = tpu.vector_load_idx %arg7[%add3A_1933, %add3A_400] : memref<256x128xf32, #tpu.memory_space<vmem>>[vector<16xi32>, vector<16xi32>], vector<16xf32>,
        %add3A_1937 = arith.addi %add3A_469, %add3A_1935 : vector<16xi32>
        %gather3A_1938 = tpu.vector_load_idx %arg7[%add3A_1933, %add3A_403] : memref<256x128xf32, #tpu.memory_space<vmem>>[vector<16xi32>, vector<16xi32>], vector<16xf32>,
        %add3A_1939 = arith.addi %add3A_532, %add3A_1935 : vector<16xi32>
        %gather3A_1940 = tpu.vector_load_idx %arg7[%add3A_1933, %add3A_406] : memref<256x128xf32, #tpu.memory_space<vmem>>[vector<16xi32>, vector<16xi32>], vector<16xf32>,
        %add3A_1941 = arith.addi %add3A_595, %add3A_1935 : vector<16xi32>
        %gather3A_1942 = tpu.vector_load_idx %arg7[%add3A_1933, %add3A_409] : memref<256x128xf32, #tpu.memory_space<vmem>>[vector<16xi32>, vector<16xi32>], vector<16xf32>,
        %add3A_1943 = arith.addi %add3A_658, %add3A_1935 : vector<16xi32>
        %add3A_1944 = vector.broadcast %mul3A_1791 : i32 to vector<16xi32>
        %add3A_1945 = arith.addi %select_n3A_247, %add3A_1944 : vector<16xi32>
        %add3A_1946 = vector.broadcast %add3A_1836 : i32 to vector<16xi32>
        %add3A_1947 = arith.addi %select_n3A_247, %add3A_1946 : vector<16xi32>
        %gather3A_1948 = tpu.vector_load_idx %arg7[%add3A_1945, %add3A_400] : memref<256x128xf32, #tpu.memory_space<vmem>>[vector<16xi32>, vector<16xi32>], vector<16xf32>,
        %add3A_1949 = arith.addi %add3A_469, %add3A_1947 : vector<16xi32>
        %gather3A_1950 = tpu.vector_load_idx %arg7[%add3A_1945, %add3A_403] : memref<256x128xf32, #tpu.memory_space<vmem>>[vector<16xi32>, vector<16xi32>], vector<16xf32>,
        %add3A_1951 = arith.addi %add3A_532, %add3A_1947 : vector<16xi32>
        %gather3A_1952 = tpu.vector_load_idx %arg7[%add3A_1945, %add3A_406] : memref<256x128xf32, #tpu.memory_space<vmem>>[vector<16xi32>, vector<16xi32>], vector<16xf32>,
        %add3A_1953 = arith.addi %add3A_595, %add3A_1947 : vector<16xi32>
        %gather3A_1954 = tpu.vector_load_idx %arg7[%add3A_1945, %add3A_409] : memref<256x128xf32, #tpu.memory_space<vmem>>[vector<16xi32>, vector<16xi32>], vector<16xf32>,
        %add3A_1955 = arith.addi %add3A_658, %add3A_1947 : vector<16xi32>
        tpu.vector_store_idx %arg9[%add3A_1937], %gather3A_1936 : memref<16384xf32, #tpu.memory_space<vmem>>[vector<16xi32>], vector<16xf32>,
        tpu.vector_store_idx %arg9[%add3A_1939], %gather3A_1938 : memref<16384xf32, #tpu.memory_space<vmem>>[vector<16xi32>], vector<16xf32>,
        tpu.vector_store_idx %arg9[%add3A_1941], %gather3A_1940 : memref<16384xf32, #tpu.memory_space<vmem>>[vector<16xi32>], vector<16xf32>,
        tpu.vector_store_idx %arg9[%add3A_1943], %gather3A_1942 : memref<16384xf32, #tpu.memory_space<vmem>>[vector<16xi32>], vector<16xf32>,
        tpu.vector_store_idx %arg9[%add3A_1949], %gather3A_1948 : memref<16384xf32, #tpu.memory_space<vmem>>[vector<16xi32>], vector<16xf32>,
        tpu.vector_store_idx %arg9[%add3A_1951], %gather3A_1950 : memref<16384xf32, #tpu.memory_space<vmem>>[vector<16xi32>], vector<16xf32>,
        tpu.vector_store_idx %arg9[%add3A_1953], %gather3A_1952 : memref<16384xf32, #tpu.memory_space<vmem>>[vector<16xi32>], vector<16xf32>,
        tpu.vector_store_idx %arg9[%add3A_1955], %gather3A_1954 : memref<16384xf32, #tpu.memory_space<vmem>>[vector<16xi32>], vector<16xf32>,
        %add3A_1956 = vector.broadcast %mul3A_1791 : i32 to vector<16xi32>
        %add3A_1957 = arith.addi %select_n3A_272, %add3A_1956 : vector<16xi32>
        %add3A_1958 = vector.broadcast %add3A_1836 : i32 to vector<16xi32>
        %add3A_1959 = arith.addi %select_n3A_272, %add3A_1958 : vector<16xi32>
        %gather3A_1960 = tpu.vector_load_idx %arg7[%add3A_1957, %add3A_400] : memref<256x128xf32, #tpu.memory_space<vmem>>[vector<16xi32>, vector<16xi32>], vector<16xf32>,
        %add3A_1961 = arith.addi %add3A_469, %add3A_1959 : vector<16xi32>
        %gather3A_1962 = tpu.vector_load_idx %arg7[%add3A_1957, %add3A_403] : memref<256x128xf32, #tpu.memory_space<vmem>>[vector<16xi32>, vector<16xi32>], vector<16xf32>,
        %add3A_1963 = arith.addi %add3A_532, %add3A_1959 : vector<16xi32>
        %gather3A_1964 = tpu.vector_load_idx %arg7[%add3A_1957, %add3A_406] : memref<256x128xf32, #tpu.memory_space<vmem>>[vector<16xi32>, vector<16xi32>], vector<16xf32>,
        %add3A_1965 = arith.addi %add3A_595, %add3A_1959 : vector<16xi32>
        %gather3A_1966 = tpu.vector_load_idx %arg7[%add3A_1957, %add3A_409] : memref<256x128xf32, #tpu.memory_space<vmem>>[vector<16xi32>, vector<16xi32>], vector<16xf32>,
        %add3A_1967 = arith.addi %add3A_658, %add3A_1959 : vector<16xi32>
        %add3A_1968 = vector.broadcast %mul3A_1791 : i32 to vector<16xi32>
        %add3A_1969 = arith.addi %select_n3A_297, %add3A_1968 : vector<16xi32>
        %add3A_1970 = vector.broadcast %add3A_1836 : i32 to vector<16xi32>
        %add3A_1971 = arith.addi %select_n3A_297, %add3A_1970 : vector<16xi32>
        %gather3A_1972 = tpu.vector_load_idx %arg7[%add3A_1969, %add3A_400] : memref<256x128xf32, #tpu.memory_space<vmem>>[vector<16xi32>, vector<16xi32>], vector<16xf32>,
        %add3A_1973 = arith.addi %add3A_469, %add3A_1971 : vector<16xi32>
        %gather3A_1974 = tpu.vector_load_idx %arg7[%add3A_1969, %add3A_403] : memref<256x128xf32, #tpu.memory_space<vmem>>[vector<16xi32>, vector<16xi32>], vector<16xf32>,
        %add3A_1975 = arith.addi %add3A_532, %add3A_1971 : vector<16xi32>
        %gather3A_1976 = tpu.vector_load_idx %arg7[%add3A_1969, %add3A_406] : memref<256x128xf32, #tpu.memory_space<vmem>>[vector<16xi32>, vector<16xi32>], vector<16xf32>,
        %add3A_1977 = arith.addi %add3A_595, %add3A_1971 : vector<16xi32>
        %gather3A_1978 = tpu.vector_load_idx %arg7[%add3A_1969, %add3A_409] : memref<256x128xf32, #tpu.memory_space<vmem>>[vector<16xi32>, vector<16xi32>], vector<16xf32>,
        %add3A_1979 = arith.addi %add3A_658, %add3A_1971 : vector<16xi32>
        tpu.vector_store_idx %arg9[%add3A_1961], %gather3A_1960 : memref<16384xf32, #tpu.memory_space<vmem>>[vector<16xi32>], vector<16xf32>,
        tpu.vector_store_idx %arg9[%add3A_1963], %gather3A_1962 : memref<16384xf32, #tpu.memory_space<vmem>>[vector<16xi32>], vector<16xf32>,
        tpu.vector_store_idx %arg9[%add3A_1965], %gather3A_1964 : memref<16384xf32, #tpu.memory_space<vmem>>[vector<16xi32>], vector<16xf32>,
        tpu.vector_store_idx %arg9[%add3A_1967], %gather3A_1966 : memref<16384xf32, #tpu.memory_space<vmem>>[vector<16xi32>], vector<16xf32>,
        tpu.vector_store_idx %arg9[%add3A_1973], %gather3A_1972 : memref<16384xf32, #tpu.memory_space<vmem>>[vector<16xi32>], vector<16xf32>,
        tpu.vector_store_idx %arg9[%add3A_1975], %gather3A_1974 : memref<16384xf32, #tpu.memory_space<vmem>>[vector<16xi32>], vector<16xf32>,
        tpu.vector_store_idx %arg9[%add3A_1977], %gather3A_1976 : memref<16384xf32, #tpu.memory_space<vmem>>[vector<16xi32>], vector<16xf32>,
        tpu.vector_store_idx %arg9[%add3A_1979], %gather3A_1978 : memref<16384xf32, #tpu.memory_space<vmem>>[vector<16xi32>], vector<16xf32>,
        %add3A_1980 = vector.broadcast %mul3A_1791 : i32 to vector<16xi32>
        %add3A_1981 = arith.addi %select_n3A_322, %add3A_1980 : vector<16xi32>
        %add3A_1982 = vector.broadcast %add3A_1836 : i32 to vector<16xi32>
        %add3A_1983 = arith.addi %select_n3A_322, %add3A_1982 : vector<16xi32>
        %gather3A_1984 = tpu.vector_load_idx %arg7[%add3A_1981, %add3A_400] : memref<256x128xf32, #tpu.memory_space<vmem>>[vector<16xi32>, vector<16xi32>], vector<16xf32>,
        %add3A_1985 = arith.addi %add3A_469, %add3A_1983 : vector<16xi32>
        %gather3A_1986 = tpu.vector_load_idx %arg7[%add3A_1981, %add3A_403] : memref<256x128xf32, #tpu.memory_space<vmem>>[vector<16xi32>, vector<16xi32>], vector<16xf32>,
        %add3A_1987 = arith.addi %add3A_532, %add3A_1983 : vector<16xi32>
        %gather3A_1988 = tpu.vector_load_idx %arg7[%add3A_1981, %add3A_406] : memref<256x128xf32, #tpu.memory_space<vmem>>[vector<16xi32>, vector<16xi32>], vector<16xf32>,
        %add3A_1989 = arith.addi %add3A_595, %add3A_1983 : vector<16xi32>
        %gather3A_1990 = tpu.vector_load_idx %arg7[%add3A_1981, %add3A_409] : memref<256x128xf32, #tpu.memory_space<vmem>>[vector<16xi32>, vector<16xi32>], vector<16xf32>,
        %add3A_1991 = arith.addi %add3A_658, %add3A_1983 : vector<16xi32>
        %add3A_1992 = vector.broadcast %mul3A_1791 : i32 to vector<16xi32>
        %add3A_1993 = arith.addi %select_n3A_347, %add3A_1992 : vector<16xi32>
        %add3A_1994 = vector.broadcast %add3A_1836 : i32 to vector<16xi32>
        %add3A_1995 = arith.addi %select_n3A_347, %add3A_1994 : vector<16xi32>
        %gather3A_1996 = tpu.vector_load_idx %arg7[%add3A_1993, %add3A_400] : memref<256x128xf32, #tpu.memory_space<vmem>>[vector<16xi32>, vector<16xi32>], vector<16xf32>,
        %add3A_1997 = arith.addi %add3A_469, %add3A_1995 : vector<16xi32>
        %gather3A_1998 = tpu.vector_load_idx %arg7[%add3A_1993, %add3A_403] : memref<256x128xf32, #tpu.memory_space<vmem>>[vector<16xi32>, vector<16xi32>], vector<16xf32>,
        %add3A_1999 = arith.addi %add3A_532, %add3A_1995 : vector<16xi32>
        %gather3A_2000 = tpu.vector_load_idx %arg7[%add3A_1993, %add3A_406] : memref<256x128xf32, #tpu.memory_space<vmem>>[vector<16xi32>, vector<16xi32>], vector<16xf32>,
        %add3A_2001 = arith.addi %add3A_595, %add3A_1995 : vector<16xi32>
        %gather3A_2002 = tpu.vector_load_idx %arg7[%add3A_1993, %add3A_409] : memref<256x128xf32, #tpu.memory_space<vmem>>[vector<16xi32>, vector<16xi32>], vector<16xf32>,
        %add3A_2003 = arith.addi %add3A_658, %add3A_1995 : vector<16xi32>
        tpu.vector_store_idx %arg9[%add3A_1985], %gather3A_1984 : memref<16384xf32, #tpu.memory_space<vmem>>[vector<16xi32>], vector<16xf32>,
        tpu.vector_store_idx %arg9[%add3A_1987], %gather3A_1986 : memref<16384xf32, #tpu.memory_space<vmem>>[vector<16xi32>], vector<16xf32>,
        tpu.vector_store_idx %arg9[%add3A_1989], %gather3A_1988 : memref<16384xf32, #tpu.memory_space<vmem>>[vector<16xi32>], vector<16xf32>,
        tpu.vector_store_idx %arg9[%add3A_1991], %gather3A_1990 : memref<16384xf32, #tpu.memory_space<vmem>>[vector<16xi32>], vector<16xf32>,
        tpu.vector_store_idx %arg9[%add3A_1997], %gather3A_1996 : memref<16384xf32, #tpu.memory_space<vmem>>[vector<16xi32>], vector<16xf32>,
        tpu.vector_store_idx %arg9[%add3A_1999], %gather3A_1998 : memref<16384xf32, #tpu.memory_space<vmem>>[vector<16xi32>], vector<16xf32>,
        tpu.vector_store_idx %arg9[%add3A_2001], %gather3A_2000 : memref<16384xf32, #tpu.memory_space<vmem>>[vector<16xi32>], vector<16xf32>,
        tpu.vector_store_idx %arg9[%add3A_2003], %gather3A_2002 : memref<16384xf32, #tpu.memory_space<vmem>>[vector<16xi32>], vector<16xf32>,
        %add3A_2004 = vector.broadcast %mul3A_1791 : i32 to vector<16xi32>
        %add3A_2005 = arith.addi %select_n3A_372, %add3A_2004 : vector<16xi32>
        %add3A_2006 = vector.broadcast %add3A_1836 : i32 to vector<16xi32>
        %add3A_2007 = arith.addi %select_n3A_372, %add3A_2006 : vector<16xi32>
        %gather3A_2008 = tpu.vector_load_idx %arg7[%add3A_2005, %add3A_400] : memref<256x128xf32, #tpu.memory_space<vmem>>[vector<16xi32>, vector<16xi32>], vector<16xf32>,
        %add3A_2009 = arith.addi %add3A_469, %add3A_2007 : vector<16xi32>
        %gather3A_2010 = tpu.vector_load_idx %arg7[%add3A_2005, %add3A_403] : memref<256x128xf32, #tpu.memory_space<vmem>>[vector<16xi32>, vector<16xi32>], vector<16xf32>,
        %add3A_2011 = arith.addi %add3A_532, %add3A_2007 : vector<16xi32>
        %gather3A_2012 = tpu.vector_load_idx %arg7[%add3A_2005, %add3A_406] : memref<256x128xf32, #tpu.memory_space<vmem>>[vector<16xi32>, vector<16xi32>], vector<16xf32>,
        %add3A_2013 = arith.addi %add3A_595, %add3A_2007 : vector<16xi32>
        %gather3A_2014 = tpu.vector_load_idx %arg7[%add3A_2005, %add3A_409] : memref<256x128xf32, #tpu.memory_space<vmem>>[vector<16xi32>, vector<16xi32>], vector<16xf32>,
        %add3A_2015 = arith.addi %add3A_658, %add3A_2007 : vector<16xi32>
        %add3A_2016 = vector.broadcast %mul3A_1791 : i32 to vector<16xi32>
        %add3A_2017 = arith.addi %select_n3A_397, %add3A_2016 : vector<16xi32>
        %add3A_2018 = vector.broadcast %add3A_1836 : i32 to vector<16xi32>
        %add3A_2019 = arith.addi %select_n3A_397, %add3A_2018 : vector<16xi32>
        %gather3A_2020 = tpu.vector_load_idx %arg7[%add3A_2017, %add3A_400] : memref<256x128xf32, #tpu.memory_space<vmem>>[vector<16xi32>, vector<16xi32>], vector<16xf32>,
        %add3A_2021 = arith.addi %add3A_469, %add3A_2019 : vector<16xi32>
        %gather3A_2022 = tpu.vector_load_idx %arg7[%add3A_2017, %add3A_403] : memref<256x128xf32, #tpu.memory_space<vmem>>[vector<16xi32>, vector<16xi32>], vector<16xf32>,
        %add3A_2023 = arith.addi %add3A_532, %add3A_2019 : vector<16xi32>
        %gather3A_2024 = tpu.vector_load_idx %arg7[%add3A_2017, %add3A_406] : memref<256x128xf32, #tpu.memory_space<vmem>>[vector<16xi32>, vector<16xi32>], vector<16xf32>,
        %add3A_2025 = arith.addi %add3A_595, %add3A_2019 : vector<16xi32>
        %gather3A_2026 = tpu.vector_load_idx %arg7[%add3A_2017, %add3A_409] : memref<256x128xf32, #tpu.memory_space<vmem>>[vector<16xi32>, vector<16xi32>], vector<16xf32>,
        %add3A_2027 = arith.addi %add3A_658, %add3A_2019 : vector<16xi32>
        tpu.vector_store_idx %arg9[%add3A_2009], %gather3A_2008 : memref<16384xf32, #tpu.memory_space<vmem>>[vector<16xi32>], vector<16xf32>,
        tpu.vector_store_idx %arg9[%add3A_2011], %gather3A_2010 : memref<16384xf32, #tpu.memory_space<vmem>>[vector<16xi32>], vector<16xf32>,
        tpu.vector_store_idx %arg9[%add3A_2013], %gather3A_2012 : memref<16384xf32, #tpu.memory_space<vmem>>[vector<16xi32>], vector<16xf32>,
        tpu.vector_store_idx %arg9[%add3A_2015], %gather3A_2014 : memref<16384xf32, #tpu.memory_space<vmem>>[vector<16xi32>], vector<16xf32>,
        tpu.vector_store_idx %arg9[%add3A_2021], %gather3A_2020 : memref<16384xf32, #tpu.memory_space<vmem>>[vector<16xi32>], vector<16xf32>,
        tpu.vector_store_idx %arg9[%add3A_2023], %gather3A_2022 : memref<16384xf32, #tpu.memory_space<vmem>>[vector<16xi32>], vector<16xf32>,
        tpu.vector_store_idx %arg9[%add3A_2025], %gather3A_2024 : memref<16384xf32, #tpu.memory_space<vmem>>[vector<16xi32>], vector<16xf32>,
        tpu.vector_store_idx %arg9[%add3A_2027], %gather3A_2026 : memref<16384xf32, #tpu.memory_space<vmem>>[vector<16xi32>], vector<16xf32>,
      }
      %scan3A_1616 = arith.constant 16 : i32
      %add3A_1617 = arith.addi %mul3A_2, %add3A_1601 : i32
      %jit3A_1618 = arith.constant 16 : i32
      %div3A_1619 = arith.divsi %add3A_1617, %jit3A_1618 : i32
      %sign3A_1620 = arith.constant 0 : i32
      %sign3A_1621 = arith.cmpi sgt, %add3A_1617, %sign3A_1620 : i32
      %sign3A_1622 = arith.extui %sign3A_1621 : i1 to i32
      %sign3A_1623 = arith.constant 0 : i32
      %sign3A_1624 = arith.cmpi slt, %add3A_1617, %sign3A_1623 : i32
      %sign3A_1625 = arith.extui %sign3A_1624 : i1 to i32
      %sign3A_1626 = arith.subi %sign3A_1622, %sign3A_1625 : i32
      %sign3A_1627 = arith.constant 0 : i32
      %sign3A_1628 = arith.cmpi sgt, %jit3A_1618, %sign3A_1627 : i32
      %sign3A_1629 = arith.extui %sign3A_1628 : i1 to i32
      %sign3A_1630 = arith.constant 0 : i32
      %sign3A_1631 = arith.cmpi slt, %jit3A_1618, %sign3A_1630 : i32
      %sign3A_1632 = arith.extui %sign3A_1631 : i1 to i32
      %sign3A_1633 = arith.subi %sign3A_1629, %sign3A_1632 : i32
      %ne3A_1634 = arith.cmpi ne, %sign3A_1626, %sign3A_1633 : i32
      %rem3A_1635 = arith.remsi %add3A_1617, %jit3A_1618 : i32
      %ne3A_1636 = arith.constant 0 : i32
      %ne3A_1637 = arith.cmpi ne, %rem3A_1635, %ne3A_1636 : i32
      %and3A_1638 = arith.andi %ne3A_1634, %ne3A_1637 : i1
      %sub3A_1639 = arith.constant 1 : i32
      %sub3A_1640 = arith.subi %div3A_1619, %sub3A_1639 : i32
      %select_n3A_1641 = arith.select %and3A_1638, %sub3A_1640, %div3A_1619 : i32
      %mul3A_1642 = arith.constant 16 : i32
      %mul3A_1643 = arith.muli %select_n3A_1641, %mul3A_1642 : i32
      %sub3A_1644 = arith.subi %add3A_1617, %mul3A_1643 : i32
      %mul3A_1645 = arith.constant 8 : i32
      %mul3A_1646 = arith.muli %select_n3A_1641, %mul3A_1645 : i32
      %add3A_1647 = arith.constant 0 : i32
      %add3A_1648 = arith.addi %mul3A_1646, %add3A_1647 : i32
      %mul3A_1649 = arith.constant 32 : i32
      %mul3A_1650 = arith.muli %add3A_1648, %mul3A_1649 : i32
      %mul3A_1651 = arith.constant 2 : i32
      %mul3A_1652 = arith.muli %mul3A_1651, %sub3A_1644 : i32
      %add3A_1653 = arith.addi %mul3A_1650, %mul3A_1652 : i32
      %mul3A_1654 = arith.constant 1024 : i32
      %mul3A_1655 = arith.muli %add3A_1653, %mul3A_1654 : i32
      %dma_start3A_1656 = arith.constant 0 : i32
      %dma_start3A_1657 = tpu.memref_slice %arg9[%dma_start3A_1656] : memref<16384xf32, #tpu.memory_space<vmem>> -> memref<2048xf32, #tpu.memory_space<vmem>>
      %dma_start3A_1658 = tpu.memref_slice %arg4[%mul3A_1655] : memref<52428800xf32, #tpu.memory_space<hbm>> -> memref<2048xf32, #tpu.memory_space<hbm>>
      %dma_start3A_1659 = tpu.memref_slice %arg4[%mul3A_1655] : memref<52428800xf32, #tpu.memory_space<hbm>> -> memref<2048xf32, #tpu.memory_space<hbm>>
      %dma_start3A_1660 = arith.constant 0 : i32
      %dma_start3A_1661 = tpu.memref_slice %arg9[%dma_start3A_1660] : memref<16384xf32, #tpu.memory_space<vmem>> -> memref<2048xf32, #tpu.memory_space<vmem>>
      tpu.enqueue_dma source(%dma_start3A_1661 : memref<2048xf32, #tpu.memory_space<vmem>>) target(%dma_start3A_1659 : memref<2048xf32, #tpu.memory_space<hbm>>) target_semaphore(%arg13 : memref<!tpu.dma_semaphore, #tpu.memory_space<semaphore_mem>>)
      %mul3A_1662 = arith.constant 8 : i32
      %mul3A_1663 = arith.muli %select_n3A_1641, %mul3A_1662 : i32
      %add3A_1664 = arith.constant 1 : i32
      %add3A_1665 = arith.addi %mul3A_1663, %add3A_1664 : i32
      %mul3A_1666 = arith.constant 32 : i32
      %mul3A_1667 = arith.muli %add3A_1665, %mul3A_1666 : i32
      %mul3A_1668 = arith.constant 2 : i32
      %mul3A_1669 = arith.muli %mul3A_1668, %sub3A_1644 : i32
      %add3A_1670 = arith.addi %mul3A_1667, %mul3A_1669 : i32
      %mul3A_1671 = arith.constant 1024 : i32
      %mul3A_1672 = arith.muli %add3A_1670, %mul3A_1671 : i32
      %dma_start3A_1673 = arith.constant 2048 : i32
      %dma_start3A_1674 = tpu.memref_slice %arg9[%dma_start3A_1673] : memref<16384xf32, #tpu.memory_space<vmem>> -> memref<2048xf32, #tpu.memory_space<vmem>>
      %dma_start3A_1675 = tpu.memref_slice %arg4[%mul3A_1672] : memref<52428800xf32, #tpu.memory_space<hbm>> -> memref<2048xf32, #tpu.memory_space<hbm>>
      %dma_start3A_1676 = tpu.memref_slice %arg4[%mul3A_1672] : memref<52428800xf32, #tpu.memory_space<hbm>> -> memref<2048xf32, #tpu.memory_space<hbm>>
      %dma_start3A_1677 = arith.constant 2048 : i32
      %dma_start3A_1678 = tpu.memref_slice %arg9[%dma_start3A_1677] : memref<16384xf32, #tpu.memory_space<vmem>> -> memref<2048xf32, #tpu.memory_space<vmem>>
      tpu.enqueue_dma source(%dma_start3A_1678 : memref<2048xf32, #tpu.memory_space<vmem>>) target(%dma_start3A_1676 : memref<2048xf32, #tpu.memory_space<hbm>>) target_semaphore(%arg13 : memref<!tpu.dma_semaphore, #tpu.memory_space<semaphore_mem>>)
      %mul3A_1679 = arith.constant 8 : i32
      %mul3A_1680 = arith.muli %select_n3A_1641, %mul3A_1679 : i32
      %add3A_1681 = arith.constant 2 : i32
      %add3A_1682 = arith.addi %mul3A_1680, %add3A_1681 : i32
      %mul3A_1683 = arith.constant 32 : i32
      %mul3A_1684 = arith.muli %add3A_1682, %mul3A_1683 : i32
      %mul3A_1685 = arith.constant 2 : i32
      %mul3A_1686 = arith.muli %mul3A_1685, %sub3A_1644 : i32
      %add3A_1687 = arith.addi %mul3A_1684, %mul3A_1686 : i32
      %mul3A_1688 = arith.constant 1024 : i32
      %mul3A_1689 = arith.muli %add3A_1687, %mul3A_1688 : i32
      %dma_start3A_1690 = arith.constant 4096 : i32
      %dma_start3A_1691 = tpu.memref_slice %arg9[%dma_start3A_1690] : memref<16384xf32, #tpu.memory_space<vmem>> -> memref<2048xf32, #tpu.memory_space<vmem>>
      %dma_start3A_1692 = tpu.memref_slice %arg4[%mul3A_1689] : memref<52428800xf32, #tpu.memory_space<hbm>> -> memref<2048xf32, #tpu.memory_space<hbm>>
      %dma_start3A_1693 = tpu.memref_slice %arg4[%mul3A_1689] : memref<52428800xf32, #tpu.memory_space<hbm>> -> memref<2048xf32, #tpu.memory_space<hbm>>
      %dma_start3A_1694 = arith.constant 4096 : i32
      %dma_start3A_1695 = tpu.memref_slice %arg9[%dma_start3A_1694] : memref<16384xf32, #tpu.memory_space<vmem>> -> memref<2048xf32, #tpu.memory_space<vmem>>
      tpu.enqueue_dma source(%dma_start3A_1695 : memref<2048xf32, #tpu.memory_space<vmem>>) target(%dma_start3A_1693 : memref<2048xf32, #tpu.memory_space<hbm>>) target_semaphore(%arg13 : memref<!tpu.dma_semaphore, #tpu.memory_space<semaphore_mem>>)
      %mul3A_1696 = arith.constant 8 : i32
      %mul3A_1697 = arith.muli %select_n3A_1641, %mul3A_1696 : i32
      %add3A_1698 = arith.constant 3 : i32
      %add3A_1699 = arith.addi %mul3A_1697, %add3A_1698 : i32
      %mul3A_1700 = arith.constant 32 : i32
      %mul3A_1701 = arith.muli %add3A_1699, %mul3A_1700 : i32
      %mul3A_1702 = arith.constant 2 : i32
      %mul3A_1703 = arith.muli %mul3A_1702, %sub3A_1644 : i32
      %add3A_1704 = arith.addi %mul3A_1701, %mul3A_1703 : i32
      %mul3A_1705 = arith.constant 1024 : i32
      %mul3A_1706 = arith.muli %add3A_1704, %mul3A_1705 : i32
      %dma_start3A_1707 = arith.constant 6144 : i32
      %dma_start3A_1708 = tpu.memref_slice %arg9[%dma_start3A_1707] : memref<16384xf32, #tpu.memory_space<vmem>> -> memref<2048xf32, #tpu.memory_space<vmem>>
      %dma_start3A_1709 = tpu.memref_slice %arg4[%mul3A_1706] : memref<52428800xf32, #tpu.memory_space<hbm>> -> memref<2048xf32, #tpu.memory_space<hbm>>
      %dma_start3A_1710 = tpu.memref_slice %arg4[%mul3A_1706] : memref<52428800xf32, #tpu.memory_space<hbm>> -> memref<2048xf32, #tpu.memory_space<hbm>>
      %dma_start3A_1711 = arith.constant 6144 : i32
      %dma_start3A_1712 = tpu.memref_slice %arg9[%dma_start3A_1711] : memref<16384xf32, #tpu.memory_space<vmem>> -> memref<2048xf32, #tpu.memory_space<vmem>>
      tpu.enqueue_dma source(%dma_start3A_1712 : memref<2048xf32, #tpu.memory_space<vmem>>) target(%dma_start3A_1710 : memref<2048xf32, #tpu.memory_space<hbm>>) target_semaphore(%arg13 : memref<!tpu.dma_semaphore, #tpu.memory_space<semaphore_mem>>)
      %mul3A_1713 = arith.constant 8 : i32
      %mul3A_1714 = arith.muli %select_n3A_1641, %mul3A_1713 : i32
      %add3A_1715 = arith.constant 4 : i32
      %add3A_1716 = arith.addi %mul3A_1714, %add3A_1715 : i32
      %mul3A_1717 = arith.constant 32 : i32
      %mul3A_1718 = arith.muli %add3A_1716, %mul3A_1717 : i32
      %mul3A_1719 = arith.constant 2 : i32
      %mul3A_1720 = arith.muli %mul3A_1719, %sub3A_1644 : i32
      %add3A_1721 = arith.addi %mul3A_1718, %mul3A_1720 : i32
      %mul3A_1722 = arith.constant 1024 : i32
      %mul3A_1723 = arith.muli %add3A_1721, %mul3A_1722 : i32
      %dma_start3A_1724 = arith.constant 8192 : i32
      %dma_start3A_1725 = tpu.memref_slice %arg9[%dma_start3A_1724] : memref<16384xf32, #tpu.memory_space<vmem>> -> memref<2048xf32, #tpu.memory_space<vmem>>
      %dma_start3A_1726 = tpu.memref_slice %arg4[%mul3A_1723] : memref<52428800xf32, #tpu.memory_space<hbm>> -> memref<2048xf32, #tpu.memory_space<hbm>>
      %dma_start3A_1727 = tpu.memref_slice %arg4[%mul3A_1723] : memref<52428800xf32, #tpu.memory_space<hbm>> -> memref<2048xf32, #tpu.memory_space<hbm>>
      %dma_start3A_1728 = arith.constant 8192 : i32
      %dma_start3A_1729 = tpu.memref_slice %arg9[%dma_start3A_1728] : memref<16384xf32, #tpu.memory_space<vmem>> -> memref<2048xf32, #tpu.memory_space<vmem>>
      tpu.enqueue_dma source(%dma_start3A_1729 : memref<2048xf32, #tpu.memory_space<vmem>>) target(%dma_start3A_1727 : memref<2048xf32, #tpu.memory_space<hbm>>) target_semaphore(%arg13 : memref<!tpu.dma_semaphore, #tpu.memory_space<semaphore_mem>>)
      %mul3A_1730 = arith.constant 8 : i32
      %mul3A_1731 = arith.muli %select_n3A_1641, %mul3A_1730 : i32
      %add3A_1732 = arith.constant 5 : i32
      %add3A_1733 = arith.addi %mul3A_1731, %add3A_1732 : i32
      %mul3A_1734 = arith.constant 32 : i32
      %mul3A_1735 = arith.muli %add3A_1733, %mul3A_1734 : i32
      %mul3A_1736 = arith.constant 2 : i32
      %mul3A_1737 = arith.muli %mul3A_1736, %sub3A_1644 : i32
      %add3A_1738 = arith.addi %mul3A_1735, %mul3A_1737 : i32
      %mul3A_1739 = arith.constant 1024 : i32
      %mul3A_1740 = arith.muli %add3A_1738, %mul3A_1739 : i32
      %dma_start3A_1741 = arith.constant 10240 : i32
      %dma_start3A_1742 = tpu.memref_slice %arg9[%dma_start3A_1741] : memref<16384xf32, #tpu.memory_space<vmem>> -> memref<2048xf32, #tpu.memory_space<vmem>>
      %dma_start3A_1743 = tpu.memref_slice %arg4[%mul3A_1740] : memref<52428800xf32, #tpu.memory_space<hbm>> -> memref<2048xf32, #tpu.memory_space<hbm>>
      %dma_start3A_1744 = tpu.memref_slice %arg4[%mul3A_1740] : memref<52428800xf32, #tpu.memory_space<hbm>> -> memref<2048xf32, #tpu.memory_space<hbm>>
      %dma_start3A_1745 = arith.constant 10240 : i32
      %dma_start3A_1746 = tpu.memref_slice %arg9[%dma_start3A_1745] : memref<16384xf32, #tpu.memory_space<vmem>> -> memref<2048xf32, #tpu.memory_space<vmem>>
      tpu.enqueue_dma source(%dma_start3A_1746 : memref<2048xf32, #tpu.memory_space<vmem>>) target(%dma_start3A_1744 : memref<2048xf32, #tpu.memory_space<hbm>>) target_semaphore(%arg13 : memref<!tpu.dma_semaphore, #tpu.memory_space<semaphore_mem>>)
      %mul3A_1747 = arith.constant 8 : i32
      %mul3A_1748 = arith.muli %select_n3A_1641, %mul3A_1747 : i32
      %add3A_1749 = arith.constant 6 : i32
      %add3A_1750 = arith.addi %mul3A_1748, %add3A_1749 : i32
      %mul3A_1751 = arith.constant 32 : i32
      %mul3A_1752 = arith.muli %add3A_1750, %mul3A_1751 : i32
      %mul3A_1753 = arith.constant 2 : i32
      %mul3A_1754 = arith.muli %mul3A_1753, %sub3A_1644 : i32
      %add3A_1755 = arith.addi %mul3A_1752, %mul3A_1754 : i32
      %mul3A_1756 = arith.constant 1024 : i32
      %mul3A_1757 = arith.muli %add3A_1755, %mul3A_1756 : i32
      %dma_start3A_1758 = arith.constant 12288 : i32
      %dma_start3A_1759 = tpu.memref_slice %arg9[%dma_start3A_1758] : memref<16384xf32, #tpu.memory_space<vmem>> -> memref<2048xf32, #tpu.memory_space<vmem>>
      %dma_start3A_1760 = tpu.memref_slice %arg4[%mul3A_1757] : memref<52428800xf32, #tpu.memory_space<hbm>> -> memref<2048xf32, #tpu.memory_space<hbm>>
      %dma_start3A_1761 = tpu.memref_slice %arg4[%mul3A_1757] : memref<52428800xf32, #tpu.memory_space<hbm>> -> memref<2048xf32, #tpu.memory_space<hbm>>
      %dma_start3A_1762 = arith.constant 12288 : i32
      %dma_start3A_1763 = tpu.memref_slice %arg9[%dma_start3A_1762] : memref<16384xf32, #tpu.memory_space<vmem>> -> memref<2048xf32, #tpu.memory_space<vmem>>
      tpu.enqueue_dma source(%dma_start3A_1763 : memref<2048xf32, #tpu.memory_space<vmem>>) target(%dma_start3A_1761 : memref<2048xf32, #tpu.memory_space<hbm>>) target_semaphore(%arg13 : memref<!tpu.dma_semaphore, #tpu.memory_space<semaphore_mem>>)
      %mul3A_1764 = arith.constant 8 : i32
      %mul3A_1765 = arith.muli %select_n3A_1641, %mul3A_1764 : i32
      %add3A_1766 = arith.constant 7 : i32
      %add3A_1767 = arith.addi %mul3A_1765, %add3A_1766 : i32
      %mul3A_1768 = arith.constant 32 : i32
      %mul3A_1769 = arith.muli %add3A_1767, %mul3A_1768 : i32
      %mul3A_1770 = arith.constant 2 : i32
      %mul3A_1771 = arith.muli %mul3A_1770, %sub3A_1644 : i32
      %add3A_1772 = arith.addi %mul3A_1769, %mul3A_1771 : i32
      %mul3A_1773 = arith.constant 1024 : i32
      %mul3A_1774 = arith.muli %add3A_1772, %mul3A_1773 : i32
      %dma_start3A_1775 = arith.constant 14336 : i32
      %dma_start3A_1776 = tpu.memref_slice %arg9[%dma_start3A_1775] : memref<16384xf32, #tpu.memory_space<vmem>> -> memref<2048xf32, #tpu.memory_space<vmem>>
      %dma_start3A_1777 = tpu.memref_slice %arg4[%mul3A_1774] : memref<52428800xf32, #tpu.memory_space<hbm>> -> memref<2048xf32, #tpu.memory_space<hbm>>
      %dma_start3A_1778 = tpu.memref_slice %arg4[%mul3A_1774] : memref<52428800xf32, #tpu.memory_space<hbm>> -> memref<2048xf32, #tpu.memory_space<hbm>>
      %dma_start3A_1779 = arith.constant 14336 : i32
      %dma_start3A_1780 = tpu.memref_slice %arg9[%dma_start3A_1779] : memref<16384xf32, #tpu.memory_space<vmem>> -> memref<2048xf32, #tpu.memory_space<vmem>>
      tpu.enqueue_dma source(%dma_start3A_1780 : memref<2048xf32, #tpu.memory_space<vmem>>) target(%dma_start3A_1778 : memref<2048xf32, #tpu.memory_space<hbm>>) target_semaphore(%arg13 : memref<!tpu.dma_semaphore, #tpu.memory_space<semaphore_mem>>)
      %add3A_1781 = arith.constant 2 : i32
      %add3A_1782 = arith.addi %add3A_1601, %add3A_1781 : i32
      %mul3A_1783 = arith.constant 256 : i32
      %mul3A_1784 = arith.muli %add3A_1782, %mul3A_1783 : i32
      %dma_start3A_1785 = tpu.memref_slice %arg5[%mul3A_1784] : memref<25600xi32, #tpu.memory_space<vmem>> -> memref<256xi32, #tpu.memory_space<vmem>>
      %dma_start3A_1786 = arith.constant 0 : i32
      %dma_start3A_1787 = arith.constant 0 : i32
      %dma_start3A_1788 = tpu.memref_slice %arg3[%dma_start3A_1786, %dma_start3A_1787] : memref<1000000x128xf32, #tpu.memory_space<hbm>> -> memref<1000000x128xf32, #tpu.memory_space<hbm>>
      tpu.enqueue_indirect_dma source(%dma_start3A_1788 : memref<1000000x128xf32, #tpu.memory_space<hbm>>) target(%arg7 : memref<256x128xf32, #tpu.memory_space<vmem>>) offsets(%dma_start3A_1785 : memref<256xi32, #tpu.memory_space<vmem>>) semaphore(%arg11 : memref<!tpu.dma_semaphore, #tpu.memory_space<semaphore_mem>>)
    }
    %scan3A_1033 = arith.constant 48 : i32
    %dma_wait3A_1034 = arith.constant 0 : i32
    %dma_wait3A_1035 = tpu.memref_slice %arg5[%dma_wait3A_1034] : memref<25600xi32, #tpu.memory_space<vmem>> -> memref<256xi32, #tpu.memory_space<vmem>>
    %dma_wait3A_1036 = arith.constant 0 : i32
    %dma_wait3A_1037 = arith.constant 0 : i32
    %dma_wait3A_1038 = tpu.memref_slice %arg3[%dma_wait3A_1036, %dma_wait3A_1037] : memref<1000000x128xf32, #tpu.memory_space<hbm>> -> memref<1000000x128xf32, #tpu.memory_space<hbm>>
    tpu.wait_indirect_dma semaphore(%arg10 : memref<!tpu.dma_semaphore, #tpu.memory_space<semaphore_mem>>) src(%dma_wait3A_1038 : memref<1000000x128xf32, #tpu.memory_space<hbm>>) dst(%arg6 : memref<256x128xf32, #tpu.memory_space<vmem>>)
    %dma_wait3A_1039 = arith.constant 0 : i32
    %dma_wait3A_1040 = tpu.memref_slice %arg4[%dma_wait3A_1039] : memref<52428800xf32, #tpu.memory_space<hbm>> -> memref<16384xf32, #tpu.memory_space<hbm>>
    %dma_wait3A_1041 = arith.constant 0 : i32
    %dma_wait3A_1042 = tpu.memref_slice %arg4[%dma_wait3A_1041] : memref<52428800xf32, #tpu.memory_space<hbm>> -> memref<16384xf32, #tpu.memory_space<hbm>>
    tpu.wait_dma2 semaphore(%arg12 : memref<!tpu.dma_semaphore, #tpu.memory_space<semaphore_mem>>) src(%arg8 : memref<16384xf32, #tpu.memory_space<vmem>>) dst(%dma_wait3A_1042 : memref<16384xf32, #tpu.memory_space<hbm>>)
    %scan3A_1043 = arith.constant 0 : i32
    %scan3A_1044 = arith.constant 0 : i32
    %scan3A_1045 = arith.constant 16 : i32
    %scan3A_1046 = arith.addi %scan3A_1044, %scan3A_1045 : i32
    %scan3A_1047 = arith.constant 1 : i32
    scf.for %scan3A_1402 = %scan3A_1044 to %scan3A_1046 step %scan3A_1047  : i32 {
      %mul3A_1403 = arith.constant 16 : i32
      %mul3A_1404 = arith.muli %scan3A_1402, %mul3A_1403 : i32
      %jit3A_1405 = arith.constant 8 : i32
      %div3A_1406 = arith.divsi %scan3A_1402, %jit3A_1405 : i32
      %sign3A_1407 = arith.constant 0 : i32
      %sign3A_1408 = arith.cmpi sgt, %scan3A_1402, %sign3A_1407 : i32
      %sign3A_1409 = arith.extui %sign3A_1408 : i1 to i32
      %sign3A_1410 = arith.constant 0 : i32
      %sign3A_1411 = arith.cmpi slt, %scan3A_1402, %sign3A_1410 : i32
      %sign3A_1412 = arith.extui %sign3A_1411 : i1 to i32
      %sign3A_1413 = arith.subi %sign3A_1409, %sign3A_1412 : i32
      %sign3A_1414 = arith.constant 0 : i32
      %sign3A_1415 = arith.cmpi sgt, %jit3A_1405, %sign3A_1414 : i32
      %sign3A_1416 = arith.extui %sign3A_1415 : i1 to i32
      %sign3A_1417 = arith.constant 0 : i32
      %sign3A_1418 = arith.cmpi slt, %jit3A_1405, %sign3A_1417 : i32
      %sign3A_1419 = arith.extui %sign3A_1418 : i1 to i32
      %sign3A_1420 = arith.subi %sign3A_1416, %sign3A_1419 : i32
      %ne3A_1421 = arith.cmpi ne, %sign3A_1413, %sign3A_1420 : i32
      %rem3A_1422 = arith.remsi %scan3A_1402, %jit3A_1405 : i32
      %ne3A_1423 = arith.constant 0 : i32
      %ne3A_1424 = arith.cmpi ne, %rem3A_1422, %ne3A_1423 : i32
      %and3A_1425 = arith.andi %ne3A_1421, %ne3A_1424 : i1
      %sub3A_1426 = arith.constant 1 : i32
      %sub3A_1427 = arith.subi %div3A_1406, %sub3A_1426 : i32
      %select_n3A_1428 = arith.select %and3A_1425, %sub3A_1427, %div3A_1406 : i32
      %mul3A_1429 = arith.constant 1024 : i32
      %mul3A_1430 = arith.muli %select_n3A_1428, %mul3A_1429 : i32
      %jit3A_1431 = arith.constant 8 : i32
      %eq3A_1432 = arith.constant 0 : i32
      %eq3A_1433 = arith.cmpi eq, %jit3A_1431, %eq3A_1432 : i32
      %jit3A_1434 = arith.constant 1 : i32
      %select_n3A_1435 = arith.select %eq3A_1433, %jit3A_1434, %jit3A_1431 : i32
      %rem3A_1436 = arith.remsi %scan3A_1402, %select_n3A_1435 : i32
      %ne3A_1437 = arith.constant 0 : i32
      %ne3A_1438 = arith.cmpi ne, %rem3A_1436, %ne3A_1437 : i32
      %lt3A_1439 = arith.constant 0 : i32
      %lt3A_1440 = arith.cmpi slt, %rem3A_1436, %lt3A_1439 : i32
      %lt3A_1441 = arith.constant 0 : i32
      %lt3A_1442 = arith.cmpi slt, %select_n3A_1435, %lt3A_1441 : i32
      %ne3A_1443 = arith.xori %lt3A_1440, %lt3A_1442 : i1
      %and3A_1444 = arith.andi %ne3A_1443, %ne3A_1438 : i1
      %add3A_1445 = arith.addi %rem3A_1436, %select_n3A_1435 : i32
      %select_n3A_1446 = arith.select %and3A_1444, %add3A_1445, %rem3A_1436 : i32
      %mul3A_1447 = arith.constant 16 : i32
      %mul3A_1448 = arith.muli %select_n3A_1446, %mul3A_1447 : i32
      %add3A_1449 = arith.addi %mul3A_1430, %mul3A_1448 : i32
      %add3A_1450 = vector.broadcast %mul3A_1404 : i32 to vector<16xi32>
      %add3A_1451 = arith.addi %select_n3A_22, %add3A_1450 : vector<16xi32>
      %add3A_1452 = vector.broadcast %add3A_1449 : i32 to vector<16xi32>
      %add3A_1453 = arith.addi %select_n3A_22, %add3A_1452 : vector<16xi32>
      %gather3A = tpu.vector_load_idx %arg6[%add3A_1451, %add3A_400] : memref<256x128xf32, #tpu.memory_space<vmem>>[vector<16xi32>, vector<16xi32>], vector<16xf32>,
      %add3A_1454 = arith.addi %add3A_469, %add3A_1453 : vector<16xi32>
      %gather3A_1455 = tpu.vector_load_idx %arg6[%add3A_1451, %add3A_403] : memref<256x128xf32, #tpu.memory_space<vmem>>[vector<16xi32>, vector<16xi32>], vector<16xf32>,
      %add3A_1456 = arith.addi %add3A_532, %add3A_1453 : vector<16xi32>
      %gather3A_1457 = tpu.vector_load_idx %arg6[%add3A_1451, %add3A_406] : memref<256x128xf32, #tpu.memory_space<vmem>>[vector<16xi32>, vector<16xi32>], vector<16xf32>,
      %add3A_1458 = arith.addi %add3A_595, %add3A_1453 : vector<16xi32>
      %gather3A_1459 = tpu.vector_load_idx %arg6[%add3A_1451, %add3A_409] : memref<256x128xf32, #tpu.memory_space<vmem>>[vector<16xi32>, vector<16xi32>], vector<16xf32>,
      %add3A_1460 = arith.addi %add3A_658, %add3A_1453 : vector<16xi32>
      %add3A_1461 = vector.broadcast %mul3A_1404 : i32 to vector<16xi32>
      %add3A_1462 = arith.addi %select_n3A_47, %add3A_1461 : vector<16xi32>
      %add3A_1463 = vector.broadcast %add3A_1449 : i32 to vector<16xi32>
      %add3A_1464 = arith.addi %select_n3A_47, %add3A_1463 : vector<16xi32>
      %gather3A_1465 = tpu.vector_load_idx %arg6[%add3A_1462, %add3A_400] : memref<256x128xf32, #tpu.memory_space<vmem>>[vector<16xi32>, vector<16xi32>], vector<16xf32>,
      %add3A_1466 = arith.addi %add3A_469, %add3A_1464 : vector<16xi32>
      %gather3A_1467 = tpu.vector_load_idx %arg6[%add3A_1462, %add3A_403] : memref<256x128xf32, #tpu.memory_space<vmem>>[vector<16xi32>, vector<16xi32>], vector<16xf32>,
      %add3A_1468 = arith.addi %add3A_532, %add3A_1464 : vector<16xi32>
      %gather3A_1469 = tpu.vector_load_idx %arg6[%add3A_1462, %add3A_406] : memref<256x128xf32, #tpu.memory_space<vmem>>[vector<16xi32>, vector<16xi32>], vector<16xf32>,
      %add3A_1470 = arith.addi %add3A_595, %add3A_1464 : vector<16xi32>
      %gather3A_1471 = tpu.vector_load_idx %arg6[%add3A_1462, %add3A_409] : memref<256x128xf32, #tpu.memory_space<vmem>>[vector<16xi32>, vector<16xi32>], vector<16xf32>,
      %add3A_1472 = arith.addi %add3A_658, %add3A_1464 : vector<16xi32>
      tpu.vector_store_idx %arg8[%add3A_1454], %gather3A : memref<16384xf32, #tpu.memory_space<vmem>>[vector<16xi32>], vector<16xf32>,
      tpu.vector_store_idx %arg8[%add3A_1456], %gather3A_1455 : memref<16384xf32, #tpu.memory_space<vmem>>[vector<16xi32>], vector<16xf32>,
      tpu.vector_store_idx %arg8[%add3A_1458], %gather3A_1457 : memref<16384xf32, #tpu.memory_space<vmem>>[vector<16xi32>], vector<16xf32>,
      tpu.vector_store_idx %arg8[%add3A_1460], %gather3A_1459 : memref<16384xf32, #tpu.memory_space<vmem>>[vector<16xi32>], vector<16xf32>,
      tpu.vector_store_idx %arg8[%add3A_1466], %gather3A_1465 : memref<16384xf32, #tpu.memory_space<vmem>>[vector<16xi32>], vector<16xf32>,
      tpu.vector_store_idx %arg8[%add3A_1468], %gather3A_1467 : memref<16384xf32, #tpu.memory_space<vmem>>[vector<16xi32>], vector<16xf32>,
      tpu.vector_store_idx %arg8[%add3A_1470], %gather3A_1469 : memref<16384xf32, #tpu.memory_space<vmem>>[vector<16xi32>], vector<16xf32>,
      tpu.vector_store_idx %arg8[%add3A_1472], %gather3A_1471 : memref<16384xf32, #tpu.memory_space<vmem>>[vector<16xi32>], vector<16xf32>,
      %add3A_1473 = vector.broadcast %mul3A_1404 : i32 to vector<16xi32>
      %add3A_1474 = arith.addi %select_n3A_72, %add3A_1473 : vector<16xi32>
      %add3A_1475 = vector.broadcast %add3A_1449 : i32 to vector<16xi32>
      %add3A_1476 = arith.addi %select_n3A_72, %add3A_1475 : vector<16xi32>
      %gather3A_1477 = tpu.vector_load_idx %arg6[%add3A_1474, %add3A_400] : memref<256x128xf32, #tpu.memory_space<vmem>>[vector<16xi32>, vector<16xi32>], vector<16xf32>,
      %add3A_1478 = arith.addi %add3A_469, %add3A_1476 : vector<16xi32>
      %gather3A_1479 = tpu.vector_load_idx %arg6[%add3A_1474, %add3A_403] : memref<256x128xf32, #tpu.memory_space<vmem>>[vector<16xi32>, vector<16xi32>], vector<16xf32>,
      %add3A_1480 = arith.addi %add3A_532, %add3A_1476 : vector<16xi32>
      %gather3A_1481 = tpu.vector_load_idx %arg6[%add3A_1474, %add3A_406] : memref<256x128xf32, #tpu.memory_space<vmem>>[vector<16xi32>, vector<16xi32>], vector<16xf32>,
      %add3A_1482 = arith.addi %add3A_595, %add3A_1476 : vector<16xi32>
      %gather3A_1483 = tpu.vector_load_idx %arg6[%add3A_1474, %add3A_409] : memref<256x128xf32, #tpu.memory_space<vmem>>[vector<16xi32>, vector<16xi32>], vector<16xf32>,
      %add3A_1484 = arith.addi %add3A_658, %add3A_1476 : vector<16xi32>
      %add3A_1485 = vector.broadcast %mul3A_1404 : i32 to vector<16xi32>
      %add3A_1486 = arith.addi %select_n3A_97, %add3A_1485 : vector<16xi32>
      %add3A_1487 = vector.broadcast %add3A_1449 : i32 to vector<16xi32>
      %add3A_1488 = arith.addi %select_n3A_97, %add3A_1487 : vector<16xi32>
      %gather3A_1489 = tpu.vector_load_idx %arg6[%add3A_1486, %add3A_400] : memref<256x128xf32, #tpu.memory_space<vmem>>[vector<16xi32>, vector<16xi32>], vector<16xf32>,
      %add3A_1490 = arith.addi %add3A_469, %add3A_1488 : vector<16xi32>
      %gather3A_1491 = tpu.vector_load_idx %arg6[%add3A_1486, %add3A_403] : memref<256x128xf32, #tpu.memory_space<vmem>>[vector<16xi32>, vector<16xi32>], vector<16xf32>,
      %add3A_1492 = arith.addi %add3A_532, %add3A_1488 : vector<16xi32>
      %gather3A_1493 = tpu.vector_load_idx %arg6[%add3A_1486, %add3A_406] : memref<256x128xf32, #tpu.memory_space<vmem>>[vector<16xi32>, vector<16xi32>], vector<16xf32>,
      %add3A_1494 = arith.addi %add3A_595, %add3A_1488 : vector<16xi32>
      %gather3A_1495 = tpu.vector_load_idx %arg6[%add3A_1486, %add3A_409] : memref<256x128xf32, #tpu.memory_space<vmem>>[vector<16xi32>, vector<16xi32>], vector<16xf32>,
      %add3A_1496 = arith.addi %add3A_658, %add3A_1488 : vector<16xi32>
      tpu.vector_store_idx %arg8[%add3A_1478], %gather3A_1477 : memref<16384xf32, #tpu.memory_space<vmem>>[vector<16xi32>], vector<16xf32>,
      tpu.vector_store_idx %arg8[%add3A_1480], %gather3A_1479 : memref<16384xf32, #tpu.memory_space<vmem>>[vector<16xi32>], vector<16xf32>,
      tpu.vector_store_idx %arg8[%add3A_1482], %gather3A_1481 : memref<16384xf32, #tpu.memory_space<vmem>>[vector<16xi32>], vector<16xf32>,
      tpu.vector_store_idx %arg8[%add3A_1484], %gather3A_1483 : memref<16384xf32, #tpu.memory_space<vmem>>[vector<16xi32>], vector<16xf32>,
      tpu.vector_store_idx %arg8[%add3A_1490], %gather3A_1489 : memref<16384xf32, #tpu.memory_space<vmem>>[vector<16xi32>], vector<16xf32>,
      tpu.vector_store_idx %arg8[%add3A_1492], %gather3A_1491 : memref<16384xf32, #tpu.memory_space<vmem>>[vector<16xi32>], vector<16xf32>,
      tpu.vector_store_idx %arg8[%add3A_1494], %gather3A_1493 : memref<16384xf32, #tpu.memory_space<vmem>>[vector<16xi32>], vector<16xf32>,
      tpu.vector_store_idx %arg8[%add3A_1496], %gather3A_1495 : memref<16384xf32, #tpu.memory_space<vmem>>[vector<16xi32>], vector<16xf32>,
      %add3A_1497 = vector.broadcast %mul3A_1404 : i32 to vector<16xi32>
      %add3A_1498 = arith.addi %select_n3A_122, %add3A_1497 : vector<16xi32>
      %add3A_1499 = vector.broadcast %add3A_1449 : i32 to vector<16xi32>
      %add3A_1500 = arith.addi %select_n3A_122, %add3A_1499 : vector<16xi32>
      %gather3A_1501 = tpu.vector_load_idx %arg6[%add3A_1498, %add3A_400] : memref<256x128xf32, #tpu.memory_space<vmem>>[vector<16xi32>, vector<16xi32>], vector<16xf32>,
      %add3A_1502 = arith.addi %add3A_469, %add3A_1500 : vector<16xi32>
      %gather3A_1503 = tpu.vector_load_idx %arg6[%add3A_1498, %add3A_403] : memref<256x128xf32, #tpu.memory_space<vmem>>[vector<16xi32>, vector<16xi32>], vector<16xf32>,
      %add3A_1504 = arith.addi %add3A_532, %add3A_1500 : vector<16xi32>
      %gather3A_1505 = tpu.vector_load_idx %arg6[%add3A_1498, %add3A_406] : memref<256x128xf32, #tpu.memory_space<vmem>>[vector<16xi32>, vector<16xi32>], vector<16xf32>,
      %add3A_1506 = arith.addi %add3A_595, %add3A_1500 : vector<16xi32>
      %gather3A_1507 = tpu.vector_load_idx %arg6[%add3A_1498, %add3A_409] : memref<256x128xf32, #tpu.memory_space<vmem>>[vector<16xi32>, vector<16xi32>], vector<16xf32>,
      %add3A_1508 = arith.addi %add3A_658, %add3A_1500 : vector<16xi32>
      %add3A_1509 = vector.broadcast %mul3A_1404 : i32 to vector<16xi32>
      %add3A_1510 = arith.addi %select_n3A_147, %add3A_1509 : vector<16xi32>
      %add3A_1511 = vector.broadcast %add3A_1449 : i32 to vector<16xi32>
      %add3A_1512 = arith.addi %select_n3A_147, %add3A_1511 : vector<16xi32>
      %gather3A_1513 = tpu.vector_load_idx %arg6[%add3A_1510, %add3A_400] : memref<256x128xf32, #tpu.memory_space<vmem>>[vector<16xi32>, vector<16xi32>], vector<16xf32>,
      %add3A_1514 = arith.addi %add3A_469, %add3A_1512 : vector<16xi32>
      %gather3A_1515 = tpu.vector_load_idx %arg6[%add3A_1510, %add3A_403] : memref<256x128xf32, #tpu.memory_space<vmem>>[vector<16xi32>, vector<16xi32>], vector<16xf32>,
      %add3A_1516 = arith.addi %add3A_532, %add3A_1512 : vector<16xi32>
      %gather3A_1517 = tpu.vector_load_idx %arg6[%add3A_1510, %add3A_406] : memref<256x128xf32, #tpu.memory_space<vmem>>[vector<16xi32>, vector<16xi32>], vector<16xf32>,
      %add3A_1518 = arith.addi %add3A_595, %add3A_1512 : vector<16xi32>
      %gather3A_1519 = tpu.vector_load_idx %arg6[%add3A_1510, %add3A_409] : memref<256x128xf32, #tpu.memory_space<vmem>>[vector<16xi32>, vector<16xi32>], vector<16xf32>,
      %add3A_1520 = arith.addi %add3A_658, %add3A_1512 : vector<16xi32>
      tpu.vector_store_idx %arg8[%add3A_1502], %gather3A_1501 : memref<16384xf32, #tpu.memory_space<vmem>>[vector<16xi32>], vector<16xf32>,
      tpu.vector_store_idx %arg8[%add3A_1504], %gather3A_1503 : memref<16384xf32, #tpu.memory_space<vmem>>[vector<16xi32>], vector<16xf32>,
      tpu.vector_store_idx %arg8[%add3A_1506], %gather3A_1505 : memref<16384xf32, #tpu.memory_space<vmem>>[vector<16xi32>], vector<16xf32>,
      tpu.vector_store_idx %arg8[%add3A_1508], %gather3A_1507 : memref<16384xf32, #tpu.memory_space<vmem>>[vector<16xi32>], vector<16xf32>,
      tpu.vector_store_idx %arg8[%add3A_1514], %gather3A_1513 : memref<16384xf32, #tpu.memory_space<vmem>>[vector<16xi32>], vector<16xf32>,
      tpu.vector_store_idx %arg8[%add3A_1516], %gather3A_1515 : memref<16384xf32, #tpu.memory_space<vmem>>[vector<16xi32>], vector<16xf32>,
      tpu.vector_store_idx %arg8[%add3A_1518], %gather3A_1517 : memref<16384xf32, #tpu.memory_space<vmem>>[vector<16xi32>], vector<16xf32>,
      tpu.vector_store_idx %arg8[%add3A_1520], %gather3A_1519 : memref<16384xf32, #tpu.memory_space<vmem>>[vector<16xi32>], vector<16xf32>,
      %add3A_1521 = vector.broadcast %mul3A_1404 : i32 to vector<16xi32>
      %add3A_1522 = arith.addi %select_n3A_172, %add3A_1521 : vector<16xi32>
      %add3A_1523 = vector.broadcast %add3A_1449 : i32 to vector<16xi32>
      %add3A_1524 = arith.addi %select_n3A_172, %add3A_1523 : vector<16xi32>
      %gather3A_1525 = tpu.vector_load_idx %arg6[%add3A_1522, %add3A_400] : memref<256x128xf32, #tpu.memory_space<vmem>>[vector<16xi32>, vector<16xi32>], vector<16xf32>,
      %add3A_1526 = arith.addi %add3A_469, %add3A_1524 : vector<16xi32>
      %gather3A_1527 = tpu.vector_load_idx %arg6[%add3A_1522, %add3A_403] : memref<256x128xf32, #tpu.memory_space<vmem>>[vector<16xi32>, vector<16xi32>], vector<16xf32>,
      %add3A_1528 = arith.addi %add3A_532, %add3A_1524 : vector<16xi32>
      %gather3A_1529 = tpu.vector_load_idx %arg6[%add3A_1522, %add3A_406] : memref<256x128xf32, #tpu.memory_space<vmem>>[vector<16xi32>, vector<16xi32>], vector<16xf32>,
      %add3A_1530 = arith.addi %add3A_595, %add3A_1524 : vector<16xi32>
      %gather3A_1531 = tpu.vector_load_idx %arg6[%add3A_1522, %add3A_409] : memref<256x128xf32, #tpu.memory_space<vmem>>[vector<16xi32>, vector<16xi32>], vector<16xf32>,
      %add3A_1532 = arith.addi %add3A_658, %add3A_1524 : vector<16xi32>
      %add3A_1533 = vector.broadcast %mul3A_1404 : i32 to vector<16xi32>
      %add3A_1534 = arith.addi %select_n3A_197, %add3A_1533 : vector<16xi32>
      %add3A_1535 = vector.broadcast %add3A_1449 : i32 to vector<16xi32>
      %add3A_1536 = arith.addi %select_n3A_197, %add3A_1535 : vector<16xi32>
      %gather3A_1537 = tpu.vector_load_idx %arg6[%add3A_1534, %add3A_400] : memref<256x128xf32, #tpu.memory_space<vmem>>[vector<16xi32>, vector<16xi32>], vector<16xf32>,
      %add3A_1538 = arith.addi %add3A_469, %add3A_1536 : vector<16xi32>
      %gather3A_1539 = tpu.vector_load_idx %arg6[%add3A_1534, %add3A_403] : memref<256x128xf32, #tpu.memory_space<vmem>>[vector<16xi32>, vector<16xi32>], vector<16xf32>,
      %add3A_1540 = arith.addi %add3A_532, %add3A_1536 : vector<16xi32>
      %gather3A_1541 = tpu.vector_load_idx %arg6[%add3A_1534, %add3A_406] : memref<256x128xf32, #tpu.memory_space<vmem>>[vector<16xi32>, vector<16xi32>], vector<16xf32>,
      %add3A_1542 = arith.addi %add3A_595, %add3A_1536 : vector<16xi32>
      %gather3A_1543 = tpu.vector_load_idx %arg6[%add3A_1534, %add3A_409] : memref<256x128xf32, #tpu.memory_space<vmem>>[vector<16xi32>, vector<16xi32>], vector<16xf32>,
      %add3A_1544 = arith.addi %add3A_658, %add3A_1536 : vector<16xi32>
      tpu.vector_store_idx %arg8[%add3A_1526], %gather3A_1525 : memref<16384xf32, #tpu.memory_space<vmem>>[vector<16xi32>], vector<16xf32>,
      tpu.vector_store_idx %arg8[%add3A_1528], %gather3A_1527 : memref<16384xf32, #tpu.memory_space<vmem>>[vector<16xi32>], vector<16xf32>,
      tpu.vector_store_idx %arg8[%add3A_1530], %gather3A_1529 : memref<16384xf32, #tpu.memory_space<vmem>>[vector<16xi32>], vector<16xf32>,
      tpu.vector_store_idx %arg8[%add3A_1532], %gather3A_1531 : memref<16384xf32, #tpu.memory_space<vmem>>[vector<16xi32>], vector<16xf32>,
      tpu.vector_store_idx %arg8[%add3A_1538], %gather3A_1537 : memref<16384xf32, #tpu.memory_space<vmem>>[vector<16xi32>], vector<16xf32>,
      tpu.vector_store_idx %arg8[%add3A_1540], %gather3A_1539 : memref<16384xf32, #tpu.memory_space<vmem>>[vector<16xi32>], vector<16xf32>,
      tpu.vector_store_idx %arg8[%add3A_1542], %gather3A_1541 : memref<16384xf32, #tpu.memory_space<vmem>>[vector<16xi32>], vector<16xf32>,
      tpu.vector_store_idx %arg8[%add3A_1544], %gather3A_1543 : memref<16384xf32, #tpu.memory_space<vmem>>[vector<16xi32>], vector<16xf32>,
      %add3A_1545 = vector.broadcast %mul3A_1404 : i32 to vector<16xi32>
      %add3A_1546 = arith.addi %select_n3A_222, %add3A_1545 : vector<16xi32>
      %add3A_1547 = vector.broadcast %add3A_1449 : i32 to vector<16xi32>
      %add3A_1548 = arith.addi %select_n3A_222, %add3A_1547 : vector<16xi32>
      %gather3A_1549 = tpu.vector_load_idx %arg6[%add3A_1546, %add3A_400] : memref<256x128xf32, #tpu.memory_space<vmem>>[vector<16xi32>, vector<16xi32>], vector<16xf32>,
      %add3A_1550 = arith.addi %add3A_469, %add3A_1548 : vector<16xi32>
      %gather3A_1551 = tpu.vector_load_idx %arg6[%add3A_1546, %add3A_403] : memref<256x128xf32, #tpu.memory_space<vmem>>[vector<16xi32>, vector<16xi32>], vector<16xf32>,
      %add3A_1552 = arith.addi %add3A_532, %add3A_1548 : vector<16xi32>
      %gather3A_1553 = tpu.vector_load_idx %arg6[%add3A_1546, %add3A_406] : memref<256x128xf32, #tpu.memory_space<vmem>>[vector<16xi32>, vector<16xi32>], vector<16xf32>,
      %add3A_1554 = arith.addi %add3A_595, %add3A_1548 : vector<16xi32>
      %gather3A_1555 = tpu.vector_load_idx %arg6[%add3A_1546, %add3A_409] : memref<256x128xf32, #tpu.memory_space<vmem>>[vector<16xi32>, vector<16xi32>], vector<16xf32>,
      %add3A_1556 = arith.addi %add3A_658, %add3A_1548 : vector<16xi32>
      %add3A_1557 = vector.broadcast %mul3A_1404 : i32 to vector<16xi32>
      %add3A_1558 = arith.addi %select_n3A_247, %add3A_1557 : vector<16xi32>
      %add3A_1559 = vector.broadcast %add3A_1449 : i32 to vector<16xi32>
      %add3A_1560 = arith.addi %select_n3A_247, %add3A_1559 : vector<16xi32>
      %gather3A_1561 = tpu.vector_load_idx %arg6[%add3A_1558, %add3A_400] : memref<256x128xf32, #tpu.memory_space<vmem>>[vector<16xi32>, vector<16xi32>], vector<16xf32>,
      %add3A_1562 = arith.addi %add3A_469, %add3A_1560 : vector<16xi32>
      %gather3A_1563 = tpu.vector_load_idx %arg6[%add3A_1558, %add3A_403] : memref<256x128xf32, #tpu.memory_space<vmem>>[vector<16xi32>, vector<16xi32>], vector<16xf32>,
      %add3A_1564 = arith.addi %add3A_532, %add3A_1560 : vector<16xi32>
      %gather3A_1565 = tpu.vector_load_idx %arg6[%add3A_1558, %add3A_406] : memref<256x128xf32, #tpu.memory_space<vmem>>[vector<16xi32>, vector<16xi32>], vector<16xf32>,
      %add3A_1566 = arith.addi %add3A_595, %add3A_1560 : vector<16xi32>
      %gather3A_1567 = tpu.vector_load_idx %arg6[%add3A_1558, %add3A_409] : memref<256x128xf32, #tpu.memory_space<vmem>>[vector<16xi32>, vector<16xi32>], vector<16xf32>,
      %add3A_1568 = arith.addi %add3A_658, %add3A_1560 : vector<16xi32>
      tpu.vector_store_idx %arg8[%add3A_1550], %gather3A_1549 : memref<16384xf32, #tpu.memory_space<vmem>>[vector<16xi32>], vector<16xf32>,
      tpu.vector_store_idx %arg8[%add3A_1552], %gather3A_1551 : memref<16384xf32, #tpu.memory_space<vmem>>[vector<16xi32>], vector<16xf32>,
      tpu.vector_store_idx %arg8[%add3A_1554], %gather3A_1553 : memref<16384xf32, #tpu.memory_space<vmem>>[vector<16xi32>], vector<16xf32>,
      tpu.vector_store_idx %arg8[%add3A_1556], %gather3A_1555 : memref<16384xf32, #tpu.memory_space<vmem>>[vector<16xi32>], vector<16xf32>,
      tpu.vector_store_idx %arg8[%add3A_1562], %gather3A_1561 : memref<16384xf32, #tpu.memory_space<vmem>>[vector<16xi32>], vector<16xf32>,
      tpu.vector_store_idx %arg8[%add3A_1564], %gather3A_1563 : memref<16384xf32, #tpu.memory_space<vmem>>[vector<16xi32>], vector<16xf32>,
      tpu.vector_store_idx %arg8[%add3A_1566], %gather3A_1565 : memref<16384xf32, #tpu.memory_space<vmem>>[vector<16xi32>], vector<16xf32>,
      tpu.vector_store_idx %arg8[%add3A_1568], %gather3A_1567 : memref<16384xf32, #tpu.memory_space<vmem>>[vector<16xi32>], vector<16xf32>,
      %add3A_1569 = vector.broadcast %mul3A_1404 : i32 to vector<16xi32>
      %add3A_1570 = arith.addi %select_n3A_272, %add3A_1569 : vector<16xi32>
      %add3A_1571 = vector.broadcast %add3A_1449 : i32 to vector<16xi32>
      %add3A_1572 = arith.addi %select_n3A_272, %add3A_1571 : vector<16xi32>
      %gather3A_1573 = tpu.vector_load_idx %arg6[%add3A_1570, %add3A_400] : memref<256x128xf32, #tpu.memory_space<vmem>>[vector<16xi32>, vector<16xi32>], vector<16xf32>,
      %add3A_1574 = arith.addi %add3A_469, %add3A_1572 : vector<16xi32>
      %gather3A_1575 = tpu.vector_load_idx %arg6[%add3A_1570, %add3A_403] : memref<256x128xf32, #tpu.memory_space<vmem>>[vector<16xi32>, vector<16xi32>], vector<16xf32>,
      %add3A_1576 = arith.addi %add3A_532, %add3A_1572 : vector<16xi32>
      %gather3A_1577 = tpu.vector_load_idx %arg6[%add3A_1570, %add3A_406] : memref<256x128xf32, #tpu.memory_space<vmem>>[vector<16xi32>, vector<16xi32>], vector<16xf32>,
      %add3A_1578 = arith.addi %add3A_595, %add3A_1572 : vector<16xi32>
      %gather3A_1579 = tpu.vector_load_idx %arg6[%add3A_1570, %add3A_409] : memref<256x128xf32, #tpu.memory_space<vmem>>[vector<16xi32>, vector<16xi32>], vector<16xf32>,
      %add3A_1580 = arith.addi %add3A_658, %add3A_1572 : vector<16xi32>
      %add3A_1581 = vector.broadcast %mul3A_1404 : i32 to vector<16xi32>
      %add3A_1582 = arith.addi %select_n3A_297, %add3A_1581 : vector<16xi32>
      %add3A_1583 = vector.broadcast %add3A_1449 : i32 to vector<16xi32>
      %add3A_1584 = arith.addi %select_n3A_297, %add3A_1583 : vector<16xi32>
      %gather3A_1585 = tpu.vector_load_idx %arg6[%add3A_1582, %add3A_400] : memref<256x128xf32, #tpu.memory_space<vmem>>[vector<16xi32>, vector<16xi32>], vector<16xf32>,
      %add3A_1586 = arith.addi %add3A_469, %add3A_1584 : vector<16xi32>
      %gather3A_1587 = tpu.vector_load_idx %arg6[%add3A_1582, %add3A_403] : memref<256x128xf32, #tpu.memory_space<vmem>>[vector<16xi32>, vector<16xi32>], vector<16xf32>,
      %add3A_1588 = arith.addi %add3A_532, %add3A_1584 : vector<16xi32>
      %gather3A_1589 = tpu.vector_load_idx %arg6[%add3A_1582, %add3A_406] : memref<256x128xf32, #tpu.memory_space<vmem>>[vector<16xi32>, vector<16xi32>], vector<16xf32>,
      %add3A_1590 = arith.addi %add3A_595, %add3A_1584 : vector<16xi32>
      %gather3A_1591 = tpu.vector_load_idx %arg6[%add3A_1582, %add3A_409] : memref<256x128xf32, #tpu.memory_space<vmem>>[vector<16xi32>, vector<16xi32>], vector<16xf32>,
      %add3A_1592 = arith.addi %add3A_658, %add3A_1584 : vector<16xi32>
      tpu.vector_store_idx %arg8[%add3A_1574], %gather3A_1573 : memref<16384xf32, #tpu.memory_space<vmem>>[vector<16xi32>], vector<16xf32>,
      tpu.vector_store_idx %arg8[%add3A_1576], %gather3A_1575 : memref<16384xf32, #tpu.memory_space<vmem>>[vector<16xi32>], vector<16xf32>,
      tpu.vector_store_idx %arg8[%add3A_1578], %gather3A_1577 : memref<16384xf32, #tpu.memory_space<vmem>>[vector<16xi32>], vector<16xf32>,
      tpu.vector_store_idx %arg8[%add3A_1580], %gather3A_1579 : memref<16384xf32, #tpu.memory_space<vmem>>[vector<16xi32>], vector<16xf32>,
      tpu.vector_store_idx %arg8[%add3A_1586], %gather3A_1585 : memref<16384xf32, #tpu.memory_space<vmem>>[vector<16xi32>], vector<16xf32>,
      tpu.vector_store_idx %arg8[%add3A_1588], %gather3A_1587 : memref<16384xf32, #tpu.memory_space<vmem>>[vector<16xi32>], vector<16xf32>,
      tpu.vector_store_idx %arg8[%add3A_1590], %gather3A_1589 : memref<16384xf32, #tpu.memory_space<vmem>>[vector<16xi32>], vector<16xf32>,
      tpu.vector_store_idx %arg8[%add3A_1592], %gather3A_1591 : memref<16384xf32, #tpu.memory_space<vmem>>[vector<16xi32>], vector<16xf32>,
      %add3A_1593 = vector.broadcast %mul3A_1404 : i32 to vector<16xi32>
      %add3A_1594 = arith.addi %select_n3A_322, %add3A_1593 : vector<16xi32>
      %add3A_1595 = vector.broadcast %add3A_1449 : i32 to vector<16xi32>
      %add3A_1596 = arith.addi %select_n3A_322, %add3A_1595 : vector<16xi32>
      %gather3A_1597 = tpu.vector_load_idx %arg6[%add3A_1594, %add3A_400] : memref<256x128xf32, #tpu.memory_space<vmem>>[vector<16xi32>, vector<16xi32>], vector<16xf32>,
      %add3A_1598 = arith.addi %add3A_469, %add3A_1596 : vector<16xi32>
      %gather3A_1599 = tpu.vector_load_idx %arg6[%add3A_1594, %add3A_403] : memref<256x128xf32, #tpu.memory_space<vmem>>[vector<16xi32>, vector<16xi32>], vector<16xf32>,
      %add3A_1600 = arith.addi %add3A_532, %add3A_1596 : vector<16xi32>
      %gather3A_1601 = tpu.vector_load_idx %arg6[%add3A_1594, %add3A_406] : memref<256x128xf32, #tpu.memory_space<vmem>>[vector<16xi32>, vector<16xi32>], vector<16xf32>,
      %add3A_1602 = arith.addi %add3A_595, %add3A_1596 : vector<16xi32>
      %gather3A_1603 = tpu.vector_load_idx %arg6[%add3A_1594, %add3A_409] : memref<256x128xf32, #tpu.memory_space<vmem>>[vector<16xi32>, vector<16xi32>], vector<16xf32>,
      %add3A_1604 = arith.addi %add3A_658, %add3A_1596 : vector<16xi32>
      %add3A_1605 = vector.broadcast %mul3A_1404 : i32 to vector<16xi32>
      %add3A_1606 = arith.addi %select_n3A_347, %add3A_1605 : vector<16xi32>
      %add3A_1607 = vector.broadcast %add3A_1449 : i32 to vector<16xi32>
      %add3A_1608 = arith.addi %select_n3A_347, %add3A_1607 : vector<16xi32>
      %gather3A_1609 = tpu.vector_load_idx %arg6[%add3A_1606, %add3A_400] : memref<256x128xf32, #tpu.memory_space<vmem>>[vector<16xi32>, vector<16xi32>], vector<16xf32>,
      %add3A_1610 = arith.addi %add3A_469, %add3A_1608 : vector<16xi32>
      %gather3A_1611 = tpu.vector_load_idx %arg6[%add3A_1606, %add3A_403] : memref<256x128xf32, #tpu.memory_space<vmem>>[vector<16xi32>, vector<16xi32>], vector<16xf32>,
      %add3A_1612 = arith.addi %add3A_532, %add3A_1608 : vector<16xi32>
      %gather3A_1613 = tpu.vector_load_idx %arg6[%add3A_1606, %add3A_406] : memref<256x128xf32, #tpu.memory_space<vmem>>[vector<16xi32>, vector<16xi32>], vector<16xf32>,
      %add3A_1614 = arith.addi %add3A_595, %add3A_1608 : vector<16xi32>
      %gather3A_1615 = tpu.vector_load_idx %arg6[%add3A_1606, %add3A_409] : memref<256x128xf32, #tpu.memory_space<vmem>>[vector<16xi32>, vector<16xi32>], vector<16xf32>,
      %add3A_1616 = arith.addi %add3A_658, %add3A_1608 : vector<16xi32>
      tpu.vector_store_idx %arg8[%add3A_1598], %gather3A_1597 : memref<16384xf32, #tpu.memory_space<vmem>>[vector<16xi32>], vector<16xf32>,
      tpu.vector_store_idx %arg8[%add3A_1600], %gather3A_1599 : memref<16384xf32, #tpu.memory_space<vmem>>[vector<16xi32>], vector<16xf32>,
      tpu.vector_store_idx %arg8[%add3A_1602], %gather3A_1601 : memref<16384xf32, #tpu.memory_space<vmem>>[vector<16xi32>], vector<16xf32>,
      tpu.vector_store_idx %arg8[%add3A_1604], %gather3A_1603 : memref<16384xf32, #tpu.memory_space<vmem>>[vector<16xi32>], vector<16xf32>,
      tpu.vector_store_idx %arg8[%add3A_1610], %gather3A_1609 : memref<16384xf32, #tpu.memory_space<vmem>>[vector<16xi32>], vector<16xf32>,
      tpu.vector_store_idx %arg8[%add3A_1612], %gather3A_1611 : memref<16384xf32, #tpu.memory_space<vmem>>[vector<16xi32>], vector<16xf32>,
      tpu.vector_store_idx %arg8[%add3A_1614], %gather3A_1613 : memref<16384xf32, #tpu.memory_space<vmem>>[vector<16xi32>], vector<16xf32>,
      tpu.vector_store_idx %arg8[%add3A_1616], %gather3A_1615 : memref<16384xf32, #tpu.memory_space<vmem>>[vector<16xi32>], vector<16xf32>,
      %add3A_1617 = vector.broadcast %mul3A_1404 : i32 to vector<16xi32>
      %add3A_1618 = arith.addi %select_n3A_372, %add3A_1617 : vector<16xi32>
      %add3A_1619 = vector.broadcast %add3A_1449 : i32 to vector<16xi32>
      %add3A_1620 = arith.addi %select_n3A_372, %add3A_1619 : vector<16xi32>
      %gather3A_1621 = tpu.vector_load_idx %arg6[%add3A_1618, %add3A_400] : memref<256x128xf32, #tpu.memory_space<vmem>>[vector<16xi32>, vector<16xi32>], vector<16xf32>,
      %add3A_1622 = arith.addi %add3A_469, %add3A_1620 : vector<16xi32>
      %gather3A_1623 = tpu.vector_load_idx %arg6[%add3A_1618, %add3A_403] : memref<256x128xf32, #tpu.memory_space<vmem>>[vector<16xi32>, vector<16xi32>], vector<16xf32>,
      %add3A_1624 = arith.addi %add3A_532, %add3A_1620 : vector<16xi32>
      %gather3A_1625 = tpu.vector_load_idx %arg6[%add3A_1618, %add3A_406] : memref<256x128xf32, #tpu.memory_space<vmem>>[vector<16xi32>, vector<16xi32>], vector<16xf32>,
      %add3A_1626 = arith.addi %add3A_595, %add3A_1620 : vector<16xi32>
      %gather3A_1627 = tpu.vector_load_idx %arg6[%add3A_1618, %add3A_409] : memref<256x128xf32, #tpu.memory_space<vmem>>[vector<16xi32>, vector<16xi32>], vector<16xf32>,
      %add3A_1628 = arith.addi %add3A_658, %add3A_1620 : vector<16xi32>
      %add3A_1629 = vector.broadcast %mul3A_1404 : i32 to vector<16xi32>
      %add3A_1630 = arith.addi %select_n3A_397, %add3A_1629 : vector<16xi32>
      %add3A_1631 = vector.broadcast %add3A_1449 : i32 to vector<16xi32>
      %add3A_1632 = arith.addi %select_n3A_397, %add3A_1631 : vector<16xi32>
      %gather3A_1633 = tpu.vector_load_idx %arg6[%add3A_1630, %add3A_400] : memref<256x128xf32, #tpu.memory_space<vmem>>[vector<16xi32>, vector<16xi32>], vector<16xf32>,
      %add3A_1634 = arith.addi %add3A_469, %add3A_1632 : vector<16xi32>
      %gather3A_1635 = tpu.vector_load_idx %arg6[%add3A_1630, %add3A_403] : memref<256x128xf32, #tpu.memory_space<vmem>>[vector<16xi32>, vector<16xi32>], vector<16xf32>,
      %add3A_1636 = arith.addi %add3A_532, %add3A_1632 : vector<16xi32>
      %gather3A_1637 = tpu.vector_load_idx %arg6[%add3A_1630, %add3A_406] : memref<256x128xf32, #tpu.memory_space<vmem>>[vector<16xi32>, vector<16xi32>], vector<16xf32>,
      %add3A_1638 = arith.addi %add3A_595, %add3A_1632 : vector<16xi32>
      %gather3A_1639 = tpu.vector_load_idx %arg6[%add3A_1630, %add3A_409] : memref<256x128xf32, #tpu.memory_space<vmem>>[vector<16xi32>, vector<16xi32>], vector<16xf32>,
      %add3A_1640 = arith.addi %add3A_658, %add3A_1632 : vector<16xi32>
      tpu.vector_store_idx %arg8[%add3A_1622], %gather3A_1621 : memref<16384xf32, #tpu.memory_space<vmem>>[vector<16xi32>], vector<16xf32>,
      tpu.vector_store_idx %arg8[%add3A_1624], %gather3A_1623 : memref<16384xf32, #tpu.memory_space<vmem>>[vector<16xi32>], vector<16xf32>,
      tpu.vector_store_idx %arg8[%add3A_1626], %gather3A_1625 : memref<16384xf32, #tpu.memory_space<vmem>>[vector<16xi32>], vector<16xf32>,
      tpu.vector_store_idx %arg8[%add3A_1628], %gather3A_1627 : memref<16384xf32, #tpu.memory_space<vmem>>[vector<16xi32>], vector<16xf32>,
      tpu.vector_store_idx %arg8[%add3A_1634], %gather3A_1633 : memref<16384xf32, #tpu.memory_space<vmem>>[vector<16xi32>], vector<16xf32>,
      tpu.vector_store_idx %arg8[%add3A_1636], %gather3A_1635 : memref<16384xf32, #tpu.memory_space<vmem>>[vector<16xi32>], vector<16xf32>,
      tpu.vector_store_idx %arg8[%add3A_1638], %gather3A_1637 : memref<16384xf32, #tpu.memory_space<vmem>>[vector<16xi32>], vector<16xf32>,
      tpu.vector_store_idx %arg8[%add3A_1640], %gather3A_1639 : memref<16384xf32, #tpu.memory_space<vmem>>[vector<16xi32>], vector<16xf32>,
    }
    %scan3A_1048 = arith.constant 16 : i32
    %add3A_1049 = arith.constant 98 : i32
    %add3A_1050 = arith.addi %mul3A_2, %add3A_1049 : i32
    %jit3A_1051 = arith.constant 16 : i32
    %div3A_1052 = arith.divsi %add3A_1050, %jit3A_1051 : i32
    %sign3A_1053 = arith.constant 0 : i32
    %sign3A_1054 = arith.cmpi sgt, %add3A_1050, %sign3A_1053 : i32
    %sign3A_1055 = arith.extui %sign3A_1054 : i1 to i32
    %sign3A_1056 = arith.constant 0 : i32
    %sign3A_1057 = arith.cmpi slt, %add3A_1050, %sign3A_1056 : i32
    %sign3A_1058 = arith.extui %sign3A_1057 : i1 to i32
    %sign3A_1059 = arith.subi %sign3A_1055, %sign3A_1058 : i32
    %sign3A_1060 = arith.constant 0 : i32
    %sign3A_1061 = arith.cmpi sgt, %jit3A_1051, %sign3A_1060 : i32
    %sign3A_1062 = arith.extui %sign3A_1061 : i1 to i32
    %sign3A_1063 = arith.constant 0 : i32
    %sign3A_1064 = arith.cmpi slt, %jit3A_1051, %sign3A_1063 : i32
    %sign3A_1065 = arith.extui %sign3A_1064 : i1 to i32
    %sign3A_1066 = arith.subi %sign3A_1062, %sign3A_1065 : i32
    %ne3A_1067 = arith.cmpi ne, %sign3A_1059, %sign3A_1066 : i32
    %rem3A_1068 = arith.remsi %add3A_1050, %jit3A_1051 : i32
    %ne3A_1069 = arith.constant 0 : i32
    %ne3A_1070 = arith.cmpi ne, %rem3A_1068, %ne3A_1069 : i32
    %and3A_1071 = arith.andi %ne3A_1067, %ne3A_1070 : i1
    %sub3A_1072 = arith.constant 1 : i32
    %sub3A_1073 = arith.subi %div3A_1052, %sub3A_1072 : i32
    %select_n3A_1074 = arith.select %and3A_1071, %sub3A_1073, %div3A_1052 : i32
    %mul3A_1075 = arith.constant 16 : i32
    %mul3A_1076 = arith.muli %select_n3A_1074, %mul3A_1075 : i32
    %sub3A_1077 = arith.subi %add3A_1050, %mul3A_1076 : i32
    %mul3A_1078 = arith.constant 8 : i32
    %mul3A_1079 = arith.muli %select_n3A_1074, %mul3A_1078 : i32
    %add3A_1080 = arith.constant 0 : i32
    %add3A_1081 = arith.addi %mul3A_1079, %add3A_1080 : i32
    %mul3A_1082 = arith.constant 32 : i32
    %mul3A_1083 = arith.muli %add3A_1081, %mul3A_1082 : i32
    %mul3A_1084 = arith.constant 2 : i32
    %mul3A_1085 = arith.muli %mul3A_1084, %sub3A_1077 : i32
    %add3A_1086 = arith.addi %mul3A_1083, %mul3A_1085 : i32
    %mul3A_1087 = arith.constant 1024 : i32
    %mul3A_1088 = arith.muli %add3A_1086, %mul3A_1087 : i32
    %dma_start3A_1089 = arith.constant 0 : i32
    %dma_start3A_1090 = tpu.memref_slice %arg8[%dma_start3A_1089] : memref<16384xf32, #tpu.memory_space<vmem>> -> memref<2048xf32, #tpu.memory_space<vmem>>
    %dma_start3A_1091 = tpu.memref_slice %arg4[%mul3A_1088] : memref<52428800xf32, #tpu.memory_space<hbm>> -> memref<2048xf32, #tpu.memory_space<hbm>>
    %dma_start3A_1092 = tpu.memref_slice %arg4[%mul3A_1088] : memref<52428800xf32, #tpu.memory_space<hbm>> -> memref<2048xf32, #tpu.memory_space<hbm>>
    %dma_start3A_1093 = arith.constant 0 : i32
    %dma_start3A_1094 = tpu.memref_slice %arg8[%dma_start3A_1093] : memref<16384xf32, #tpu.memory_space<vmem>> -> memref<2048xf32, #tpu.memory_space<vmem>>
    tpu.enqueue_dma source(%dma_start3A_1094 : memref<2048xf32, #tpu.memory_space<vmem>>) target(%dma_start3A_1092 : memref<2048xf32, #tpu.memory_space<hbm>>) target_semaphore(%arg12 : memref<!tpu.dma_semaphore, #tpu.memory_space<semaphore_mem>>)
    %mul3A_1095 = arith.constant 8 : i32
    %mul3A_1096 = arith.muli %select_n3A_1074, %mul3A_1095 : i32
    %add3A_1097 = arith.constant 1 : i32
    %add3A_1098 = arith.addi %mul3A_1096, %add3A_1097 : i32
    %mul3A_1099 = arith.constant 32 : i32
    %mul3A_1100 = arith.muli %add3A_1098, %mul3A_1099 : i32
    %mul3A_1101 = arith.constant 2 : i32
    %mul3A_1102 = arith.muli %mul3A_1101, %sub3A_1077 : i32
    %add3A_1103 = arith.addi %mul3A_1100, %mul3A_1102 : i32
    %mul3A_1104 = arith.constant 1024 : i32
    %mul3A_1105 = arith.muli %add3A_1103, %mul3A_1104 : i32
    %dma_start3A_1106 = arith.constant 2048 : i32
    %dma_start3A_1107 = tpu.memref_slice %arg8[%dma_start3A_1106] : memref<16384xf32, #tpu.memory_space<vmem>> -> memref<2048xf32, #tpu.memory_space<vmem>>
    %dma_start3A_1108 = tpu.memref_slice %arg4[%mul3A_1105] : memref<52428800xf32, #tpu.memory_space<hbm>> -> memref<2048xf32, #tpu.memory_space<hbm>>
    %dma_start3A_1109 = tpu.memref_slice %arg4[%mul3A_1105] : memref<52428800xf32, #tpu.memory_space<hbm>> -> memref<2048xf32, #tpu.memory_space<hbm>>
    %dma_start3A_1110 = arith.constant 2048 : i32
    %dma_start3A_1111 = tpu.memref_slice %arg8[%dma_start3A_1110] : memref<16384xf32, #tpu.memory_space<vmem>> -> memref<2048xf32, #tpu.memory_space<vmem>>
    tpu.enqueue_dma source(%dma_start3A_1111 : memref<2048xf32, #tpu.memory_space<vmem>>) target(%dma_start3A_1109 : memref<2048xf32, #tpu.memory_space<hbm>>) target_semaphore(%arg12 : memref<!tpu.dma_semaphore, #tpu.memory_space<semaphore_mem>>)
    %mul3A_1112 = arith.constant 8 : i32
    %mul3A_1113 = arith.muli %select_n3A_1074, %mul3A_1112 : i32
    %add3A_1114 = arith.constant 2 : i32
    %add3A_1115 = arith.addi %mul3A_1113, %add3A_1114 : i32
    %mul3A_1116 = arith.constant 32 : i32
    %mul3A_1117 = arith.muli %add3A_1115, %mul3A_1116 : i32
    %mul3A_1118 = arith.constant 2 : i32
    %mul3A_1119 = arith.muli %mul3A_1118, %sub3A_1077 : i32
    %add3A_1120 = arith.addi %mul3A_1117, %mul3A_1119 : i32
    %mul3A_1121 = arith.constant 1024 : i32
    %mul3A_1122 = arith.muli %add3A_1120, %mul3A_1121 : i32
    %dma_start3A_1123 = arith.constant 4096 : i32
    %dma_start3A_1124 = tpu.memref_slice %arg8[%dma_start3A_1123] : memref<16384xf32, #tpu.memory_space<vmem>> -> memref<2048xf32, #tpu.memory_space<vmem>>
    %dma_start3A_1125 = tpu.memref_slice %arg4[%mul3A_1122] : memref<52428800xf32, #tpu.memory_space<hbm>> -> memref<2048xf32, #tpu.memory_space<hbm>>
    %dma_start3A_1126 = tpu.memref_slice %arg4[%mul3A_1122] : memref<52428800xf32, #tpu.memory_space<hbm>> -> memref<2048xf32, #tpu.memory_space<hbm>>
    %dma_start3A_1127 = arith.constant 4096 : i32
    %dma_start3A_1128 = tpu.memref_slice %arg8[%dma_start3A_1127] : memref<16384xf32, #tpu.memory_space<vmem>> -> memref<2048xf32, #tpu.memory_space<vmem>>
    tpu.enqueue_dma source(%dma_start3A_1128 : memref<2048xf32, #tpu.memory_space<vmem>>) target(%dma_start3A_1126 : memref<2048xf32, #tpu.memory_space<hbm>>) target_semaphore(%arg12 : memref<!tpu.dma_semaphore, #tpu.memory_space<semaphore_mem>>)
    %mul3A_1129 = arith.constant 8 : i32
    %mul3A_1130 = arith.muli %select_n3A_1074, %mul3A_1129 : i32
    %add3A_1131 = arith.constant 3 : i32
    %add3A_1132 = arith.addi %mul3A_1130, %add3A_1131 : i32
    %mul3A_1133 = arith.constant 32 : i32
    %mul3A_1134 = arith.muli %add3A_1132, %mul3A_1133 : i32
    %mul3A_1135 = arith.constant 2 : i32
    %mul3A_1136 = arith.muli %mul3A_1135, %sub3A_1077 : i32
    %add3A_1137 = arith.addi %mul3A_1134, %mul3A_1136 : i32
    %mul3A_1138 = arith.constant 1024 : i32
    %mul3A_1139 = arith.muli %add3A_1137, %mul3A_1138 : i32
    %dma_start3A_1140 = arith.constant 6144 : i32
    %dma_start3A_1141 = tpu.memref_slice %arg8[%dma_start3A_1140] : memref<16384xf32, #tpu.memory_space<vmem>> -> memref<2048xf32, #tpu.memory_space<vmem>>
    %dma_start3A_1142 = tpu.memref_slice %arg4[%mul3A_1139] : memref<52428800xf32, #tpu.memory_space<hbm>> -> memref<2048xf32, #tpu.memory_space<hbm>>
    %dma_start3A_1143 = tpu.memref_slice %arg4[%mul3A_1139] : memref<52428800xf32, #tpu.memory_space<hbm>> -> memref<2048xf32, #tpu.memory_space<hbm>>
    %dma_start3A_1144 = arith.constant 6144 : i32
    %dma_start3A_1145 = tpu.memref_slice %arg8[%dma_start3A_1144] : memref<16384xf32, #tpu.memory_space<vmem>> -> memref<2048xf32, #tpu.memory_space<vmem>>
    tpu.enqueue_dma source(%dma_start3A_1145 : memref<2048xf32, #tpu.memory_space<vmem>>) target(%dma_start3A_1143 : memref<2048xf32, #tpu.memory_space<hbm>>) target_semaphore(%arg12 : memref<!tpu.dma_semaphore, #tpu.memory_space<semaphore_mem>>)
    %mul3A_1146 = arith.constant 8 : i32
    %mul3A_1147 = arith.muli %select_n3A_1074, %mul3A_1146 : i32
    %add3A_1148 = arith.constant 4 : i32
    %add3A_1149 = arith.addi %mul3A_1147, %add3A_1148 : i32
    %mul3A_1150 = arith.constant 32 : i32
    %mul3A_1151 = arith.muli %add3A_1149, %mul3A_1150 : i32
    %mul3A_1152 = arith.constant 2 : i32
    %mul3A_1153 = arith.muli %mul3A_1152, %sub3A_1077 : i32
    %add3A_1154 = arith.addi %mul3A_1151, %mul3A_1153 : i32
    %mul3A_1155 = arith.constant 1024 : i32
    %mul3A_1156 = arith.muli %add3A_1154, %mul3A_1155 : i32
    %dma_start3A_1157 = arith.constant 8192 : i32
    %dma_start3A_1158 = tpu.memref_slice %arg8[%dma_start3A_1157] : memref<16384xf32, #tpu.memory_space<vmem>> -> memref<2048xf32, #tpu.memory_space<vmem>>
    %dma_start3A_1159 = tpu.memref_slice %arg4[%mul3A_1156] : memref<52428800xf32, #tpu.memory_space<hbm>> -> memref<2048xf32, #tpu.memory_space<hbm>>
    %dma_start3A_1160 = tpu.memref_slice %arg4[%mul3A_1156] : memref<52428800xf32, #tpu.memory_space<hbm>> -> memref<2048xf32, #tpu.memory_space<hbm>>
    %dma_start3A_1161 = arith.constant 8192 : i32
    %dma_start3A_1162 = tpu.memref_slice %arg8[%dma_start3A_1161] : memref<16384xf32, #tpu.memory_space<vmem>> -> memref<2048xf32, #tpu.memory_space<vmem>>
    tpu.enqueue_dma source(%dma_start3A_1162 : memref<2048xf32, #tpu.memory_space<vmem>>) target(%dma_start3A_1160 : memref<2048xf32, #tpu.memory_space<hbm>>) target_semaphore(%arg12 : memref<!tpu.dma_semaphore, #tpu.memory_space<semaphore_mem>>)
    %mul3A_1163 = arith.constant 8 : i32
    %mul3A_1164 = arith.muli %select_n3A_1074, %mul3A_1163 : i32
    %add3A_1165 = arith.constant 5 : i32
    %add3A_1166 = arith.addi %mul3A_1164, %add3A_1165 : i32
    %mul3A_1167 = arith.constant 32 : i32
    %mul3A_1168 = arith.muli %add3A_1166, %mul3A_1167 : i32
    %mul3A_1169 = arith.constant 2 : i32
    %mul3A_1170 = arith.muli %mul3A_1169, %sub3A_1077 : i32
    %add3A_1171 = arith.addi %mul3A_1168, %mul3A_1170 : i32
    %mul3A_1172 = arith.constant 1024 : i32
    %mul3A_1173 = arith.muli %add3A_1171, %mul3A_1172 : i32
    %dma_start3A_1174 = arith.constant 10240 : i32
    %dma_start3A_1175 = tpu.memref_slice %arg8[%dma_start3A_1174] : memref<16384xf32, #tpu.memory_space<vmem>> -> memref<2048xf32, #tpu.memory_space<vmem>>
    %dma_start3A_1176 = tpu.memref_slice %arg4[%mul3A_1173] : memref<52428800xf32, #tpu.memory_space<hbm>> -> memref<2048xf32, #tpu.memory_space<hbm>>
    %dma_start3A_1177 = tpu.memref_slice %arg4[%mul3A_1173] : memref<52428800xf32, #tpu.memory_space<hbm>> -> memref<2048xf32, #tpu.memory_space<hbm>>
    %dma_start3A_1178 = arith.constant 10240 : i32
    %dma_start3A_1179 = tpu.memref_slice %arg8[%dma_start3A_1178] : memref<16384xf32, #tpu.memory_space<vmem>> -> memref<2048xf32, #tpu.memory_space<vmem>>
    tpu.enqueue_dma source(%dma_start3A_1179 : memref<2048xf32, #tpu.memory_space<vmem>>) target(%dma_start3A_1177 : memref<2048xf32, #tpu.memory_space<hbm>>) target_semaphore(%arg12 : memref<!tpu.dma_semaphore, #tpu.memory_space<semaphore_mem>>)
    %mul3A_1180 = arith.constant 8 : i32
    %mul3A_1181 = arith.muli %select_n3A_1074, %mul3A_1180 : i32
    %add3A_1182 = arith.constant 6 : i32
    %add3A_1183 = arith.addi %mul3A_1181, %add3A_1182 : i32
    %mul3A_1184 = arith.constant 32 : i32
    %mul3A_1185 = arith.muli %add3A_1183, %mul3A_1184 : i32
    %mul3A_1186 = arith.constant 2 : i32
    %mul3A_1187 = arith.muli %mul3A_1186, %sub3A_1077 : i32
    %add3A_1188 = arith.addi %mul3A_1185, %mul3A_1187 : i32
    %mul3A_1189 = arith.constant 1024 : i32
    %mul3A_1190 = arith.muli %add3A_1188, %mul3A_1189 : i32
    %dma_start3A_1191 = arith.constant 12288 : i32
    %dma_start3A_1192 = tpu.memref_slice %arg8[%dma_start3A_1191] : memref<16384xf32, #tpu.memory_space<vmem>> -> memref<2048xf32, #tpu.memory_space<vmem>>
    %dma_start3A_1193 = tpu.memref_slice %arg4[%mul3A_1190] : memref<52428800xf32, #tpu.memory_space<hbm>> -> memref<2048xf32, #tpu.memory_space<hbm>>
    %dma_start3A_1194 = tpu.memref_slice %arg4[%mul3A_1190] : memref<52428800xf32, #tpu.memory_space<hbm>> -> memref<2048xf32, #tpu.memory_space<hbm>>
    %dma_start3A_1195 = arith.constant 12288 : i32
    %dma_start3A_1196 = tpu.memref_slice %arg8[%dma_start3A_1195] : memref<16384xf32, #tpu.memory_space<vmem>> -> memref<2048xf32, #tpu.memory_space<vmem>>
    tpu.enqueue_dma source(%dma_start3A_1196 : memref<2048xf32, #tpu.memory_space<vmem>>) target(%dma_start3A_1194 : memref<2048xf32, #tpu.memory_space<hbm>>) target_semaphore(%arg12 : memref<!tpu.dma_semaphore, #tpu.memory_space<semaphore_mem>>)
    %mul3A_1197 = arith.constant 8 : i32
    %mul3A_1198 = arith.muli %select_n3A_1074, %mul3A_1197 : i32
    %add3A_1199 = arith.constant 7 : i32
    %add3A_1200 = arith.addi %mul3A_1198, %add3A_1199 : i32
    %mul3A_1201 = arith.constant 32 : i32
    %mul3A_1202 = arith.muli %add3A_1200, %mul3A_1201 : i32
    %mul3A_1203 = arith.constant 2 : i32
    %mul3A_1204 = arith.muli %mul3A_1203, %sub3A_1077 : i32
    %add3A_1205 = arith.addi %mul3A_1202, %mul3A_1204 : i32
    %mul3A_1206 = arith.constant 1024 : i32
    %mul3A_1207 = arith.muli %add3A_1205, %mul3A_1206 : i32
    %dma_start3A_1208 = arith.constant 14336 : i32
    %dma_start3A_1209 = tpu.memref_slice %arg8[%dma_start3A_1208] : memref<16384xf32, #tpu.memory_space<vmem>> -> memref<2048xf32, #tpu.memory_space<vmem>>
    %dma_start3A_1210 = tpu.memref_slice %arg4[%mul3A_1207] : memref<52428800xf32, #tpu.memory_space<hbm>> -> memref<2048xf32, #tpu.memory_space<hbm>>
    %dma_start3A_1211 = tpu.memref_slice %arg4[%mul3A_1207] : memref<52428800xf32, #tpu.memory_space<hbm>> -> memref<2048xf32, #tpu.memory_space<hbm>>
    %dma_start3A_1212 = arith.constant 14336 : i32
    %dma_start3A_1213 = tpu.memref_slice %arg8[%dma_start3A_1212] : memref<16384xf32, #tpu.memory_space<vmem>> -> memref<2048xf32, #tpu.memory_space<vmem>>
    tpu.enqueue_dma source(%dma_start3A_1213 : memref<2048xf32, #tpu.memory_space<vmem>>) target(%dma_start3A_1211 : memref<2048xf32, #tpu.memory_space<hbm>>) target_semaphore(%arg12 : memref<!tpu.dma_semaphore, #tpu.memory_space<semaphore_mem>>)
    %dma_wait3A_1214 = arith.constant 0 : i32
    %dma_wait3A_1215 = tpu.memref_slice %arg5[%dma_wait3A_1214] : memref<25600xi32, #tpu.memory_space<vmem>> -> memref<256xi32, #tpu.memory_space<vmem>>
    %dma_wait3A_1216 = arith.constant 0 : i32
    %dma_wait3A_1217 = arith.constant 0 : i32
    %dma_wait3A_1218 = tpu.memref_slice %arg3[%dma_wait3A_1216, %dma_wait3A_1217] : memref<1000000x128xf32, #tpu.memory_space<hbm>> -> memref<1000000x128xf32, #tpu.memory_space<hbm>>
    tpu.wait_indirect_dma semaphore(%arg11 : memref<!tpu.dma_semaphore, #tpu.memory_space<semaphore_mem>>) src(%dma_wait3A_1218 : memref<1000000x128xf32, #tpu.memory_space<hbm>>) dst(%arg7 : memref<256x128xf32, #tpu.memory_space<vmem>>)
    %dma_wait3A_1219 = arith.constant 0 : i32
    %dma_wait3A_1220 = tpu.memref_slice %arg4[%dma_wait3A_1219] : memref<52428800xf32, #tpu.memory_space<hbm>> -> memref<16384xf32, #tpu.memory_space<hbm>>
    %dma_wait3A_1221 = arith.constant 0 : i32
    %dma_wait3A_1222 = tpu.memref_slice %arg4[%dma_wait3A_1221] : memref<52428800xf32, #tpu.memory_space<hbm>> -> memref<16384xf32, #tpu.memory_space<hbm>>
    tpu.wait_dma2 semaphore(%arg13 : memref<!tpu.dma_semaphore, #tpu.memory_space<semaphore_mem>>) src(%arg9 : memref<16384xf32, #tpu.memory_space<vmem>>) dst(%dma_wait3A_1222 : memref<16384xf32, #tpu.memory_space<hbm>>)
    %scan3A_1223 = arith.constant 0 : i32
    %scan3A_1224 = arith.constant 0 : i32
    %scan3A_1225 = arith.constant 16 : i32
    %scan3A_1226 = arith.addi %scan3A_1224, %scan3A_1225 : i32
    %scan3A_1227 = arith.constant 1 : i32
    scf.for %scan3A_1402 = %scan3A_1224 to %scan3A_1226 step %scan3A_1227  : i32 {
      %mul3A_1403 = arith.constant 16 : i32
      %mul3A_1404 = arith.muli %scan3A_1402, %mul3A_1403 : i32
      %jit3A_1405 = arith.constant 8 : i32
      %div3A_1406 = arith.divsi %scan3A_1402, %jit3A_1405 : i32
      %sign3A_1407 = arith.constant 0 : i32
      %sign3A_1408 = arith.cmpi sgt, %scan3A_1402, %sign3A_1407 : i32
      %sign3A_1409 = arith.extui %sign3A_1408 : i1 to i32
      %sign3A_1410 = arith.constant 0 : i32
      %sign3A_1411 = arith.cmpi slt, %scan3A_1402, %sign3A_1410 : i32
      %sign3A_1412 = arith.extui %sign3A_1411 : i1 to i32
      %sign3A_1413 = arith.subi %sign3A_1409, %sign3A_1412 : i32
      %sign3A_1414 = arith.constant 0 : i32
      %sign3A_1415 = arith.cmpi sgt, %jit3A_1405, %sign3A_1414 : i32
      %sign3A_1416 = arith.extui %sign3A_1415 : i1 to i32
      %sign3A_1417 = arith.constant 0 : i32
      %sign3A_1418 = arith.cmpi slt, %jit3A_1405, %sign3A_1417 : i32
      %sign3A_1419 = arith.extui %sign3A_1418 : i1 to i32
      %sign3A_1420 = arith.subi %sign3A_1416, %sign3A_1419 : i32
      %ne3A_1421 = arith.cmpi ne, %sign3A_1413, %sign3A_1420 : i32
      %rem3A_1422 = arith.remsi %scan3A_1402, %jit3A_1405 : i32
      %ne3A_1423 = arith.constant 0 : i32
      %ne3A_1424 = arith.cmpi ne, %rem3A_1422, %ne3A_1423 : i32
      %and3A_1425 = arith.andi %ne3A_1421, %ne3A_1424 : i1
      %sub3A_1426 = arith.constant 1 : i32
      %sub3A_1427 = arith.subi %div3A_1406, %sub3A_1426 : i32
      %select_n3A_1428 = arith.select %and3A_1425, %sub3A_1427, %div3A_1406 : i32
      %mul3A_1429 = arith.constant 1024 : i32
      %mul3A_1430 = arith.muli %select_n3A_1428, %mul3A_1429 : i32
      %jit3A_1431 = arith.constant 8 : i32
      %eq3A_1432 = arith.constant 0 : i32
      %eq3A_1433 = arith.cmpi eq, %jit3A_1431, %eq3A_1432 : i32
      %jit3A_1434 = arith.constant 1 : i32
      %select_n3A_1435 = arith.select %eq3A_1433, %jit3A_1434, %jit3A_1431 : i32
      %rem3A_1436 = arith.remsi %scan3A_1402, %select_n3A_1435 : i32
      %ne3A_1437 = arith.constant 0 : i32
      %ne3A_1438 = arith.cmpi ne, %rem3A_1436, %ne3A_1437 : i32
      %lt3A_1439 = arith.constant 0 : i32
      %lt3A_1440 = arith.cmpi slt, %rem3A_1436, %lt3A_1439 : i32
      %lt3A_1441 = arith.constant 0 : i32
      %lt3A_1442 = arith.cmpi slt, %select_n3A_1435, %lt3A_1441 : i32
      %ne3A_1443 = arith.xori %lt3A_1440, %lt3A_1442 : i1
      %and3A_1444 = arith.andi %ne3A_1443, %ne3A_1438 : i1
      %add3A_1445 = arith.addi %rem3A_1436, %select_n3A_1435 : i32
      %select_n3A_1446 = arith.select %and3A_1444, %add3A_1445, %rem3A_1436 : i32
      %mul3A_1447 = arith.constant 16 : i32
      %mul3A_1448 = arith.muli %select_n3A_1446, %mul3A_1447 : i32
      %add3A_1449 = arith.addi %mul3A_1430, %mul3A_1448 : i32
      %add3A_1450 = vector.broadcast %mul3A_1404 : i32 to vector<16xi32>
      %add3A_1451 = arith.addi %select_n3A_22, %add3A_1450 : vector<16xi32>
      %add3A_1452 = vector.broadcast %add3A_1449 : i32 to vector<16xi32>
      %add3A_1453 = arith.addi %select_n3A_22, %add3A_1452 : vector<16xi32>
      %gather3A = tpu.vector_load_idx %arg7[%add3A_1451, %add3A_400] : memref<256x128xf32, #tpu.memory_space<vmem>>[vector<16xi32>, vector<16xi32>], vector<16xf32>,
      %add3A_1454 = arith.addi %add3A_469, %add3A_1453 : vector<16xi32>
      %gather3A_1455 = tpu.vector_load_idx %arg7[%add3A_1451, %add3A_403] : memref<256x128xf32, #tpu.memory_space<vmem>>[vector<16xi32>, vector<16xi32>], vector<16xf32>,
      %add3A_1456 = arith.addi %add3A_532, %add3A_1453 : vector<16xi32>
      %gather3A_1457 = tpu.vector_load_idx %arg7[%add3A_1451, %add3A_406] : memref<256x128xf32, #tpu.memory_space<vmem>>[vector<16xi32>, vector<16xi32>], vector<16xf32>,
      %add3A_1458 = arith.addi %add3A_595, %add3A_1453 : vector<16xi32>
      %gather3A_1459 = tpu.vector_load_idx %arg7[%add3A_1451, %add3A_409] : memref<256x128xf32, #tpu.memory_space<vmem>>[vector<16xi32>, vector<16xi32>], vector<16xf32>,
      %add3A_1460 = arith.addi %add3A_658, %add3A_1453 : vector<16xi32>
      %add3A_1461 = vector.broadcast %mul3A_1404 : i32 to vector<16xi32>
      %add3A_1462 = arith.addi %select_n3A_47, %add3A_1461 : vector<16xi32>
      %add3A_1463 = vector.broadcast %add3A_1449 : i32 to vector<16xi32>
      %add3A_1464 = arith.addi %select_n3A_47, %add3A_1463 : vector<16xi32>
      %gather3A_1465 = tpu.vector_load_idx %arg7[%add3A_1462, %add3A_400] : memref<256x128xf32, #tpu.memory_space<vmem>>[vector<16xi32>, vector<16xi32>], vector<16xf32>,
      %add3A_1466 = arith.addi %add3A_469, %add3A_1464 : vector<16xi32>
      %gather3A_1467 = tpu.vector_load_idx %arg7[%add3A_1462, %add3A_403] : memref<256x128xf32, #tpu.memory_space<vmem>>[vector<16xi32>, vector<16xi32>], vector<16xf32>,
      %add3A_1468 = arith.addi %add3A_532, %add3A_1464 : vector<16xi32>
      %gather3A_1469 = tpu.vector_load_idx %arg7[%add3A_1462, %add3A_406] : memref<256x128xf32, #tpu.memory_space<vmem>>[vector<16xi32>, vector<16xi32>], vector<16xf32>,
      %add3A_1470 = arith.addi %add3A_595, %add3A_1464 : vector<16xi32>
      %gather3A_1471 = tpu.vector_load_idx %arg7[%add3A_1462, %add3A_409] : memref<256x128xf32, #tpu.memory_space<vmem>>[vector<16xi32>, vector<16xi32>], vector<16xf32>,
      %add3A_1472 = arith.addi %add3A_658, %add3A_1464 : vector<16xi32>
      tpu.vector_store_idx %arg9[%add3A_1454], %gather3A : memref<16384xf32, #tpu.memory_space<vmem>>[vector<16xi32>], vector<16xf32>,
      tpu.vector_store_idx %arg9[%add3A_1456], %gather3A_1455 : memref<16384xf32, #tpu.memory_space<vmem>>[vector<16xi32>], vector<16xf32>,
      tpu.vector_store_idx %arg9[%add3A_1458], %gather3A_1457 : memref<16384xf32, #tpu.memory_space<vmem>>[vector<16xi32>], vector<16xf32>,
      tpu.vector_store_idx %arg9[%add3A_1460], %gather3A_1459 : memref<16384xf32, #tpu.memory_space<vmem>>[vector<16xi32>], vector<16xf32>,
      tpu.vector_store_idx %arg9[%add3A_1466], %gather3A_1465 : memref<16384xf32, #tpu.memory_space<vmem>>[vector<16xi32>], vector<16xf32>,
      tpu.vector_store_idx %arg9[%add3A_1468], %gather3A_1467 : memref<16384xf32, #tpu.memory_space<vmem>>[vector<16xi32>], vector<16xf32>,
      tpu.vector_store_idx %arg9[%add3A_1470], %gather3A_1469 : memref<16384xf32, #tpu.memory_space<vmem>>[vector<16xi32>], vector<16xf32>,
      tpu.vector_store_idx %arg9[%add3A_1472], %gather3A_1471 : memref<16384xf32, #tpu.memory_space<vmem>>[vector<16xi32>], vector<16xf32>,
      %add3A_1473 = vector.broadcast %mul3A_1404 : i32 to vector<16xi32>
      %add3A_1474 = arith.addi %select_n3A_72, %add3A_1473 : vector<16xi32>
      %add3A_1475 = vector.broadcast %add3A_1449 : i32 to vector<16xi32>
      %add3A_1476 = arith.addi %select_n3A_72, %add3A_1475 : vector<16xi32>
      %gather3A_1477 = tpu.vector_load_idx %arg7[%add3A_1474, %add3A_400] : memref<256x128xf32, #tpu.memory_space<vmem>>[vector<16xi32>, vector<16xi32>], vector<16xf32>,
      %add3A_1478 = arith.addi %add3A_469, %add3A_1476 : vector<16xi32>
      %gather3A_1479 = tpu.vector_load_idx %arg7[%add3A_1474, %add3A_403] : memref<256x128xf32, #tpu.memory_space<vmem>>[vector<16xi32>, vector<16xi32>], vector<16xf32>,
      %add3A_1480 = arith.addi %add3A_532, %add3A_1476 : vector<16xi32>
      %gather3A_1481 = tpu.vector_load_idx %arg7[%add3A_1474, %add3A_406] : memref<256x128xf32, #tpu.memory_space<vmem>>[vector<16xi32>, vector<16xi32>], vector<16xf32>,
      %add3A_1482 = arith.addi %add3A_595, %add3A_1476 : vector<16xi32>
      %gather3A_1483 = tpu.vector_load_idx %arg7[%add3A_1474, %add3A_409] : memref<256x128xf32, #tpu.memory_space<vmem>>[vector<16xi32>, vector<16xi32>], vector<16xf32>,
      %add3A_1484 = arith.addi %add3A_658, %add3A_1476 : vector<16xi32>
      %add3A_1485 = vector.broadcast %mul3A_1404 : i32 to vector<16xi32>
      %add3A_1486 = arith.addi %select_n3A_97, %add3A_1485 : vector<16xi32>
      %add3A_1487 = vector.broadcast %add3A_1449 : i32 to vector<16xi32>
      %add3A_1488 = arith.addi %select_n3A_97, %add3A_1487 : vector<16xi32>
      %gather3A_1489 = tpu.vector_load_idx %arg7[%add3A_1486, %add3A_400] : memref<256x128xf32, #tpu.memory_space<vmem>>[vector<16xi32>, vector<16xi32>], vector<16xf32>,
      %add3A_1490 = arith.addi %add3A_469, %add3A_1488 : vector<16xi32>
      %gather3A_1491 = tpu.vector_load_idx %arg7[%add3A_1486, %add3A_403] : memref<256x128xf32, #tpu.memory_space<vmem>>[vector<16xi32>, vector<16xi32>], vector<16xf32>,
      %add3A_1492 = arith.addi %add3A_532, %add3A_1488 : vector<16xi32>
      %gather3A_1493 = tpu.vector_load_idx %arg7[%add3A_1486, %add3A_406] : memref<256x128xf32, #tpu.memory_space<vmem>>[vector<16xi32>, vector<16xi32>], vector<16xf32>,
      %add3A_1494 = arith.addi %add3A_595, %add3A_1488 : vector<16xi32>
      %gather3A_1495 = tpu.vector_load_idx %arg7[%add3A_1486, %add3A_409] : memref<256x128xf32, #tpu.memory_space<vmem>>[vector<16xi32>, vector<16xi32>], vector<16xf32>,
      %add3A_1496 = arith.addi %add3A_658, %add3A_1488 : vector<16xi32>
      tpu.vector_store_idx %arg9[%add3A_1478], %gather3A_1477 : memref<16384xf32, #tpu.memory_space<vmem>>[vector<16xi32>], vector<16xf32>,
      tpu.vector_store_idx %arg9[%add3A_1480], %gather3A_1479 : memref<16384xf32, #tpu.memory_space<vmem>>[vector<16xi32>], vector<16xf32>,
      tpu.vector_store_idx %arg9[%add3A_1482], %gather3A_1481 : memref<16384xf32, #tpu.memory_space<vmem>>[vector<16xi32>], vector<16xf32>,
      tpu.vector_store_idx %arg9[%add3A_1484], %gather3A_1483 : memref<16384xf32, #tpu.memory_space<vmem>>[vector<16xi32>], vector<16xf32>,
      tpu.vector_store_idx %arg9[%add3A_1490], %gather3A_1489 : memref<16384xf32, #tpu.memory_space<vmem>>[vector<16xi32>], vector<16xf32>,
      tpu.vector_store_idx %arg9[%add3A_1492], %gather3A_1491 : memref<16384xf32, #tpu.memory_space<vmem>>[vector<16xi32>], vector<16xf32>,
      tpu.vector_store_idx %arg9[%add3A_1494], %gather3A_1493 : memref<16384xf32, #tpu.memory_space<vmem>>[vector<16xi32>], vector<16xf32>,
      tpu.vector_store_idx %arg9[%add3A_1496], %gather3A_1495 : memref<16384xf32, #tpu.memory_space<vmem>>[vector<16xi32>], vector<16xf32>,
      %add3A_1497 = vector.broadcast %mul3A_1404 : i32 to vector<16xi32>
      %add3A_1498 = arith.addi %select_n3A_122, %add3A_1497 : vector<16xi32>
      %add3A_1499 = vector.broadcast %add3A_1449 : i32 to vector<16xi32>
      %add3A_1500 = arith.addi %select_n3A_122, %add3A_1499 : vector<16xi32>
      %gather3A_1501 = tpu.vector_load_idx %arg7[%add3A_1498, %add3A_400] : memref<256x128xf32, #tpu.memory_space<vmem>>[vector<16xi32>, vector<16xi32>], vector<16xf32>,
      %add3A_1502 = arith.addi %add3A_469, %add3A_1500 : vector<16xi32>
      %gather3A_1503 = tpu.vector_load_idx %arg7[%add3A_1498, %add3A_403] : memref<256x128xf32, #tpu.memory_space<vmem>>[vector<16xi32>, vector<16xi32>], vector<16xf32>,
      %add3A_1504 = arith.addi %add3A_532, %add3A_1500 : vector<16xi32>
      %gather3A_1505 = tpu.vector_load_idx %arg7[%add3A_1498, %add3A_406] : memref<256x128xf32, #tpu.memory_space<vmem>>[vector<16xi32>, vector<16xi32>], vector<16xf32>,
      %add3A_1506 = arith.addi %add3A_595, %add3A_1500 : vector<16xi32>
      %gather3A_1507 = tpu.vector_load_idx %arg7[%add3A_1498, %add3A_409] : memref<256x128xf32, #tpu.memory_space<vmem>>[vector<16xi32>, vector<16xi32>], vector<16xf32>,
      %add3A_1508 = arith.addi %add3A_658, %add3A_1500 : vector<16xi32>
      %add3A_1509 = vector.broadcast %mul3A_1404 : i32 to vector<16xi32>
      %add3A_1510 = arith.addi %select_n3A_147, %add3A_1509 : vector<16xi32>
      %add3A_1511 = vector.broadcast %add3A_1449 : i32 to vector<16xi32>
      %add3A_1512 = arith.addi %select_n3A_147, %add3A_1511 : vector<16xi32>
      %gather3A_1513 = tpu.vector_load_idx %arg7[%add3A_1510, %add3A_400] : memref<256x128xf32, #tpu.memory_space<vmem>>[vector<16xi32>, vector<16xi32>], vector<16xf32>,
      %add3A_1514 = arith.addi %add3A_469, %add3A_1512 : vector<16xi32>
      %gather3A_1515 = tpu.vector_load_idx %arg7[%add3A_1510, %add3A_403] : memref<256x128xf32, #tpu.memory_space<vmem>>[vector<16xi32>, vector<16xi32>], vector<16xf32>,
      %add3A_1516 = arith.addi %add3A_532, %add3A_1512 : vector<16xi32>
      %gather3A_1517 = tpu.vector_load_idx %arg7[%add3A_1510, %add3A_406] : memref<256x128xf32, #tpu.memory_space<vmem>>[vector<16xi32>, vector<16xi32>], vector<16xf32>,
      %add3A_1518 = arith.addi %add3A_595, %add3A_1512 : vector<16xi32>
      %gather3A_1519 = tpu.vector_load_idx %arg7[%add3A_1510, %add3A_409] : memref<256x128xf32, #tpu.memory_space<vmem>>[vector<16xi32>, vector<16xi32>], vector<16xf32>,
      %add3A_1520 = arith.addi %add3A_658, %add3A_1512 : vector<16xi32>
      tpu.vector_store_idx %arg9[%add3A_1502], %gather3A_1501 : memref<16384xf32, #tpu.memory_space<vmem>>[vector<16xi32>], vector<16xf32>,
      tpu.vector_store_idx %arg9[%add3A_1504], %gather3A_1503 : memref<16384xf32, #tpu.memory_space<vmem>>[vector<16xi32>], vector<16xf32>,
      tpu.vector_store_idx %arg9[%add3A_1506], %gather3A_1505 : memref<16384xf32, #tpu.memory_space<vmem>>[vector<16xi32>], vector<16xf32>,
      tpu.vector_store_idx %arg9[%add3A_1508], %gather3A_1507 : memref<16384xf32, #tpu.memory_space<vmem>>[vector<16xi32>], vector<16xf32>,
      tpu.vector_store_idx %arg9[%add3A_1514], %gather3A_1513 : memref<16384xf32, #tpu.memory_space<vmem>>[vector<16xi32>], vector<16xf32>,
      tpu.vector_store_idx %arg9[%add3A_1516], %gather3A_1515 : memref<16384xf32, #tpu.memory_space<vmem>>[vector<16xi32>], vector<16xf32>,
      tpu.vector_store_idx %arg9[%add3A_1518], %gather3A_1517 : memref<16384xf32, #tpu.memory_space<vmem>>[vector<16xi32>], vector<16xf32>,
      tpu.vector_store_idx %arg9[%add3A_1520], %gather3A_1519 : memref<16384xf32, #tpu.memory_space<vmem>>[vector<16xi32>], vector<16xf32>,
      %add3A_1521 = vector.broadcast %mul3A_1404 : i32 to vector<16xi32>
      %add3A_1522 = arith.addi %select_n3A_172, %add3A_1521 : vector<16xi32>
      %add3A_1523 = vector.broadcast %add3A_1449 : i32 to vector<16xi32>
      %add3A_1524 = arith.addi %select_n3A_172, %add3A_1523 : vector<16xi32>
      %gather3A_1525 = tpu.vector_load_idx %arg7[%add3A_1522, %add3A_400] : memref<256x128xf32, #tpu.memory_space<vmem>>[vector<16xi32>, vector<16xi32>], vector<16xf32>,
      %add3A_1526 = arith.addi %add3A_469, %add3A_1524 : vector<16xi32>
      %gather3A_1527 = tpu.vector_load_idx %arg7[%add3A_1522, %add3A_403] : memref<256x128xf32, #tpu.memory_space<vmem>>[vector<16xi32>, vector<16xi32>], vector<16xf32>,
      %add3A_1528 = arith.addi %add3A_532, %add3A_1524 : vector<16xi32>
      %gather3A_1529 = tpu.vector_load_idx %arg7[%add3A_1522, %add3A_406] : memref<256x128xf32, #tpu.memory_space<vmem>>[vector<16xi32>, vector<16xi32>], vector<16xf32>,
      %add3A_1530 = arith.addi %add3A_595, %add3A_1524 : vector<16xi32>
      %gather3A_1531 = tpu.vector_load_idx %arg7[%add3A_1522, %add3A_409] : memref<256x128xf32, #tpu.memory_space<vmem>>[vector<16xi32>, vector<16xi32>], vector<16xf32>,
      %add3A_1532 = arith.addi %add3A_658, %add3A_1524 : vector<16xi32>
      %add3A_1533 = vector.broadcast %mul3A_1404 : i32 to vector<16xi32>
      %add3A_1534 = arith.addi %select_n3A_197, %add3A_1533 : vector<16xi32>
      %add3A_1535 = vector.broadcast %add3A_1449 : i32 to vector<16xi32>
      %add3A_1536 = arith.addi %select_n3A_197, %add3A_1535 : vector<16xi32>
      %gather3A_1537 = tpu.vector_load_idx %arg7[%add3A_1534, %add3A_400] : memref<256x128xf32, #tpu.memory_space<vmem>>[vector<16xi32>, vector<16xi32>], vector<16xf32>,
      %add3A_1538 = arith.addi %add3A_469, %add3A_1536 : vector<16xi32>
      %gather3A_1539 = tpu.vector_load_idx %arg7[%add3A_1534, %add3A_403] : memref<256x128xf32, #tpu.memory_space<vmem>>[vector<16xi32>, vector<16xi32>], vector<16xf32>,
      %add3A_1540 = arith.addi %add3A_532, %add3A_1536 : vector<16xi32>
      %gather3A_1541 = tpu.vector_load_idx %arg7[%add3A_1534, %add3A_406] : memref<256x128xf32, #tpu.memory_space<vmem>>[vector<16xi32>, vector<16xi32>], vector<16xf32>,
      %add3A_1542 = arith.addi %add3A_595, %add3A_1536 : vector<16xi32>
      %gather3A_1543 = tpu.vector_load_idx %arg7[%add3A_1534, %add3A_409] : memref<256x128xf32, #tpu.memory_space<vmem>>[vector<16xi32>, vector<16xi32>], vector<16xf32>,
      %add3A_1544 = arith.addi %add3A_658, %add3A_1536 : vector<16xi32>
      tpu.vector_store_idx %arg9[%add3A_1526], %gather3A_1525 : memref<16384xf32, #tpu.memory_space<vmem>>[vector<16xi32>], vector<16xf32>,
      tpu.vector_store_idx %arg9[%add3A_1528], %gather3A_1527 : memref<16384xf32, #tpu.memory_space<vmem>>[vector<16xi32>], vector<16xf32>,
      tpu.vector_store_idx %arg9[%add3A_1530], %gather3A_1529 : memref<16384xf32, #tpu.memory_space<vmem>>[vector<16xi32>], vector<16xf32>,
      tpu.vector_store_idx %arg9[%add3A_1532], %gather3A_1531 : memref<16384xf32, #tpu.memory_space<vmem>>[vector<16xi32>], vector<16xf32>,
      tpu.vector_store_idx %arg9[%add3A_1538], %gather3A_1537 : memref<16384xf32, #tpu.memory_space<vmem>>[vector<16xi32>], vector<16xf32>,
      tpu.vector_store_idx %arg9[%add3A_1540], %gather3A_1539 : memref<16384xf32, #tpu.memory_space<vmem>>[vector<16xi32>], vector<16xf32>,
      tpu.vector_store_idx %arg9[%add3A_1542], %gather3A_1541 : memref<16384xf32, #tpu.memory_space<vmem>>[vector<16xi32>], vector<16xf32>,
      tpu.vector_store_idx %arg9[%add3A_1544], %gather3A_1543 : memref<16384xf32, #tpu.memory_space<vmem>>[vector<16xi32>], vector<16xf32>,
      %add3A_1545 = vector.broadcast %mul3A_1404 : i32 to vector<16xi32>
      %add3A_1546 = arith.addi %select_n3A_222, %add3A_1545 : vector<16xi32>
      %add3A_1547 = vector.broadcast %add3A_1449 : i32 to vector<16xi32>
      %add3A_1548 = arith.addi %select_n3A_222, %add3A_1547 : vector<16xi32>
      %gather3A_1549 = tpu.vector_load_idx %arg7[%add3A_1546, %add3A_400] : memref<256x128xf32, #tpu.memory_space<vmem>>[vector<16xi32>, vector<16xi32>], vector<16xf32>,
      %add3A_1550 = arith.addi %add3A_469, %add3A_1548 : vector<16xi32>
      %gather3A_1551 = tpu.vector_load_idx %arg7[%add3A_1546, %add3A_403] : memref<256x128xf32, #tpu.memory_space<vmem>>[vector<16xi32>, vector<16xi32>], vector<16xf32>,
      %add3A_1552 = arith.addi %add3A_532, %add3A_1548 : vector<16xi32>
      %gather3A_1553 = tpu.vector_load_idx %arg7[%add3A_1546, %add3A_406] : memref<256x128xf32, #tpu.memory_space<vmem>>[vector<16xi32>, vector<16xi32>], vector<16xf32>,
      %add3A_1554 = arith.addi %add3A_595, %add3A_1548 : vector<16xi32>
      %gather3A_1555 = tpu.vector_load_idx %arg7[%add3A_1546, %add3A_409] : memref<256x128xf32, #tpu.memory_space<vmem>>[vector<16xi32>, vector<16xi32>], vector<16xf32>,
      %add3A_1556 = arith.addi %add3A_658, %add3A_1548 : vector<16xi32>
      %add3A_1557 = vector.broadcast %mul3A_1404 : i32 to vector<16xi32>
      %add3A_1558 = arith.addi %select_n3A_247, %add3A_1557 : vector<16xi32>
      %add3A_1559 = vector.broadcast %add3A_1449 : i32 to vector<16xi32>
      %add3A_1560 = arith.addi %select_n3A_247, %add3A_1559 : vector<16xi32>
      %gather3A_1561 = tpu.vector_load_idx %arg7[%add3A_1558, %add3A_400] : memref<256x128xf32, #tpu.memory_space<vmem>>[vector<16xi32>, vector<16xi32>], vector<16xf32>,
      %add3A_1562 = arith.addi %add3A_469, %add3A_1560 : vector<16xi32>
      %gather3A_1563 = tpu.vector_load_idx %arg7[%add3A_1558, %add3A_403] : memref<256x128xf32, #tpu.memory_space<vmem>>[vector<16xi32>, vector<16xi32>], vector<16xf32>,
      %add3A_1564 = arith.addi %add3A_532, %add3A_1560 : vector<16xi32>
      %gather3A_1565 = tpu.vector_load_idx %arg7[%add3A_1558, %add3A_406] : memref<256x128xf32, #tpu.memory_space<vmem>>[vector<16xi32>, vector<16xi32>], vector<16xf32>,
      %add3A_1566 = arith.addi %add3A_595, %add3A_1560 : vector<16xi32>
      %gather3A_1567 = tpu.vector_load_idx %arg7[%add3A_1558, %add3A_409] : memref<256x128xf32, #tpu.memory_space<vmem>>[vector<16xi32>, vector<16xi32>], vector<16xf32>,
      %add3A_1568 = arith.addi %add3A_658, %add3A_1560 : vector<16xi32>
      tpu.vector_store_idx %arg9[%add3A_1550], %gather3A_1549 : memref<16384xf32, #tpu.memory_space<vmem>>[vector<16xi32>], vector<16xf32>,
      tpu.vector_store_idx %arg9[%add3A_1552], %gather3A_1551 : memref<16384xf32, #tpu.memory_space<vmem>>[vector<16xi32>], vector<16xf32>,
      tpu.vector_store_idx %arg9[%add3A_1554], %gather3A_1553 : memref<16384xf32, #tpu.memory_space<vmem>>[vector<16xi32>], vector<16xf32>,
      tpu.vector_store_idx %arg9[%add3A_1556], %gather3A_1555 : memref<16384xf32, #tpu.memory_space<vmem>>[vector<16xi32>], vector<16xf32>,
      tpu.vector_store_idx %arg9[%add3A_1562], %gather3A_1561 : memref<16384xf32, #tpu.memory_space<vmem>>[vector<16xi32>], vector<16xf32>,
      tpu.vector_store_idx %arg9[%add3A_1564], %gather3A_1563 : memref<16384xf32, #tpu.memory_space<vmem>>[vector<16xi32>], vector<16xf32>,
      tpu.vector_store_idx %arg9[%add3A_1566], %gather3A_1565 : memref<16384xf32, #tpu.memory_space<vmem>>[vector<16xi32>], vector<16xf32>,
      tpu.vector_store_idx %arg9[%add3A_1568], %gather3A_1567 : memref<16384xf32, #tpu.memory_space<vmem>>[vector<16xi32>], vector<16xf32>,
      %add3A_1569 = vector.broadcast %mul3A_1404 : i32 to vector<16xi32>
      %add3A_1570 = arith.addi %select_n3A_272, %add3A_1569 : vector<16xi32>
      %add3A_1571 = vector.broadcast %add3A_1449 : i32 to vector<16xi32>
      %add3A_1572 = arith.addi %select_n3A_272, %add3A_1571 : vector<16xi32>
      %gather3A_1573 = tpu.vector_load_idx %arg7[%add3A_1570, %add3A_400] : memref<256x128xf32, #tpu.memory_space<vmem>>[vector<16xi32>, vector<16xi32>], vector<16xf32>,
      %add3A_1574 = arith.addi %add3A_469, %add3A_1572 : vector<16xi32>
      %gather3A_1575 = tpu.vector_load_idx %arg7[%add3A_1570, %add3A_403] : memref<256x128xf32, #tpu.memory_space<vmem>>[vector<16xi32>, vector<16xi32>], vector<16xf32>,
      %add3A_1576 = arith.addi %add3A_532, %add3A_1572 : vector<16xi32>
      %gather3A_1577 = tpu.vector_load_idx %arg7[%add3A_1570, %add3A_406] : memref<256x128xf32, #tpu.memory_space<vmem>>[vector<16xi32>, vector<16xi32>], vector<16xf32>,
      %add3A_1578 = arith.addi %add3A_595, %add3A_1572 : vector<16xi32>
      %gather3A_1579 = tpu.vector_load_idx %arg7[%add3A_1570, %add3A_409] : memref<256x128xf32, #tpu.memory_space<vmem>>[vector<16xi32>, vector<16xi32>], vector<16xf32>,
      %add3A_1580 = arith.addi %add3A_658, %add3A_1572 : vector<16xi32>
      %add3A_1581 = vector.broadcast %mul3A_1404 : i32 to vector<16xi32>
      %add3A_1582 = arith.addi %select_n3A_297, %add3A_1581 : vector<16xi32>
      %add3A_1583 = vector.broadcast %add3A_1449 : i32 to vector<16xi32>
      %add3A_1584 = arith.addi %select_n3A_297, %add3A_1583 : vector<16xi32>
      %gather3A_1585 = tpu.vector_load_idx %arg7[%add3A_1582, %add3A_400] : memref<256x128xf32, #tpu.memory_space<vmem>>[vector<16xi32>, vector<16xi32>], vector<16xf32>,
      %add3A_1586 = arith.addi %add3A_469, %add3A_1584 : vector<16xi32>
      %gather3A_1587 = tpu.vector_load_idx %arg7[%add3A_1582, %add3A_403] : memref<256x128xf32, #tpu.memory_space<vmem>>[vector<16xi32>, vector<16xi32>], vector<16xf32>,
      %add3A_1588 = arith.addi %add3A_532, %add3A_1584 : vector<16xi32>
      %gather3A_1589 = tpu.vector_load_idx %arg7[%add3A_1582, %add3A_406] : memref<256x128xf32, #tpu.memory_space<vmem>>[vector<16xi32>, vector<16xi32>], vector<16xf32>,
      %add3A_1590 = arith.addi %add3A_595, %add3A_1584 : vector<16xi32>
      %gather3A_1591 = tpu.vector_load_idx %arg7[%add3A_1582, %add3A_409] : memref<256x128xf32, #tpu.memory_space<vmem>>[vector<16xi32>, vector<16xi32>], vector<16xf32>,
      %add3A_1592 = arith.addi %add3A_658, %add3A_1584 : vector<16xi32>
      tpu.vector_store_idx %arg9[%add3A_1574], %gather3A_1573 : memref<16384xf32, #tpu.memory_space<vmem>>[vector<16xi32>], vector<16xf32>,
      tpu.vector_store_idx %arg9[%add3A_1576], %gather3A_1575 : memref<16384xf32, #tpu.memory_space<vmem>>[vector<16xi32>], vector<16xf32>,
      tpu.vector_store_idx %arg9[%add3A_1578], %gather3A_1577 : memref<16384xf32, #tpu.memory_space<vmem>>[vector<16xi32>], vector<16xf32>,
      tpu.vector_store_idx %arg9[%add3A_1580], %gather3A_1579 : memref<16384xf32, #tpu.memory_space<vmem>>[vector<16xi32>], vector<16xf32>,
      tpu.vector_store_idx %arg9[%add3A_1586], %gather3A_1585 : memref<16384xf32, #tpu.memory_space<vmem>>[vector<16xi32>], vector<16xf32>,
      tpu.vector_store_idx %arg9[%add3A_1588], %gather3A_1587 : memref<16384xf32, #tpu.memory_space<vmem>>[vector<16xi32>], vector<16xf32>,
      tpu.vector_store_idx %arg9[%add3A_1590], %gather3A_1589 : memref<16384xf32, #tpu.memory_space<vmem>>[vector<16xi32>], vector<16xf32>,
      tpu.vector_store_idx %arg9[%add3A_1592], %gather3A_1591 : memref<16384xf32, #tpu.memory_space<vmem>>[vector<16xi32>], vector<16xf32>,
      %add3A_1593 = vector.broadcast %mul3A_1404 : i32 to vector<16xi32>
      %add3A_1594 = arith.addi %select_n3A_322, %add3A_1593 : vector<16xi32>
      %add3A_1595 = vector.broadcast %add3A_1449 : i32 to vector<16xi32>
      %add3A_1596 = arith.addi %select_n3A_322, %add3A_1595 : vector<16xi32>
      %gather3A_1597 = tpu.vector_load_idx %arg7[%add3A_1594, %add3A_400] : memref<256x128xf32, #tpu.memory_space<vmem>>[vector<16xi32>, vector<16xi32>], vector<16xf32>,
      %add3A_1598 = arith.addi %add3A_469, %add3A_1596 : vector<16xi32>
      %gather3A_1599 = tpu.vector_load_idx %arg7[%add3A_1594, %add3A_403] : memref<256x128xf32, #tpu.memory_space<vmem>>[vector<16xi32>, vector<16xi32>], vector<16xf32>,
      %add3A_1600 = arith.addi %add3A_532, %add3A_1596 : vector<16xi32>
      %gather3A_1601 = tpu.vector_load_idx %arg7[%add3A_1594, %add3A_406] : memref<256x128xf32, #tpu.memory_space<vmem>>[vector<16xi32>, vector<16xi32>], vector<16xf32>,
      %add3A_1602 = arith.addi %add3A_595, %add3A_1596 : vector<16xi32>
      %gather3A_1603 = tpu.vector_load_idx %arg7[%add3A_1594, %add3A_409] : memref<256x128xf32, #tpu.memory_space<vmem>>[vector<16xi32>, vector<16xi32>], vector<16xf32>,
      %add3A_1604 = arith.addi %add3A_658, %add3A_1596 : vector<16xi32>
      %add3A_1605 = vector.broadcast %mul3A_1404 : i32 to vector<16xi32>
      %add3A_1606 = arith.addi %select_n3A_347, %add3A_1605 : vector<16xi32>
      %add3A_1607 = vector.broadcast %add3A_1449 : i32 to vector<16xi32>
      %add3A_1608 = arith.addi %select_n3A_347, %add3A_1607 : vector<16xi32>
      %gather3A_1609 = tpu.vector_load_idx %arg7[%add3A_1606, %add3A_400] : memref<256x128xf32, #tpu.memory_space<vmem>>[vector<16xi32>, vector<16xi32>], vector<16xf32>,
      %add3A_1610 = arith.addi %add3A_469, %add3A_1608 : vector<16xi32>
      %gather3A_1611 = tpu.vector_load_idx %arg7[%add3A_1606, %add3A_403] : memref<256x128xf32, #tpu.memory_space<vmem>>[vector<16xi32>, vector<16xi32>], vector<16xf32>,
      %add3A_1612 = arith.addi %add3A_532, %add3A_1608 : vector<16xi32>
      %gather3A_1613 = tpu.vector_load_idx %arg7[%add3A_1606, %add3A_406] : memref<256x128xf32, #tpu.memory_space<vmem>>[vector<16xi32>, vector<16xi32>], vector<16xf32>,
      %add3A_1614 = arith.addi %add3A_595, %add3A_1608 : vector<16xi32>
      %gather3A_1615 = tpu.vector_load_idx %arg7[%add3A_1606, %add3A_409] : memref<256x128xf32, #tpu.memory_space<vmem>>[vector<16xi32>, vector<16xi32>], vector<16xf32>,
      %add3A_1616 = arith.addi %add3A_658, %add3A_1608 : vector<16xi32>
      tpu.vector_store_idx %arg9[%add3A_1598], %gather3A_1597 : memref<16384xf32, #tpu.memory_space<vmem>>[vector<16xi32>], vector<16xf32>,
      tpu.vector_store_idx %arg9[%add3A_1600], %gather3A_1599 : memref<16384xf32, #tpu.memory_space<vmem>>[vector<16xi32>], vector<16xf32>,
      tpu.vector_store_idx %arg9[%add3A_1602], %gather3A_1601 : memref<16384xf32, #tpu.memory_space<vmem>>[vector<16xi32>], vector<16xf32>,
      tpu.vector_store_idx %arg9[%add3A_1604], %gather3A_1603 : memref<16384xf32, #tpu.memory_space<vmem>>[vector<16xi32>], vector<16xf32>,
      tpu.vector_store_idx %arg9[%add3A_1610], %gather3A_1609 : memref<16384xf32, #tpu.memory_space<vmem>>[vector<16xi32>], vector<16xf32>,
      tpu.vector_store_idx %arg9[%add3A_1612], %gather3A_1611 : memref<16384xf32, #tpu.memory_space<vmem>>[vector<16xi32>], vector<16xf32>,
      tpu.vector_store_idx %arg9[%add3A_1614], %gather3A_1613 : memref<16384xf32, #tpu.memory_space<vmem>>[vector<16xi32>], vector<16xf32>,
      tpu.vector_store_idx %arg9[%add3A_1616], %gather3A_1615 : memref<16384xf32, #tpu.memory_space<vmem>>[vector<16xi32>], vector<16xf32>,
      %add3A_1617 = vector.broadcast %mul3A_1404 : i32 to vector<16xi32>
      %add3A_1618 = arith.addi %select_n3A_372, %add3A_1617 : vector<16xi32>
      %add3A_1619 = vector.broadcast %add3A_1449 : i32 to vector<16xi32>
      %add3A_1620 = arith.addi %select_n3A_372, %add3A_1619 : vector<16xi32>
      %gather3A_1621 = tpu.vector_load_idx %arg7[%add3A_1618, %add3A_400] : memref<256x128xf32, #tpu.memory_space<vmem>>[vector<16xi32>, vector<16xi32>], vector<16xf32>,
      %add3A_1622 = arith.addi %add3A_469, %add3A_1620 : vector<16xi32>
      %gather3A_1623 = tpu.vector_load_idx %arg7[%add3A_1618, %add3A_403] : memref<256x128xf32, #tpu.memory_space<vmem>>[vector<16xi32>, vector<16xi32>], vector<16xf32>,
      %add3A_1624 = arith.addi %add3A_532, %add3A_1620 : vector<16xi32>
      %gather3A_1625 = tpu.vector_load_idx %arg7[%add3A_1618, %add3A_406] : memref<256x128xf32, #tpu.memory_space<vmem>>[vector<16xi32>, vector<16xi32>], vector<16xf32>,
      %add3A_1626 = arith.addi %add3A_595, %add3A_1620 : vector<16xi32>
      %gather3A_1627 = tpu.vector_load_idx %arg7[%add3A_1618, %add3A_409] : memref<256x128xf32, #tpu.memory_space<vmem>>[vector<16xi32>, vector<16xi32>], vector<16xf32>,
      %add3A_1628 = arith.addi %add3A_658, %add3A_1620 : vector<16xi32>
      %add3A_1629 = vector.broadcast %mul3A_1404 : i32 to vector<16xi32>
      %add3A_1630 = arith.addi %select_n3A_397, %add3A_1629 : vector<16xi32>
      %add3A_1631 = vector.broadcast %add3A_1449 : i32 to vector<16xi32>
      %add3A_1632 = arith.addi %select_n3A_397, %add3A_1631 : vector<16xi32>
      %gather3A_1633 = tpu.vector_load_idx %arg7[%add3A_1630, %add3A_400] : memref<256x128xf32, #tpu.memory_space<vmem>>[vector<16xi32>, vector<16xi32>], vector<16xf32>,
      %add3A_1634 = arith.addi %add3A_469, %add3A_1632 : vector<16xi32>
      %gather3A_1635 = tpu.vector_load_idx %arg7[%add3A_1630, %add3A_403] : memref<256x128xf32, #tpu.memory_space<vmem>>[vector<16xi32>, vector<16xi32>], vector<16xf32>,
      %add3A_1636 = arith.addi %add3A_532, %add3A_1632 : vector<16xi32>
      %gather3A_1637 = tpu.vector_load_idx %arg7[%add3A_1630, %add3A_406] : memref<256x128xf32, #tpu.memory_space<vmem>>[vector<16xi32>, vector<16xi32>], vector<16xf32>,
      %add3A_1638 = arith.addi %add3A_595, %add3A_1632 : vector<16xi32>
      %gather3A_1639 = tpu.vector_load_idx %arg7[%add3A_1630, %add3A_409] : memref<256x128xf32, #tpu.memory_space<vmem>>[vector<16xi32>, vector<16xi32>], vector<16xf32>,
      %add3A_1640 = arith.addi %add3A_658, %add3A_1632 : vector<16xi32>
      tpu.vector_store_idx %arg9[%add3A_1622], %gather3A_1621 : memref<16384xf32, #tpu.memory_space<vmem>>[vector<16xi32>], vector<16xf32>,
      tpu.vector_store_idx %arg9[%add3A_1624], %gather3A_1623 : memref<16384xf32, #tpu.memory_space<vmem>>[vector<16xi32>], vector<16xf32>,
      tpu.vector_store_idx %arg9[%add3A_1626], %gather3A_1625 : memref<16384xf32, #tpu.memory_space<vmem>>[vector<16xi32>], vector<16xf32>,
      tpu.vector_store_idx %arg9[%add3A_1628], %gather3A_1627 : memref<16384xf32, #tpu.memory_space<vmem>>[vector<16xi32>], vector<16xf32>,
      tpu.vector_store_idx %arg9[%add3A_1634], %gather3A_1633 : memref<16384xf32, #tpu.memory_space<vmem>>[vector<16xi32>], vector<16xf32>,
      tpu.vector_store_idx %arg9[%add3A_1636], %gather3A_1635 : memref<16384xf32, #tpu.memory_space<vmem>>[vector<16xi32>], vector<16xf32>,
      tpu.vector_store_idx %arg9[%add3A_1638], %gather3A_1637 : memref<16384xf32, #tpu.memory_space<vmem>>[vector<16xi32>], vector<16xf32>,
      tpu.vector_store_idx %arg9[%add3A_1640], %gather3A_1639 : memref<16384xf32, #tpu.memory_space<vmem>>[vector<16xi32>], vector<16xf32>,
    }
    %scan3A_1228 = arith.constant 16 : i32
    %add3A_1229 = arith.constant 99 : i32
    %add3A_1230 = arith.addi %mul3A_2, %add3A_1229 : i32
    %jit3A_1231 = arith.constant 16 : i32
    %div3A_1232 = arith.divsi %add3A_1230, %jit3A_1231 : i32
    %sign3A_1233 = arith.constant 0 : i32
    %sign3A_1234 = arith.cmpi sgt, %add3A_1230, %sign3A_1233 : i32
    %sign3A_1235 = arith.extui %sign3A_1234 : i1 to i32
    %sign3A_1236 = arith.constant 0 : i32
    %sign3A_1237 = arith.cmpi slt, %add3A_1230, %sign3A_1236 : i32
    %sign3A_1238 = arith.extui %sign3A_1237 : i1 to i32
    %sign3A_1239 = arith.subi %sign3A_1235, %sign3A_1238 : i32
    %sign3A_1240 = arith.constant 0 : i32
    %sign3A_1241 = arith.cmpi sgt, %jit3A_1231, %sign3A_1240 : i32
    %sign3A_1242 = arith.extui %sign3A_1241 : i1 to i32
    %sign3A_1243 = arith.constant 0 : i32
    %sign3A_1244 = arith.cmpi slt, %jit3A_1231, %sign3A_1243 : i32
    %sign3A_1245 = arith.extui %sign3A_1244 : i1 to i32
    %sign3A_1246 = arith.subi %sign3A_1242, %sign3A_1245 : i32
    %ne3A_1247 = arith.cmpi ne, %sign3A_1239, %sign3A_1246 : i32
    %rem3A_1248 = arith.remsi %add3A_1230, %jit3A_1231 : i32
    %ne3A_1249 = arith.constant 0 : i32
    %ne3A_1250 = arith.cmpi ne, %rem3A_1248, %ne3A_1249 : i32
    %and3A_1251 = arith.andi %ne3A_1247, %ne3A_1250 : i1
    %sub3A_1252 = arith.constant 1 : i32
    %sub3A_1253 = arith.subi %div3A_1232, %sub3A_1252 : i32
    %select_n3A_1254 = arith.select %and3A_1251, %sub3A_1253, %div3A_1232 : i32
    %mul3A_1255 = arith.constant 16 : i32
    %mul3A_1256 = arith.muli %select_n3A_1254, %mul3A_1255 : i32
    %sub3A_1257 = arith.subi %add3A_1230, %mul3A_1256 : i32
    %mul3A_1258 = arith.constant 8 : i32
    %mul3A_1259 = arith.muli %select_n3A_1254, %mul3A_1258 : i32
    %add3A_1260 = arith.constant 0 : i32
    %add3A_1261 = arith.addi %mul3A_1259, %add3A_1260 : i32
    %mul3A_1262 = arith.constant 32 : i32
    %mul3A_1263 = arith.muli %add3A_1261, %mul3A_1262 : i32
    %mul3A_1264 = arith.constant 2 : i32
    %mul3A_1265 = arith.muli %mul3A_1264, %sub3A_1257 : i32
    %add3A_1266 = arith.addi %mul3A_1263, %mul3A_1265 : i32
    %mul3A_1267 = arith.constant 1024 : i32
    %mul3A_1268 = arith.muli %add3A_1266, %mul3A_1267 : i32
    %dma_start3A_1269 = arith.constant 0 : i32
    %dma_start3A_1270 = tpu.memref_slice %arg9[%dma_start3A_1269] : memref<16384xf32, #tpu.memory_space<vmem>> -> memref<2048xf32, #tpu.memory_space<vmem>>
    %dma_start3A_1271 = tpu.memref_slice %arg4[%mul3A_1268] : memref<52428800xf32, #tpu.memory_space<hbm>> -> memref<2048xf32, #tpu.memory_space<hbm>>
    %dma_start3A_1272 = tpu.memref_slice %arg4[%mul3A_1268] : memref<52428800xf32, #tpu.memory_space<hbm>> -> memref<2048xf32, #tpu.memory_space<hbm>>
    %dma_start3A_1273 = arith.constant 0 : i32
    %dma_start3A_1274 = tpu.memref_slice %arg9[%dma_start3A_1273] : memref<16384xf32, #tpu.memory_space<vmem>> -> memref<2048xf32, #tpu.memory_space<vmem>>
    tpu.enqueue_dma source(%dma_start3A_1274 : memref<2048xf32, #tpu.memory_space<vmem>>) target(%dma_start3A_1272 : memref<2048xf32, #tpu.memory_space<hbm>>) target_semaphore(%arg13 : memref<!tpu.dma_semaphore, #tpu.memory_space<semaphore_mem>>)
    %mul3A_1275 = arith.constant 8 : i32
    %mul3A_1276 = arith.muli %select_n3A_1254, %mul3A_1275 : i32
    %add3A_1277 = arith.constant 1 : i32
    %add3A_1278 = arith.addi %mul3A_1276, %add3A_1277 : i32
    %mul3A_1279 = arith.constant 32 : i32
    %mul3A_1280 = arith.muli %add3A_1278, %mul3A_1279 : i32
    %mul3A_1281 = arith.constant 2 : i32
    %mul3A_1282 = arith.muli %mul3A_1281, %sub3A_1257 : i32
    %add3A_1283 = arith.addi %mul3A_1280, %mul3A_1282 : i32
    %mul3A_1284 = arith.constant 1024 : i32
    %mul3A_1285 = arith.muli %add3A_1283, %mul3A_1284 : i32
    %dma_start3A_1286 = arith.constant 2048 : i32
    %dma_start3A_1287 = tpu.memref_slice %arg9[%dma_start3A_1286] : memref<16384xf32, #tpu.memory_space<vmem>> -> memref<2048xf32, #tpu.memory_space<vmem>>
    %dma_start3A_1288 = tpu.memref_slice %arg4[%mul3A_1285] : memref<52428800xf32, #tpu.memory_space<hbm>> -> memref<2048xf32, #tpu.memory_space<hbm>>
    %dma_start3A_1289 = tpu.memref_slice %arg4[%mul3A_1285] : memref<52428800xf32, #tpu.memory_space<hbm>> -> memref<2048xf32, #tpu.memory_space<hbm>>
    %dma_start3A_1290 = arith.constant 2048 : i32
    %dma_start3A_1291 = tpu.memref_slice %arg9[%dma_start3A_1290] : memref<16384xf32, #tpu.memory_space<vmem>> -> memref<2048xf32, #tpu.memory_space<vmem>>
    tpu.enqueue_dma source(%dma_start3A_1291 : memref<2048xf32, #tpu.memory_space<vmem>>) target(%dma_start3A_1289 : memref<2048xf32, #tpu.memory_space<hbm>>) target_semaphore(%arg13 : memref<!tpu.dma_semaphore, #tpu.memory_space<semaphore_mem>>)
    %mul3A_1292 = arith.constant 8 : i32
    %mul3A_1293 = arith.muli %select_n3A_1254, %mul3A_1292 : i32
    %add3A_1294 = arith.constant 2 : i32
    %add3A_1295 = arith.addi %mul3A_1293, %add3A_1294 : i32
    %mul3A_1296 = arith.constant 32 : i32
    %mul3A_1297 = arith.muli %add3A_1295, %mul3A_1296 : i32
    %mul3A_1298 = arith.constant 2 : i32
    %mul3A_1299 = arith.muli %mul3A_1298, %sub3A_1257 : i32
    %add3A_1300 = arith.addi %mul3A_1297, %mul3A_1299 : i32
    %mul3A_1301 = arith.constant 1024 : i32
    %mul3A_1302 = arith.muli %add3A_1300, %mul3A_1301 : i32
    %dma_start3A_1303 = arith.constant 4096 : i32
    %dma_start3A_1304 = tpu.memref_slice %arg9[%dma_start3A_1303] : memref<16384xf32, #tpu.memory_space<vmem>> -> memref<2048xf32, #tpu.memory_space<vmem>>
    %dma_start3A_1305 = tpu.memref_slice %arg4[%mul3A_1302] : memref<52428800xf32, #tpu.memory_space<hbm>> -> memref<2048xf32, #tpu.memory_space<hbm>>
    %dma_start3A_1306 = tpu.memref_slice %arg4[%mul3A_1302] : memref<52428800xf32, #tpu.memory_space<hbm>> -> memref<2048xf32, #tpu.memory_space<hbm>>
    %dma_start3A_1307 = arith.constant 4096 : i32
    %dma_start3A_1308 = tpu.memref_slice %arg9[%dma_start3A_1307] : memref<16384xf32, #tpu.memory_space<vmem>> -> memref<2048xf32, #tpu.memory_space<vmem>>
    tpu.enqueue_dma source(%dma_start3A_1308 : memref<2048xf32, #tpu.memory_space<vmem>>) target(%dma_start3A_1306 : memref<2048xf32, #tpu.memory_space<hbm>>) target_semaphore(%arg13 : memref<!tpu.dma_semaphore, #tpu.memory_space<semaphore_mem>>)
    %mul3A_1309 = arith.constant 8 : i32
    %mul3A_1310 = arith.muli %select_n3A_1254, %mul3A_1309 : i32
    %add3A_1311 = arith.constant 3 : i32
    %add3A_1312 = arith.addi %mul3A_1310, %add3A_1311 : i32
    %mul3A_1313 = arith.constant 32 : i32
    %mul3A_1314 = arith.muli %add3A_1312, %mul3A_1313 : i32
    %mul3A_1315 = arith.constant 2 : i32
    %mul3A_1316 = arith.muli %mul3A_1315, %sub3A_1257 : i32
    %add3A_1317 = arith.addi %mul3A_1314, %mul3A_1316 : i32
    %mul3A_1318 = arith.constant 1024 : i32
    %mul3A_1319 = arith.muli %add3A_1317, %mul3A_1318 : i32
    %dma_start3A_1320 = arith.constant 6144 : i32
    %dma_start3A_1321 = tpu.memref_slice %arg9[%dma_start3A_1320] : memref<16384xf32, #tpu.memory_space<vmem>> -> memref<2048xf32, #tpu.memory_space<vmem>>
    %dma_start3A_1322 = tpu.memref_slice %arg4[%mul3A_1319] : memref<52428800xf32, #tpu.memory_space<hbm>> -> memref<2048xf32, #tpu.memory_space<hbm>>
    %dma_start3A_1323 = tpu.memref_slice %arg4[%mul3A_1319] : memref<52428800xf32, #tpu.memory_space<hbm>> -> memref<2048xf32, #tpu.memory_space<hbm>>
    %dma_start3A_1324 = arith.constant 6144 : i32
    %dma_start3A_1325 = tpu.memref_slice %arg9[%dma_start3A_1324] : memref<16384xf32, #tpu.memory_space<vmem>> -> memref<2048xf32, #tpu.memory_space<vmem>>
    tpu.enqueue_dma source(%dma_start3A_1325 : memref<2048xf32, #tpu.memory_space<vmem>>) target(%dma_start3A_1323 : memref<2048xf32, #tpu.memory_space<hbm>>) target_semaphore(%arg13 : memref<!tpu.dma_semaphore, #tpu.memory_space<semaphore_mem>>)
    %mul3A_1326 = arith.constant 8 : i32
    %mul3A_1327 = arith.muli %select_n3A_1254, %mul3A_1326 : i32
    %add3A_1328 = arith.constant 4 : i32
    %add3A_1329 = arith.addi %mul3A_1327, %add3A_1328 : i32
    %mul3A_1330 = arith.constant 32 : i32
    %mul3A_1331 = arith.muli %add3A_1329, %mul3A_1330 : i32
    %mul3A_1332 = arith.constant 2 : i32
    %mul3A_1333 = arith.muli %mul3A_1332, %sub3A_1257 : i32
    %add3A_1334 = arith.addi %mul3A_1331, %mul3A_1333 : i32
    %mul3A_1335 = arith.constant 1024 : i32
    %mul3A_1336 = arith.muli %add3A_1334, %mul3A_1335 : i32
    %dma_start3A_1337 = arith.constant 8192 : i32
    %dma_start3A_1338 = tpu.memref_slice %arg9[%dma_start3A_1337] : memref<16384xf32, #tpu.memory_space<vmem>> -> memref<2048xf32, #tpu.memory_space<vmem>>
    %dma_start3A_1339 = tpu.memref_slice %arg4[%mul3A_1336] : memref<52428800xf32, #tpu.memory_space<hbm>> -> memref<2048xf32, #tpu.memory_space<hbm>>
    %dma_start3A_1340 = tpu.memref_slice %arg4[%mul3A_1336] : memref<52428800xf32, #tpu.memory_space<hbm>> -> memref<2048xf32, #tpu.memory_space<hbm>>
    %dma_start3A_1341 = arith.constant 8192 : i32
    %dma_start3A_1342 = tpu.memref_slice %arg9[%dma_start3A_1341] : memref<16384xf32, #tpu.memory_space<vmem>> -> memref<2048xf32, #tpu.memory_space<vmem>>
    tpu.enqueue_dma source(%dma_start3A_1342 : memref<2048xf32, #tpu.memory_space<vmem>>) target(%dma_start3A_1340 : memref<2048xf32, #tpu.memory_space<hbm>>) target_semaphore(%arg13 : memref<!tpu.dma_semaphore, #tpu.memory_space<semaphore_mem>>)
    %mul3A_1343 = arith.constant 8 : i32
    %mul3A_1344 = arith.muli %select_n3A_1254, %mul3A_1343 : i32
    %add3A_1345 = arith.constant 5 : i32
    %add3A_1346 = arith.addi %mul3A_1344, %add3A_1345 : i32
    %mul3A_1347 = arith.constant 32 : i32
    %mul3A_1348 = arith.muli %add3A_1346, %mul3A_1347 : i32
    %mul3A_1349 = arith.constant 2 : i32
    %mul3A_1350 = arith.muli %mul3A_1349, %sub3A_1257 : i32
    %add3A_1351 = arith.addi %mul3A_1348, %mul3A_1350 : i32
    %mul3A_1352 = arith.constant 1024 : i32
    %mul3A_1353 = arith.muli %add3A_1351, %mul3A_1352 : i32
    %dma_start3A_1354 = arith.constant 10240 : i32
    %dma_start3A_1355 = tpu.memref_slice %arg9[%dma_start3A_1354] : memref<16384xf32, #tpu.memory_space<vmem>> -> memref<2048xf32, #tpu.memory_space<vmem>>
    %dma_start3A_1356 = tpu.memref_slice %arg4[%mul3A_1353] : memref<52428800xf32, #tpu.memory_space<hbm>> -> memref<2048xf32, #tpu.memory_space<hbm>>
    %dma_start3A_1357 = tpu.memref_slice %arg4[%mul3A_1353] : memref<52428800xf32, #tpu.memory_space<hbm>> -> memref<2048xf32, #tpu.memory_space<hbm>>
    %dma_start3A_1358 = arith.constant 10240 : i32
    %dma_start3A_1359 = tpu.memref_slice %arg9[%dma_start3A_1358] : memref<16384xf32, #tpu.memory_space<vmem>> -> memref<2048xf32, #tpu.memory_space<vmem>>
    tpu.enqueue_dma source(%dma_start3A_1359 : memref<2048xf32, #tpu.memory_space<vmem>>) target(%dma_start3A_1357 : memref<2048xf32, #tpu.memory_space<hbm>>) target_semaphore(%arg13 : memref<!tpu.dma_semaphore, #tpu.memory_space<semaphore_mem>>)
    %mul3A_1360 = arith.constant 8 : i32
    %mul3A_1361 = arith.muli %select_n3A_1254, %mul3A_1360 : i32
    %add3A_1362 = arith.constant 6 : i32
    %add3A_1363 = arith.addi %mul3A_1361, %add3A_1362 : i32
    %mul3A_1364 = arith.constant 32 : i32
    %mul3A_1365 = arith.muli %add3A_1363, %mul3A_1364 : i32
    %mul3A_1366 = arith.constant 2 : i32
    %mul3A_1367 = arith.muli %mul3A_1366, %sub3A_1257 : i32
    %add3A_1368 = arith.addi %mul3A_1365, %mul3A_1367 : i32
    %mul3A_1369 = arith.constant 1024 : i32
    %mul3A_1370 = arith.muli %add3A_1368, %mul3A_1369 : i32
    %dma_start3A_1371 = arith.constant 12288 : i32
    %dma_start3A_1372 = tpu.memref_slice %arg9[%dma_start3A_1371] : memref<16384xf32, #tpu.memory_space<vmem>> -> memref<2048xf32, #tpu.memory_space<vmem>>
    %dma_start3A_1373 = tpu.memref_slice %arg4[%mul3A_1370] : memref<52428800xf32, #tpu.memory_space<hbm>> -> memref<2048xf32, #tpu.memory_space<hbm>>
    %dma_start3A_1374 = tpu.memref_slice %arg4[%mul3A_1370] : memref<52428800xf32, #tpu.memory_space<hbm>> -> memref<2048xf32, #tpu.memory_space<hbm>>
    %dma_start3A_1375 = arith.constant 12288 : i32
    %dma_start3A_1376 = tpu.memref_slice %arg9[%dma_start3A_1375] : memref<16384xf32, #tpu.memory_space<vmem>> -> memref<2048xf32, #tpu.memory_space<vmem>>
    tpu.enqueue_dma source(%dma_start3A_1376 : memref<2048xf32, #tpu.memory_space<vmem>>) target(%dma_start3A_1374 : memref<2048xf32, #tpu.memory_space<hbm>>) target_semaphore(%arg13 : memref<!tpu.dma_semaphore, #tpu.memory_space<semaphore_mem>>)
    %mul3A_1377 = arith.constant 8 : i32
    %mul3A_1378 = arith.muli %select_n3A_1254, %mul3A_1377 : i32
    %add3A_1379 = arith.constant 7 : i32
    %add3A_1380 = arith.addi %mul3A_1378, %add3A_1379 : i32
    %mul3A_1381 = arith.constant 32 : i32
    %mul3A_1382 = arith.muli %add3A_1380, %mul3A_1381 : i32
    %mul3A_1383 = arith.constant 2 : i32
    %mul3A_1384 = arith.muli %mul3A_1383, %sub3A_1257 : i32
    %add3A_1385 = arith.addi %mul3A_1382, %mul3A_1384 : i32
    %mul3A_1386 = arith.constant 1024 : i32
    %mul3A_1387 = arith.muli %add3A_1385, %mul3A_1386 : i32
    %dma_start3A_1388 = arith.constant 14336 : i32
    %dma_start3A_1389 = tpu.memref_slice %arg9[%dma_start3A_1388] : memref<16384xf32, #tpu.memory_space<vmem>> -> memref<2048xf32, #tpu.memory_space<vmem>>
    %dma_start3A_1390 = tpu.memref_slice %arg4[%mul3A_1387] : memref<52428800xf32, #tpu.memory_space<hbm>> -> memref<2048xf32, #tpu.memory_space<hbm>>
    %dma_start3A_1391 = tpu.memref_slice %arg4[%mul3A_1387] : memref<52428800xf32, #tpu.memory_space<hbm>> -> memref<2048xf32, #tpu.memory_space<hbm>>
    %dma_start3A_1392 = arith.constant 14336 : i32
    %dma_start3A_1393 = tpu.memref_slice %arg9[%dma_start3A_1392] : memref<16384xf32, #tpu.memory_space<vmem>> -> memref<2048xf32, #tpu.memory_space<vmem>>
    tpu.enqueue_dma source(%dma_start3A_1393 : memref<2048xf32, #tpu.memory_space<vmem>>) target(%dma_start3A_1391 : memref<2048xf32, #tpu.memory_space<hbm>>) target_semaphore(%arg13 : memref<!tpu.dma_semaphore, #tpu.memory_space<semaphore_mem>>)
    %dma_wait3A_1394 = arith.constant 0 : i32
    %dma_wait3A_1395 = tpu.memref_slice %arg4[%dma_wait3A_1394] : memref<52428800xf32, #tpu.memory_space<hbm>> -> memref<16384xf32, #tpu.memory_space<hbm>>
    %dma_wait3A_1396 = arith.constant 0 : i32
    %dma_wait3A_1397 = tpu.memref_slice %arg4[%dma_wait3A_1396] : memref<52428800xf32, #tpu.memory_space<hbm>> -> memref<16384xf32, #tpu.memory_space<hbm>>
    tpu.wait_dma2 semaphore(%arg12 : memref<!tpu.dma_semaphore, #tpu.memory_space<semaphore_mem>>) src(%arg8 : memref<16384xf32, #tpu.memory_space<vmem>>) dst(%dma_wait3A_1397 : memref<16384xf32, #tpu.memory_space<hbm>>)
    %dma_wait3A_1398 = arith.constant 0 : i32
    %dma_wait3A_1399 = tpu.memref_slice %arg4[%dma_wait3A_1398] : memref<52428800xf32, #tpu.memory_space<hbm>> -> memref<16384xf32, #tpu.memory_space<hbm>>
    %dma_wait3A_1400 = arith.constant 0 : i32
    %dma_wait3A_1401 = tpu.memref_slice %arg4[%dma_wait3A_1400] : memref<52428800xf32, #tpu.memory_space<hbm>> -> memref<16384xf32, #tpu.memory_space<hbm>>
    tpu.wait_dma2 semaphore(%arg13 : memref<!tpu.dma_semaphore, #tpu.memory_space<semaphore_mem>>) src(%arg9 : memref<16384xf32, #tpu.memory_space<vmem>>) dst(%dma_wait3A_1401 : memref<16384xf32, #tpu.memory_space<hbm>>)
    return
  }
}

</mosaic_0001>

<sc_bundles>
// kernel: kernel.3.cloned.1.call-start
scs
__scs_entry_jumppad:
0x0: {  	(pc) =	sbr.rel $0x88, $3  }
0x1: {  	(tag) =	ssettag $0x0;
	lr =	simm.s32 $0x1  }
0x2: {  	[smem:$0x3F9F] =	sst lr;
	_ =	strace $0xD0000000  }
0x3: {  	_ = 	snop  }
0x4: {  	_ = 	snop  }
0x5: {  	_ = 	snop  }
0x6: {  	_ = 	snop  }
0x7: {  	_ = 	snop  }
__scs_overlays_trampoline_lowered:
0x8: {  	[smem:$0x3FAE] =	sst s0  }
0x9: {  	[smem:$0x3FAF] =	sst s1  }
0xa: {  	[smem:$0x3FB0] =	sst s2  }
0xb: {  	[smem:$0x3FB1] =	sst s3  }
0xc: {  	[smem:$0x3FB2] =	sst s4  }
0xd: {  	[smem:$0x3FB3] =	sst s5  }
0xe: {  	[smem:$0x3FB4] =	sst s6  }
0xf: {  	[smem:$0x3FB5] =	sst s7  }
0x10: {  	[smem:$0x3FB6] =	sst s8  }
0x11: {  	[smem:$0x3FB7] =	sst s9;
	s0 =	simm.s32 @!p0 $0x0  }
0x12: {  	s1 =	sld [smem:$0x3F9D];
	s0 =	simm.s32 @p0 $0x1  }
0x13: {  	[smem:$0x3FB8] =	sst s0;
	s0 =	simm.s32 @!p1 $0x0  }
0x14: {  	s2 =	sld [smem:$0x3F9C];
	s0 =	simm.s32 @p1 $0x1  }
0x15: {  	[smem:$0x3FB9] =	sst s0;
	s0 =	simm.s32 @!p2 $0x0  }
0x16: {  	s3 =	sld [smem:$0x3FDB];
	s0 =	simm.s32 @p2 $0x1  }
0x17: {  	s4 =	simm.s32 $0x1BF5;
	[smem:$0x3FBB] =	sst s0  }
0x18: {  	s0 =	sld [smem:$0x3F9E];
	_ =	swait.ge [sflag:s4], $0x0  }
0x19: {  	s7 =	sld [smem:$0x3F9F]  }
0x1a: {  	s8 =	sadd.s32 $0xFFFFE003, lr  }
0x1b: {  	s9 =	sadd.s32 $0xFFFFFEF7, lr;
	s5 =	simm.s32 $0xFFFFFFFF;
	p2 =	slt.u32 s8, $0xFFFFF086  }
0x1c: {  	p1 =	slt.u32 s9, $0xF7A;
	s5 =	simm.s32 @!p2 $0x0  }
0x1d: {  	s5 =	simm.s32 @p1 $0x1;
	p0 =	seq.s32 s7, s2  }
0x1e: {  	s7 =	smul.u32 @!p0 $0xF7A, s2;
	p2 =	seq.s32 @!p0 s5, $0x0  }
0x1f: {  	s9 =	smul.u32 $0xF7A, s1;
	s8 =	simm.s32 @!p0 $0x1BF5;
	p2 =	por !p2, p0  }
0x20: {  	[sflag:s8] =	ssyncset.s32 @!p0 $0xFFFFF086;
	s6 =	sadd.s32 @!p0 s3, s7;
	s7 =	simm.s32 @!p0 $0x108  }
0x21: {  	s3 =	sadd.s32 s3, s9;
	s6 =	sadd.s32 @!p0 $0x88, s6;
	s7 =	simm.s32 @p2 $0x1082  }
0x22: {  	[simem:s7], [sflag:s8] =	dma.local @!p0 [hbm:s6], $0xF7A  }
0x23: {  	s9 =	sor.u32 $0xD0000000, s2;
	s6 =	simm.s32 $0x108;
	_ =	swait.ge @!p0 [sflag:s8], $0x0  }
0x24: {  	s3 =	sadd.s32 $0x88, s3;
	s6 =	simm.s32 @!p1 $0x1082;
	[sflag:s4] =	ssyncset.s32 $0xFFFFF086  }
0x25: {  	[simem:s6], [sflag:s4] =	dma.local [hbm:s3], $0xF7A  }
0x26: {  	[smem:$0x3F9F] =	sst s1;
	(tag) =	ssettag s2;
	_ =	strace s9  }
0x27: {  	s1 =	sld [smem:$0x3FAF]  }
0x28: {  	s2 =	sld [smem:$0x3FB0]  }
0x29: {  	s4 =	sld [smem:$0x3FB2]  }
0x2a: {  	p0 =	seq.s32 s5, $0x0;
	s5 =	sld [smem:$0x3FB3]  }
0x2b: {  	s6 =	sld [smem:$0x3FB4]  }
0x2c: {  	s7 =	sld [smem:$0x3FB5]  }
0x2d: {  	s3 =	simm.s32 $0x108;
	s8 =	sld [smem:$0x3FB6]  }
0x2e: {  	s3 =	simm.s32 @!p0 $0x1082;
	s9 =	sld [smem:$0x3FB7]  }
0x2f: {  	lr =	sadd.s32 s0, s3;
	s0 =	sld [smem:$0x3FAE]  }
0x30: {  	s3 =	sld [smem:$0x3FB1]  }
0x31: {  	[smem:$0x3FBA] =	sst s10  }
0x32: {  	s10 =	sld [smem:$0x3FB8];
	_ =	sdelay $0x3  }
0x33: {  	p0 =	seq.s32 s10, $0x1;
	s10 =	sld [smem:$0x3FBA];
	_ =	sdelay $0x3  }
0x34: {  	[smem:$0x3FBA] =	sst s10  }
0x35: {  	s10 =	sld [smem:$0x3FB9];
	_ =	sdelay $0x3  }
0x36: {  	p1 =	seq.s32 s10, $0x1;
	s10 =	sld [smem:$0x3FBA];
	_ =	sdelay $0x3  }
0x37: {  	[smem:$0x3FBA] =	sst s10  }
0x38: {  	s10 =	sld [smem:$0x3FBB]  }
0x39: {  	_ = 	snop;
	(pc) =	sbr.ind lr, $3  }
0x3a: {  	_ = 	snop  }
0x3b: {  	_ = 	snop  }
0x3c: {  	p2 =	seq.s32 s10, $0x1;
	s10 =	sld [smem:$0x3FBA]  }
0x3d: {  	_ =	shalt  }
0x3e: {  	_ =	shalt  }
0x3f: {  	_ =	shalt  }
0x40: {  	_ =	shalt  }
0x41: {  	_ =	shalt  }
0x42: {  	_ =	shalt  }
0x43: {  	_ =	shalt  }
0x44: {  	_ =	shalt  }
0x45: {  	_ =	shalt  }
0x46: {  	_ =	shalt  }
0x47: {  	_ =	shalt  }
0x48: {  	_ =	shalt  }
0x49: {  	_ =	shalt  }
0x4a: {  	_ =	shalt  }
0x4b: {  	_ =	shalt  }
0x4c: {  	_ =	shalt  }
0x4d: {  	_ =	shalt  }
0x4e: {  	_ =	shalt  }
0x4f: {  	_ =	shalt  }
0x50: {  	_ =	shalt  }
0x51: {  	_ =	shalt  }
0x52: {  	_ =	shalt  }
0x53: {  	_ =	shalt  }
0x54: {  	_ =	shalt  }
0x55: {  	_ =	shalt  }
0x56: {  	_ =	shalt  }
0x57: {  	_ =	shalt  }
0x58: {  	_ =	shalt  }
0x59: {  	_ =	shalt  }
0x5a: {  	_ =	shalt  }
0x5b: {  	_ =	shalt  }
0x5c: {  	_ =	shalt  }
0x5d: {  	_ =	shalt  }
0x5e: {  	_ =	shalt  }
0x5f: {  	_ =	shalt  }
0x60: {  	_ =	shalt  }
0x61: {  	_ =	shalt  }
0x62: {  	_ =	shalt  }
0x63: {  	_ =	shalt  }
0x64: {  	_ =	shalt  }
0x65: {  	_ =	shalt  }
0x66: {  	_ =	shalt  }
0x67: {  	_ =	shalt  }
0x68: {  	_ =	shalt  }
0x69: {  	_ =	shalt  }
0x6a: {  	_ =	shalt  }
0x6b: {  	_ =	shalt  }
0x6c: {  	_ =	shalt  }
0x6d: {  	_ =	shalt  }
0x6e: {  	_ =	shalt  }
0x6f: {  	_ =	shalt  }
0x70: {  	_ =	shalt  }
0x71: {  	_ =	shalt  }
0x72: {  	_ =	shalt  }
0x73: {  	_ =	shalt  }
0x74: {  	_ =	shalt  }
0x75: {  	_ =	shalt  }
0x76: {  	_ =	shalt  }
0x77: {  	_ =	shalt  }
0x78: {  	_ =	shalt  }
0x79: {  	_ =	shalt  }
0x7a: {  	_ =	shalt  }
0x7b: {  	_ =	shalt  }
0x7c: {  	_ =	shalt  }
0x7d: {  	_ =	shalt  }
0x7e: {  	_ =	shalt  }
0x7f: {  	_ =	shalt  }
0x80: {  	_ =	shalt  }
0x81: {  	_ =	shalt  }
0x82: {  	_ =	shalt  }
0x83: {  	_ =	shalt  }
0x84: {  	_ =	shalt  }
0x85: {  	_ =	shalt  }
0x86: {  	_ =	shalt  }
0x87: {  	_ =	shalt  }
.Lfunc_end0:
.L_simem_size_0:
called_computation_lowered:
.L_overlay_start_0:
0x88: {  	s2 =	sld [smem:$0x3FD9]  }
0x89: {  	s3 =	sld [smem:$0x3FFE];
	_ =	sdelay $0x1  }
0x8a: {  	s1 =	srdreg.scid  }
0x8b: {  	s0 =	sand.u32 $0x1, s1  }
0x8c: {  	s17 =	sshll.u32 s0, $0xA;
	s2 =	sadd.s32 s3, s2  }
0x8d: {  	s2 =	sadd.s32 s2, s17  }
0x8e: {  	[smem:$0x3FC6] =	sst s2  }
0x8f: {  	_ = 	snop  }
0x90: {  	s2 =	sld [smem:$0x3FD0];
	(tm) =	ssettm $0x1  }
0x91: {  	s18 =	sld [smem:$0x3FFB];
	_ =	sdelay $0x3  }
0x92: {  	_ =	strace s18  }
0x93: {  	s3 =	sld [smem:$0x3FFC];
	_ =	sdelay $0x3  }
0x94: {  	_ =	strace s3  }
0x95: {  	s3 =	sld [smem:$0x3FFD];
	_ =	sdelay $0x3  }
0x96: {  	_ =	strace s3  }
0x97: {  	_ =	strace $0x8FFFFFFF  }
0x98: {  	s19 =	sld [smem:$0x3FDB];
	_ =	sdelay $0x1  }
0x99: {  	s4 =	simm.s32 $_scs_section_size  }
0x9a: {  	s5 =	simm.s32 $_size__tile_overlayer_lowered;
	s6 =	simm.s32 $_tile_overlayer_lowered  }
0x9b: {  	s22 =	simm.s32 $0x1BFF;
	s21 =	sshll.u32 s6, $0x1;
	s3 =	sadd.s32 s4, s19  }
0x9c: {  	s7 =	simm.s32 $0x0;
	s20 =	sshll.u32 s5, $0x1;
	s5 =	sadd.s32 s21, s3  }
0x9d: {  	[timem:s7], [sflag:s22] =	dma.local [hbm:s5], s20  }
0x9e: {  	_ =	swait.ge [sflag:s22], s20  }
0x9f: {  	s4 =	ssub.s32 $0x0, s20;
	[sflag:s22] =	ssyncset.done $0x0  }
0xa0: {  	[sflag:s22] =	ssyncadd.s32 s4;
	_ =	sdelay $0x1  }
0xa1: {  	s23 =	simm.s32 $0x1B8B  }
0xa2: {  	_ =	swait.ge [sflag:s23], $0x1  }
0xa3: {  	[sflag:s23] =	ssyncset.done $0x0  }
0xa4: {  	s25 =	simm.s32 $0x1B8E;
	s24 =	sld [smem:$0x3FFE];
	[sflag:s23] =	ssyncadd.s32 $0xFFFFFFFF  }
0xa5: {  	s26 =	simm.s32 $execute0_lowered;
	[smem:$0x3FD2] =	sst s25  }
0xa6: {  	s5 =	sshll.u32 s26, $0x1;
	_ =	strace $0x80000046;
	[dreg:$0x1] =	wrdreg $0xFFFFFFFF  }
0xa7: {  	s28 =	simm.s32 $_size_execute0_lowered;
	s3 =	sadd.s32 s3, s5;
	[dreg:$0x0] =	wrdreg $0x0  }
0xa8: {  	s5 =	sshll.u32 s28, $0x1;
	[dreg:$0x2] =	wrdreg s3  }
0xa9: {  	[dreg:$0x3] =	wrdreg s5  }
0xaa: {  	[dreg:$0x4] =	wrdreg $0xC0  }
0xab: {  	_ =	task [dreg:s7], $0x5FFFF  }
0xac: {  	[dreg:$0x1] =	wrdreg $0xFFFFFFFF  }
0xad: {  	[dreg:$0x0] =	wrdreg $0x60  }
0xae: {  	[dreg:$0x2] =	wrdreg s24  }
0xaf: {  	[dreg:$0x3] =	wrdreg s2  }
0xb0: {  	[dreg:$0x4] =	wrdreg $0x9  }
0xb1: {  	_ =	task.clear_ibuf [dreg:s7], $0x5FFFF;
	_ =	strace $0x90000046  }
0xb2: {  	s29 =	simm.s32 $0x9;
	_ =	strace $0x80000048  }
0xb3: {  	_ =	swait.ge [sflag:s29], $0x1  }
0xb4: {  	[sflag:s29] =	ssyncadd.s32 $0xFFFFFFFF  }
0xb5: {  	_ =	strace $0x90000048  }
0xb6: {  	_ =	sfence  }
0xb7: {  	s30 =	sld [smem:$0x0];
	_ =	sdelay $0x2  }
0xb8: {  	s31 =	sshll.u32 s1, $0xD;
	s1 =	sshrl.u32 s1, $0x2  }
0xb9: {  	s3 =	sand.u32 $0x4000, s31;
	s1 =	sadd.s32 s1, s30  }
0xba: {  	s0 =	sor.u32 s3, s0;
	s1 =	sshll.u32 s1, $0x11  }
0xbb: {  	s0 =	sor.u32 s1, s0  }
0xbc: {  	s0 =	sadd.s32 $0x8F2B, s0  }
0xbd: {  	[sflag:s0] =	ssyncadd.remote.s32 $0x1  }
0xbe: {  	_ =	sfence.sel $0xFFFF  }
0xbf: {  	[dreg:$0x0] =	wrdreg $0xFFFFFFFF;
	(pc) =	sbr.abs _section_cstart, $3  }
0xc0: {  	[dreg:$0x1] =	wrdreg $0xFFFFFFFF  }
0xc1: {  	_ =	task.clear_ibuf [dreg:s7], $0x2FFFF;
	_ =	strace $0x9FFFFFFF  }
0xc2: {  	(tm) =	ssettm $0x7FFFFFFF  }
0xc3: {  	_ =	shalt  }
tec
execute0_lowered:
.L_overlay_start_1:
0x0: {  	(tag) =	ssettag $0x1  }
0x1: {  	v0 =	vimm.s32 $0x700;
	vm14 =	vcmask $0x300;
	vm13 =	vcmask $0x704  }
0x2: {  	vm12 =	vcmask $0xB08;
	vm11 =	vcmask $0xF0C;
	vm10 =	vcmask $0x1310  }
0x3: {  	vm9 =	vcmask $0x1714;
	vm8 =	vcmask $0x1B18;
	vm7 =	vcmask $0x1F1C  }
0x4: {  	vm6 =	vcmask $0x2320;
	vm5 =	vcmask $0x2724;
	vm4 =	vcmask $0x2B28  }
0x5: {  	vm3 =	vcmask $0x2F2C;
	vm2 =	vcmask $0x3330;
	vm1 =	vcmask $0x3734  }
0x6: {  	v2 =	vimm.s32 $0x680;
	vm0 =	vcmask $0x3B38;
	v3 =	vimm.s32 $0x600  }
0x7: {  	v4 =	vimm.s32 $0x580;
	v5 =	vimm.s32 $0x500;
	v6 =	vimm.s32 $0x480  }
0x8: {  	v7 =	vimm.s32 $0x400;
	v8 =	vimm.s32 $0x380;
	v9 =	vimm.s32 $0x300  }
0x9: {  	v10 =	vimm.s32 $0x280;
	v11 =	vimm.s32 $0x200;
	v12 =	vimm.s32 $0x180  }
0xa: {  	v13 =	vimm.s32 $0x100;
	v14 =	vimm.s32 $0x80;
	v15 =	vimm.s32 $0x0  }
0xb: {  	v16 =	vimm.s32 $0xB80;
	v17 =	vimm.s32 $0x1B80;
	v20 =	vimm.s32 $0x2B80  }
0xc: {  	v21 =	vimm.s32 $0x3B80;
	v24 =	vimm.s32 $0xFEDCBA9;
	v25 =	vimm.s32 $0x87654321  }
0xd: {  	v26 =	vimm.s32 $0x98765432;
	v27 =	vimm.s32 $0x210FEDCB;
	v28 =	vimm.s32 $0xA9876543  }
0xe: {  	v38 =	vimm.s32 $0xCBA98765;
	v40 =	vimm.s32 $0x6543210F;
	v41 =	vimm.s32 $0xEDCBA987  }
0xf: {  	v42 =	vimm.s32 $0xFEDCBA98;
	v43 =	vimm.s32 $0x76543210;
	v0 =	vsel vm14, $0x780, v0  }
0x10: {  	v2 =	vsel vm14, $0x700, v2;
	v3 =	vsel vm14, $0x680, v3;
	v4 =	vsel vm14, $0x600, v4  }
0x11: {  	v5 =	vsel vm14, $0x580, v5;
	v6 =	vsel vm14, $0x500, v6;
	v7 =	vsel vm14, $0x480, v7  }
0x12: {  	v8 =	vsel vm14, $0x400, v8;
	v9 =	vsel vm14, $0x380, v9;
	v10 =	vsel vm14, $0x300, v10  }
0x13: {  	v11 =	vsel vm14, $0x280, v11;
	v12 =	vsel vm14, $0x200, v12;
	v13 =	vsel vm14, $0x180, v13  }
0x14: {  	v14 =	vsel vm14, $0x100, v14;
	v15 =	vsel vm14, $0x80, v15;
	v16 =	vsel vm14, $0x0, v16  }
0x15: {  	v19 =	vsel vm14, $0x1000, v17;
	v20 =	vsel vm14, $0x2000, v20;
	v21 =	vsel vm14, $0x3000, v21  }
0x16: {  	v24 =	vunpack.c.l.s4.s8 v24;
	v26 =	vunpack.c.l.s4.s8 v26;
	v27 =	vunpack.c.l.s4.s8 v27  }
0x17: {  	v40 =	vunpack.c.l.s4.s8 v40;
	v41 =	vunpack.c.l.s4.s8 v41;
	v42 =	vunpack.c.l.s4.s8 v42  }
0x18: {  	v0 =	vsel vm13, $0x0, v0;
	v2 =	vsel vm13, $0x780, v2;
	v3 =	vsel vm13, $0x700, v3  }
0x19: {  	v4 =	vsel vm13, $0x680, v4;
	v5 =	vsel vm13, $0x600, v5;
	v6 =	vsel vm13, $0x580, v6  }
0x1a: {  	v7 =	vsel vm13, $0x500, v7;
	v8 =	vsel vm13, $0x480, v8;
	v9 =	vsel vm13, $0x400, v9  }
0x1b: {  	v10 =	vsel vm13, $0x380, v10;
	v11 =	vsel vm13, $0x300, v11;
	v12 =	vsel vm13, $0x280, v12  }
0x1c: {  	v13 =	vsel vm13, $0x200, v13;
	v14 =	vsel vm13, $0x180, v14;
	v15 =	vsel vm13, $0x100, v15  }
0x1d: {  	v16 =	vsel vm13, $0x80, v16;
	v19 =	vsel vm13, $0x1080, v19;
	v20 =	vsel vm13, $0x2080, v20  }
0x1e: {  	v21 =	vsel vm13, $0x3080, v21;
	v0 =	vsel vm12, $0x80, v0;
	v2 =	vsel vm12, $0x0, v2  }
0x1f: {  	v3 =	vsel vm12, $0x780, v3;
	v4 =	vsel vm12, $0x700, v4;
	v5 =	vsel vm12, $0x680, v5  }
0x20: {  	v6 =	vsel vm12, $0x600, v6;
	v7 =	vsel vm12, $0x580, v7;
	v8 =	vsel vm12, $0x500, v8  }
0x21: {  	v9 =	vsel vm12, $0x480, v9;
	v10 =	vsel vm12, $0x400, v10;
	v11 =	vsel vm12, $0x380, v11  }
0x22: {  	v12 =	vsel vm12, $0x300, v12;
	v13 =	vsel vm12, $0x280, v13;
	v14 =	vsel vm12, $0x200, v14  }
0x23: {  	v15 =	vsel vm12, $0x180, v15;
	v16 =	vsel vm12, $0x100, v16;
	v19 =	vsel vm12, $0x1100, v19  }
0x24: {  	v20 =	vsel vm12, $0x2100, v20;
	v21 =	vsel vm12, $0x3100, v21;
	v30 =	vunpack.c.0.s8.s32 v24  }
0x25: {  	v24 =	vunpack.c.l.s4.s8 v25;
	v25 =	vimm.s32 $0x10FEDCBA;
	v33 =	vunpack.c.0.s8.s32 v26  }
0x26: {  	v34 =	vunpack.c.0.s8.s32 v27;
	v40 =	vunpack.c.0.s8.s32 v40;
	v41 =	vunpack.c.0.s8.s32 v41  }
0x27: {  	v42 =	vunpack.c.0.s8.s32 v42;
	v0 =	vsel vm11, $0x100, v0;
	v2 =	vsel vm11, $0x80, v2  }
0x28: {  	v3 =	vsel vm11, $0x0, v3;
	v4 =	vsel vm11, $0x780, v4;
	v5 =	vsel vm11, $0x700, v5  }
0x29: {  	v6 =	vsel vm11, $0x680, v6;
	v7 =	vsel vm11, $0x600, v7;
	v8 =	vsel vm11, $0x580, v8  }
0x2a: {  	v9 =	vsel vm11, $0x500, v9;
	v10 =	vsel vm11, $0x480, v10;
	v11 =	vsel vm11, $0x400, v11  }
0x2b: {  	v12 =	vsel vm11, $0x380, v12;
	v13 =	vsel vm11, $0x300, v13;
	v14 =	vsel vm11, $0x280, v14  }
0x2c: {  	v15 =	vsel vm11, $0x200, v15;
	v16 =	vsel vm11, $0x180, v16;
	v19 =	vsel vm11, $0x1180, v19  }
0x2d: {  	v20 =	vsel vm11, $0x2180, v20;
	v21 =	vsel vm11, $0x3180, v21;
	v25 =	vunpack.c.l.s4.s8 v25  }
0x2e: {  	v0 =	vsel vm10, $0x180, v0;
	v2 =	vsel vm10, $0x100, v2;
	v3 =	vsel vm10, $0x80, v3  }
0x2f: {  	v4 =	vsel vm10, $0x0, v4;
	v5 =	vsel vm10, $0x780, v5;
	v6 =	vsel vm10, $0x700, v6  }
0x30: {  	v7 =	vsel vm10, $0x680, v7;
	v8 =	vsel vm10, $0x600, v8;
	v9 =	vsel vm10, $0x580, v9  }
0x31: {  	v10 =	vsel vm10, $0x500, v10;
	v11 =	vsel vm10, $0x480, v11;
	v12 =	vsel vm10, $0x400, v12  }
0x32: {  	v13 =	vsel vm10, $0x380, v13;
	v14 =	vsel vm10, $0x300, v14;
	v15 =	vsel vm10, $0x280, v15  }
0x33: {  	v16 =	vsel vm10, $0x200, v16;
	v19 =	vsel vm10, $0x1200, v19;
	v20 =	vsel vm10, $0x2200, v20  }
0x34: {  	v21 =	vsel vm10, $0x3200, v21;
	v31 =	vunpack.c.0.s8.s32 v24;
	v24 =	vunpack.c.l.s4.s8 v28  }
0x35: {  	v46 =	vcombine.low v41, v40;
	v42 =	vand.u32 $0xF, v42;
	v63 =	vcombine.low v40, v41  }
0x36: {  	v0 =	vsel vm9, $0x200, v0;
	v2 =	vsel vm9, $0x180, v2;
	v3 =	vsel vm9, $0x100, v3  }
0x37: {  	v4 =	vsel vm9, $0x80, v4;
	v5 =	vsel vm9, $0x0, v5;
	v6 =	vsel vm9, $0x780, v6  }
0x38: {  	v7 =	vsel vm9, $0x700, v7;
	v8 =	vsel vm9, $0x680, v8;
	v9 =	vsel vm9, $0x600, v9  }
0x39: {  	v10 =	vsel vm9, $0x580, v10;
	v11 =	vsel vm9, $0x500, v11;
	v12 =	vsel vm9, $0x480, v12  }
0x3a: {  	v13 =	vsel vm9, $0x400, v13;
	v14 =	vsel vm9, $0x380, v14;
	v15 =	vsel vm9, $0x300, v15  }
0x3b: {  	v16 =	vsel vm9, $0x280, v16;
	v19 =	vsel vm9, $0x1280, v19;
	v20 =	vsel vm9, $0x2280, v20  }
0x3c: {  	s0 =	srdreg.scid;
	v21 =	vsel vm9, $0x3280, v21;
	v32 =	vunpack.c.0.s8.s32 v25;
	v25 =	vimm.s32 $0x3210FEDC  }
0x3d: {  	s1 =	stileid.u32;
	s4 =	rddreg [dreg:$0x0];
	v0 =	vsel vm8, $0x280, v0;
	v2 =	vsel vm8, $0x200, v2;
	v3 =	vsel vm8, $0x180, v3  }
0x3e: {  	s2 =	simm.s32 $0x0;
	s0 =	sand.u32 $0x1, s0;
	s1 =	sshll.u32 s1, $0x1;
	v4 =	vsel vm8, $0x100, v4;
	v5 =	vsel vm8, $0x80, v5;
	v6 =	vsel vm8, $0x0, v6  }
0x3f: {  	s31 =	simm.s32 $0x1AC00;
	[smem:$0x7FF] =	sst s2;
	s5 =	sor.u32 s0, s1;
	v7 =	vsel vm8, $0x780, v7;
	v8 =	vsel vm8, $0x700, v8;
	v9 =	vsel vm8, $0x680, v9  }
0x40: {  	s0 =	ssub.s32 $0x2, s0;
	s1 =	rddreg [dreg:$0x1];
	s3 =	smul.u32 $0x64, s5;
	v10 =	vsel vm8, $0x600, v10;
	v11 =	vsel vm8, $0x580, v11;
	v12 =	vsel vm8, $0x500, v12  }
0x41: {  	_ =	strace $0x80000047;
	s7 =	smul.u32 $0xC8, s5;
	s8 =	sshrl.u32 s0, $0x1;
	v13 =	vsel vm8, $0x480, v13;
	v14 =	vsel vm8, $0x400, v14;
	v15 =	vsel vm8, $0x380, v15  }
0x42: {  	s5 =	smul.u32 $0xC80, s5;
	s0 =	ssub.s32 s0, s8;
	s6 =	sshrl.u32 s3, $0x4;
	v16 =	vsel vm8, $0x300, v16;
	v19 =	vsel vm8, $0x1300, v19;
	v20 =	vsel vm8, $0x2300, v20  }
0x43: {  	s23 =	sadd.s32 $0x62, s3;
	s0 =	smax.u32 s0, $0x1;
	s9 =	sshll.u32 s6, $0x5;
	v21 =	vsel vm8, $0x3300, v21;
	v35 =	vunpack.c.0.s8.s32 v24;
	v24 =	vunpack.c.l.s4.s8 v25  }
0x44: {  	s10 =	sshll.u32 s6, $0x12;
	s12 =	sshll.u32 s6, $0x8;
	s29 =	sshrl.u32 s23, $0x4;
	v25 =	vimm.s32 $0xBA987654;
	v26 =	vcombine.low v31, v30;
	v59 =	vcombine.low v30, v31  }
0x45: {  	[smem:$0x7FD] =	sst s0;
	s0 =	simm.s32 $0x1BC00;
	s22 =	ssub.s32 s7, s9;
	v31 =	vand.u32 $0xF, v46;
	v0 =	vsel vm7, $0x300, v0;
	v2 =	vsel vm7, $0x280, v2  }
0x46: {  	s14 =	sor.u32 $0x40, s12;
	s20 =	sor.u32 $0x60, s12;
	s24 =	sor.u32 $0x80, s12;
	v3 =	vsel vm7, $0x200, v3;
	v4 =	vsel vm7, $0x180, v4;
	v5 =	vsel vm7, $0x100, v5  }
0x47: {  	s25 =	sor.u32 $0xA0, s12;
	s7 =	sor.u32 $0x2, s7;
	s26 =	sor.u32 $0xC0, s12;
	v6 =	vsel vm7, $0x80, v6;
	v7 =	vsel vm7, $0x0, v7;
	v8 =	vsel vm7, $0x780, v8  }
0x48: {  	s28 =	sor.u32 $0xE0, s12;
	s19 =	sshll.u32 s29, $0x5;
	v9 =	vsel vm7, $0x700, v9;
	v10 =	vsel vm7, $0x680, v10;
	v11 =	vsel vm7, $0x600, v11;
	s11 =	sshll.u32 s22, $0xA  }
0x49: {  	v12 =	vsel vm7, $0x580, v12;
	v13 =	vsel vm7, $0x500, v13;
	s16 =	sadd.s32 s22, s14;
	s17 =	sadd.s32 s22, s20;
	s18 =	sadd.s32 s22, s24;
	v14 =	vsel vm7, $0x480, v14  }
0x4a: {  	s13 =	sadd.s32 s22, s25;
	s7 =	ssub.s32 s7, s9;
	s9 =	sshll.u32 s23, $0x1;
	v15 =	vsel vm7, $0x400, v15;
	v16 =	vsel vm7, $0x380, v16;
	v19 =	vsel vm7, $0x1380, v19  }
0x4b: {  	s23 =	sadd.s32 s22, s26;
	v20 =	vsel vm7, $0x2380, v20;
	v21 =	vsel vm7, $0x3380, v21;
	v27 =	vcombine.low v33, v32;
	s6 =	sadd.s32 s10, s11;
	s11 =	sor.u32 $0x20, s12  }
0x4c: {  	v25 =	vunpack.c.l.s4.s8 v25;
	v33 =	vcombine.low v32, v33;
	v0 =	vsel vm6, $0x380, v0;
	s15 =	sshll.u32 s7, $0xA;
	s30 =	ssub.s32 s9, s19;
	s9 =	sadd.s32 s7, s26  }
0x4d: {  	v2 =	vsel vm6, $0x300, v2;
	v3 =	vsel vm6, $0x280, v3;
	v4 =	vsel vm6, $0x200, v4;
	s8 =	sadd.s32 s7, s28;
	s16 =	sshll.u32 s16, $0x7;
	s17 =	sshll.u32 s17, $0x7  }
0x4e: {  	v5 =	vsel vm6, $0x180, v5;
	v6 =	vsel vm6, $0x100, v6;
	v7 =	vsel vm6, $0x80, v7;
	s18 =	sshll.u32 s18, $0x7;
	s13 =	sshll.u32 s13, $0x7;
	s21 =	sadd.s32 s22, s11  }
0x4f: {  	v8 =	vsel vm6, $0x0, v8;
	v9 =	vsel vm6, $0x780, v9;
	v10 =	vsel vm6, $0x700, v10;
	s12 =	sadd.s32 s10, s15;
	s22 =	sadd.s32 s22, s28;
	s19 =	sadd.s32 s7, s11  }
0x50: {  	v11 =	vsel vm6, $0x680, v11;
	v12 =	vsel vm6, $0x600, v12;
	v13 =	vsel vm6, $0x580, v13;
	s15 =	sadd.s32 s7, s14;
	s14 =	sadd.s32 s7, s20;
	s11 =	sadd.s32 s7, s24  }
0x51: {  	v14 =	vsel vm6, $0x500, v14;
	v15 =	vsel vm6, $0x480, v15;
	v16 =	vsel vm6, $0x800, v16;
	s10 =	sadd.s32 s7, s25;
	s20 =	sshll.u32 s29, $0x12;
	s24 =	sshll.u32 s30, $0xA  }
0x52: {  	v19 =	vsel vm6, $0x1800, v19;
	v20 =	vsel vm6, $0x2800, v20;
	v21 =	vsel vm6, $0x3800, v21;
	s25 =	sadd.s32 $0x63, s3;
	s16 =	sand.u32 $0x1FFFFC00, s16;
	s17 =	sand.u32 $0x1FFFFC00, s17  }
0x53: {  	v28 =	vcombine.low v35, v34;
	v36 =	vunpack.c.0.s8.s32 v24;
	v24 =	vimm.s32 $0x43210FED;
	s13 =	sand.u32 $0x1FFFFC00, s13;
	s9 =	sshll.u32 s9, $0x7;
	s8 =	sshll.u32 s8, $0x7  }
0x54: {  	v34 =	vcombine.low v34, v35;
	v32 =	vand.u32 $0xF, v59;
	v0 =	vsel vm5, $0x400, v0;
	s7 =	sadd.s32 s20, s24;
	s24 =	sshrl.u32 s25, $0x4;
	s20 =	sshll.u32 s25, $0x1  }
0x55: {  	v2 =	vsel vm5, $0x380, v2;
	v3 =	vsel vm5, $0x300, v3;
	v4 =	vsel vm5, $0x280, v4;
	s21 =	sshll.u32 s21, $0x7;
	s16 =	sadd.s32 s1, s16;
	s13 =	sadd.s32 s1, s13  }
0x56: {  	v5 =	vsel vm5, $0x200, v5;
	v6 =	vsel vm5, $0x180, v6;
	v7 =	vsel vm5, $0x100, v7;
	s12 =	sshrl.u32 s12, $0x3;
	s11 =	sshll.u32 s11, $0x7;
	s10 =	sshll.u32 s10, $0x7  }
0x57: {  	v8 =	vsel vm5, $0x80, v8;
	v9 =	vsel vm5, $0x0, v9;
	v10 =	vsel vm5, $0x780, v10;
	s9 =	sand.u32 $0x1FFFFD00, s9;
	s8 =	sand.u32 $0x1FFFFD00, s8;
	s26 =	sshll.u32 s24, $0x5  }
0x58: {  	v11 =	vsel vm5, $0x700, v11;
	v12 =	vsel vm5, $0x680, v12;
	v13 =	vsel vm5, $0x600, v13;
	s28 =	sshll.u32 s24, $0x12;
	s24 =	sshll.u32 s24, $0x8;
	[dreg:$0x6] =	wrdreg s16  }
0x59: {  	v14 =	vsel vm5, $0x580, v14;
	v15 =	vsel vm5, $0x500, v15;
	v16 =	vsel vm5, $0x880, v16;
	s21 =	sand.u32 $0x1FFFFC00, s21;
	[dreg:$0x9] =	wrdreg s13;
	s12 =	sadd.s32 s1, s12  }
0x5a: {  	v19 =	vsel vm5, $0x1880, v19;
	v20 =	vsel vm5, $0x2880, v20;
	v21 =	vsel vm5, $0x3880, v21;
	s11 =	sand.u32 $0x1FFFFD00, s11;
	s10 =	sand.u32 $0x1FFFFD00, s10;
	s9 =	sadd.s32 s1, s9  }
0x5b: {  	v37 =	vunpack.c.0.s8.s32 v25;
	v29 =	vunpack.c.l.s4.s8 v24;
	v24 =	vand.u32 $0xF, v26;
	s8 =	sadd.s32 s1, s8;
	s25 =	ssub.s32 s20, s26;
	s26 =	sadd.s32 s5, s4  }
0x5c: {  	v25 =	vand.u32 $0xF, v27;
	v27 =	vunpack.c.l.s4.s8 v38;
	v33 =	vand.u32 $0xF, v33;
	s4 =	sadd.s32 $0xF5BA00, s4;
	s20 =	sshll.u32 s29, $0x8;
	[dreg:$0xc] =	wrdreg s12  }
0x5d: {  	v38 =	vand.u32 $0xF, v63;
	v1 =	vsel vm4, $0x480, v0;
	v0 =	vlaneseq.u32;
	s21 =	sadd.s32 s1, s21;
	s11 =	sadd.s32 s1, s11;
	[dreg:$0x12] =	wrdreg s9  }
0x5e: {  	v2 =	vsel vm4, $0x400, v2;
	v3 =	vsel vm4, $0x380, v3;
	v4 =	vsel vm4, $0x300, v4;
	s10 =	sadd.s32 s1, s10;
	[dreg:$0x13] =	wrdreg s8;
	s8 =	simm.s32 $0x1DC00  }
0x5f: {  	v5 =	vsel vm4, $0x280, v5;
	v6 =	vsel vm4, $0x200, v6;
	v7 =	vsel vm4, $0x180, v7;
	s9 =	simm.s32 $0x3;
	s29 =	sshll.u32 s25, $0xA;
	[dreg:$0x5] =	wrdreg s21  }
0x60: {  	v8 =	vsel vm4, $0x100, v8;
	v9 =	vsel vm4, $0x80, v9;
	v10 =	vsel vm4, $0x0, v10;
	s20 =	sadd.s32 s20, s30;
	s26 =	sadd.s32 $0xF42A00, s26;
	[dreg:$0x10] =	wrdreg s11  }
0x61: {  	v11 =	vsel vm4, $0x780, v11;
	v12 =	vsel vm4, $0x700, v12;
	v13 =	vsel vm4, $0x680, v13;
	s21 =	sadd.s32 s1, s17;
	[dreg:$0x11] =	wrdreg s10;
	s30 =	simm.s32 $0x1A400  }
0x62: {  	v14 =	vsel vm4, $0x600, v14;
	v15 =	vsel vm4, $0x580, v15;
	v16 =	vsel vm4, $0x900, v16;
	s5 =	sadd.s32 s28, s29;
	[dreg:$0x3] =	wrdreg s26;
	s26 =	sshrl.u32 s6, $0x3  }
0x63: {  	v19 =	vsel vm4, $0x1900, v19;
	v20 =	vsel vm4, $0x2900, v20;
	v21 =	vsel vm4, $0x3900, v21;
	s6 =	sadd.s32 s24, s25;
	[dreg:$0x7] =	wrdreg s21;
	s24 =	sand.u32 $0x1FFFFC00, s18  }
0x64: {  	v26 =	vand.u32 $0xF, v28;
	v34 =	vand.u32 $0xF, v34;
	v1 =	vsel vm3, $0x500, v1;
	s25 =	sshll.u32 s23, $0x7;
	s28 =	simm.s32 $0x19C00;
	s29 =	simm.s32 $0x2  }
0x65: {  	v2 =	vsel vm3, $0x480, v2;
	v3 =	vsel vm3, $0x400, v3;
	v4 =	vsel vm3, $0x380, v4;
	s26 =	sadd.s32 s1, s26;
	s16 =	sadd.s32 s1, s24;
	s24 =	sshll.u32 s15, $0x7  }
0x66: {  	v5 =	vsel vm3, $0x300, v5;
	v6 =	vsel vm3, $0x280, v6;
	v7 =	vsel vm3, $0x200, v7;
	s5 =	sshrl.u32 s5, $0x3;
	s6 =	sshll.u32 s6, $0x7;
	[dreg:$0x4] =	wrdreg s26  }
0x67: {  	v8 =	vsel vm3, $0x180, v8;
	v9 =	vsel vm3, $0x100, v9;
	v10 =	vsel vm3, $0x80, v10;
	[dreg:$0x8] =	wrdreg s16;
	s16 =	sand.u32 $0x1FFFFC00, s25;
	s26 =	sshll.u32 s22, $0x7  }
0x68: {  	v12 =	vsel vm3, $0x780, v12;
	v13 =	vsel vm3, $0x700, v13;
	v14 =	vsel vm3, $0x680, v14;
	s22 =	sshll.u32 s19, $0x7;
	s25 =	sand.u32 $0x1FFFFD00, s24;
	s18 =	sadd.s32 s1, s16  }
0x69: {  	v11 =	vsel vm3, $0x0, v11;
	v15 =	vsel vm3, $0x600, v15;
	v16 =	vsel vm3, $0x980, v16;
	s21 =	sand.u32 $0x1FFFFC00, s26;
	s23 =	sand.u32 $0x1FFFFD00, s22;
	s26 =	sshll.u32 s14, $0x7  }
0x6a: {  	v19 =	vsel vm3, $0x1980, v19;
	v22 =	vsel vm3, $0x2980, v20;
	v20 =	vor.u32 $0x20, v0;
	s14 =	sshll.u32 s20, $0x7;
	s22 =	sor.u32 $0x2, s3;
	s16 =	sshrl.u32 s7, $0x3  }
0x6b: {  	v21 =	vsel vm3, $0x3980, v21;
	v28 =	vcombine.low v37, v36;
	v57 =	vunpack.c.0.s8.s32 v29;
	[dreg:$0xa] =	wrdreg s18;
	s13 =	sadd.s32 s1, s21;
	s12 =	sadd.s32 s1, s23  }
0x6c: {  	v39 =	vunpack.c.0.s8.s32 v27;
	v27 =	vimm.s32 $0x543210FE;
	v29 =	vimm.s32 $0xDCBA9876;
	s15 =	sadd.s32 $0x1000, s14;
	s23 =	sor.u32 $0x3, s3;
	s3 =	sadd.s32 s1, s16  }
0x6d: {  	v1 =	vsel vm2, $0x580, v1;
	v2 =	vsel vm2, $0x500, v2;
	v3 =	vsel vm2, $0x480, v3;
	s18 =	sadd.s32 $0x2000, s14;
	s19 =	sadd.s32 $0x3000, s14;
	[dreg:$0xb] =	wrdreg s13  }
0x6e: {  	v4 =	vsel vm2, $0x400, v4;
	v5 =	vsel vm2, $0x380, v5;
	v6 =	vsel vm2, $0x300, v6;
	s24 =	sadd.s32 $0x4000, s14;
	s16 =	sadd.s32 $0x3000, s6;
	[dreg:$0xd] =	wrdreg s12  }
0x6f: {  	v60 =	vcombine.low v36, v37;
	v7 =	vsel vm2, $0x280, v7;
	v8 =	vsel vm2, $0x200, v8;
	s12 =	sadd.s32 s1, s25;
	s13 =	sand.u32 $0x1FFFFD00, s26;
	s17 =	sand.u32 $0x1FFFFE00, s15  }
0x70: {  	v9 =	vsel vm2, $0x180, v9;
	v10 =	vsel vm2, $0x100, v10;
	v11 =	vsel vm2, $0x80, v11;
	[dreg:$0x14] =	wrdreg s3;
	s3 =	sand.u32 $0x1FFFFE00, s18;
	s20 =	sand.u32 $0x1FFFFE00, s19  }
0x71: {  	v13 =	vsel vm2, $0x780, v13;
	v14 =	vsel vm2, $0x700, v14;
	v15 =	vsel vm2, $0x680, v15;
	s25 =	sadd.s32 $0x5000, s14;
	s26 =	sadd.s32 $0x6000, s14;
	s15 =	sadd.s32 $0x2000, s6  }
0x72: {  	v12 =	vsel vm2, $0x0, v12;
	v16 =	vsel vm2, $0xA00, v16;
	v19 =	vsel vm2, $0x1A00, v19;
	s18 =	sand.u32 $0x1FFFFF00, s16;
	s19 =	sadd.s32 $0x4000, s6;
	s16 =	simm.s32 $0xE400  }
0x73: {  	v22 =	vsel vm2, $0x2A00, v22;
	v23 =	vsel vm2, $0x3A00, v21;
	v27 =	vunpack.c.l.s4.s8 v27;
	[dreg:$0xe] =	wrdreg s12;
	s12 =	sadd.s32 s1, s13;
	s7 =	sadd.s32 s1, s17  }
0x74: {  	v29 =	vunpack.c.l.s4.s8 v29;
	v1 =	vsel vm1, $0x600, v1;
	v2 =	vsel vm1, $0x580, v2;
	s3 =	sadd.s32 s1, s3;
	s21 =	sadd.s32 s1, s20;
	s10 =	sand.u32 $0x1FFFFE00, s26  }
0x75: {  	v3 =	vsel vm1, $0x500, v3;
	v4 =	vsel vm1, $0x480, v4;
	v5 =	vsel vm1, $0x400, v5;
	s13 =	sadd.s32 s1, s5;
	s17 =	sand.u32 $0x1FFFFF00, s15;
	[dreg:$0xf] =	wrdreg s12  }
0x76: {  	v6 =	vsel vm1, $0x380, v6;
	v7 =	vsel vm1, $0x300, v7;
	v8 =	vsel vm1, $0x280, v8;
	s20 =	sadd.s32 $0x5000, s6;
	s5 =	sadd.s32 s1, s18;
	[dreg:$0x15] =	wrdreg s7  }
0x77: {  	v9 =	vsel vm1, $0x200, v9;
	v10 =	vsel vm1, $0x180, v10;
	v11 =	vsel vm1, $0x100, v11;
	s15 =	simm.s32 $0x6400;
	s18 =	simm.s32 $0x16400;
	[dreg:$0x16] =	wrdreg s3  }
0x78: {  	v12 =	vsel vm1, $0x80, v12;
	v13 =	vsel vm1, $0x0, v13;
	v14 =	vsel vm1, $0x780, v14;
	[dreg:$0x17] =	wrdreg s21;
	s3 =	sand.u32 $0x1FFFFE00, s24;
	s7 =	sand.u32 $0x1FFFFE00, s25  }
0x79: {  	v15 =	vsel vm1, $0x700, v15;
	v18 =	vsel vm1, $0xA80, v16;
	v16 =	vmul.u32 $0x80, v0;
	s11 =	sadd.s32 s1, s10;
	s12 =	sadd.s32 $0x7000, s14;
	[dreg:$0x1c] =	wrdreg s13  }
0x7a: {  	v19 =	vsel vm1, $0x1A80, v19;
	v22 =	vsel vm1, $0x2A80, v22;
	v23 =	vsel vm1, $0x3A80, v23;
	s14 =	sadd.s32 $0x1000, s6;
	[dreg:$0x1f] =	wrdreg s5;
	s21 =	sand.u32 $0x1FFFFF00, s20  }
0x7b: {  	v61 =	vcombine.low v57, v39;
	v35 =	vand.u32 $0xF, v60;
	v1 =	vsel vm0, $0x680, v1;
	s24 =	sadd.s32 $0x6000, s6;
	s3 =	sadd.s32 s1, s3;
	[dreg:$0x1a] =	wrdreg s11  }
0x7c: {  	v2 =	vsel vm0, $0x600, v2;
	v3 =	vsel vm0, $0x580, v3;
	v4 =	vsel vm0, $0x500, v4;
	s6 =	sadd.s32 $0x7000, s6;
	[dreg:$0x18] =	wrdreg s3;
	s3 =	sadd.s32 s1, s7  }
0x7d: {  	v5 =	vsel vm0, $0x480, v5;
	v6 =	vsel vm0, $0x400, v6;
	v7 =	vsel vm0, $0x380, v7;
	s10 =	simm.s32 $0x4;
	[dreg:$0x19] =	wrdreg s3;
	s3 =	sand.u32 $0x1FFFFE00, s12  }
0x7e: {  	v8 =	vsel vm0, $0x300, v8;
	v9 =	vsel vm0, $0x280, v9;
	v10 =	vsel vm0, $0x200, v10;
	s5 =	sadd.s32 s1, s21;
	s25 =	sand.u32 $0x1FFFFF00, s6;
	s3 =	sadd.s32 s1, s3  }
0x7f: {  	v11 =	vsel vm0, $0x180, v11;
	v12 =	vsel vm0, $0x100, v12;
	v13 =	vsel vm0, $0x80, v13;
	s6 =	simm.s32 $0x1CC00;
	[dreg:$0x1b] =	wrdreg s3;
	s3 =	sand.u32 $0x1FFFFF00, s14  }
0x80: {  	v14 =	vsel vm0, $0x0, v14;
	v15 =	vsel vm0, $0x780, v15;
	v17 =	vsel vm0, $0xB00, v18;
	[smem:$0x7FA] =	sst s5;
	s26 =	sadd.s32 s1, s25;
	s3 =	sadd.s32 s1, s3  }
0x81: {  	v18 =	vor.u32 $0x10, v0;
	v19 =	vsel vm0, $0x1B00, v19;
	v21 =	vsel vm0, $0x2B00, v22;
	s25 =	simm.s32 $0x18C00;
	[dreg:$0x1d] =	wrdreg s3;
	s3 =	sadd.s32 s1, s17  }
0x82: {  	v44 =	vunpack.c.0.s8.s32 v27;
	v45 =	vunpack.c.0.s8.s32 v29;
	v29 =	vunpack.c.l.s4.s8 v43;
	s5 =	simm.s32 $0x1C400;
	[dreg:$0x1e] =	wrdreg s3;
	s3 =	sand.u32 $0x1FFFFF00, s19  }
0x83: {  	v22 =	vor.u32 $0x30, v0;
	v27 =	vand.u32 $0xF, v28;
	v28 =	vcombine.low v39, v57;
	s7 =	simm.s32 $0x1D400;
	[smem:$0x7FC] =	sst s26;
	s3 =	sadd.s32 s1, s3  }
0x84: {  	v29 =	vunpack.c.0.s8.s32 v29;
	v58 =	vcombine.low v45, v44;
	v62 =	vcombine.low v44, v45;
	s26 =	simm.s32 $0x19400;
	[smem:$0x7F9] =	sst s3;
	s3 =	sand.u32 $0x1FFFFF00, s24  }
0x85: {  	v23 =	vsel vm0, $0x3B00, v23;
	v36 =	vand.u32 $0xF, v61;
	v28 =	vand.u32 $0xF, v28;
	s12 =	simm.s32 $0x0;
	s14 =	simm.s32 $0x100;
	s3 =	sadd.s32 s1, s3  }
0x86: {  	v29 =	vcombine.low v42, v29;
	v30 =	vand.u32 $0xF, v58;
	v37 =	vand.u32 $0xF, v62;
	s17 =	simm.s32 $0x1;
	[smem:$0x7FB] =	sst s3;
	s3 =	simm.s32 $0x1B400  }
.LBB2_1:
0x87: {  	[smem:$0x7F8] =	sst s12  }
0x88: {  	s11 =	rddreg [dreg:$0x3];
	s24 =	simm.s32 $0x5  }
0x89: {  	[tilespmem:s2], [sflag:$0x5] =	stream.linear.gather [hbm4b:s11+s2], $0x6400, $0x38;
	[tilespmem:$0x1E400] =	vst v63  }
0x8a: {  	_ =	swait.ge [sflag:s24], $0x6400  }
0x8b: {  	[sflag:s24] =	ssyncset.done $0x0  }
0x8c: {  	[sflag:s24] =	ssyncadd.s32 $0xFFFF9C00  }
0x8d: {  	[tilespmem:s15], [sflag:$0x1] =	stream.indirect.gather [hbm4b:s4+s14], $0x80, s2, s14, $0xb8;
	[tilespmem:$0x1E400] =	vst v63  }
0x8e: {  	_ = 	snop  }
0x8f: {  	[tilespmem:s16], [sflag:$0x2] =	stream.indirect.gather [hbm4b:s4+s14], $0x80, s14, s14, $0xb8;
	[tilespmem:$0x1E400] =	vst v63  }
0x90: {  	_ =	swait.ge [sflag:s17], $0x8000  }
0x91: {  	[sflag:s17] =	ssyncset.done $0x0  }
0x92: {  	s12 =	simm.s32 $0x0;
	s11 =	simm.s32 $0x0;
	[sflag:s17] =	ssyncadd.s32 $0xFFFF8000  }
.LBB2_2:
0x93: {  	v39 =	vmov s11  }
0x94: {  	v40 =	vshll.u32 v39, $0x7  }
0x95: {  	v39 =	vor.u32 v16, v40  }
0x96: {  	v41 =	vor.u32 v0, v39  }
0x97: {  	v42 =	vor.u32 v18, v39  }
0x98: {  	s13 =	sand.u32 $0x400, s12;
	s19 =	sand.u32 $0x70, s11;
	v43 =	vor.u32 v20, v39  }
0x99: {  	s13 =	sor.u32 s19, s13;
	v58 =	vor.u32 v15, v40;
	v44 =	vor.u32 v22, v39  }
0x9a: {  	v46 =	vor.u32 s13, v0;
	v59 =	vor.u32 s13, v17;
	v45 =	vor.u32 v0, v58  }
0x9b: {  	v60 =	vor.u32 s13, v19;
	v61 =	vor.u32 s13, v21;
	v48 =	vor.u32 v18, v58;
	v47 =	vld.idx.msk [tilespmem:v41+s15+$0x0], $0xffff  }
0x9c: {  	v50 =	vor.u32 v20, v58;
	v39 =	vand.u32 $0xF80, v59;
	v46 =	vand.u32 $0x7F, v46;
	v49 =	vld.idx.msk [tilespmem:v42+s15+$0x0], $0xffff  }
0x9d: {  	v52 =	vor.u32 v22, v58;
	v53 =	vor.u32 v46, v39;
	v51 =	vld.idx.msk [tilespmem:v43+s15+$0x0], $0xffff;
	v41 =	vand.u32 $0x1F80, v60  }
0x9e: {  	v54 =	vor.u32 s13, v23;
	v44 =	vld.idx.msk [tilespmem:v44+s15+$0x0], $0xffff;
	v42 =	vand.u32 $0x2F80, v61;
	v55 =	vor.u32 v46, v41  }
0x9f: {  	v56 =	vor.u32 s13, v24;
	v45 =	vld.idx.msk [tilespmem:v45+s15+$0x0], $0xffff;
	v43 =	vand.u32 $0x3F80, v54;
	v57 =	vor.u32 v46, v42  }
0xa0: {  	v62 =	vand.u32 $0x7F, v56;
	v48 =	vld.idx.msk [tilespmem:v48+s15+$0x0], $0xffff;
	v46 =	vor.u32 v46, v43  }
0xa1: {  	v56 =	vor.u32 v62, v39;
	v50 =	vld.idx.msk [tilespmem:v50+s15+$0x0], $0xffff  }
0xa2: {  	v52 =	vld.idx.msk [tilespmem:v52+s15+$0x0], $0xffff;
	v63 =	vor.u32 v62, v41;
	[tilespmem:v53+s18+$0x0] =	vst.idx.msk $0xffff, v47  }
0xa3: {  	v58 =	vor.u32 v62, v42;
	[tilespmem:v55+s18+$0x0] =	vst.idx.msk $0xffff, v49  }
0xa4: {  	v60 =	vor.u32 v14, v40;
	v59 =	vor.u32 v62, v43;
	[tilespmem:v57+s18+$0x0] =	vst.idx.msk $0xffff, v51  }
0xa5: {  	v61 =	vor.u32 v0, v60;
	[tilespmem:v46+s18+$0x0] =	vst.idx.msk $0xffff, v44  }
0xa6: {  	v62 =	vor.u32 v18, v60;
	[tilespmem:v56+s18+$0x0] =	vst.idx.msk $0xffff, v45  }
0xa7: {  	[tilespmem:v63+s18+$0x0] =	vst.idx.msk $0xffff, v48;
	v63 =	vor.u32 v20, v60  }
0xa8: {  	v57 =	vor.u32 v13, v40;
	v56 =	vor.u32 v22, v60;
	[tilespmem:v58+s18+$0x0] =	vst.idx.msk $0xffff, v50  }
0xa9: {  	v48 =	vor.u32 v22, v57;
	[tilespmem:v59+s18+$0x0] =	vst.idx.msk $0xffff, v52  }
0xaa: {  	v58 =	vor.u32 v0, v57;
	v44 =	vld.idx.msk [tilespmem:v61+s15+$0x0], $0xffff;
	v61 =	vor.u32 s13, v25  }
0xab: {  	v45 =	vld.idx.msk [tilespmem:v62+s15+$0x0], $0xffff;
	v62 =	vor.u32 v20, v57;
	v51 =	vand.u32 $0x7F, v61  }
0xac: {  	v59 =	vor.u32 v18, v57;
	v46 =	vld.idx.msk [tilespmem:v63+s15+$0x0], $0xffff;
	v63 =	vor.u32 v51, v39  }
0xad: {  	v47 =	vld.idx.msk [tilespmem:v56+s15+$0x0], $0xffff;
	v54 =	vor.u32 v51, v41  }
0xae: {  	v60 =	vor.u32 s13, v26;
	v61 =	vor.u32 v51, v42;
	v48 =	vld.idx.msk [tilespmem:v48+s15+$0x0], $0xffff  }
0xaf: {  	v55 =	vand.u32 $0x7F, v60;
	v51 =	vor.u32 v51, v43;
	v49 =	vld.idx.msk [tilespmem:v58+s15+$0x0], $0xffff  }
0xb0: {  	v52 =	vld.idx.msk [tilespmem:v62+s15+$0x0], $0xffff;
	v62 =	vor.u32 v55, v39  }
0xb1: {  	v50 =	vld.idx.msk [tilespmem:v59+s15+$0x0], $0xffff;
	[tilespmem:v63+s18+$0x0] =	vst.idx.msk $0xffff, v44;
	v63 =	vor.u32 v55, v41  }
0xb2: {  	v58 =	vor.u32 v55, v42;
	[tilespmem:v54+s18+$0x0] =	vst.idx.msk $0xffff, v45  }
0xb3: {  	v60 =	vor.u32 v12, v40;
	v59 =	vor.u32 v55, v43;
	[tilespmem:v61+s18+$0x0] =	vst.idx.msk $0xffff, v46  }
0xb4: {  	v61 =	vor.u32 v0, v60;
	[tilespmem:v51+s18+$0x0] =	vst.idx.msk $0xffff, v47  }
0xb5: {  	[tilespmem:v62+s18+$0x0] =	vst.idx.msk $0xffff, v49;
	v62 =	vor.u32 v18, v60  }
0xb6: {  	[tilespmem:v63+s18+$0x0] =	vst.idx.msk $0xffff, v50;
	v63 =	vor.u32 v20, v60  }
0xb7: {  	v57 =	vor.u32 v11, v40;
	v56 =	vor.u32 v22, v60;
	[tilespmem:v58+s18+$0x0] =	vst.idx.msk $0xffff, v52  }
0xb8: {  	v50 =	vor.u32 v22, v57;
	[tilespmem:v59+s18+$0x0] =	vst.idx.msk $0xffff, v48  }
0xb9: {  	v58 =	vor.u32 v0, v57;
	v47 =	vld.idx.msk [tilespmem:v61+s15+$0x0], $0xffff;
	v61 =	vor.u32 s13, v27  }
0xba: {  	v49 =	vld.idx.msk [tilespmem:v62+s15+$0x0], $0xffff;
	v62 =	vor.u32 v20, v57;
	v51 =	vand.u32 $0x7F, v61  }
0xbb: {  	v59 =	vor.u32 v18, v57;
	v44 =	vld.idx.msk [tilespmem:v63+s15+$0x0], $0xffff;
	v63 =	vor.u32 v51, v39  }
0xbc: {  	v45 =	vld.idx.msk [tilespmem:v56+s15+$0x0], $0xffff;
	v54 =	vor.u32 v51, v41  }
0xbd: {  	v60 =	vor.u32 s13, v28;
	v61 =	vor.u32 v51, v42;
	v50 =	vld.idx.msk [tilespmem:v50+s15+$0x0], $0xffff  }
0xbe: {  	v55 =	vand.u32 $0x7F, v60;
	v51 =	vor.u32 v51, v43;
	v46 =	vld.idx.msk [tilespmem:v58+s15+$0x0], $0xffff  }
0xbf: {  	v52 =	vld.idx.msk [tilespmem:v62+s15+$0x0], $0xffff;
	v62 =	vor.u32 v55, v39  }
0xc0: {  	v48 =	vld.idx.msk [tilespmem:v59+s15+$0x0], $0xffff;
	[tilespmem:v63+s18+$0x0] =	vst.idx.msk $0xffff, v47;
	v63 =	vor.u32 v55, v41  }
0xc1: {  	v58 =	vor.u32 v55, v42;
	[tilespmem:v54+s18+$0x0] =	vst.idx.msk $0xffff, v49  }
0xc2: {  	v60 =	vor.u32 v10, v40;
	v59 =	vor.u32 v55, v43;
	[tilespmem:v61+s18+$0x0] =	vst.idx.msk $0xffff, v44  }
0xc3: {  	v61 =	vor.u32 v0, v60;
	[tilespmem:v51+s18+$0x0] =	vst.idx.msk $0xffff, v45  }
0xc4: {  	[tilespmem:v62+s18+$0x0] =	vst.idx.msk $0xffff, v46;
	v62 =	vor.u32 v18, v60  }
0xc5: {  	[tilespmem:v63+s18+$0x0] =	vst.idx.msk $0xffff, v48;
	v63 =	vor.u32 v20, v60  }
0xc6: {  	v56 =	vor.u32 v22, v60;
	v57 =	vor.u32 v9, v40;
	[tilespmem:v58+s18+$0x0] =	vst.idx.msk $0xffff, v52  }
0xc7: {  	v49 =	vor.u32 v22, v57;
	[tilespmem:v59+s18+$0x0] =	vst.idx.msk $0xffff, v50  }
0xc8: {  	v58 =	vor.u32 v0, v57;
	v45 =	vld.idx.msk [tilespmem:v61+s15+$0x0], $0xffff;
	v61 =	vor.u32 s13, v30  }
0xc9: {  	v46 =	vld.idx.msk [tilespmem:v62+s15+$0x0], $0xffff;
	v62 =	vor.u32 v20, v57;
	v51 =	vand.u32 $0x7F, v61  }
0xca: {  	v59 =	vor.u32 v18, v57;
	v47 =	vld.idx.msk [tilespmem:v63+s15+$0x0], $0xffff;
	v63 =	vor.u32 v51, v39  }
0xcb: {  	v48 =	vld.idx.msk [tilespmem:v56+s15+$0x0], $0xffff;
	v54 =	vor.u32 v51, v41  }
0xcc: {  	v60 =	vor.u32 s13, v31;
	v49 =	vld.idx.msk [tilespmem:v49+s15+$0x0], $0xffff;
	v61 =	vor.u32 v51, v42  }
0xcd: {  	v55 =	vand.u32 $0x7F, v60;
	v51 =	vor.u32 v51, v43;
	v44 =	vld.idx.msk [tilespmem:v58+s15+$0x0], $0xffff  }
0xce: {  	v52 =	vld.idx.msk [tilespmem:v62+s15+$0x0], $0xffff;
	v62 =	vor.u32 v55, v39  }
0xcf: {  	v50 =	vld.idx.msk [tilespmem:v59+s15+$0x0], $0xffff;
	[tilespmem:v63+s18+$0x0] =	vst.idx.msk $0xffff, v45;
	v63 =	vor.u32 v55, v41  }
0xd0: {  	v58 =	vor.u32 v55, v42;
	[tilespmem:v54+s18+$0x0] =	vst.idx.msk $0xffff, v46  }
0xd1: {  	v60 =	vor.u32 v8, v40;
	v59 =	vor.u32 v55, v43;
	[tilespmem:v61+s18+$0x0] =	vst.idx.msk $0xffff, v47  }
0xd2: {  	v61 =	vor.u32 v0, v60;
	[tilespmem:v51+s18+$0x0] =	vst.idx.msk $0xffff, v48  }
0xd3: {  	v56 =	vor.u32 v22, v60;
	[tilespmem:v62+s18+$0x0] =	vst.idx.msk $0xffff, v44  }
0xd4: {  	v62 =	vor.u32 v18, v60;
	[tilespmem:v63+s18+$0x0] =	vst.idx.msk $0xffff, v50  }
0xd5: {  	v57 =	vor.u32 v7, v40;
	v63 =	vor.u32 v20, v60;
	[tilespmem:v58+s18+$0x0] =	vst.idx.msk $0xffff, v52  }
0xd6: {  	v50 =	vor.u32 v22, v57;
	[tilespmem:v59+s18+$0x0] =	vst.idx.msk $0xffff, v49  }
0xd7: {  	v60 =	vor.u32 s13, v29;
	v58 =	vor.u32 v0, v57;
	v48 =	vld.idx.msk [tilespmem:v61+s15+$0x0], $0xffff  }
0xd8: {  	v51 =	vand.u32 $0x7F, v60;
	v61 =	vor.u32 v20, v57;
	v46 =	vld.idx.msk [tilespmem:v56+s15+$0x0], $0xffff  }
0xd9: {  	v59 =	vor.u32 v18, v57;
	v44 =	vld.idx.msk [tilespmem:v62+s15+$0x0], $0xffff;
	v62 =	vor.u32 v51, v39  }
0xda: {  	v54 =	vor.u32 v51, v41;
	v45 =	vld.idx.msk [tilespmem:v63+s15+$0x0], $0xffff  }
0xdb: {  	v60 =	vor.u32 v51, v42;
	v63 =	vor.u32 s13, v32;
	v50 =	vld.idx.msk [tilespmem:v50+s15+$0x0], $0xffff  }
0xdc: {  	v51 =	vor.u32 v51, v43;
	v47 =	vld.idx.msk [tilespmem:v58+s15+$0x0], $0xffff;
	v55 =	vand.u32 $0x7F, v63  }
0xdd: {  	v52 =	vld.idx.msk [tilespmem:v61+s15+$0x0], $0xffff;
	v61 =	vor.u32 v55, v39  }
0xde: {  	v49 =	vld.idx.msk [tilespmem:v59+s15+$0x0], $0xffff;
	[tilespmem:v62+s18+$0x0] =	vst.idx.msk $0xffff, v48;
	v62 =	vor.u32 v55, v41  }
0xdf: {  	v63 =	vor.u32 v55, v42;
	[tilespmem:v54+s18+$0x0] =	vst.idx.msk $0xffff, v44  }
0xe0: {  	v58 =	vor.u32 v55, v43;
	v59 =	vor.u32 v6, v40;
	[tilespmem:v60+s18+$0x0] =	vst.idx.msk $0xffff, v45  }
0xe1: {  	v56 =	vor.u32 v5, v40;
	v60 =	vor.u32 v0, v59;
	[tilespmem:v51+s18+$0x0] =	vst.idx.msk $0xffff, v46  }
0xe2: {  	v57 =	vor.u32 v0, v56;
	[tilespmem:v61+s18+$0x0] =	vst.idx.msk $0xffff, v47  }
0xe3: {  	v61 =	vor.u32 v18, v59;
	[tilespmem:v62+s18+$0x0] =	vst.idx.msk $0xffff, v49  }
0xe4: {  	v62 =	vor.u32 v20, v59;
	[tilespmem:v63+s18+$0x0] =	vst.idx.msk $0xffff, v52  }
0xe5: {  	v63 =	vor.u32 v22, v59;
	[tilespmem:v58+s18+$0x0] =	vst.idx.msk $0xffff, v50  }
0xe6: {  	v49 =	vor.u32 v22, v56;
	v59 =	vor.u32 s13, v33;
	v46 =	vld.idx.msk [tilespmem:v60+s15+$0x0], $0xffff  }
0xe7: {  	v51 =	vand.u32 $0x7F, v59;
	v60 =	vor.u32 v20, v56;
	v45 =	vld.idx.msk [tilespmem:v57+s15+$0x0], $0xffff  }
0xe8: {  	v58 =	vor.u32 v18, v56;
	v47 =	vld.idx.msk [tilespmem:v61+s15+$0x0], $0xffff;
	v61 =	vor.u32 v51, v39  }
0xe9: {  	v54 =	vor.u32 v51, v41;
	v48 =	vld.idx.msk [tilespmem:v62+s15+$0x0], $0xffff  }
0xea: {  	v62 =	vor.u32 s13, v34;
	v44 =	vld.idx.msk [tilespmem:v63+s15+$0x0], $0xffff;
	v63 =	vor.u32 v51, v42  }
0xeb: {  	v49 =	vld.idx.msk [tilespmem:v49+s15+$0x0], $0xffff;
	v51 =	vor.u32 v51, v43;
	v55 =	vand.u32 $0x7F, v62  }
0xec: {  	v52 =	vld.idx.msk [tilespmem:v60+s15+$0x0], $0xffff;
	v60 =	vor.u32 v55, v39  }
0xed: {  	v50 =	vld.idx.msk [tilespmem:v58+s15+$0x0], $0xffff;
	[tilespmem:v61+s18+$0x0] =	vst.idx.msk $0xffff, v46;
	v61 =	vor.u32 v55, v41  }
0xee: {  	v62 =	vor.u32 v55, v42;
	[tilespmem:v54+s18+$0x0] =	vst.idx.msk $0xffff, v47  }
0xef: {  	v58 =	vor.u32 v4, v40;
	[tilespmem:v63+s18+$0x0] =	vst.idx.msk $0xffff, v48;
	v63 =	vor.u32 v55, v43  }
0xf0: {  	v59 =	vor.u32 v0, v58;
	[tilespmem:v51+s18+$0x0] =	vst.idx.msk $0xffff, v44  }
0xf1: {  	v56 =	vor.u32 v22, v58;
	[tilespmem:v60+s18+$0x0] =	vst.idx.msk $0xffff, v45  }
0xf2: {  	v60 =	vor.u32 v18, v58;
	[tilespmem:v61+s18+$0x0] =	vst.idx.msk $0xffff, v50  }
0xf3: {  	v57 =	vor.u32 v3, v40;
	v61 =	vor.u32 v20, v58;
	[tilespmem:v62+s18+$0x0] =	vst.idx.msk $0xffff, v52  }
0xf4: {  	v58 =	vor.u32 v0, v57;
	[tilespmem:v63+s18+$0x0] =	vst.idx.msk $0xffff, v49  }
0xf5: {  	v50 =	vor.u32 v22, v57;
	v62 =	vor.u32 s13, v35;
	v44 =	vld.idx.msk [tilespmem:v59+s15+$0x0], $0xffff  }
0xf6: {  	v63 =	vor.u32 v20, v57;
	v51 =	vand.u32 $0x7F, v62;
	v47 =	vld.idx.msk [tilespmem:v56+s15+$0x0], $0xffff  }
0xf7: {  	v59 =	vor.u32 v18, v57;
	v53 =	vor.u32 v51, v39;
	v45 =	vld.idx.msk [tilespmem:v60+s15+$0x0], $0xffff  }
0xf8: {  	v60 =	vor.u32 v51, v41;
	v46 =	vld.idx.msk [tilespmem:v61+s15+$0x0], $0xffff  }
0xf9: {  	v62 =	vor.u32 v51, v42;
	v48 =	vld.idx.msk [tilespmem:v58+s15+$0x0], $0xffff;
	v61 =	vor.u32 s13, v36  }
0xfa: {  	v51 =	vor.u32 v51, v43;
	v50 =	vld.idx.msk [tilespmem:v50+s15+$0x0], $0xffff;
	v55 =	vand.u32 $0x7F, v61  }
0xfb: {  	v52 =	vld.idx.msk [tilespmem:v63+s15+$0x0], $0xffff;
	v63 =	vor.u32 v55, v39  }
0xfc: {  	v58 =	vor.u32 v55, v41;
	v49 =	vld.idx.msk [tilespmem:v59+s15+$0x0], $0xffff;
	[tilespmem:v53+s18+$0x0] =	vst.idx.msk $0xffff, v44  }
0xfd: {  	v59 =	vor.u32 v55, v42;
	[tilespmem:v60+s18+$0x0] =	vst.idx.msk $0xffff, v45  }
0xfe: {  	v61 =	vor.u32 v2, v40;
	v60 =	vor.u32 v55, v43;
	[tilespmem:v62+s18+$0x0] =	vst.idx.msk $0xffff, v46  }
0xff: {  	v62 =	vor.u32 v0, v61;
	[tilespmem:v51+s18+$0x0] =	vst.idx.msk $0xffff, v47  }
0x100: {  	v54 =	vor.u32 v20, v61;
	[tilespmem:v63+s18+$0x0] =	vst.idx.msk $0xffff, v48  }
0x101: {  	v55 =	vor.u32 v22, v61;
	[tilespmem:v58+s18+$0x0] =	vst.idx.msk $0xffff, v49  }
0x102: {  	v40 =	vor.u32 v1, v40;
	v63 =	vor.u32 v18, v61;
	[tilespmem:v59+s18+$0x0] =	vst.idx.msk $0xffff, v52  }
0x103: {  	v56 =	vor.u32 v0, v40;
	[tilespmem:v60+s18+$0x0] =	vst.idx.msk $0xffff, v50  }
0x104: {  	v57 =	vor.u32 v18, v40;
	v58 =	vor.u32 s13, v37;
	v47 =	vld.idx.msk [tilespmem:v62+s15+$0x0], $0xffff  }
0x105: {  	v59 =	vor.u32 v20, v40;
	v50 =	vand.u32 $0x7F, v58;
	v44 =	vld.idx.msk [tilespmem:v54+s15+$0x0], $0xffff  }
0x106: {  	v40 =	vor.u32 v22, v40;
	v45 =	vld.idx.msk [tilespmem:v55+s15+$0x0], $0xffff;
	v60 =	vor.u32 v50, v39  }
0x107: {  	v61 =	vor.u32 v50, v41;
	v48 =	vld.idx.msk [tilespmem:v63+s15+$0x0], $0xffff  }
0x108: {  	v46 =	vld.idx.msk [tilespmem:v56+s15+$0x0], $0xffff;
	v62 =	vor.u32 s13, v38;
	v63 =	vor.u32 v50, v42  }
0x109: {  	v49 =	vld.idx.msk [tilespmem:v57+s15+$0x0], $0xffff;
	v50 =	vor.u32 v50, v43;
	v54 =	vand.u32 $0x7F, v62  }
0x10a: {  	v39 =	vor.u32 v54, v39;
	v51 =	vld.idx.msk [tilespmem:v59+s15+$0x0], $0xffff  }
0x10b: {  	v41 =	vor.u32 v54, v41;
	v40 =	vld.idx.msk [tilespmem:v40+s15+$0x0], $0xffff;
	[tilespmem:v60+s18+$0x0] =	vst.idx.msk $0xffff, v47  }
0x10c: {  	v42 =	vor.u32 v54, v42;
	[tilespmem:v61+s18+$0x0] =	vst.idx.msk $0xffff, v48  }
0x10d: {  	p0 =	sne.s32 s12, $0x780;
	v43 =	vor.u32 v54, v43;
	[tilespmem:v63+s18+$0x0] =	vst.idx.msk $0xffff, v44  }
.Ltmp0:
0x10e: {  	[tilespmem:v50+s18+$0x0] =	vst.idx.msk $0xffff, v45;
	(pc) =	sbr.rel @p0 .LBB2_2-.Ltmp0, $4  }
0x10f: {  	[tilespmem:v39+s18+$0x0] =	vst.idx.msk $0xffff, v46  }
0x110: {  	[tilespmem:v41+s18+$0x0] =	vst.idx.msk $0xffff, v49  }
0x111: {  	[tilespmem:v42+s18+$0x0] =	vst.idx.msk $0xffff, v51  }
0x112: {  	s11 =	sadd.s32 $0x10, s11;
	s12 =	sadd.s32 $0x80, s12;
	[tilespmem:v43+s18+$0x0] =	vst.idx.msk $0xffff, v40  }
0x113: {  	s11 =	simm.s32 $0x0;
	s12 =	rddreg [dreg:$0x4]  }
0x114: {  	[hbm4b:s12+s11] =	stream.linear.scatter [tilespmem:s18], [sflag:$0x3], $0x800, $0x38;
	[tilespmem:$0x1E400] =	vst v63  }
0x115: {  	s20 =	rddreg [dreg:$0x5];
	s13 =	simm.s32 $0x16C00  }
0x116: {  	[hbm4b:s20+s11] =	stream.linear.scatter [tilespmem:s13], [sflag:$0x3], $0x800, $0x38;
	[tilespmem:$0x1E400] =	vst v63  }
0x117: {  	s21 =	rddreg [dreg:$0x6];
	s24 =	simm.s32 $0x17400  }
0x118: {  	[hbm4b:s21+s11] =	stream.linear.scatter [tilespmem:s24], [sflag:$0x3], $0x800, $0x38;
	[tilespmem:$0x1E400] =	vst v63  }
0x119: {  	s19 =	rddreg [dreg:$0x7];
	s20 =	simm.s32 $0x17C00  }
0x11a: {  	[hbm4b:s19+s11] =	stream.linear.scatter [tilespmem:s20], [sflag:$0x3], $0x800, $0x38;
	[tilespmem:$0x1E400] =	vst v63  }
0x11b: {  	s21 =	rddreg [dreg:$0x8];
	s24 =	simm.s32 $0x18400  }
0x11c: {  	[hbm4b:s21+s11] =	stream.linear.scatter [tilespmem:s24], [sflag:$0x3], $0x800, $0x38;
	[tilespmem:$0x1E400] =	vst v63  }
0x11d: {  	s19 =	rddreg [dreg:$0x9]  }
0x11e: {  	[hbm4b:s19+s11] =	stream.linear.scatter [tilespmem:s25], [sflag:$0x3], $0x800, $0x38;
	[tilespmem:$0x1E400] =	vst v63  }
0x11f: {  	s20 =	rddreg [dreg:$0xa]  }
0x120: {  	[hbm4b:s20+s11] =	stream.linear.scatter [tilespmem:s26], [sflag:$0x3], $0x800, $0x38;
	[tilespmem:$0x1E400] =	vst v63  }
0x121: {  	s21 =	rddreg [dreg:$0xb]  }
0x122: {  	[hbm4b:s21+s11] =	stream.linear.scatter [tilespmem:s28], [sflag:$0x3], $0x800, $0x38;
	[tilespmem:$0x1E400] =	vst v63  }
0x123: {  	s24 =	simm.s32 $0x200  }
0x124: {  	[tilespmem:s15], [sflag:$0x1] =	stream.indirect.gather [hbm4b:s4+s14], $0x80, s24, s14, $0xb8;
	[tilespmem:$0x1E400] =	vst v63  }
0x125: {  	_ =	swait.ge [sflag:s29], $0x8000  }
0x126: {  	[sflag:s29] =	ssyncset.done $0x0  }
0x127: {  	s12 =	simm.s32 $0x0;
	[sflag:s29] =	ssyncadd.s32 $0xFFFF8000  }
.LBB2_4:
0x128: {  	v39 =	vmov s11  }
0x129: {  	v40 =	vshll.u32 v39, $0x7  }
0x12a: {  	v39 =	vor.u32 v16, v40  }
0x12b: {  	v41 =	vor.u32 v0, v39  }
0x12c: {  	v42 =	vor.u32 v18, v39  }
0x12d: {  	s13 =	sand.u32 $0x400, s12;
	s19 =	sand.u32 $0x70, s11;
	v43 =	vor.u32 v20, v39  }
0x12e: {  	s13 =	sor.u32 s19, s13;
	v58 =	vor.u32 v15, v40;
	v44 =	vor.u32 v22, v39  }
0x12f: {  	v46 =	vor.u32 s13, v0;
	v59 =	vor.u32 s13, v17;
	v45 =	vor.u32 v0, v58  }
0x130: {  	v60 =	vor.u32 s13, v19;
	v61 =	vor.u32 s13, v21;
	v48 =	vor.u32 v18, v58;
	v47 =	vld.idx.msk [tilespmem:v41+s16+$0x0], $0xffff  }
0x131: {  	v50 =	vor.u32 v20, v58;
	v39 =	vand.u32 $0xF80, v59;
	v46 =	vand.u32 $0x7F, v46;
	v49 =	vld.idx.msk [tilespmem:v42+s16+$0x0], $0xffff  }
0x132: {  	v52 =	vor.u32 v22, v58;
	v53 =	vor.u32 v46, v39;
	v51 =	vld.idx.msk [tilespmem:v43+s16+$0x0], $0xffff;
	v41 =	vand.u32 $0x1F80, v60  }
0x133: {  	v54 =	vor.u32 s13, v23;
	v44 =	vld.idx.msk [tilespmem:v44+s16+$0x0], $0xffff;
	v42 =	vand.u32 $0x2F80, v61;
	v55 =	vor.u32 v46, v41  }
0x134: {  	v56 =	vor.u32 s13, v24;
	v45 =	vld.idx.msk [tilespmem:v45+s16+$0x0], $0xffff;
	v43 =	vand.u32 $0x3F80, v54;
	v57 =	vor.u32 v46, v42  }
0x135: {  	v62 =	vand.u32 $0x7F, v56;
	v48 =	vld.idx.msk [tilespmem:v48+s16+$0x0], $0xffff;
	v46 =	vor.u32 v46, v43  }
0x136: {  	v56 =	vor.u32 v62, v39;
	v50 =	vld.idx.msk [tilespmem:v50+s16+$0x0], $0xffff  }
0x137: {  	v52 =	vld.idx.msk [tilespmem:v52+s16+$0x0], $0xffff;
	v63 =	vor.u32 v62, v41;
	[tilespmem:v53+s30+$0x0] =	vst.idx.msk $0xffff, v47  }
0x138: {  	v58 =	vor.u32 v62, v42;
	[tilespmem:v55+s30+$0x0] =	vst.idx.msk $0xffff, v49  }
0x139: {  	v60 =	vor.u32 v14, v40;
	v59 =	vor.u32 v62, v43;
	[tilespmem:v57+s30+$0x0] =	vst.idx.msk $0xffff, v51  }
0x13a: {  	v61 =	vor.u32 v0, v60;
	[tilespmem:v46+s30+$0x0] =	vst.idx.msk $0xffff, v44  }
0x13b: {  	v62 =	vor.u32 v18, v60;
	[tilespmem:v56+s30+$0x0] =	vst.idx.msk $0xffff, v45  }
0x13c: {  	[tilespmem:v63+s30+$0x0] =	vst.idx.msk $0xffff, v48;
	v63 =	vor.u32 v20, v60  }
0x13d: {  	v57 =	vor.u32 v13, v40;
	v56 =	vor.u32 v22, v60;
	[tilespmem:v58+s30+$0x0] =	vst.idx.msk $0xffff, v50  }
0x13e: {  	v48 =	vor.u32 v22, v57;
	[tilespmem:v59+s30+$0x0] =	vst.idx.msk $0xffff, v52  }
0x13f: {  	v58 =	vor.u32 v0, v57;
	v44 =	vld.idx.msk [tilespmem:v61+s16+$0x0], $0xffff;
	v61 =	vor.u32 s13, v25  }
0x140: {  	v45 =	vld.idx.msk [tilespmem:v62+s16+$0x0], $0xffff;
	v62 =	vor.u32 v20, v57;
	v51 =	vand.u32 $0x7F, v61  }
0x141: {  	v59 =	vor.u32 v18, v57;
	v46 =	vld.idx.msk [tilespmem:v63+s16+$0x0], $0xffff;
	v63 =	vor.u32 v51, v39  }
0x142: {  	v47 =	vld.idx.msk [tilespmem:v56+s16+$0x0], $0xffff;
	v54 =	vor.u32 v51, v41  }
0x143: {  	v60 =	vor.u32 s13, v26;
	v61 =	vor.u32 v51, v42;
	v48 =	vld.idx.msk [tilespmem:v48+s16+$0x0], $0xffff  }
0x144: {  	v55 =	vand.u32 $0x7F, v60;
	v51 =	vor.u32 v51, v43;
	v49 =	vld.idx.msk [tilespmem:v58+s16+$0x0], $0xffff  }
0x145: {  	v52 =	vld.idx.msk [tilespmem:v62+s16+$0x0], $0xffff;
	v62 =	vor.u32 v55, v39  }
0x146: {  	v50 =	vld.idx.msk [tilespmem:v59+s16+$0x0], $0xffff;
	[tilespmem:v63+s30+$0x0] =	vst.idx.msk $0xffff, v44;
	v63 =	vor.u32 v55, v41  }
0x147: {  	v58 =	vor.u32 v55, v42;
	[tilespmem:v54+s30+$0x0] =	vst.idx.msk $0xffff, v45  }
0x148: {  	v60 =	vor.u32 v12, v40;
	v59 =	vor.u32 v55, v43;
	[tilespmem:v61+s30+$0x0] =	vst.idx.msk $0xffff, v46  }
0x149: {  	v61 =	vor.u32 v0, v60;
	[tilespmem:v51+s30+$0x0] =	vst.idx.msk $0xffff, v47  }
0x14a: {  	[tilespmem:v62+s30+$0x0] =	vst.idx.msk $0xffff, v49;
	v62 =	vor.u32 v18, v60  }
0x14b: {  	[tilespmem:v63+s30+$0x0] =	vst.idx.msk $0xffff, v50;
	v63 =	vor.u32 v20, v60  }
0x14c: {  	v57 =	vor.u32 v11, v40;
	v56 =	vor.u32 v22, v60;
	[tilespmem:v58+s30+$0x0] =	vst.idx.msk $0xffff, v52  }
0x14d: {  	v50 =	vor.u32 v22, v57;
	[tilespmem:v59+s30+$0x0] =	vst.idx.msk $0xffff, v48  }
0x14e: {  	v58 =	vor.u32 v0, v57;
	v47 =	vld.idx.msk [tilespmem:v61+s16+$0x0], $0xffff;
	v61 =	vor.u32 s13, v27  }
0x14f: {  	v49 =	vld.idx.msk [tilespmem:v62+s16+$0x0], $0xffff;
	v62 =	vor.u32 v20, v57;
	v51 =	vand.u32 $0x7F, v61  }
0x150: {  	v59 =	vor.u32 v18, v57;
	v44 =	vld.idx.msk [tilespmem:v63+s16+$0x0], $0xffff;
	v63 =	vor.u32 v51, v39  }
0x151: {  	v45 =	vld.idx.msk [tilespmem:v56+s16+$0x0], $0xffff;
	v54 =	vor.u32 v51, v41  }
0x152: {  	v60 =	vor.u32 s13, v28;
	v61 =	vor.u32 v51, v42;
	v50 =	vld.idx.msk [tilespmem:v50+s16+$0x0], $0xffff  }
0x153: {  	v55 =	vand.u32 $0x7F, v60;
	v51 =	vor.u32 v51, v43;
	v46 =	vld.idx.msk [tilespmem:v58+s16+$0x0], $0xffff  }
0x154: {  	v52 =	vld.idx.msk [tilespmem:v62+s16+$0x0], $0xffff;
	v62 =	vor.u32 v55, v39  }
0x155: {  	v48 =	vld.idx.msk [tilespmem:v59+s16+$0x0], $0xffff;
	[tilespmem:v63+s30+$0x0] =	vst.idx.msk $0xffff, v47;
	v63 =	vor.u32 v55, v41  }
0x156: {  	v58 =	vor.u32 v55, v42;
	[tilespmem:v54+s30+$0x0] =	vst.idx.msk $0xffff, v49  }
0x157: {  	v60 =	vor.u32 v10, v40;
	v59 =	vor.u32 v55, v43;
	[tilespmem:v61+s30+$0x0] =	vst.idx.msk $0xffff, v44  }
0x158: {  	v61 =	vor.u32 v0, v60;
	[tilespmem:v51+s30+$0x0] =	vst.idx.msk $0xffff, v45  }
0x159: {  	[tilespmem:v62+s30+$0x0] =	vst.idx.msk $0xffff, v46;
	v62 =	vor.u32 v18, v60  }
0x15a: {  	[tilespmem:v63+s30+$0x0] =	vst.idx.msk $0xffff, v48;
	v63 =	vor.u32 v20, v60  }
0x15b: {  	v56 =	vor.u32 v22, v60;
	v57 =	vor.u32 v9, v40;
	[tilespmem:v58+s30+$0x0] =	vst.idx.msk $0xffff, v52  }
0x15c: {  	v49 =	vor.u32 v22, v57;
	[tilespmem:v59+s30+$0x0] =	vst.idx.msk $0xffff, v50  }
0x15d: {  	v58 =	vor.u32 v0, v57;
	v45 =	vld.idx.msk [tilespmem:v61+s16+$0x0], $0xffff;
	v61 =	vor.u32 s13, v30  }
0x15e: {  	v46 =	vld.idx.msk [tilespmem:v62+s16+$0x0], $0xffff;
	v62 =	vor.u32 v20, v57;
	v51 =	vand.u32 $0x7F, v61  }
0x15f: {  	v59 =	vor.u32 v18, v57;
	v47 =	vld.idx.msk [tilespmem:v63+s16+$0x0], $0xffff;
	v63 =	vor.u32 v51, v39  }
0x160: {  	v48 =	vld.idx.msk [tilespmem:v56+s16+$0x0], $0xffff;
	v54 =	vor.u32 v51, v41  }
0x161: {  	v60 =	vor.u32 s13, v31;
	v49 =	vld.idx.msk [tilespmem:v49+s16+$0x0], $0xffff;
	v61 =	vor.u32 v51, v42  }
0x162: {  	v55 =	vand.u32 $0x7F, v60;
	v51 =	vor.u32 v51, v43;
	v44 =	vld.idx.msk [tilespmem:v58+s16+$0x0], $0xffff  }
0x163: {  	v52 =	vld.idx.msk [tilespmem:v62+s16+$0x0], $0xffff;
	v62 =	vor.u32 v55, v39  }
0x164: {  	v50 =	vld.idx.msk [tilespmem:v59+s16+$0x0], $0xffff;
	[tilespmem:v63+s30+$0x0] =	vst.idx.msk $0xffff, v45;
	v63 =	vor.u32 v55, v41  }
0x165: {  	v58 =	vor.u32 v55, v42;
	[tilespmem:v54+s30+$0x0] =	vst.idx.msk $0xffff, v46  }
0x166: {  	v60 =	vor.u32 v8, v40;
	v59 =	vor.u32 v55, v43;
	[tilespmem:v61+s30+$0x0] =	vst.idx.msk $0xffff, v47  }
0x167: {  	v61 =	vor.u32 v0, v60;
	[tilespmem:v51+s30+$0x0] =	vst.idx.msk $0xffff, v48  }
0x168: {  	v56 =	vor.u32 v22, v60;
	[tilespmem:v62+s30+$0x0] =	vst.idx.msk $0xffff, v44  }
0x169: {  	v62 =	vor.u32 v18, v60;
	[tilespmem:v63+s30+$0x0] =	vst.idx.msk $0xffff, v50  }
0x16a: {  	v57 =	vor.u32 v7, v40;
	v63 =	vor.u32 v20, v60;
	[tilespmem:v58+s30+$0x0] =	vst.idx.msk $0xffff, v52  }
0x16b: {  	v50 =	vor.u32 v22, v57;
	[tilespmem:v59+s30+$0x0] =	vst.idx.msk $0xffff, v49  }
0x16c: {  	v60 =	vor.u32 s13, v29;
	v58 =	vor.u32 v0, v57;
	v48 =	vld.idx.msk [tilespmem:v61+s16+$0x0], $0xffff  }
0x16d: {  	v51 =	vand.u32 $0x7F, v60;
	v61 =	vor.u32 v20, v57;
	v46 =	vld.idx.msk [tilespmem:v56+s16+$0x0], $0xffff  }
0x16e: {  	v59 =	vor.u32 v18, v57;
	v44 =	vld.idx.msk [tilespmem:v62+s16+$0x0], $0xffff;
	v62 =	vor.u32 v51, v39  }
0x16f: {  	v54 =	vor.u32 v51, v41;
	v45 =	vld.idx.msk [tilespmem:v63+s16+$0x0], $0xffff  }
0x170: {  	v60 =	vor.u32 v51, v42;
	v63 =	vor.u32 s13, v32;
	v50 =	vld.idx.msk [tilespmem:v50+s16+$0x0], $0xffff  }
0x171: {  	v51 =	vor.u32 v51, v43;
	v47 =	vld.idx.msk [tilespmem:v58+s16+$0x0], $0xffff;
	v55 =	vand.u32 $0x7F, v63  }
0x172: {  	v52 =	vld.idx.msk [tilespmem:v61+s16+$0x0], $0xffff;
	v61 =	vor.u32 v55, v39  }
0x173: {  	v49 =	vld.idx.msk [tilespmem:v59+s16+$0x0], $0xffff;
	[tilespmem:v62+s30+$0x0] =	vst.idx.msk $0xffff, v48;
	v62 =	vor.u32 v55, v41  }
0x174: {  	v63 =	vor.u32 v55, v42;
	[tilespmem:v54+s30+$0x0] =	vst.idx.msk $0xffff, v44  }
0x175: {  	v58 =	vor.u32 v55, v43;
	v59 =	vor.u32 v6, v40;
	[tilespmem:v60+s30+$0x0] =	vst.idx.msk $0xffff, v45  }
0x176: {  	v56 =	vor.u32 v5, v40;
	v60 =	vor.u32 v0, v59;
	[tilespmem:v51+s30+$0x0] =	vst.idx.msk $0xffff, v46  }
0x177: {  	v57 =	vor.u32 v0, v56;
	[tilespmem:v61+s30+$0x0] =	vst.idx.msk $0xffff, v47  }
0x178: {  	v61 =	vor.u32 v18, v59;
	[tilespmem:v62+s30+$0x0] =	vst.idx.msk $0xffff, v49  }
0x179: {  	v62 =	vor.u32 v20, v59;
	[tilespmem:v63+s30+$0x0] =	vst.idx.msk $0xffff, v52  }
0x17a: {  	v63 =	vor.u32 v22, v59;
	[tilespmem:v58+s30+$0x0] =	vst.idx.msk $0xffff, v50  }
0x17b: {  	v49 =	vor.u32 v22, v56;
	v59 =	vor.u32 s13, v33;
	v46 =	vld.idx.msk [tilespmem:v60+s16+$0x0], $0xffff  }
0x17c: {  	v51 =	vand.u32 $0x7F, v59;
	v60 =	vor.u32 v20, v56;
	v45 =	vld.idx.msk [tilespmem:v57+s16+$0x0], $0xffff  }
0x17d: {  	v58 =	vor.u32 v18, v56;
	v47 =	vld.idx.msk [tilespmem:v61+s16+$0x0], $0xffff;
	v61 =	vor.u32 v51, v39  }
0x17e: {  	v54 =	vor.u32 v51, v41;
	v48 =	vld.idx.msk [tilespmem:v62+s16+$0x0], $0xffff  }
0x17f: {  	v62 =	vor.u32 s13, v34;
	v44 =	vld.idx.msk [tilespmem:v63+s16+$0x0], $0xffff;
	v63 =	vor.u32 v51, v42  }
0x180: {  	v49 =	vld.idx.msk [tilespmem:v49+s16+$0x0], $0xffff;
	v51 =	vor.u32 v51, v43;
	v55 =	vand.u32 $0x7F, v62  }
0x181: {  	v52 =	vld.idx.msk [tilespmem:v60+s16+$0x0], $0xffff;
	v60 =	vor.u32 v55, v39  }
0x182: {  	v50 =	vld.idx.msk [tilespmem:v58+s16+$0x0], $0xffff;
	[tilespmem:v61+s30+$0x0] =	vst.idx.msk $0xffff, v46;
	v61 =	vor.u32 v55, v41  }
0x183: {  	v62 =	vor.u32 v55, v42;
	[tilespmem:v54+s30+$0x0] =	vst.idx.msk $0xffff, v47  }
0x184: {  	v58 =	vor.u32 v4, v40;
	[tilespmem:v63+s30+$0x0] =	vst.idx.msk $0xffff, v48;
	v63 =	vor.u32 v55, v43  }
0x185: {  	v59 =	vor.u32 v0, v58;
	[tilespmem:v51+s30+$0x0] =	vst.idx.msk $0xffff, v44  }
0x186: {  	v56 =	vor.u32 v22, v58;
	[tilespmem:v60+s30+$0x0] =	vst.idx.msk $0xffff, v45  }
0x187: {  	v60 =	vor.u32 v18, v58;
	[tilespmem:v61+s30+$0x0] =	vst.idx.msk $0xffff, v50  }
0x188: {  	v57 =	vor.u32 v3, v40;
	v61 =	vor.u32 v20, v58;
	[tilespmem:v62+s30+$0x0] =	vst.idx.msk $0xffff, v52  }
0x189: {  	v58 =	vor.u32 v0, v57;
	[tilespmem:v63+s30+$0x0] =	vst.idx.msk $0xffff, v49  }
0x18a: {  	v50 =	vor.u32 v22, v57;
	v62 =	vor.u32 s13, v35;
	v44 =	vld.idx.msk [tilespmem:v59+s16+$0x0], $0xffff  }
0x18b: {  	v63 =	vor.u32 v20, v57;
	v51 =	vand.u32 $0x7F, v62;
	v47 =	vld.idx.msk [tilespmem:v56+s16+$0x0], $0xffff  }
0x18c: {  	v59 =	vor.u32 v18, v57;
	v53 =	vor.u32 v51, v39;
	v45 =	vld.idx.msk [tilespmem:v60+s16+$0x0], $0xffff  }
0x18d: {  	v60 =	vor.u32 v51, v41;
	v46 =	vld.idx.msk [tilespmem:v61+s16+$0x0], $0xffff  }
0x18e: {  	v62 =	vor.u32 v51, v42;
	v48 =	vld.idx.msk [tilespmem:v58+s16+$0x0], $0xffff;
	v61 =	vor.u32 s13, v36  }
0x18f: {  	v51 =	vor.u32 v51, v43;
	v50 =	vld.idx.msk [tilespmem:v50+s16+$0x0], $0xffff;
	v55 =	vand.u32 $0x7F, v61  }
0x190: {  	v52 =	vld.idx.msk [tilespmem:v63+s16+$0x0], $0xffff;
	v63 =	vor.u32 v55, v39  }
0x191: {  	v58 =	vor.u32 v55, v41;
	v49 =	vld.idx.msk [tilespmem:v59+s16+$0x0], $0xffff;
	[tilespmem:v53+s30+$0x0] =	vst.idx.msk $0xffff, v44  }
0x192: {  	v59 =	vor.u32 v55, v42;
	[tilespmem:v60+s30+$0x0] =	vst.idx.msk $0xffff, v45  }
0x193: {  	v61 =	vor.u32 v2, v40;
	v60 =	vor.u32 v55, v43;
	[tilespmem:v62+s30+$0x0] =	vst.idx.msk $0xffff, v46  }
0x194: {  	v62 =	vor.u32 v0, v61;
	[tilespmem:v51+s30+$0x0] =	vst.idx.msk $0xffff, v47  }
0x195: {  	v54 =	vor.u32 v20, v61;
	[tilespmem:v63+s30+$0x0] =	vst.idx.msk $0xffff, v48  }
0x196: {  	v55 =	vor.u32 v22, v61;
	[tilespmem:v58+s30+$0x0] =	vst.idx.msk $0xffff, v49  }
0x197: {  	v40 =	vor.u32 v1, v40;
	v63 =	vor.u32 v18, v61;
	[tilespmem:v59+s30+$0x0] =	vst.idx.msk $0xffff, v52  }
0x198: {  	v56 =	vor.u32 v0, v40;
	[tilespmem:v60+s30+$0x0] =	vst.idx.msk $0xffff, v50  }
0x199: {  	v57 =	vor.u32 v18, v40;
	v58 =	vor.u32 s13, v37;
	v47 =	vld.idx.msk [tilespmem:v62+s16+$0x0], $0xffff  }
0x19a: {  	v59 =	vor.u32 v20, v40;
	v50 =	vand.u32 $0x7F, v58;
	v44 =	vld.idx.msk [tilespmem:v54+s16+$0x0], $0xffff  }
0x19b: {  	v40 =	vor.u32 v22, v40;
	v45 =	vld.idx.msk [tilespmem:v55+s16+$0x0], $0xffff;
	v60 =	vor.u32 v50, v39  }
0x19c: {  	v61 =	vor.u32 v50, v41;
	v48 =	vld.idx.msk [tilespmem:v63+s16+$0x0], $0xffff  }
0x19d: {  	v46 =	vld.idx.msk [tilespmem:v56+s16+$0x0], $0xffff;
	v62 =	vor.u32 s13, v38;
	v63 =	vor.u32 v50, v42  }
0x19e: {  	v49 =	vld.idx.msk [tilespmem:v57+s16+$0x0], $0xffff;
	v50 =	vor.u32 v50, v43;
	v54 =	vand.u32 $0x7F, v62  }
0x19f: {  	v39 =	vor.u32 v54, v39;
	v51 =	vld.idx.msk [tilespmem:v59+s16+$0x0], $0xffff  }
0x1a0: {  	v41 =	vor.u32 v54, v41;
	v40 =	vld.idx.msk [tilespmem:v40+s16+$0x0], $0xffff;
	[tilespmem:v60+s30+$0x0] =	vst.idx.msk $0xffff, v47  }
0x1a1: {  	v42 =	vor.u32 v54, v42;
	[tilespmem:v61+s30+$0x0] =	vst.idx.msk $0xffff, v48  }
0x1a2: {  	p0 =	sne.s32 s12, $0x780;
	v43 =	vor.u32 v54, v43;
	[tilespmem:v63+s30+$0x0] =	vst.idx.msk $0xffff, v44  }
.Ltmp1:
0x1a3: {  	[tilespmem:v50+s30+$0x0] =	vst.idx.msk $0xffff, v45;
	(pc) =	sbr.rel @p0 .LBB2_4-.Ltmp1, $4  }
0x1a4: {  	[tilespmem:v39+s30+$0x0] =	vst.idx.msk $0xffff, v46  }
0x1a5: {  	[tilespmem:v41+s30+$0x0] =	vst.idx.msk $0xffff, v49  }
0x1a6: {  	[tilespmem:v42+s30+$0x0] =	vst.idx.msk $0xffff, v51  }
0x1a7: {  	s11 =	sadd.s32 $0x10, s11;
	s12 =	sadd.s32 $0x80, s12;
	[tilespmem:v43+s30+$0x0] =	vst.idx.msk $0xffff, v40  }
0x1a8: {  	s12 =	simm.s32 $0x0;
	s11 =	rddreg [dreg:$0xc]  }
0x1a9: {  	[hbm4b:s11+s12] =	stream.linear.scatter [tilespmem:s30], [sflag:$0x4], $0x800, $0x38;
	[tilespmem:$0x1E400] =	vst v63  }
0x1aa: {  	s20 =	rddreg [dreg:$0xd]  }
0x1ab: {  	[hbm4b:s20+s12] =	stream.linear.scatter [tilespmem:s31], [sflag:$0x4], $0x800, $0x38;
	[tilespmem:$0x1E400] =	vst v63  }
0x1ac: {  	s21 =	rddreg [dreg:$0xe]  }
0x1ad: {  	[hbm4b:s21+s12] =	stream.linear.scatter [tilespmem:s3], [sflag:$0x4], $0x800, $0x38;
	[tilespmem:$0x1E400] =	vst v63  }
0x1ae: {  	s24 =	rddreg [dreg:$0xf]  }
0x1af: {  	[hbm4b:s24+s12] =	stream.linear.scatter [tilespmem:s0], [sflag:$0x4], $0x800, $0x38;
	[tilespmem:$0x1E400] =	vst v63  }
0x1b0: {  	s13 =	rddreg [dreg:$0x10]  }
0x1b1: {  	[hbm4b:s13+s12] =	stream.linear.scatter [tilespmem:s5], [sflag:$0x4], $0x800, $0x38;
	[tilespmem:$0x1E400] =	vst v63  }
0x1b2: {  	s19 =	rddreg [dreg:$0x11]  }
0x1b3: {  	[hbm4b:s19+s12] =	stream.linear.scatter [tilespmem:s6], [sflag:$0x4], $0x800, $0x38;
	[tilespmem:$0x1E400] =	vst v63  }
0x1b4: {  	s20 =	rddreg [dreg:$0x12]  }
0x1b5: {  	[hbm4b:s20+s12] =	stream.linear.scatter [tilespmem:s7], [sflag:$0x4], $0x800, $0x38;
	[tilespmem:$0x1E400] =	vst v63  }
0x1b6: {  	s21 =	rddreg [dreg:$0x13]  }
0x1b7: {  	[hbm4b:s21+s12] =	stream.linear.scatter [tilespmem:s8], [sflag:$0x4], $0x800, $0x38;
	[tilespmem:$0x1E400] =	vst v63  }
0x1b8: {  	s24 =	simm.s32 $0x300  }
0x1b9: {  	[tilespmem:s16], [sflag:$0x2] =	stream.indirect.gather [hbm4b:s4+s14], $0x80, s24, s14, $0xb8;
	[tilespmem:$0x1E400] =	vst v63  }
.LBB2_6:
0x1ba: {  	_ =	swait.ge [sflag:s17], $0x8000  }
0x1bb: {  	[sflag:s17] =	ssyncset.done $0x0  }
0x1bc: {  	[sflag:s17] =	ssyncadd.s32 $0xFFFF8000  }
0x1bd: {  	_ =	swait.ge [sflag:s9], $0x4000  }
0x1be: {  	[sflag:s9] =	ssyncset.done $0x0  }
0x1bf: {  	s11 =	simm.s32 $0x0;
	s13 =	simm.s32 $0x0;
	[sflag:s9] =	ssyncadd.s32 $0xFFFFC000  }
.LBB2_7:
0x1c0: {  	v39 =	vmov s11  }
0x1c1: {  	v40 =	vshll.u32 v39, $0x7  }
0x1c2: {  	v39 =	vor.u32 v16, v40  }
0x1c3: {  	v41 =	vor.u32 v0, v39  }
0x1c4: {  	v42 =	vor.u32 v18, v39  }
0x1c5: {  	s19 =	sand.u32 $0x400, s13;
	s20 =	sand.u32 $0x70, s11;
	v43 =	vor.u32 v20, v39  }
0x1c6: {  	s19 =	sor.u32 s20, s19;
	v58 =	vor.u32 v15, v40;
	v44 =	vor.u32 v22, v39  }
0x1c7: {  	v46 =	vor.u32 s19, v0;
	v59 =	vor.u32 s19, v17;
	v45 =	vor.u32 v0, v58  }
0x1c8: {  	v60 =	vor.u32 s19, v19;
	v61 =	vor.u32 s19, v21;
	v48 =	vor.u32 v18, v58;
	v47 =	vld.idx.msk [tilespmem:v41+s15+$0x0], $0xffff  }
0x1c9: {  	v50 =	vor.u32 v20, v58;
	v39 =	vand.u32 $0xF80, v59;
	v46 =	vand.u32 $0x7F, v46;
	v49 =	vld.idx.msk [tilespmem:v42+s15+$0x0], $0xffff  }
0x1ca: {  	v52 =	vor.u32 v22, v58;
	v53 =	vor.u32 v46, v39;
	v51 =	vld.idx.msk [tilespmem:v43+s15+$0x0], $0xffff;
	v41 =	vand.u32 $0x1F80, v60  }
0x1cb: {  	v54 =	vor.u32 s19, v23;
	v44 =	vld.idx.msk [tilespmem:v44+s15+$0x0], $0xffff;
	v42 =	vand.u32 $0x2F80, v61;
	v55 =	vor.u32 v46, v41  }
0x1cc: {  	v56 =	vor.u32 s19, v24;
	v45 =	vld.idx.msk [tilespmem:v45+s15+$0x0], $0xffff;
	v43 =	vand.u32 $0x3F80, v54;
	v57 =	vor.u32 v46, v42  }
0x1cd: {  	v62 =	vand.u32 $0x7F, v56;
	v48 =	vld.idx.msk [tilespmem:v48+s15+$0x0], $0xffff;
	v46 =	vor.u32 v46, v43  }
0x1ce: {  	v56 =	vor.u32 v62, v39;
	v50 =	vld.idx.msk [tilespmem:v50+s15+$0x0], $0xffff  }
0x1cf: {  	v52 =	vld.idx.msk [tilespmem:v52+s15+$0x0], $0xffff;
	v63 =	vor.u32 v62, v41;
	[tilespmem:v53+s18+$0x0] =	vst.idx.msk $0xffff, v47  }
0x1d0: {  	v58 =	vor.u32 v62, v42;
	[tilespmem:v55+s18+$0x0] =	vst.idx.msk $0xffff, v49  }
0x1d1: {  	v60 =	vor.u32 v14, v40;
	v59 =	vor.u32 v62, v43;
	[tilespmem:v57+s18+$0x0] =	vst.idx.msk $0xffff, v51  }
0x1d2: {  	v61 =	vor.u32 v0, v60;
	[tilespmem:v46+s18+$0x0] =	vst.idx.msk $0xffff, v44  }
0x1d3: {  	v62 =	vor.u32 v18, v60;
	[tilespmem:v56+s18+$0x0] =	vst.idx.msk $0xffff, v45  }
0x1d4: {  	[tilespmem:v63+s18+$0x0] =	vst.idx.msk $0xffff, v48;
	v63 =	vor.u32 v20, v60  }
0x1d5: {  	v57 =	vor.u32 v13, v40;
	v56 =	vor.u32 v22, v60;
	[tilespmem:v58+s18+$0x0] =	vst.idx.msk $0xffff, v50  }
0x1d6: {  	v48 =	vor.u32 v22, v57;
	[tilespmem:v59+s18+$0x0] =	vst.idx.msk $0xffff, v52  }
0x1d7: {  	v58 =	vor.u32 v0, v57;
	v44 =	vld.idx.msk [tilespmem:v61+s15+$0x0], $0xffff;
	v61 =	vor.u32 s19, v25  }
0x1d8: {  	v45 =	vld.idx.msk [tilespmem:v62+s15+$0x0], $0xffff;
	v62 =	vor.u32 v20, v57;
	v51 =	vand.u32 $0x7F, v61  }
0x1d9: {  	v59 =	vor.u32 v18, v57;
	v46 =	vld.idx.msk [tilespmem:v63+s15+$0x0], $0xffff;
	v63 =	vor.u32 v51, v39  }
0x1da: {  	v47 =	vld.idx.msk [tilespmem:v56+s15+$0x0], $0xffff;
	v54 =	vor.u32 v51, v41  }
0x1db: {  	v60 =	vor.u32 s19, v26;
	v61 =	vor.u32 v51, v42;
	v48 =	vld.idx.msk [tilespmem:v48+s15+$0x0], $0xffff  }
0x1dc: {  	v55 =	vand.u32 $0x7F, v60;
	v51 =	vor.u32 v51, v43;
	v49 =	vld.idx.msk [tilespmem:v58+s15+$0x0], $0xffff  }
0x1dd: {  	v52 =	vld.idx.msk [tilespmem:v62+s15+$0x0], $0xffff;
	v62 =	vor.u32 v55, v39  }
0x1de: {  	v50 =	vld.idx.msk [tilespmem:v59+s15+$0x0], $0xffff;
	[tilespmem:v63+s18+$0x0] =	vst.idx.msk $0xffff, v44;
	v63 =	vor.u32 v55, v41  }
0x1df: {  	v58 =	vor.u32 v55, v42;
	[tilespmem:v54+s18+$0x0] =	vst.idx.msk $0xffff, v45  }
0x1e0: {  	v60 =	vor.u32 v12, v40;
	v59 =	vor.u32 v55, v43;
	[tilespmem:v61+s18+$0x0] =	vst.idx.msk $0xffff, v46  }
0x1e1: {  	v61 =	vor.u32 v0, v60;
	[tilespmem:v51+s18+$0x0] =	vst.idx.msk $0xffff, v47  }
0x1e2: {  	[tilespmem:v62+s18+$0x0] =	vst.idx.msk $0xffff, v49;
	v62 =	vor.u32 v18, v60  }
0x1e3: {  	[tilespmem:v63+s18+$0x0] =	vst.idx.msk $0xffff, v50;
	v63 =	vor.u32 v20, v60  }
0x1e4: {  	v57 =	vor.u32 v11, v40;
	v56 =	vor.u32 v22, v60;
	[tilespmem:v58+s18+$0x0] =	vst.idx.msk $0xffff, v52  }
0x1e5: {  	v50 =	vor.u32 v22, v57;
	[tilespmem:v59+s18+$0x0] =	vst.idx.msk $0xffff, v48  }
0x1e6: {  	v58 =	vor.u32 v0, v57;
	v47 =	vld.idx.msk [tilespmem:v61+s15+$0x0], $0xffff;
	v61 =	vor.u32 s19, v27  }
0x1e7: {  	v49 =	vld.idx.msk [tilespmem:v62+s15+$0x0], $0xffff;
	v62 =	vor.u32 v20, v57;
	v51 =	vand.u32 $0x7F, v61  }
0x1e8: {  	v59 =	vor.u32 v18, v57;
	v44 =	vld.idx.msk [tilespmem:v63+s15+$0x0], $0xffff;
	v63 =	vor.u32 v51, v39  }
0x1e9: {  	v45 =	vld.idx.msk [tilespmem:v56+s15+$0x0], $0xffff;
	v54 =	vor.u32 v51, v41  }
0x1ea: {  	v60 =	vor.u32 s19, v28;
	v61 =	vor.u32 v51, v42;
	v50 =	vld.idx.msk [tilespmem:v50+s15+$0x0], $0xffff  }
0x1eb: {  	v55 =	vand.u32 $0x7F, v60;
	v51 =	vor.u32 v51, v43;
	v46 =	vld.idx.msk [tilespmem:v58+s15+$0x0], $0xffff  }
0x1ec: {  	v52 =	vld.idx.msk [tilespmem:v62+s15+$0x0], $0xffff;
	v62 =	vor.u32 v55, v39  }
0x1ed: {  	v48 =	vld.idx.msk [tilespmem:v59+s15+$0x0], $0xffff;
	[tilespmem:v63+s18+$0x0] =	vst.idx.msk $0xffff, v47;
	v63 =	vor.u32 v55, v41  }
0x1ee: {  	v58 =	vor.u32 v55, v42;
	[tilespmem:v54+s18+$0x0] =	vst.idx.msk $0xffff, v49  }
0x1ef: {  	v60 =	vor.u32 v10, v40;
	v59 =	vor.u32 v55, v43;
	[tilespmem:v61+s18+$0x0] =	vst.idx.msk $0xffff, v44  }
0x1f0: {  	v61 =	vor.u32 v0, v60;
	[tilespmem:v51+s18+$0x0] =	vst.idx.msk $0xffff, v45  }
0x1f1: {  	[tilespmem:v62+s18+$0x0] =	vst.idx.msk $0xffff, v46;
	v62 =	vor.u32 v18, v60  }
0x1f2: {  	[tilespmem:v63+s18+$0x0] =	vst.idx.msk $0xffff, v48;
	v63 =	vor.u32 v20, v60  }
0x1f3: {  	v56 =	vor.u32 v22, v60;
	v57 =	vor.u32 v9, v40;
	[tilespmem:v58+s18+$0x0] =	vst.idx.msk $0xffff, v52  }
0x1f4: {  	v49 =	vor.u32 v22, v57;
	[tilespmem:v59+s18+$0x0] =	vst.idx.msk $0xffff, v50  }
0x1f5: {  	v58 =	vor.u32 v0, v57;
	v45 =	vld.idx.msk [tilespmem:v61+s15+$0x0], $0xffff;
	v61 =	vor.u32 s19, v30  }
0x1f6: {  	v46 =	vld.idx.msk [tilespmem:v62+s15+$0x0], $0xffff;
	v62 =	vor.u32 v20, v57;
	v51 =	vand.u32 $0x7F, v61  }
0x1f7: {  	v59 =	vor.u32 v18, v57;
	v47 =	vld.idx.msk [tilespmem:v63+s15+$0x0], $0xffff;
	v63 =	vor.u32 v51, v39  }
0x1f8: {  	v48 =	vld.idx.msk [tilespmem:v56+s15+$0x0], $0xffff;
	v54 =	vor.u32 v51, v41  }
0x1f9: {  	v60 =	vor.u32 s19, v31;
	v49 =	vld.idx.msk [tilespmem:v49+s15+$0x0], $0xffff;
	v61 =	vor.u32 v51, v42  }
0x1fa: {  	v55 =	vand.u32 $0x7F, v60;
	v51 =	vor.u32 v51, v43;
	v44 =	vld.idx.msk [tilespmem:v58+s15+$0x0], $0xffff  }
0x1fb: {  	v52 =	vld.idx.msk [tilespmem:v62+s15+$0x0], $0xffff;
	v62 =	vor.u32 v55, v39  }
0x1fc: {  	v50 =	vld.idx.msk [tilespmem:v59+s15+$0x0], $0xffff;
	[tilespmem:v63+s18+$0x0] =	vst.idx.msk $0xffff, v45;
	v63 =	vor.u32 v55, v41  }
0x1fd: {  	v58 =	vor.u32 v55, v42;
	[tilespmem:v54+s18+$0x0] =	vst.idx.msk $0xffff, v46  }
0x1fe: {  	v60 =	vor.u32 v8, v40;
	v59 =	vor.u32 v55, v43;
	[tilespmem:v61+s18+$0x0] =	vst.idx.msk $0xffff, v47  }
0x1ff: {  	v61 =	vor.u32 v0, v60;
	[tilespmem:v51+s18+$0x0] =	vst.idx.msk $0xffff, v48  }
0x200: {  	v56 =	vor.u32 v22, v60;
	[tilespmem:v62+s18+$0x0] =	vst.idx.msk $0xffff, v44  }
0x201: {  	v62 =	vor.u32 v18, v60;
	[tilespmem:v63+s18+$0x0] =	vst.idx.msk $0xffff, v50  }
0x202: {  	v57 =	vor.u32 v7, v40;
	v63 =	vor.u32 v20, v60;
	[tilespmem:v58+s18+$0x0] =	vst.idx.msk $0xffff, v52  }
0x203: {  	v50 =	vor.u32 v22, v57;
	[tilespmem:v59+s18+$0x0] =	vst.idx.msk $0xffff, v49  }
0x204: {  	v60 =	vor.u32 s19, v29;
	v58 =	vor.u32 v0, v57;
	v48 =	vld.idx.msk [tilespmem:v61+s15+$0x0], $0xffff  }
0x205: {  	v51 =	vand.u32 $0x7F, v60;
	v61 =	vor.u32 v20, v57;
	v46 =	vld.idx.msk [tilespmem:v56+s15+$0x0], $0xffff  }
0x206: {  	v59 =	vor.u32 v18, v57;
	v44 =	vld.idx.msk [tilespmem:v62+s15+$0x0], $0xffff;
	v62 =	vor.u32 v51, v39  }
0x207: {  	v54 =	vor.u32 v51, v41;
	v45 =	vld.idx.msk [tilespmem:v63+s15+$0x0], $0xffff  }
0x208: {  	v60 =	vor.u32 v51, v42;
	v63 =	vor.u32 s19, v32;
	v50 =	vld.idx.msk [tilespmem:v50+s15+$0x0], $0xffff  }
0x209: {  	v51 =	vor.u32 v51, v43;
	v47 =	vld.idx.msk [tilespmem:v58+s15+$0x0], $0xffff;
	v55 =	vand.u32 $0x7F, v63  }
0x20a: {  	v52 =	vld.idx.msk [tilespmem:v61+s15+$0x0], $0xffff;
	v61 =	vor.u32 v55, v39  }
0x20b: {  	v49 =	vld.idx.msk [tilespmem:v59+s15+$0x0], $0xffff;
	[tilespmem:v62+s18+$0x0] =	vst.idx.msk $0xffff, v48;
	v62 =	vor.u32 v55, v41  }
0x20c: {  	v63 =	vor.u32 v55, v42;
	[tilespmem:v54+s18+$0x0] =	vst.idx.msk $0xffff, v44  }
0x20d: {  	v58 =	vor.u32 v55, v43;
	v59 =	vor.u32 v6, v40;
	[tilespmem:v60+s18+$0x0] =	vst.idx.msk $0xffff, v45  }
0x20e: {  	v56 =	vor.u32 v5, v40;
	v60 =	vor.u32 v0, v59;
	[tilespmem:v51+s18+$0x0] =	vst.idx.msk $0xffff, v46  }
0x20f: {  	v57 =	vor.u32 v0, v56;
	[tilespmem:v61+s18+$0x0] =	vst.idx.msk $0xffff, v47  }
0x210: {  	v61 =	vor.u32 v18, v59;
	[tilespmem:v62+s18+$0x0] =	vst.idx.msk $0xffff, v49  }
0x211: {  	v62 =	vor.u32 v20, v59;
	[tilespmem:v63+s18+$0x0] =	vst.idx.msk $0xffff, v52  }
0x212: {  	v63 =	vor.u32 v22, v59;
	[tilespmem:v58+s18+$0x0] =	vst.idx.msk $0xffff, v50  }
0x213: {  	v49 =	vor.u32 v22, v56;
	v59 =	vor.u32 s19, v33;
	v46 =	vld.idx.msk [tilespmem:v60+s15+$0x0], $0xffff  }
0x214: {  	v51 =	vand.u32 $0x7F, v59;
	v60 =	vor.u32 v20, v56;
	v45 =	vld.idx.msk [tilespmem:v57+s15+$0x0], $0xffff  }
0x215: {  	v58 =	vor.u32 v18, v56;
	v47 =	vld.idx.msk [tilespmem:v61+s15+$0x0], $0xffff;
	v61 =	vor.u32 v51, v39  }
0x216: {  	v54 =	vor.u32 v51, v41;
	v48 =	vld.idx.msk [tilespmem:v62+s15+$0x0], $0xffff  }
0x217: {  	v62 =	vor.u32 s19, v34;
	v44 =	vld.idx.msk [tilespmem:v63+s15+$0x0], $0xffff;
	v63 =	vor.u32 v51, v42  }
0x218: {  	v49 =	vld.idx.msk [tilespmem:v49+s15+$0x0], $0xffff;
	v51 =	vor.u32 v51, v43;
	v55 =	vand.u32 $0x7F, v62  }
0x219: {  	v52 =	vld.idx.msk [tilespmem:v60+s15+$0x0], $0xffff;
	v60 =	vor.u32 v55, v39  }
0x21a: {  	v50 =	vld.idx.msk [tilespmem:v58+s15+$0x0], $0xffff;
	[tilespmem:v61+s18+$0x0] =	vst.idx.msk $0xffff, v46;
	v61 =	vor.u32 v55, v41  }
0x21b: {  	v62 =	vor.u32 v55, v42;
	[tilespmem:v54+s18+$0x0] =	vst.idx.msk $0xffff, v47  }
0x21c: {  	v58 =	vor.u32 v4, v40;
	[tilespmem:v63+s18+$0x0] =	vst.idx.msk $0xffff, v48;
	v63 =	vor.u32 v55, v43  }
0x21d: {  	v59 =	vor.u32 v0, v58;
	[tilespmem:v51+s18+$0x0] =	vst.idx.msk $0xffff, v44  }
0x21e: {  	v56 =	vor.u32 v22, v58;
	[tilespmem:v60+s18+$0x0] =	vst.idx.msk $0xffff, v45  }
0x21f: {  	v60 =	vor.u32 v18, v58;
	[tilespmem:v61+s18+$0x0] =	vst.idx.msk $0xffff, v50  }
0x220: {  	v57 =	vor.u32 v3, v40;
	v61 =	vor.u32 v20, v58;
	[tilespmem:v62+s18+$0x0] =	vst.idx.msk $0xffff, v52  }
0x221: {  	v58 =	vor.u32 v0, v57;
	[tilespmem:v63+s18+$0x0] =	vst.idx.msk $0xffff, v49  }
0x222: {  	v50 =	vor.u32 v22, v57;
	v62 =	vor.u32 s19, v35;
	v44 =	vld.idx.msk [tilespmem:v59+s15+$0x0], $0xffff  }
0x223: {  	v63 =	vor.u32 v20, v57;
	v51 =	vand.u32 $0x7F, v62;
	v47 =	vld.idx.msk [tilespmem:v56+s15+$0x0], $0xffff  }
0x224: {  	v59 =	vor.u32 v18, v57;
	v53 =	vor.u32 v51, v39;
	v45 =	vld.idx.msk [tilespmem:v60+s15+$0x0], $0xffff  }
0x225: {  	v60 =	vor.u32 v51, v41;
	v46 =	vld.idx.msk [tilespmem:v61+s15+$0x0], $0xffff  }
0x226: {  	v62 =	vor.u32 v51, v42;
	v48 =	vld.idx.msk [tilespmem:v58+s15+$0x0], $0xffff;
	v61 =	vor.u32 s19, v36  }
0x227: {  	v51 =	vor.u32 v51, v43;
	v50 =	vld.idx.msk [tilespmem:v50+s15+$0x0], $0xffff;
	v55 =	vand.u32 $0x7F, v61  }
0x228: {  	v52 =	vld.idx.msk [tilespmem:v63+s15+$0x0], $0xffff;
	v63 =	vor.u32 v55, v39  }
0x229: {  	v58 =	vor.u32 v55, v41;
	v49 =	vld.idx.msk [tilespmem:v59+s15+$0x0], $0xffff;
	[tilespmem:v53+s18+$0x0] =	vst.idx.msk $0xffff, v44  }
0x22a: {  	v59 =	vor.u32 v55, v42;
	[tilespmem:v60+s18+$0x0] =	vst.idx.msk $0xffff, v45  }
0x22b: {  	v61 =	vor.u32 v2, v40;
	v60 =	vor.u32 v55, v43;
	[tilespmem:v62+s18+$0x0] =	vst.idx.msk $0xffff, v46  }
0x22c: {  	v62 =	vor.u32 v0, v61;
	[tilespmem:v51+s18+$0x0] =	vst.idx.msk $0xffff, v47  }
0x22d: {  	v54 =	vor.u32 v20, v61;
	[tilespmem:v63+s18+$0x0] =	vst.idx.msk $0xffff, v48  }
0x22e: {  	v55 =	vor.u32 v22, v61;
	[tilespmem:v58+s18+$0x0] =	vst.idx.msk $0xffff, v49  }
0x22f: {  	v40 =	vor.u32 v1, v40;
	v63 =	vor.u32 v18, v61;
	[tilespmem:v59+s18+$0x0] =	vst.idx.msk $0xffff, v52  }
0x230: {  	v56 =	vor.u32 v0, v40;
	[tilespmem:v60+s18+$0x0] =	vst.idx.msk $0xffff, v50  }
0x231: {  	v57 =	vor.u32 v18, v40;
	v58 =	vor.u32 s19, v37;
	v47 =	vld.idx.msk [tilespmem:v62+s15+$0x0], $0xffff  }
0x232: {  	v59 =	vor.u32 v20, v40;
	v50 =	vand.u32 $0x7F, v58;
	v44 =	vld.idx.msk [tilespmem:v54+s15+$0x0], $0xffff  }
0x233: {  	v40 =	vor.u32 v22, v40;
	v45 =	vld.idx.msk [tilespmem:v55+s15+$0x0], $0xffff;
	v60 =	vor.u32 v50, v39  }
0x234: {  	v61 =	vor.u32 v50, v41;
	v48 =	vld.idx.msk [tilespmem:v63+s15+$0x0], $0xffff  }
0x235: {  	v46 =	vld.idx.msk [tilespmem:v56+s15+$0x0], $0xffff;
	v62 =	vor.u32 s19, v38;
	v63 =	vor.u32 v50, v42  }
0x236: {  	v49 =	vld.idx.msk [tilespmem:v57+s15+$0x0], $0xffff;
	v50 =	vor.u32 v50, v43;
	v54 =	vand.u32 $0x7F, v62  }
0x237: {  	v39 =	vor.u32 v54, v39;
	v51 =	vld.idx.msk [tilespmem:v59+s15+$0x0], $0xffff  }
0x238: {  	v41 =	vor.u32 v54, v41;
	v40 =	vld.idx.msk [tilespmem:v40+s15+$0x0], $0xffff;
	[tilespmem:v60+s18+$0x0] =	vst.idx.msk $0xffff, v47  }
0x239: {  	v42 =	vor.u32 v54, v42;
	[tilespmem:v61+s18+$0x0] =	vst.idx.msk $0xffff, v48  }
0x23a: {  	p0 =	sne.s32 s13, $0x780;
	v43 =	vor.u32 v54, v43;
	[tilespmem:v63+s18+$0x0] =	vst.idx.msk $0xffff, v44  }
.Ltmp2:
0x23b: {  	[tilespmem:v50+s18+$0x0] =	vst.idx.msk $0xffff, v45;
	(pc) =	sbr.rel @p0 .LBB2_7-.Ltmp2, $4  }
0x23c: {  	[tilespmem:v39+s18+$0x0] =	vst.idx.msk $0xffff, v46  }
0x23d: {  	[tilespmem:v41+s18+$0x0] =	vst.idx.msk $0xffff, v49  }
0x23e: {  	[tilespmem:v42+s18+$0x0] =	vst.idx.msk $0xffff, v51  }
0x23f: {  	s11 =	sadd.s32 $0x10, s11;
	s13 =	sadd.s32 $0x80, s13;
	[tilespmem:v43+s18+$0x0] =	vst.idx.msk $0xffff, v40  }
0x240: {  	s13 =	sshll.u32 s12, $0x1  }
0x241: {  	s11 =	sadd.s32 s13, s22  }
0x242: {  	s20 =	sshrl.u32 s11, $0x4  }
0x243: {  	s11 =	sshll.u32 s11, $0x1;
	s19 =	sshll.u32 s20, $0x5  }
0x244: {  	s24 =	sshll.u32 s20, $0x12;
	s20 =	sshll.u32 s20, $0x8;
	s11 =	ssub.s32 s11, s19  }
0x245: {  	s21 =	sshll.u32 s11, $0xA;
	s11 =	sadd.s32 s20, s11  }
0x246: {  	s19 =	sadd.s32 s24, s21;
	s11 =	sshll.u32 s11, $0x7  }
0x247: {  	s19 =	sshrl.u32 s19, $0x3;
	s21 =	sadd.s32 $0x1000, s11  }
0x248: {  	s24 =	sadd.s32 s1, s19;
	s19 =	simm.s32 $0x0;
	s20 =	sand.u32 $0x1FFFFF00, s21  }
0x249: {  	[hbm4b:s24+s19] =	stream.linear.scatter [tilespmem:s18], [sflag:$0x3], $0x800, $0x38;
	[tilespmem:$0x1E400] =	vst v63  }
0x24a: {  	s21 =	sadd.s32 $0x2000, s11;
	s20 =	sadd.s32 s1, s20;
	s24 =	simm.s32 $0x16C00  }
0x24b: {  	[hbm4b:s20+s19] =	stream.linear.scatter [tilespmem:s24], [sflag:$0x3], $0x800, $0x38;
	[tilespmem:$0x1E400] =	vst v63  }
0x24c: {  	s20 =	sand.u32 $0x1FFFFF00, s21  }
0x24d: {  	s24 =	simm.s32 $0x17400;
	s21 =	sadd.s32 $0x3000, s11;
	s20 =	sadd.s32 s1, s20  }
0x24e: {  	[hbm4b:s20+s19] =	stream.linear.scatter [tilespmem:s24], [sflag:$0x3], $0x800, $0x38;
	[tilespmem:$0x1E400] =	vst v63  }
0x24f: {  	s20 =	sand.u32 $0x1FFFFF00, s21  }
0x250: {  	s24 =	simm.s32 $0x17C00;
	s21 =	sadd.s32 $0x4000, s11;
	s20 =	sadd.s32 s1, s20  }
0x251: {  	[hbm4b:s20+s19] =	stream.linear.scatter [tilespmem:s24], [sflag:$0x3], $0x800, $0x38;
	[tilespmem:$0x1E400] =	vst v63  }
0x252: {  	s20 =	sand.u32 $0x1FFFFF00, s21  }
0x253: {  	s24 =	simm.s32 $0x18400;
	s21 =	sadd.s32 $0x5000, s11;
	s20 =	sadd.s32 s1, s20  }
0x254: {  	[hbm4b:s20+s19] =	stream.linear.scatter [tilespmem:s24], [sflag:$0x3], $0x800, $0x38;
	[tilespmem:$0x1E400] =	vst v63  }
0x255: {  	s20 =	sand.u32 $0x1FFFFF00, s21  }
0x256: {  	s24 =	sadd.s32 $0x6000, s11;
	s20 =	sadd.s32 s1, s20  }
0x257: {  	[hbm4b:s20+s19] =	stream.linear.scatter [tilespmem:s25], [sflag:$0x3], $0x800, $0x38;
	[tilespmem:$0x1E400] =	vst v63  }
0x258: {  	s11 =	sadd.s32 $0x7000, s11;
	s20 =	sand.u32 $0x1FFFFF00, s24  }
0x259: {  	s11 =	sand.u32 $0x1FFFFF00, s11;
	s20 =	sadd.s32 s1, s20  }
0x25a: {  	[hbm4b:s20+s19] =	stream.linear.scatter [tilespmem:s26], [sflag:$0x3], $0x800, $0x38;
	[tilespmem:$0x1E400] =	vst v63  }
0x25b: {  	s21 =	sshll.u32 s12, $0x9;
	s11 =	sadd.s32 s1, s11  }
0x25c: {  	[hbm4b:s11+s19] =	stream.linear.scatter [tilespmem:s28], [sflag:$0x3], $0x800, $0x38;
	[tilespmem:$0x1E400] =	vst v63  }
0x25d: {  	s11 =	sand.u32 $0x3FFFFE00, s21  }
0x25e: {  	s24 =	sadd.s32 $0x400, s11  }
0x25f: {  	[tilespmem:s15], [sflag:$0x1] =	stream.indirect.gather [hbm4b:s4+s14], $0x80, s24, s14, $0xb8;
	[tilespmem:$0x1E400] =	vst v63  }
0x260: {  	_ =	swait.ge [sflag:s29], $0x8000  }
0x261: {  	[sflag:s29] =	ssyncset.done $0x0  }
0x262: {  	[sflag:s29] =	ssyncadd.s32 $0xFFFF8000  }
0x263: {  	_ =	swait.ge [sflag:s10], $0x4000  }
0x264: {  	[sflag:s10] =	ssyncset.done $0x0  }
0x265: {  	s20 =	simm.s32 $0x0;
	[sflag:s10] =	ssyncadd.s32 $0xFFFFC000  }
.LBB2_9:
0x266: {  	v39 =	vmov s19  }
0x267: {  	v40 =	vshll.u32 v39, $0x7  }
0x268: {  	v39 =	vor.u32 v16, v40  }
0x269: {  	v41 =	vor.u32 v0, v39  }
0x26a: {  	v42 =	vor.u32 v18, v39  }
0x26b: {  	s21 =	sand.u32 $0x400, s20;
	s24 =	sand.u32 $0x70, s19;
	v43 =	vor.u32 v20, v39  }
0x26c: {  	s21 =	sor.u32 s24, s21;
	v58 =	vor.u32 v15, v40;
	v44 =	vor.u32 v22, v39  }
0x26d: {  	v46 =	vor.u32 s21, v0;
	v59 =	vor.u32 s21, v17;
	v45 =	vor.u32 v0, v58  }
0x26e: {  	v60 =	vor.u32 s21, v19;
	v61 =	vor.u32 s21, v21;
	v48 =	vor.u32 v18, v58;
	v47 =	vld.idx.msk [tilespmem:v41+s16+$0x0], $0xffff  }
0x26f: {  	v50 =	vor.u32 v20, v58;
	v39 =	vand.u32 $0xF80, v59;
	v46 =	vand.u32 $0x7F, v46;
	v49 =	vld.idx.msk [tilespmem:v42+s16+$0x0], $0xffff  }
0x270: {  	v52 =	vor.u32 v22, v58;
	v53 =	vor.u32 v46, v39;
	v51 =	vld.idx.msk [tilespmem:v43+s16+$0x0], $0xffff;
	v41 =	vand.u32 $0x1F80, v60  }
0x271: {  	v54 =	vor.u32 s21, v23;
	v44 =	vld.idx.msk [tilespmem:v44+s16+$0x0], $0xffff;
	v42 =	vand.u32 $0x2F80, v61;
	v55 =	vor.u32 v46, v41  }
0x272: {  	v56 =	vor.u32 s21, v24;
	v45 =	vld.idx.msk [tilespmem:v45+s16+$0x0], $0xffff;
	v43 =	vand.u32 $0x3F80, v54;
	v57 =	vor.u32 v46, v42  }
0x273: {  	v62 =	vand.u32 $0x7F, v56;
	v48 =	vld.idx.msk [tilespmem:v48+s16+$0x0], $0xffff;
	v46 =	vor.u32 v46, v43  }
0x274: {  	v56 =	vor.u32 v62, v39;
	v50 =	vld.idx.msk [tilespmem:v50+s16+$0x0], $0xffff  }
0x275: {  	v52 =	vld.idx.msk [tilespmem:v52+s16+$0x0], $0xffff;
	v63 =	vor.u32 v62, v41;
	[tilespmem:v53+s30+$0x0] =	vst.idx.msk $0xffff, v47  }
0x276: {  	v58 =	vor.u32 v62, v42;
	[tilespmem:v55+s30+$0x0] =	vst.idx.msk $0xffff, v49  }
0x277: {  	v60 =	vor.u32 v14, v40;
	v59 =	vor.u32 v62, v43;
	[tilespmem:v57+s30+$0x0] =	vst.idx.msk $0xffff, v51  }
0x278: {  	v61 =	vor.u32 v0, v60;
	[tilespmem:v46+s30+$0x0] =	vst.idx.msk $0xffff, v44  }
0x279: {  	v62 =	vor.u32 v18, v60;
	[tilespmem:v56+s30+$0x0] =	vst.idx.msk $0xffff, v45  }
0x27a: {  	[tilespmem:v63+s30+$0x0] =	vst.idx.msk $0xffff, v48;
	v63 =	vor.u32 v20, v60  }
0x27b: {  	v57 =	vor.u32 v13, v40;
	v56 =	vor.u32 v22, v60;
	[tilespmem:v58+s30+$0x0] =	vst.idx.msk $0xffff, v50  }
0x27c: {  	v48 =	vor.u32 v22, v57;
	[tilespmem:v59+s30+$0x0] =	vst.idx.msk $0xffff, v52  }
0x27d: {  	v58 =	vor.u32 v0, v57;
	v44 =	vld.idx.msk [tilespmem:v61+s16+$0x0], $0xffff;
	v61 =	vor.u32 s21, v25  }
0x27e: {  	v45 =	vld.idx.msk [tilespmem:v62+s16+$0x0], $0xffff;
	v62 =	vor.u32 v20, v57;
	v51 =	vand.u32 $0x7F, v61  }
0x27f: {  	v59 =	vor.u32 v18, v57;
	v46 =	vld.idx.msk [tilespmem:v63+s16+$0x0], $0xffff;
	v63 =	vor.u32 v51, v39  }
0x280: {  	v47 =	vld.idx.msk [tilespmem:v56+s16+$0x0], $0xffff;
	v54 =	vor.u32 v51, v41  }
0x281: {  	v60 =	vor.u32 s21, v26;
	v61 =	vor.u32 v51, v42;
	v48 =	vld.idx.msk [tilespmem:v48+s16+$0x0], $0xffff  }
0x282: {  	v55 =	vand.u32 $0x7F, v60;
	v51 =	vor.u32 v51, v43;
	v49 =	vld.idx.msk [tilespmem:v58+s16+$0x0], $0xffff  }
0x283: {  	v52 =	vld.idx.msk [tilespmem:v62+s16+$0x0], $0xffff;
	v62 =	vor.u32 v55, v39  }
0x284: {  	v50 =	vld.idx.msk [tilespmem:v59+s16+$0x0], $0xffff;
	[tilespmem:v63+s30+$0x0] =	vst.idx.msk $0xffff, v44;
	v63 =	vor.u32 v55, v41  }
0x285: {  	v58 =	vor.u32 v55, v42;
	[tilespmem:v54+s30+$0x0] =	vst.idx.msk $0xffff, v45  }
0x286: {  	v60 =	vor.u32 v12, v40;
	v59 =	vor.u32 v55, v43;
	[tilespmem:v61+s30+$0x0] =	vst.idx.msk $0xffff, v46  }
0x287: {  	v61 =	vor.u32 v0, v60;
	[tilespmem:v51+s30+$0x0] =	vst.idx.msk $0xffff, v47  }
0x288: {  	[tilespmem:v62+s30+$0x0] =	vst.idx.msk $0xffff, v49;
	v62 =	vor.u32 v18, v60  }
0x289: {  	[tilespmem:v63+s30+$0x0] =	vst.idx.msk $0xffff, v50;
	v63 =	vor.u32 v20, v60  }
0x28a: {  	v57 =	vor.u32 v11, v40;
	v56 =	vor.u32 v22, v60;
	[tilespmem:v58+s30+$0x0] =	vst.idx.msk $0xffff, v52  }
0x28b: {  	v50 =	vor.u32 v22, v57;
	[tilespmem:v59+s30+$0x0] =	vst.idx.msk $0xffff, v48  }
0x28c: {  	v58 =	vor.u32 v0, v57;
	v47 =	vld.idx.msk [tilespmem:v61+s16+$0x0], $0xffff;
	v61 =	vor.u32 s21, v27  }
0x28d: {  	v49 =	vld.idx.msk [tilespmem:v62+s16+$0x0], $0xffff;
	v62 =	vor.u32 v20, v57;
	v51 =	vand.u32 $0x7F, v61  }
0x28e: {  	v59 =	vor.u32 v18, v57;
	v44 =	vld.idx.msk [tilespmem:v63+s16+$0x0], $0xffff;
	v63 =	vor.u32 v51, v39  }
0x28f: {  	v45 =	vld.idx.msk [tilespmem:v56+s16+$0x0], $0xffff;
	v54 =	vor.u32 v51, v41  }
0x290: {  	v60 =	vor.u32 s21, v28;
	v61 =	vor.u32 v51, v42;
	v50 =	vld.idx.msk [tilespmem:v50+s16+$0x0], $0xffff  }
0x291: {  	v55 =	vand.u32 $0x7F, v60;
	v51 =	vor.u32 v51, v43;
	v46 =	vld.idx.msk [tilespmem:v58+s16+$0x0], $0xffff  }
0x292: {  	v52 =	vld.idx.msk [tilespmem:v62+s16+$0x0], $0xffff;
	v62 =	vor.u32 v55, v39  }
0x293: {  	v48 =	vld.idx.msk [tilespmem:v59+s16+$0x0], $0xffff;
	[tilespmem:v63+s30+$0x0] =	vst.idx.msk $0xffff, v47;
	v63 =	vor.u32 v55, v41  }
0x294: {  	v58 =	vor.u32 v55, v42;
	[tilespmem:v54+s30+$0x0] =	vst.idx.msk $0xffff, v49  }
0x295: {  	v60 =	vor.u32 v10, v40;
	v59 =	vor.u32 v55, v43;
	[tilespmem:v61+s30+$0x0] =	vst.idx.msk $0xffff, v44  }
0x296: {  	v61 =	vor.u32 v0, v60;
	[tilespmem:v51+s30+$0x0] =	vst.idx.msk $0xffff, v45  }
0x297: {  	[tilespmem:v62+s30+$0x0] =	vst.idx.msk $0xffff, v46;
	v62 =	vor.u32 v18, v60  }
0x298: {  	[tilespmem:v63+s30+$0x0] =	vst.idx.msk $0xffff, v48;
	v63 =	vor.u32 v20, v60  }
0x299: {  	v56 =	vor.u32 v22, v60;
	v57 =	vor.u32 v9, v40;
	[tilespmem:v58+s30+$0x0] =	vst.idx.msk $0xffff, v52  }
0x29a: {  	v49 =	vor.u32 v22, v57;
	[tilespmem:v59+s30+$0x0] =	vst.idx.msk $0xffff, v50  }
0x29b: {  	v58 =	vor.u32 v0, v57;
	v45 =	vld.idx.msk [tilespmem:v61+s16+$0x0], $0xffff;
	v61 =	vor.u32 s21, v30  }
0x29c: {  	v46 =	vld.idx.msk [tilespmem:v62+s16+$0x0], $0xffff;
	v62 =	vor.u32 v20, v57;
	v51 =	vand.u32 $0x7F, v61  }
0x29d: {  	v59 =	vor.u32 v18, v57;
	v47 =	vld.idx.msk [tilespmem:v63+s16+$0x0], $0xffff;
	v63 =	vor.u32 v51, v39  }
0x29e: {  	v48 =	vld.idx.msk [tilespmem:v56+s16+$0x0], $0xffff;
	v54 =	vor.u32 v51, v41  }
0x29f: {  	v60 =	vor.u32 s21, v31;
	v49 =	vld.idx.msk [tilespmem:v49+s16+$0x0], $0xffff;
	v61 =	vor.u32 v51, v42  }
0x2a0: {  	v55 =	vand.u32 $0x7F, v60;
	v51 =	vor.u32 v51, v43;
	v44 =	vld.idx.msk [tilespmem:v58+s16+$0x0], $0xffff  }
0x2a1: {  	v52 =	vld.idx.msk [tilespmem:v62+s16+$0x0], $0xffff;
	v62 =	vor.u32 v55, v39  }
0x2a2: {  	v50 =	vld.idx.msk [tilespmem:v59+s16+$0x0], $0xffff;
	[tilespmem:v63+s30+$0x0] =	vst.idx.msk $0xffff, v45;
	v63 =	vor.u32 v55, v41  }
0x2a3: {  	v58 =	vor.u32 v55, v42;
	[tilespmem:v54+s30+$0x0] =	vst.idx.msk $0xffff, v46  }
0x2a4: {  	v60 =	vor.u32 v8, v40;
	v59 =	vor.u32 v55, v43;
	[tilespmem:v61+s30+$0x0] =	vst.idx.msk $0xffff, v47  }
0x2a5: {  	v61 =	vor.u32 v0, v60;
	[tilespmem:v51+s30+$0x0] =	vst.idx.msk $0xffff, v48  }
0x2a6: {  	v56 =	vor.u32 v22, v60;
	[tilespmem:v62+s30+$0x0] =	vst.idx.msk $0xffff, v44  }
0x2a7: {  	v62 =	vor.u32 v18, v60;
	[tilespmem:v63+s30+$0x0] =	vst.idx.msk $0xffff, v50  }
0x2a8: {  	v57 =	vor.u32 v7, v40;
	v63 =	vor.u32 v20, v60;
	[tilespmem:v58+s30+$0x0] =	vst.idx.msk $0xffff, v52  }
0x2a9: {  	v50 =	vor.u32 v22, v57;
	[tilespmem:v59+s30+$0x0] =	vst.idx.msk $0xffff, v49  }
0x2aa: {  	v60 =	vor.u32 s21, v29;
	v58 =	vor.u32 v0, v57;
	v48 =	vld.idx.msk [tilespmem:v61+s16+$0x0], $0xffff  }
0x2ab: {  	v51 =	vand.u32 $0x7F, v60;
	v61 =	vor.u32 v20, v57;
	v46 =	vld.idx.msk [tilespmem:v56+s16+$0x0], $0xffff  }
0x2ac: {  	v59 =	vor.u32 v18, v57;
	v44 =	vld.idx.msk [tilespmem:v62+s16+$0x0], $0xffff;
	v62 =	vor.u32 v51, v39  }
0x2ad: {  	v54 =	vor.u32 v51, v41;
	v45 =	vld.idx.msk [tilespmem:v63+s16+$0x0], $0xffff  }
0x2ae: {  	v60 =	vor.u32 v51, v42;
	v63 =	vor.u32 s21, v32;
	v50 =	vld.idx.msk [tilespmem:v50+s16+$0x0], $0xffff  }
0x2af: {  	v51 =	vor.u32 v51, v43;
	v47 =	vld.idx.msk [tilespmem:v58+s16+$0x0], $0xffff;
	v55 =	vand.u32 $0x7F, v63  }
0x2b0: {  	v52 =	vld.idx.msk [tilespmem:v61+s16+$0x0], $0xffff;
	v61 =	vor.u32 v55, v39  }
0x2b1: {  	v49 =	vld.idx.msk [tilespmem:v59+s16+$0x0], $0xffff;
	[tilespmem:v62+s30+$0x0] =	vst.idx.msk $0xffff, v48;
	v62 =	vor.u32 v55, v41  }
0x2b2: {  	v63 =	vor.u32 v55, v42;
	[tilespmem:v54+s30+$0x0] =	vst.idx.msk $0xffff, v44  }
0x2b3: {  	v58 =	vor.u32 v55, v43;
	v59 =	vor.u32 v6, v40;
	[tilespmem:v60+s30+$0x0] =	vst.idx.msk $0xffff, v45  }
0x2b4: {  	v56 =	vor.u32 v5, v40;
	v60 =	vor.u32 v0, v59;
	[tilespmem:v51+s30+$0x0] =	vst.idx.msk $0xffff, v46  }
0x2b5: {  	v57 =	vor.u32 v0, v56;
	[tilespmem:v61+s30+$0x0] =	vst.idx.msk $0xffff, v47  }
0x2b6: {  	v61 =	vor.u32 v18, v59;
	[tilespmem:v62+s30+$0x0] =	vst.idx.msk $0xffff, v49  }
0x2b7: {  	v62 =	vor.u32 v20, v59;
	[tilespmem:v63+s30+$0x0] =	vst.idx.msk $0xffff, v52  }
0x2b8: {  	v63 =	vor.u32 v22, v59;
	[tilespmem:v58+s30+$0x0] =	vst.idx.msk $0xffff, v50  }
0x2b9: {  	v49 =	vor.u32 v22, v56;
	v59 =	vor.u32 s21, v33;
	v46 =	vld.idx.msk [tilespmem:v60+s16+$0x0], $0xffff  }
0x2ba: {  	v51 =	vand.u32 $0x7F, v59;
	v60 =	vor.u32 v20, v56;
	v45 =	vld.idx.msk [tilespmem:v57+s16+$0x0], $0xffff  }
0x2bb: {  	v58 =	vor.u32 v18, v56;
	v47 =	vld.idx.msk [tilespmem:v61+s16+$0x0], $0xffff;
	v61 =	vor.u32 v51, v39  }
0x2bc: {  	v54 =	vor.u32 v51, v41;
	v48 =	vld.idx.msk [tilespmem:v62+s16+$0x0], $0xffff  }
0x2bd: {  	v62 =	vor.u32 s21, v34;
	v44 =	vld.idx.msk [tilespmem:v63+s16+$0x0], $0xffff;
	v63 =	vor.u32 v51, v42  }
0x2be: {  	v49 =	vld.idx.msk [tilespmem:v49+s16+$0x0], $0xffff;
	v51 =	vor.u32 v51, v43;
	v55 =	vand.u32 $0x7F, v62  }
0x2bf: {  	v52 =	vld.idx.msk [tilespmem:v60+s16+$0x0], $0xffff;
	v60 =	vor.u32 v55, v39  }
0x2c0: {  	v50 =	vld.idx.msk [tilespmem:v58+s16+$0x0], $0xffff;
	[tilespmem:v61+s30+$0x0] =	vst.idx.msk $0xffff, v46;
	v61 =	vor.u32 v55, v41  }
0x2c1: {  	v62 =	vor.u32 v55, v42;
	[tilespmem:v54+s30+$0x0] =	vst.idx.msk $0xffff, v47  }
0x2c2: {  	v58 =	vor.u32 v4, v40;
	[tilespmem:v63+s30+$0x0] =	vst.idx.msk $0xffff, v48;
	v63 =	vor.u32 v55, v43  }
0x2c3: {  	v59 =	vor.u32 v0, v58;
	[tilespmem:v51+s30+$0x0] =	vst.idx.msk $0xffff, v44  }
0x2c4: {  	v56 =	vor.u32 v22, v58;
	[tilespmem:v60+s30+$0x0] =	vst.idx.msk $0xffff, v45  }
0x2c5: {  	v60 =	vor.u32 v18, v58;
	[tilespmem:v61+s30+$0x0] =	vst.idx.msk $0xffff, v50  }
0x2c6: {  	v57 =	vor.u32 v3, v40;
	v61 =	vor.u32 v20, v58;
	[tilespmem:v62+s30+$0x0] =	vst.idx.msk $0xffff, v52  }
0x2c7: {  	v58 =	vor.u32 v0, v57;
	[tilespmem:v63+s30+$0x0] =	vst.idx.msk $0xffff, v49  }
0x2c8: {  	v50 =	vor.u32 v22, v57;
	v62 =	vor.u32 s21, v35;
	v44 =	vld.idx.msk [tilespmem:v59+s16+$0x0], $0xffff  }
0x2c9: {  	v63 =	vor.u32 v20, v57;
	v51 =	vand.u32 $0x7F, v62;
	v47 =	vld.idx.msk [tilespmem:v56+s16+$0x0], $0xffff  }
0x2ca: {  	v59 =	vor.u32 v18, v57;
	v53 =	vor.u32 v51, v39;
	v45 =	vld.idx.msk [tilespmem:v60+s16+$0x0], $0xffff  }
0x2cb: {  	v60 =	vor.u32 v51, v41;
	v46 =	vld.idx.msk [tilespmem:v61+s16+$0x0], $0xffff  }
0x2cc: {  	v62 =	vor.u32 v51, v42;
	v48 =	vld.idx.msk [tilespmem:v58+s16+$0x0], $0xffff;
	v61 =	vor.u32 s21, v36  }
0x2cd: {  	v51 =	vor.u32 v51, v43;
	v50 =	vld.idx.msk [tilespmem:v50+s16+$0x0], $0xffff;
	v55 =	vand.u32 $0x7F, v61  }
0x2ce: {  	v52 =	vld.idx.msk [tilespmem:v63+s16+$0x0], $0xffff;
	v63 =	vor.u32 v55, v39  }
0x2cf: {  	v58 =	vor.u32 v55, v41;
	v49 =	vld.idx.msk [tilespmem:v59+s16+$0x0], $0xffff;
	[tilespmem:v53+s30+$0x0] =	vst.idx.msk $0xffff, v44  }
0x2d0: {  	v59 =	vor.u32 v55, v42;
	[tilespmem:v60+s30+$0x0] =	vst.idx.msk $0xffff, v45  }
0x2d1: {  	v61 =	vor.u32 v2, v40;
	v60 =	vor.u32 v55, v43;
	[tilespmem:v62+s30+$0x0] =	vst.idx.msk $0xffff, v46  }
0x2d2: {  	v62 =	vor.u32 v0, v61;
	[tilespmem:v51+s30+$0x0] =	vst.idx.msk $0xffff, v47  }
0x2d3: {  	v54 =	vor.u32 v20, v61;
	[tilespmem:v63+s30+$0x0] =	vst.idx.msk $0xffff, v48  }
0x2d4: {  	v55 =	vor.u32 v22, v61;
	[tilespmem:v58+s30+$0x0] =	vst.idx.msk $0xffff, v49  }
0x2d5: {  	v40 =	vor.u32 v1, v40;
	v63 =	vor.u32 v18, v61;
	[tilespmem:v59+s30+$0x0] =	vst.idx.msk $0xffff, v52  }
0x2d6: {  	v56 =	vor.u32 v0, v40;
	[tilespmem:v60+s30+$0x0] =	vst.idx.msk $0xffff, v50  }
0x2d7: {  	v57 =	vor.u32 v18, v40;
	v58 =	vor.u32 s21, v37;
	v47 =	vld.idx.msk [tilespmem:v62+s16+$0x0], $0xffff  }
0x2d8: {  	v59 =	vor.u32 v20, v40;
	v50 =	vand.u32 $0x7F, v58;
	v44 =	vld.idx.msk [tilespmem:v54+s16+$0x0], $0xffff  }
0x2d9: {  	v40 =	vor.u32 v22, v40;
	v45 =	vld.idx.msk [tilespmem:v55+s16+$0x0], $0xffff;
	v60 =	vor.u32 v50, v39  }
0x2da: {  	v61 =	vor.u32 v50, v41;
	v48 =	vld.idx.msk [tilespmem:v63+s16+$0x0], $0xffff  }
0x2db: {  	v46 =	vld.idx.msk [tilespmem:v56+s16+$0x0], $0xffff;
	v62 =	vor.u32 s21, v38;
	v63 =	vor.u32 v50, v42  }
0x2dc: {  	v49 =	vld.idx.msk [tilespmem:v57+s16+$0x0], $0xffff;
	v50 =	vor.u32 v50, v43;
	v54 =	vand.u32 $0x7F, v62  }
0x2dd: {  	v39 =	vor.u32 v54, v39;
	v51 =	vld.idx.msk [tilespmem:v59+s16+$0x0], $0xffff  }
0x2de: {  	v41 =	vor.u32 v54, v41;
	v40 =	vld.idx.msk [tilespmem:v40+s16+$0x0], $0xffff;
	[tilespmem:v60+s30+$0x0] =	vst.idx.msk $0xffff, v47  }
0x2df: {  	v42 =	vor.u32 v54, v42;
	[tilespmem:v61+s30+$0x0] =	vst.idx.msk $0xffff, v48  }
0x2e0: {  	p0 =	sne.s32 s20, $0x780;
	v43 =	vor.u32 v54, v43;
	[tilespmem:v63+s30+$0x0] =	vst.idx.msk $0xffff, v44  }
.Ltmp3:
0x2e1: {  	[tilespmem:v50+s30+$0x0] =	vst.idx.msk $0xffff, v45;
	(pc) =	sbr.rel @p0 .LBB2_9-.Ltmp3, $4  }
0x2e2: {  	[tilespmem:v39+s30+$0x0] =	vst.idx.msk $0xffff, v46  }
0x2e3: {  	[tilespmem:v41+s30+$0x0] =	vst.idx.msk $0xffff, v49  }
0x2e4: {  	[tilespmem:v42+s30+$0x0] =	vst.idx.msk $0xffff, v51  }
0x2e5: {  	s19 =	sadd.s32 $0x10, s19;
	s20 =	sadd.s32 $0x80, s20;
	[tilespmem:v43+s30+$0x0] =	vst.idx.msk $0xffff, v40  }
0x2e6: {  	s13 =	sadd.s32 s13, s23  }
0x2e7: {  	s19 =	sshrl.u32 s13, $0x4  }
0x2e8: {  	s13 =	sshll.u32 s13, $0x1;
	s20 =	sshll.u32 s19, $0x5  }
0x2e9: {  	s13 =	ssub.s32 s13, s20  }
0x2ea: {  	s24 =	sshll.u32 s19, $0x12;
	s21 =	sshll.u32 s13, $0xA  }
0x2eb: {  	s19 =	sshll.u32 s19, $0x8;
	s20 =	sadd.s32 s24, s21  }
0x2ec: {  	s13 =	sadd.s32 s19, s13;
	s20 =	sshrl.u32 s20, $0x3  }
0x2ed: {  	s13 =	sshll.u32 s13, $0x7;
	s20 =	sadd.s32 s1, s20  }
0x2ee: {  	[hbm4b:s20+s2] =	stream.linear.scatter [tilespmem:s30], [sflag:$0x4], $0x800, $0x38;
	[tilespmem:$0x1E400] =	vst v63  }
0x2ef: {  	s20 =	sadd.s32 $0x1000, s13  }
0x2f0: {  	s19 =	sand.u32 $0x1FFFFF00, s20  }
0x2f1: {  	s21 =	sadd.s32 $0x2000, s13;
	s19 =	sadd.s32 s1, s19  }
0x2f2: {  	[hbm4b:s19+s2] =	stream.linear.scatter [tilespmem:s31], [sflag:$0x4], $0x800, $0x38;
	[tilespmem:$0x1E400] =	vst v63  }
0x2f3: {  	s19 =	sand.u32 $0x1FFFFF00, s21  }
0x2f4: {  	s24 =	sadd.s32 $0x3000, s13;
	s19 =	sadd.s32 s1, s19  }
0x2f5: {  	[hbm4b:s19+s2] =	stream.linear.scatter [tilespmem:s3], [sflag:$0x4], $0x800, $0x38;
	[tilespmem:$0x1E400] =	vst v63  }
0x2f6: {  	s19 =	sand.u32 $0x1FFFFF00, s24  }
0x2f7: {  	s20 =	sadd.s32 $0x4000, s13;
	s19 =	sadd.s32 s1, s19  }
0x2f8: {  	[hbm4b:s19+s2] =	stream.linear.scatter [tilespmem:s0], [sflag:$0x4], $0x800, $0x38;
	[tilespmem:$0x1E400] =	vst v63  }
0x2f9: {  	s19 =	sand.u32 $0x1FFFFF00, s20  }
0x2fa: {  	s21 =	sadd.s32 $0x5000, s13;
	s19 =	sadd.s32 s1, s19  }
0x2fb: {  	[hbm4b:s19+s2] =	stream.linear.scatter [tilespmem:s5], [sflag:$0x4], $0x800, $0x38;
	[tilespmem:$0x1E400] =	vst v63  }
0x2fc: {  	s19 =	sand.u32 $0x1FFFFF00, s21  }
0x2fd: {  	s24 =	sadd.s32 $0x6000, s13;
	s19 =	sadd.s32 s1, s19  }
0x2fe: {  	[hbm4b:s19+s2] =	stream.linear.scatter [tilespmem:s6], [sflag:$0x4], $0x800, $0x38;
	[tilespmem:$0x1E400] =	vst v63  }
0x2ff: {  	s12 =	sadd.s32 $0x1, s12;
	s19 =	sand.u32 $0x1FFFFF00, s24  }
0x300: {  	p0 =	sne.s32 s12, $0x30;
	s13 =	sadd.s32 $0x7000, s13;
	s19 =	sadd.s32 s1, s19  }
0x301: {  	[hbm4b:s19+s2] =	stream.linear.scatter [tilespmem:s7], [sflag:$0x4], $0x800, $0x38;
	[tilespmem:$0x1E400] =	vst v63  }
.Ltmp4:
0x302: {  	s13 =	sand.u32 $0x1FFFFF00, s13;
	(pc) =	sbr.rel @p0 .LBB2_6-.Ltmp4, $4  }
0x303: {  	s13 =	sadd.s32 s1, s13  }
0x304: {  	[hbm4b:s13+s2] =	stream.linear.scatter [tilespmem:s8], [sflag:$0x4], $0x800, $0x38;
	[tilespmem:$0x1E400] =	vst v63  }
0x305: {  	s11 =	sadd.s32 $0x500, s11  }
0x306: {  	[tilespmem:s16], [sflag:$0x2] =	stream.indirect.gather [hbm4b:s4+s14], $0x80, s11, s14, $0xb8;
	[tilespmem:$0x1E400] =	vst v63  }
0x307: {  	_ =	swait.ge [sflag:s17], $0x8000  }
0x308: {  	[sflag:s17] =	ssyncset.done $0x0  }
0x309: {  	[sflag:s17] =	ssyncadd.s32 $0xFFFF8000  }
0x30a: {  	_ =	swait.ge [sflag:s9], $0x4000  }
0x30b: {  	[sflag:s9] =	ssyncset.done $0x0  }
0x30c: {  	s11 =	simm.s32 $0x0;
	s12 =	simm.s32 $0x0;
	[sflag:s9] =	ssyncadd.s32 $0xFFFFC000  }
.LBB2_12:
0x30d: {  	v39 =	vmov s11  }
0x30e: {  	v40 =	vshll.u32 v39, $0x7  }
0x30f: {  	v39 =	vor.u32 v16, v40  }
0x310: {  	v41 =	vor.u32 v0, v39  }
0x311: {  	v42 =	vor.u32 v18, v39  }
0x312: {  	s13 =	sand.u32 $0x400, s12;
	s19 =	sand.u32 $0x70, s11;
	v43 =	vor.u32 v20, v39  }
0x313: {  	s13 =	sor.u32 s19, s13;
	v58 =	vor.u32 v15, v40;
	v44 =	vor.u32 v22, v39  }
0x314: {  	v46 =	vor.u32 s13, v0;
	v59 =	vor.u32 s13, v17;
	v45 =	vor.u32 v0, v58  }
0x315: {  	v60 =	vor.u32 s13, v19;
	v61 =	vor.u32 s13, v21;
	v48 =	vor.u32 v18, v58;
	v47 =	vld.idx.msk [tilespmem:v41+s15+$0x0], $0xffff  }
0x316: {  	v50 =	vor.u32 v20, v58;
	v39 =	vand.u32 $0xF80, v59;
	v46 =	vand.u32 $0x7F, v46;
	v49 =	vld.idx.msk [tilespmem:v42+s15+$0x0], $0xffff  }
0x317: {  	v52 =	vor.u32 v22, v58;
	v53 =	vor.u32 v46, v39;
	v51 =	vld.idx.msk [tilespmem:v43+s15+$0x0], $0xffff;
	v41 =	vand.u32 $0x1F80, v60  }
0x318: {  	v54 =	vor.u32 s13, v23;
	v44 =	vld.idx.msk [tilespmem:v44+s15+$0x0], $0xffff;
	v42 =	vand.u32 $0x2F80, v61;
	v55 =	vor.u32 v46, v41  }
0x319: {  	v56 =	vor.u32 s13, v24;
	v45 =	vld.idx.msk [tilespmem:v45+s15+$0x0], $0xffff;
	v43 =	vand.u32 $0x3F80, v54;
	v57 =	vor.u32 v46, v42  }
0x31a: {  	v62 =	vand.u32 $0x7F, v56;
	v48 =	vld.idx.msk [tilespmem:v48+s15+$0x0], $0xffff;
	v46 =	vor.u32 v46, v43  }
0x31b: {  	v56 =	vor.u32 v62, v39;
	v50 =	vld.idx.msk [tilespmem:v50+s15+$0x0], $0xffff  }
0x31c: {  	v52 =	vld.idx.msk [tilespmem:v52+s15+$0x0], $0xffff;
	v63 =	vor.u32 v62, v41;
	[tilespmem:v53+s18+$0x0] =	vst.idx.msk $0xffff, v47  }
0x31d: {  	v58 =	vor.u32 v62, v42;
	[tilespmem:v55+s18+$0x0] =	vst.idx.msk $0xffff, v49  }
0x31e: {  	v60 =	vor.u32 v14, v40;
	v59 =	vor.u32 v62, v43;
	[tilespmem:v57+s18+$0x0] =	vst.idx.msk $0xffff, v51  }
0x31f: {  	v61 =	vor.u32 v0, v60;
	[tilespmem:v46+s18+$0x0] =	vst.idx.msk $0xffff, v44  }
0x320: {  	v62 =	vor.u32 v18, v60;
	[tilespmem:v56+s18+$0x0] =	vst.idx.msk $0xffff, v45  }
0x321: {  	[tilespmem:v63+s18+$0x0] =	vst.idx.msk $0xffff, v48;
	v63 =	vor.u32 v20, v60  }
0x322: {  	v57 =	vor.u32 v13, v40;
	v56 =	vor.u32 v22, v60;
	[tilespmem:v58+s18+$0x0] =	vst.idx.msk $0xffff, v50  }
0x323: {  	v48 =	vor.u32 v22, v57;
	[tilespmem:v59+s18+$0x0] =	vst.idx.msk $0xffff, v52  }
0x324: {  	v58 =	vor.u32 v0, v57;
	v44 =	vld.idx.msk [tilespmem:v61+s15+$0x0], $0xffff;
	v61 =	vor.u32 s13, v25  }
0x325: {  	v45 =	vld.idx.msk [tilespmem:v62+s15+$0x0], $0xffff;
	v62 =	vor.u32 v20, v57;
	v51 =	vand.u32 $0x7F, v61  }
0x326: {  	v59 =	vor.u32 v18, v57;
	v46 =	vld.idx.msk [tilespmem:v63+s15+$0x0], $0xffff;
	v63 =	vor.u32 v51, v39  }
0x327: {  	v47 =	vld.idx.msk [tilespmem:v56+s15+$0x0], $0xffff;
	v54 =	vor.u32 v51, v41  }
0x328: {  	v60 =	vor.u32 s13, v26;
	v61 =	vor.u32 v51, v42;
	v48 =	vld.idx.msk [tilespmem:v48+s15+$0x0], $0xffff  }
0x329: {  	v55 =	vand.u32 $0x7F, v60;
	v51 =	vor.u32 v51, v43;
	v49 =	vld.idx.msk [tilespmem:v58+s15+$0x0], $0xffff  }
0x32a: {  	v52 =	vld.idx.msk [tilespmem:v62+s15+$0x0], $0xffff;
	v62 =	vor.u32 v55, v39  }
0x32b: {  	v50 =	vld.idx.msk [tilespmem:v59+s15+$0x0], $0xffff;
	[tilespmem:v63+s18+$0x0] =	vst.idx.msk $0xffff, v44;
	v63 =	vor.u32 v55, v41  }
0x32c: {  	v58 =	vor.u32 v55, v42;
	[tilespmem:v54+s18+$0x0] =	vst.idx.msk $0xffff, v45  }
0x32d: {  	v60 =	vor.u32 v12, v40;
	v59 =	vor.u32 v55, v43;
	[tilespmem:v61+s18+$0x0] =	vst.idx.msk $0xffff, v46  }
0x32e: {  	v61 =	vor.u32 v0, v60;
	[tilespmem:v51+s18+$0x0] =	vst.idx.msk $0xffff, v47  }
0x32f: {  	[tilespmem:v62+s18+$0x0] =	vst.idx.msk $0xffff, v49;
	v62 =	vor.u32 v18, v60  }
0x330: {  	[tilespmem:v63+s18+$0x0] =	vst.idx.msk $0xffff, v50;
	v63 =	vor.u32 v20, v60  }
0x331: {  	v57 =	vor.u32 v11, v40;
	v56 =	vor.u32 v22, v60;
	[tilespmem:v58+s18+$0x0] =	vst.idx.msk $0xffff, v52  }
0x332: {  	v50 =	vor.u32 v22, v57;
	[tilespmem:v59+s18+$0x0] =	vst.idx.msk $0xffff, v48  }
0x333: {  	v58 =	vor.u32 v0, v57;
	v47 =	vld.idx.msk [tilespmem:v61+s15+$0x0], $0xffff;
	v61 =	vor.u32 s13, v27  }
0x334: {  	v49 =	vld.idx.msk [tilespmem:v62+s15+$0x0], $0xffff;
	v62 =	vor.u32 v20, v57;
	v51 =	vand.u32 $0x7F, v61  }
0x335: {  	v59 =	vor.u32 v18, v57;
	v44 =	vld.idx.msk [tilespmem:v63+s15+$0x0], $0xffff;
	v63 =	vor.u32 v51, v39  }
0x336: {  	v45 =	vld.idx.msk [tilespmem:v56+s15+$0x0], $0xffff;
	v54 =	vor.u32 v51, v41  }
0x337: {  	v60 =	vor.u32 s13, v28;
	v61 =	vor.u32 v51, v42;
	v50 =	vld.idx.msk [tilespmem:v50+s15+$0x0], $0xffff  }
0x338: {  	v55 =	vand.u32 $0x7F, v60;
	v51 =	vor.u32 v51, v43;
	v46 =	vld.idx.msk [tilespmem:v58+s15+$0x0], $0xffff  }
0x339: {  	v52 =	vld.idx.msk [tilespmem:v62+s15+$0x0], $0xffff;
	v62 =	vor.u32 v55, v39  }
0x33a: {  	v48 =	vld.idx.msk [tilespmem:v59+s15+$0x0], $0xffff;
	[tilespmem:v63+s18+$0x0] =	vst.idx.msk $0xffff, v47;
	v63 =	vor.u32 v55, v41  }
0x33b: {  	v58 =	vor.u32 v55, v42;
	[tilespmem:v54+s18+$0x0] =	vst.idx.msk $0xffff, v49  }
0x33c: {  	v60 =	vor.u32 v10, v40;
	v59 =	vor.u32 v55, v43;
	[tilespmem:v61+s18+$0x0] =	vst.idx.msk $0xffff, v44  }
0x33d: {  	v61 =	vor.u32 v0, v60;
	[tilespmem:v51+s18+$0x0] =	vst.idx.msk $0xffff, v45  }
0x33e: {  	[tilespmem:v62+s18+$0x0] =	vst.idx.msk $0xffff, v46;
	v62 =	vor.u32 v18, v60  }
0x33f: {  	[tilespmem:v63+s18+$0x0] =	vst.idx.msk $0xffff, v48;
	v63 =	vor.u32 v20, v60  }
0x340: {  	v56 =	vor.u32 v22, v60;
	v57 =	vor.u32 v9, v40;
	[tilespmem:v58+s18+$0x0] =	vst.idx.msk $0xffff, v52  }
0x341: {  	v49 =	vor.u32 v22, v57;
	[tilespmem:v59+s18+$0x0] =	vst.idx.msk $0xffff, v50  }
0x342: {  	v58 =	vor.u32 v0, v57;
	v45 =	vld.idx.msk [tilespmem:v61+s15+$0x0], $0xffff;
	v61 =	vor.u32 s13, v30  }
0x343: {  	v46 =	vld.idx.msk [tilespmem:v62+s15+$0x0], $0xffff;
	v62 =	vor.u32 v20, v57;
	v51 =	vand.u32 $0x7F, v61  }
0x344: {  	v59 =	vor.u32 v18, v57;
	v47 =	vld.idx.msk [tilespmem:v63+s15+$0x0], $0xffff;
	v63 =	vor.u32 v51, v39  }
0x345: {  	v48 =	vld.idx.msk [tilespmem:v56+s15+$0x0], $0xffff;
	v54 =	vor.u32 v51, v41  }
0x346: {  	v60 =	vor.u32 s13, v31;
	v49 =	vld.idx.msk [tilespmem:v49+s15+$0x0], $0xffff;
	v61 =	vor.u32 v51, v42  }
0x347: {  	v55 =	vand.u32 $0x7F, v60;
	v51 =	vor.u32 v51, v43;
	v44 =	vld.idx.msk [tilespmem:v58+s15+$0x0], $0xffff  }
0x348: {  	v52 =	vld.idx.msk [tilespmem:v62+s15+$0x0], $0xffff;
	v62 =	vor.u32 v55, v39  }
0x349: {  	v50 =	vld.idx.msk [tilespmem:v59+s15+$0x0], $0xffff;
	[tilespmem:v63+s18+$0x0] =	vst.idx.msk $0xffff, v45;
	v63 =	vor.u32 v55, v41  }
0x34a: {  	v58 =	vor.u32 v55, v42;
	[tilespmem:v54+s18+$0x0] =	vst.idx.msk $0xffff, v46  }
0x34b: {  	v60 =	vor.u32 v8, v40;
	v59 =	vor.u32 v55, v43;
	[tilespmem:v61+s18+$0x0] =	vst.idx.msk $0xffff, v47  }
0x34c: {  	v61 =	vor.u32 v0, v60;
	[tilespmem:v51+s18+$0x0] =	vst.idx.msk $0xffff, v48  }
0x34d: {  	v56 =	vor.u32 v22, v60;
	[tilespmem:v62+s18+$0x0] =	vst.idx.msk $0xffff, v44  }
0x34e: {  	v62 =	vor.u32 v18, v60;
	[tilespmem:v63+s18+$0x0] =	vst.idx.msk $0xffff, v50  }
0x34f: {  	v57 =	vor.u32 v7, v40;
	v63 =	vor.u32 v20, v60;
	[tilespmem:v58+s18+$0x0] =	vst.idx.msk $0xffff, v52  }
0x350: {  	v50 =	vor.u32 v22, v57;
	[tilespmem:v59+s18+$0x0] =	vst.idx.msk $0xffff, v49  }
0x351: {  	v60 =	vor.u32 s13, v29;
	v58 =	vor.u32 v0, v57;
	v48 =	vld.idx.msk [tilespmem:v61+s15+$0x0], $0xffff  }
0x352: {  	v51 =	vand.u32 $0x7F, v60;
	v61 =	vor.u32 v20, v57;
	v46 =	vld.idx.msk [tilespmem:v56+s15+$0x0], $0xffff  }
0x353: {  	v59 =	vor.u32 v18, v57;
	v44 =	vld.idx.msk [tilespmem:v62+s15+$0x0], $0xffff;
	v62 =	vor.u32 v51, v39  }
0x354: {  	v54 =	vor.u32 v51, v41;
	v45 =	vld.idx.msk [tilespmem:v63+s15+$0x0], $0xffff  }
0x355: {  	v60 =	vor.u32 v51, v42;
	v63 =	vor.u32 s13, v32;
	v50 =	vld.idx.msk [tilespmem:v50+s15+$0x0], $0xffff  }
0x356: {  	v51 =	vor.u32 v51, v43;
	v47 =	vld.idx.msk [tilespmem:v58+s15+$0x0], $0xffff;
	v55 =	vand.u32 $0x7F, v63  }
0x357: {  	v52 =	vld.idx.msk [tilespmem:v61+s15+$0x0], $0xffff;
	v61 =	vor.u32 v55, v39  }
0x358: {  	v49 =	vld.idx.msk [tilespmem:v59+s15+$0x0], $0xffff;
	[tilespmem:v62+s18+$0x0] =	vst.idx.msk $0xffff, v48;
	v62 =	vor.u32 v55, v41  }
0x359: {  	v63 =	vor.u32 v55, v42;
	[tilespmem:v54+s18+$0x0] =	vst.idx.msk $0xffff, v44  }
0x35a: {  	v58 =	vor.u32 v55, v43;
	v59 =	vor.u32 v6, v40;
	[tilespmem:v60+s18+$0x0] =	vst.idx.msk $0xffff, v45  }
0x35b: {  	v56 =	vor.u32 v5, v40;
	v60 =	vor.u32 v0, v59;
	[tilespmem:v51+s18+$0x0] =	vst.idx.msk $0xffff, v46  }
0x35c: {  	v57 =	vor.u32 v0, v56;
	[tilespmem:v61+s18+$0x0] =	vst.idx.msk $0xffff, v47  }
0x35d: {  	v61 =	vor.u32 v18, v59;
	[tilespmem:v62+s18+$0x0] =	vst.idx.msk $0xffff, v49  }
0x35e: {  	v62 =	vor.u32 v20, v59;
	[tilespmem:v63+s18+$0x0] =	vst.idx.msk $0xffff, v52  }
0x35f: {  	v63 =	vor.u32 v22, v59;
	[tilespmem:v58+s18+$0x0] =	vst.idx.msk $0xffff, v50  }
0x360: {  	v49 =	vor.u32 v22, v56;
	v59 =	vor.u32 s13, v33;
	v46 =	vld.idx.msk [tilespmem:v60+s15+$0x0], $0xffff  }
0x361: {  	v51 =	vand.u32 $0x7F, v59;
	v60 =	vor.u32 v20, v56;
	v45 =	vld.idx.msk [tilespmem:v57+s15+$0x0], $0xffff  }
0x362: {  	v58 =	vor.u32 v18, v56;
	v47 =	vld.idx.msk [tilespmem:v61+s15+$0x0], $0xffff;
	v61 =	vor.u32 v51, v39  }
0x363: {  	v54 =	vor.u32 v51, v41;
	v48 =	vld.idx.msk [tilespmem:v62+s15+$0x0], $0xffff  }
0x364: {  	v62 =	vor.u32 s13, v34;
	v44 =	vld.idx.msk [tilespmem:v63+s15+$0x0], $0xffff;
	v63 =	vor.u32 v51, v42  }
0x365: {  	v49 =	vld.idx.msk [tilespmem:v49+s15+$0x0], $0xffff;
	v51 =	vor.u32 v51, v43;
	v55 =	vand.u32 $0x7F, v62  }
0x366: {  	v52 =	vld.idx.msk [tilespmem:v60+s15+$0x0], $0xffff;
	v60 =	vor.u32 v55, v39  }
0x367: {  	v50 =	vld.idx.msk [tilespmem:v58+s15+$0x0], $0xffff;
	[tilespmem:v61+s18+$0x0] =	vst.idx.msk $0xffff, v46;
	v61 =	vor.u32 v55, v41  }
0x368: {  	v62 =	vor.u32 v55, v42;
	[tilespmem:v54+s18+$0x0] =	vst.idx.msk $0xffff, v47  }
0x369: {  	v58 =	vor.u32 v4, v40;
	[tilespmem:v63+s18+$0x0] =	vst.idx.msk $0xffff, v48;
	v63 =	vor.u32 v55, v43  }
0x36a: {  	v59 =	vor.u32 v0, v58;
	[tilespmem:v51+s18+$0x0] =	vst.idx.msk $0xffff, v44  }
0x36b: {  	v56 =	vor.u32 v22, v58;
	[tilespmem:v60+s18+$0x0] =	vst.idx.msk $0xffff, v45  }
0x36c: {  	v60 =	vor.u32 v18, v58;
	[tilespmem:v61+s18+$0x0] =	vst.idx.msk $0xffff, v50  }
0x36d: {  	v57 =	vor.u32 v3, v40;
	v61 =	vor.u32 v20, v58;
	[tilespmem:v62+s18+$0x0] =	vst.idx.msk $0xffff, v52  }
0x36e: {  	v58 =	vor.u32 v0, v57;
	[tilespmem:v63+s18+$0x0] =	vst.idx.msk $0xffff, v49  }
0x36f: {  	v50 =	vor.u32 v22, v57;
	v62 =	vor.u32 s13, v35;
	v44 =	vld.idx.msk [tilespmem:v59+s15+$0x0], $0xffff  }
0x370: {  	v63 =	vor.u32 v20, v57;
	v51 =	vand.u32 $0x7F, v62;
	v47 =	vld.idx.msk [tilespmem:v56+s15+$0x0], $0xffff  }
0x371: {  	v59 =	vor.u32 v18, v57;
	v53 =	vor.u32 v51, v39;
	v45 =	vld.idx.msk [tilespmem:v60+s15+$0x0], $0xffff  }
0x372: {  	v60 =	vor.u32 v51, v41;
	v46 =	vld.idx.msk [tilespmem:v61+s15+$0x0], $0xffff  }
0x373: {  	v62 =	vor.u32 v51, v42;
	v48 =	vld.idx.msk [tilespmem:v58+s15+$0x0], $0xffff;
	v61 =	vor.u32 s13, v36  }
0x374: {  	v51 =	vor.u32 v51, v43;
	v50 =	vld.idx.msk [tilespmem:v50+s15+$0x0], $0xffff;
	v55 =	vand.u32 $0x7F, v61  }
0x375: {  	v52 =	vld.idx.msk [tilespmem:v63+s15+$0x0], $0xffff;
	v63 =	vor.u32 v55, v39  }
0x376: {  	v58 =	vor.u32 v55, v41;
	v49 =	vld.idx.msk [tilespmem:v59+s15+$0x0], $0xffff;
	[tilespmem:v53+s18+$0x0] =	vst.idx.msk $0xffff, v44  }
0x377: {  	v59 =	vor.u32 v55, v42;
	[tilespmem:v60+s18+$0x0] =	vst.idx.msk $0xffff, v45  }
0x378: {  	v61 =	vor.u32 v2, v40;
	v60 =	vor.u32 v55, v43;
	[tilespmem:v62+s18+$0x0] =	vst.idx.msk $0xffff, v46  }
0x379: {  	v62 =	vor.u32 v0, v61;
	[tilespmem:v51+s18+$0x0] =	vst.idx.msk $0xffff, v47  }
0x37a: {  	v54 =	vor.u32 v20, v61;
	[tilespmem:v63+s18+$0x0] =	vst.idx.msk $0xffff, v48  }
0x37b: {  	v55 =	vor.u32 v22, v61;
	[tilespmem:v58+s18+$0x0] =	vst.idx.msk $0xffff, v49  }
0x37c: {  	v40 =	vor.u32 v1, v40;
	v63 =	vor.u32 v18, v61;
	[tilespmem:v59+s18+$0x0] =	vst.idx.msk $0xffff, v52  }
0x37d: {  	v56 =	vor.u32 v0, v40;
	[tilespmem:v60+s18+$0x0] =	vst.idx.msk $0xffff, v50  }
0x37e: {  	v57 =	vor.u32 v18, v40;
	v58 =	vor.u32 s13, v37;
	v47 =	vld.idx.msk [tilespmem:v62+s15+$0x0], $0xffff  }
0x37f: {  	v59 =	vor.u32 v20, v40;
	v50 =	vand.u32 $0x7F, v58;
	v44 =	vld.idx.msk [tilespmem:v54+s15+$0x0], $0xffff  }
0x380: {  	v40 =	vor.u32 v22, v40;
	v45 =	vld.idx.msk [tilespmem:v55+s15+$0x0], $0xffff;
	v60 =	vor.u32 v50, v39  }
0x381: {  	v61 =	vor.u32 v50, v41;
	v48 =	vld.idx.msk [tilespmem:v63+s15+$0x0], $0xffff  }
0x382: {  	v46 =	vld.idx.msk [tilespmem:v56+s15+$0x0], $0xffff;
	v62 =	vor.u32 s13, v38;
	v63 =	vor.u32 v50, v42  }
0x383: {  	v49 =	vld.idx.msk [tilespmem:v57+s15+$0x0], $0xffff;
	v50 =	vor.u32 v50, v43;
	v54 =	vand.u32 $0x7F, v62  }
0x384: {  	v39 =	vor.u32 v54, v39;
	v51 =	vld.idx.msk [tilespmem:v59+s15+$0x0], $0xffff  }
0x385: {  	v41 =	vor.u32 v54, v41;
	v40 =	vld.idx.msk [tilespmem:v40+s15+$0x0], $0xffff;
	[tilespmem:v60+s18+$0x0] =	vst.idx.msk $0xffff, v47  }
0x386: {  	v42 =	vor.u32 v54, v42;
	[tilespmem:v61+s18+$0x0] =	vst.idx.msk $0xffff, v48  }
0x387: {  	p0 =	sne.s32 s12, $0x780;
	v43 =	vor.u32 v54, v43;
	[tilespmem:v63+s18+$0x0] =	vst.idx.msk $0xffff, v44  }
.Ltmp5:
0x388: {  	[tilespmem:v50+s18+$0x0] =	vst.idx.msk $0xffff, v45;
	(pc) =	sbr.rel @p0 .LBB2_12-.Ltmp5, $4  }
0x389: {  	[tilespmem:v39+s18+$0x0] =	vst.idx.msk $0xffff, v46  }
0x38a: {  	[tilespmem:v41+s18+$0x0] =	vst.idx.msk $0xffff, v49  }
0x38b: {  	[tilespmem:v42+s18+$0x0] =	vst.idx.msk $0xffff, v51  }
0x38c: {  	s11 =	sadd.s32 $0x10, s11;
	s12 =	sadd.s32 $0x80, s12;
	[tilespmem:v43+s18+$0x0] =	vst.idx.msk $0xffff, v40  }
0x38d: {  	s11 =	simm.s32 $0x0;
	s12 =	rddreg [dreg:$0x14]  }
0x38e: {  	[hbm4b:s12+s11] =	stream.linear.scatter [tilespmem:s18], [sflag:$0x3], $0x800, $0x38;
	[tilespmem:$0x1E400] =	vst v63  }
0x38f: {  	s24 =	rddreg [dreg:$0x15];
	s13 =	simm.s32 $0x16C00  }
0x390: {  	[hbm4b:s24+s11] =	stream.linear.scatter [tilespmem:s13], [sflag:$0x3], $0x800, $0x38;
	[tilespmem:$0x1E400] =	vst v63  }
0x391: {  	s19 =	rddreg [dreg:$0x16];
	s20 =	simm.s32 $0x17400  }
0x392: {  	[hbm4b:s19+s11] =	stream.linear.scatter [tilespmem:s20], [sflag:$0x3], $0x800, $0x38;
	[tilespmem:$0x1E400] =	vst v63  }
0x393: {  	s21 =	rddreg [dreg:$0x17];
	s24 =	simm.s32 $0x17C00  }
0x394: {  	[hbm4b:s21+s11] =	stream.linear.scatter [tilespmem:s24], [sflag:$0x3], $0x800, $0x38;
	[tilespmem:$0x1E400] =	vst v63  }
0x395: {  	s13 =	rddreg [dreg:$0x18];
	s19 =	simm.s32 $0x18400  }
0x396: {  	[hbm4b:s13+s11] =	stream.linear.scatter [tilespmem:s19], [sflag:$0x3], $0x800, $0x38;
	[tilespmem:$0x1E400] =	vst v63  }
0x397: {  	s20 =	rddreg [dreg:$0x19]  }
0x398: {  	[hbm4b:s20+s11] =	stream.linear.scatter [tilespmem:s25], [sflag:$0x3], $0x800, $0x38;
	[tilespmem:$0x1E400] =	vst v63  }
0x399: {  	s21 =	rddreg [dreg:$0x1a]  }
0x39a: {  	[hbm4b:s21+s11] =	stream.linear.scatter [tilespmem:s26], [sflag:$0x3], $0x800, $0x38;
	[tilespmem:$0x1E400] =	vst v63  }
0x39b: {  	s24 =	rddreg [dreg:$0x1b]  }
0x39c: {  	[hbm4b:s24+s11] =	stream.linear.scatter [tilespmem:s28], [sflag:$0x3], $0x800, $0x38;
	[tilespmem:$0x1E400] =	vst v63  }
0x39d: {  	_ =	swait.ge [sflag:s29], $0x8000  }
0x39e: {  	[sflag:s29] =	ssyncset.done $0x0  }
0x39f: {  	[sflag:s29] =	ssyncadd.s32 $0xFFFF8000  }
0x3a0: {  	_ =	swait.ge [sflag:s10], $0x4000  }
0x3a1: {  	[sflag:s10] =	ssyncset.done $0x0  }
0x3a2: {  	s12 =	simm.s32 $0x0;
	[sflag:s10] =	ssyncadd.s32 $0xFFFFC000  }
.LBB2_14:
0x3a3: {  	v39 =	vmov s11  }
0x3a4: {  	v40 =	vshll.u32 v39, $0x7  }
0x3a5: {  	v39 =	vor.u32 v16, v40  }
0x3a6: {  	v41 =	vor.u32 v0, v39  }
0x3a7: {  	v42 =	vor.u32 v18, v39  }
0x3a8: {  	s13 =	sand.u32 $0x400, s12;
	s19 =	sand.u32 $0x70, s11;
	v43 =	vor.u32 v20, v39  }
0x3a9: {  	s13 =	sor.u32 s19, s13;
	v58 =	vor.u32 v15, v40;
	v44 =	vor.u32 v22, v39  }
0x3aa: {  	v46 =	vor.u32 s13, v0;
	v59 =	vor.u32 s13, v17;
	v45 =	vor.u32 v0, v58  }
0x3ab: {  	v60 =	vor.u32 s13, v19;
	v61 =	vor.u32 s13, v21;
	v48 =	vor.u32 v18, v58;
	v47 =	vld.idx.msk [tilespmem:v41+s16+$0x0], $0xffff  }
0x3ac: {  	v50 =	vor.u32 v20, v58;
	v39 =	vand.u32 $0xF80, v59;
	v46 =	vand.u32 $0x7F, v46;
	v49 =	vld.idx.msk [tilespmem:v42+s16+$0x0], $0xffff  }
0x3ad: {  	v52 =	vor.u32 v22, v58;
	v53 =	vor.u32 v46, v39;
	v51 =	vld.idx.msk [tilespmem:v43+s16+$0x0], $0xffff;
	v41 =	vand.u32 $0x1F80, v60  }
0x3ae: {  	v54 =	vor.u32 s13, v23;
	v44 =	vld.idx.msk [tilespmem:v44+s16+$0x0], $0xffff;
	v42 =	vand.u32 $0x2F80, v61;
	v55 =	vor.u32 v46, v41  }
0x3af: {  	v56 =	vor.u32 s13, v24;
	v45 =	vld.idx.msk [tilespmem:v45+s16+$0x0], $0xffff;
	v43 =	vand.u32 $0x3F80, v54;
	v57 =	vor.u32 v46, v42  }
0x3b0: {  	v62 =	vand.u32 $0x7F, v56;
	v48 =	vld.idx.msk [tilespmem:v48+s16+$0x0], $0xffff;
	v46 =	vor.u32 v46, v43  }
0x3b1: {  	v56 =	vor.u32 v62, v39;
	v50 =	vld.idx.msk [tilespmem:v50+s16+$0x0], $0xffff  }
0x3b2: {  	v52 =	vld.idx.msk [tilespmem:v52+s16+$0x0], $0xffff;
	v63 =	vor.u32 v62, v41;
	[tilespmem:v53+s30+$0x0] =	vst.idx.msk $0xffff, v47  }
0x3b3: {  	v58 =	vor.u32 v62, v42;
	[tilespmem:v55+s30+$0x0] =	vst.idx.msk $0xffff, v49  }
0x3b4: {  	v60 =	vor.u32 v14, v40;
	v59 =	vor.u32 v62, v43;
	[tilespmem:v57+s30+$0x0] =	vst.idx.msk $0xffff, v51  }
0x3b5: {  	v61 =	vor.u32 v0, v60;
	[tilespmem:v46+s30+$0x0] =	vst.idx.msk $0xffff, v44  }
0x3b6: {  	v62 =	vor.u32 v18, v60;
	[tilespmem:v56+s30+$0x0] =	vst.idx.msk $0xffff, v45  }
0x3b7: {  	[tilespmem:v63+s30+$0x0] =	vst.idx.msk $0xffff, v48;
	v63 =	vor.u32 v20, v60  }
0x3b8: {  	v57 =	vor.u32 v13, v40;
	v56 =	vor.u32 v22, v60;
	[tilespmem:v58+s30+$0x0] =	vst.idx.msk $0xffff, v50  }
0x3b9: {  	v48 =	vor.u32 v22, v57;
	[tilespmem:v59+s30+$0x0] =	vst.idx.msk $0xffff, v52  }
0x3ba: {  	v58 =	vor.u32 v0, v57;
	v44 =	vld.idx.msk [tilespmem:v61+s16+$0x0], $0xffff;
	v61 =	vor.u32 s13, v25  }
0x3bb: {  	v45 =	vld.idx.msk [tilespmem:v62+s16+$0x0], $0xffff;
	v62 =	vor.u32 v20, v57;
	v51 =	vand.u32 $0x7F, v61  }
0x3bc: {  	v59 =	vor.u32 v18, v57;
	v46 =	vld.idx.msk [tilespmem:v63+s16+$0x0], $0xffff;
	v63 =	vor.u32 v51, v39  }
0x3bd: {  	v47 =	vld.idx.msk [tilespmem:v56+s16+$0x0], $0xffff;
	v54 =	vor.u32 v51, v41  }
0x3be: {  	v60 =	vor.u32 s13, v26;
	v61 =	vor.u32 v51, v42;
	v48 =	vld.idx.msk [tilespmem:v48+s16+$0x0], $0xffff  }
0x3bf: {  	v55 =	vand.u32 $0x7F, v60;
	v51 =	vor.u32 v51, v43;
	v49 =	vld.idx.msk [tilespmem:v58+s16+$0x0], $0xffff  }
0x3c0: {  	v52 =	vld.idx.msk [tilespmem:v62+s16+$0x0], $0xffff;
	v62 =	vor.u32 v55, v39  }
0x3c1: {  	v50 =	vld.idx.msk [tilespmem:v59+s16+$0x0], $0xffff;
	[tilespmem:v63+s30+$0x0] =	vst.idx.msk $0xffff, v44;
	v63 =	vor.u32 v55, v41  }
0x3c2: {  	v58 =	vor.u32 v55, v42;
	[tilespmem:v54+s30+$0x0] =	vst.idx.msk $0xffff, v45  }
0x3c3: {  	v60 =	vor.u32 v12, v40;
	v59 =	vor.u32 v55, v43;
	[tilespmem:v61+s30+$0x0] =	vst.idx.msk $0xffff, v46  }
0x3c4: {  	v61 =	vor.u32 v0, v60;
	[tilespmem:v51+s30+$0x0] =	vst.idx.msk $0xffff, v47  }
0x3c5: {  	[tilespmem:v62+s30+$0x0] =	vst.idx.msk $0xffff, v49;
	v62 =	vor.u32 v18, v60  }
0x3c6: {  	[tilespmem:v63+s30+$0x0] =	vst.idx.msk $0xffff, v50;
	v63 =	vor.u32 v20, v60  }
0x3c7: {  	v57 =	vor.u32 v11, v40;
	v56 =	vor.u32 v22, v60;
	[tilespmem:v58+s30+$0x0] =	vst.idx.msk $0xffff, v52  }
0x3c8: {  	v50 =	vor.u32 v22, v57;
	[tilespmem:v59+s30+$0x0] =	vst.idx.msk $0xffff, v48  }
0x3c9: {  	v58 =	vor.u32 v0, v57;
	v47 =	vld.idx.msk [tilespmem:v61+s16+$0x0], $0xffff;
	v61 =	vor.u32 s13, v27  }
0x3ca: {  	v49 =	vld.idx.msk [tilespmem:v62+s16+$0x0], $0xffff;
	v62 =	vor.u32 v20, v57;
	v51 =	vand.u32 $0x7F, v61  }
0x3cb: {  	v59 =	vor.u32 v18, v57;
	v44 =	vld.idx.msk [tilespmem:v63+s16+$0x0], $0xffff;
	v63 =	vor.u32 v51, v39  }
0x3cc: {  	v45 =	vld.idx.msk [tilespmem:v56+s16+$0x0], $0xffff;
	v54 =	vor.u32 v51, v41  }
0x3cd: {  	v60 =	vor.u32 s13, v28;
	v61 =	vor.u32 v51, v42;
	v50 =	vld.idx.msk [tilespmem:v50+s16+$0x0], $0xffff  }
0x3ce: {  	v55 =	vand.u32 $0x7F, v60;
	v51 =	vor.u32 v51, v43;
	v46 =	vld.idx.msk [tilespmem:v58+s16+$0x0], $0xffff  }
0x3cf: {  	v52 =	vld.idx.msk [tilespmem:v62+s16+$0x0], $0xffff;
	v62 =	vor.u32 v55, v39  }
0x3d0: {  	v48 =	vld.idx.msk [tilespmem:v59+s16+$0x0], $0xffff;
	[tilespmem:v63+s30+$0x0] =	vst.idx.msk $0xffff, v47;
	v63 =	vor.u32 v55, v41  }
0x3d1: {  	v58 =	vor.u32 v55, v42;
	[tilespmem:v54+s30+$0x0] =	vst.idx.msk $0xffff, v49  }
0x3d2: {  	v60 =	vor.u32 v10, v40;
	v59 =	vor.u32 v55, v43;
	[tilespmem:v61+s30+$0x0] =	vst.idx.msk $0xffff, v44  }
0x3d3: {  	v61 =	vor.u32 v0, v60;
	[tilespmem:v51+s30+$0x0] =	vst.idx.msk $0xffff, v45  }
0x3d4: {  	[tilespmem:v62+s30+$0x0] =	vst.idx.msk $0xffff, v46;
	v62 =	vor.u32 v18, v60  }
0x3d5: {  	[tilespmem:v63+s30+$0x0] =	vst.idx.msk $0xffff, v48;
	v63 =	vor.u32 v20, v60  }
0x3d6: {  	v56 =	vor.u32 v22, v60;
	v57 =	vor.u32 v9, v40;
	[tilespmem:v58+s30+$0x0] =	vst.idx.msk $0xffff, v52  }
0x3d7: {  	v49 =	vor.u32 v22, v57;
	[tilespmem:v59+s30+$0x0] =	vst.idx.msk $0xffff, v50  }
0x3d8: {  	v58 =	vor.u32 v0, v57;
	v45 =	vld.idx.msk [tilespmem:v61+s16+$0x0], $0xffff;
	v61 =	vor.u32 s13, v30  }
0x3d9: {  	v46 =	vld.idx.msk [tilespmem:v62+s16+$0x0], $0xffff;
	v62 =	vor.u32 v20, v57;
	v51 =	vand.u32 $0x7F, v61  }
0x3da: {  	v59 =	vor.u32 v18, v57;
	v47 =	vld.idx.msk [tilespmem:v63+s16+$0x0], $0xffff;
	v63 =	vor.u32 v51, v39  }
0x3db: {  	v48 =	vld.idx.msk [tilespmem:v56+s16+$0x0], $0xffff;
	v54 =	vor.u32 v51, v41  }
0x3dc: {  	v60 =	vor.u32 s13, v31;
	v49 =	vld.idx.msk [tilespmem:v49+s16+$0x0], $0xffff;
	v61 =	vor.u32 v51, v42  }
0x3dd: {  	v55 =	vand.u32 $0x7F, v60;
	v51 =	vor.u32 v51, v43;
	v44 =	vld.idx.msk [tilespmem:v58+s16+$0x0], $0xffff  }
0x3de: {  	v52 =	vld.idx.msk [tilespmem:v62+s16+$0x0], $0xffff;
	v62 =	vor.u32 v55, v39  }
0x3df: {  	v50 =	vld.idx.msk [tilespmem:v59+s16+$0x0], $0xffff;
	[tilespmem:v63+s30+$0x0] =	vst.idx.msk $0xffff, v45;
	v63 =	vor.u32 v55, v41  }
0x3e0: {  	v58 =	vor.u32 v55, v42;
	[tilespmem:v54+s30+$0x0] =	vst.idx.msk $0xffff, v46  }
0x3e1: {  	v60 =	vor.u32 v8, v40;
	v59 =	vor.u32 v55, v43;
	[tilespmem:v61+s30+$0x0] =	vst.idx.msk $0xffff, v47  }
0x3e2: {  	v61 =	vor.u32 v0, v60;
	[tilespmem:v51+s30+$0x0] =	vst.idx.msk $0xffff, v48  }
0x3e3: {  	v56 =	vor.u32 v22, v60;
	[tilespmem:v62+s30+$0x0] =	vst.idx.msk $0xffff, v44  }
0x3e4: {  	v62 =	vor.u32 v18, v60;
	[tilespmem:v63+s30+$0x0] =	vst.idx.msk $0xffff, v50  }
0x3e5: {  	v57 =	vor.u32 v7, v40;
	v63 =	vor.u32 v20, v60;
	[tilespmem:v58+s30+$0x0] =	vst.idx.msk $0xffff, v52  }
0x3e6: {  	v50 =	vor.u32 v22, v57;
	[tilespmem:v59+s30+$0x0] =	vst.idx.msk $0xffff, v49  }
0x3e7: {  	v60 =	vor.u32 s13, v29;
	v58 =	vor.u32 v0, v57;
	v48 =	vld.idx.msk [tilespmem:v61+s16+$0x0], $0xffff  }
0x3e8: {  	v51 =	vand.u32 $0x7F, v60;
	v61 =	vor.u32 v20, v57;
	v46 =	vld.idx.msk [tilespmem:v56+s16+$0x0], $0xffff  }
0x3e9: {  	v59 =	vor.u32 v18, v57;
	v44 =	vld.idx.msk [tilespmem:v62+s16+$0x0], $0xffff;
	v62 =	vor.u32 v51, v39  }
0x3ea: {  	v54 =	vor.u32 v51, v41;
	v45 =	vld.idx.msk [tilespmem:v63+s16+$0x0], $0xffff  }
0x3eb: {  	v60 =	vor.u32 v51, v42;
	v63 =	vor.u32 s13, v32;
	v50 =	vld.idx.msk [tilespmem:v50+s16+$0x0], $0xffff  }
0x3ec: {  	v51 =	vor.u32 v51, v43;
	v47 =	vld.idx.msk [tilespmem:v58+s16+$0x0], $0xffff;
	v55 =	vand.u32 $0x7F, v63  }
0x3ed: {  	v52 =	vld.idx.msk [tilespmem:v61+s16+$0x0], $0xffff;
	v61 =	vor.u32 v55, v39  }
0x3ee: {  	v49 =	vld.idx.msk [tilespmem:v59+s16+$0x0], $0xffff;
	[tilespmem:v62+s30+$0x0] =	vst.idx.msk $0xffff, v48;
	v62 =	vor.u32 v55, v41  }
0x3ef: {  	v63 =	vor.u32 v55, v42;
	[tilespmem:v54+s30+$0x0] =	vst.idx.msk $0xffff, v44  }
0x3f0: {  	v58 =	vor.u32 v55, v43;
	v59 =	vor.u32 v6, v40;
	[tilespmem:v60+s30+$0x0] =	vst.idx.msk $0xffff, v45  }
0x3f1: {  	v56 =	vor.u32 v5, v40;
	v60 =	vor.u32 v0, v59;
	[tilespmem:v51+s30+$0x0] =	vst.idx.msk $0xffff, v46  }
0x3f2: {  	v57 =	vor.u32 v0, v56;
	[tilespmem:v61+s30+$0x0] =	vst.idx.msk $0xffff, v47  }
0x3f3: {  	v61 =	vor.u32 v18, v59;
	[tilespmem:v62+s30+$0x0] =	vst.idx.msk $0xffff, v49  }
0x3f4: {  	v62 =	vor.u32 v20, v59;
	[tilespmem:v63+s30+$0x0] =	vst.idx.msk $0xffff, v52  }
0x3f5: {  	v63 =	vor.u32 v22, v59;
	[tilespmem:v58+s30+$0x0] =	vst.idx.msk $0xffff, v50  }
0x3f6: {  	v49 =	vor.u32 v22, v56;
	v59 =	vor.u32 s13, v33;
	v46 =	vld.idx.msk [tilespmem:v60+s16+$0x0], $0xffff  }
0x3f7: {  	v51 =	vand.u32 $0x7F, v59;
	v60 =	vor.u32 v20, v56;
	v45 =	vld.idx.msk [tilespmem:v57+s16+$0x0], $0xffff  }
0x3f8: {  	v58 =	vor.u32 v18, v56;
	v47 =	vld.idx.msk [tilespmem:v61+s16+$0x0], $0xffff;
	v61 =	vor.u32 v51, v39  }
0x3f9: {  	v54 =	vor.u32 v51, v41;
	v48 =	vld.idx.msk [tilespmem:v62+s16+$0x0], $0xffff  }
0x3fa: {  	v62 =	vor.u32 s13, v34;
	v44 =	vld.idx.msk [tilespmem:v63+s16+$0x0], $0xffff;
	v63 =	vor.u32 v51, v42  }
0x3fb: {  	v49 =	vld.idx.msk [tilespmem:v49+s16+$0x0], $0xffff;
	v51 =	vor.u32 v51, v43;
	v55 =	vand.u32 $0x7F, v62  }
0x3fc: {  	v52 =	vld.idx.msk [tilespmem:v60+s16+$0x0], $0xffff;
	v60 =	vor.u32 v55, v39  }
0x3fd: {  	v50 =	vld.idx.msk [tilespmem:v58+s16+$0x0], $0xffff;
	[tilespmem:v61+s30+$0x0] =	vst.idx.msk $0xffff, v46;
	v61 =	vor.u32 v55, v41  }
0x3fe: {  	v62 =	vor.u32 v55, v42;
	[tilespmem:v54+s30+$0x0] =	vst.idx.msk $0xffff, v47  }
0x3ff: {  	v58 =	vor.u32 v4, v40;
	[tilespmem:v63+s30+$0x0] =	vst.idx.msk $0xffff, v48;
	v63 =	vor.u32 v55, v43  }
0x400: {  	v59 =	vor.u32 v0, v58;
	[tilespmem:v51+s30+$0x0] =	vst.idx.msk $0xffff, v44  }
0x401: {  	v56 =	vor.u32 v22, v58;
	[tilespmem:v60+s30+$0x0] =	vst.idx.msk $0xffff, v45  }
0x402: {  	v60 =	vor.u32 v18, v58;
	[tilespmem:v61+s30+$0x0] =	vst.idx.msk $0xffff, v50  }
0x403: {  	v57 =	vor.u32 v3, v40;
	v61 =	vor.u32 v20, v58;
	[tilespmem:v62+s30+$0x0] =	vst.idx.msk $0xffff, v52  }
0x404: {  	v58 =	vor.u32 v0, v57;
	[tilespmem:v63+s30+$0x0] =	vst.idx.msk $0xffff, v49  }
0x405: {  	v50 =	vor.u32 v22, v57;
	v62 =	vor.u32 s13, v35;
	v44 =	vld.idx.msk [tilespmem:v59+s16+$0x0], $0xffff  }
0x406: {  	v63 =	vor.u32 v20, v57;
	v51 =	vand.u32 $0x7F, v62;
	v47 =	vld.idx.msk [tilespmem:v56+s16+$0x0], $0xffff  }
0x407: {  	v59 =	vor.u32 v18, v57;
	v53 =	vor.u32 v51, v39;
	v45 =	vld.idx.msk [tilespmem:v60+s16+$0x0], $0xffff  }
0x408: {  	v60 =	vor.u32 v51, v41;
	v46 =	vld.idx.msk [tilespmem:v61+s16+$0x0], $0xffff  }
0x409: {  	v62 =	vor.u32 v51, v42;
	v48 =	vld.idx.msk [tilespmem:v58+s16+$0x0], $0xffff;
	v61 =	vor.u32 s13, v36  }
0x40a: {  	v51 =	vor.u32 v51, v43;
	v50 =	vld.idx.msk [tilespmem:v50+s16+$0x0], $0xffff;
	v55 =	vand.u32 $0x7F, v61  }
0x40b: {  	v52 =	vld.idx.msk [tilespmem:v63+s16+$0x0], $0xffff;
	v63 =	vor.u32 v55, v39  }
0x40c: {  	v58 =	vor.u32 v55, v41;
	v49 =	vld.idx.msk [tilespmem:v59+s16+$0x0], $0xffff;
	[tilespmem:v53+s30+$0x0] =	vst.idx.msk $0xffff, v44  }
0x40d: {  	v59 =	vor.u32 v55, v42;
	[tilespmem:v60+s30+$0x0] =	vst.idx.msk $0xffff, v45  }
0x40e: {  	v61 =	vor.u32 v2, v40;
	v60 =	vor.u32 v55, v43;
	[tilespmem:v62+s30+$0x0] =	vst.idx.msk $0xffff, v46  }
0x40f: {  	v62 =	vor.u32 v0, v61;
	[tilespmem:v51+s30+$0x0] =	vst.idx.msk $0xffff, v47  }
0x410: {  	v54 =	vor.u32 v20, v61;
	[tilespmem:v63+s30+$0x0] =	vst.idx.msk $0xffff, v48  }
0x411: {  	v55 =	vor.u32 v22, v61;
	[tilespmem:v58+s30+$0x0] =	vst.idx.msk $0xffff, v49  }
0x412: {  	v40 =	vor.u32 v1, v40;
	v63 =	vor.u32 v18, v61;
	[tilespmem:v59+s30+$0x0] =	vst.idx.msk $0xffff, v52  }
0x413: {  	v56 =	vor.u32 v0, v40;
	[tilespmem:v60+s30+$0x0] =	vst.idx.msk $0xffff, v50  }
0x414: {  	v57 =	vor.u32 v18, v40;
	v58 =	vor.u32 s13, v37;
	v47 =	vld.idx.msk [tilespmem:v62+s16+$0x0], $0xffff  }
0x415: {  	v59 =	vor.u32 v20, v40;
	v50 =	vand.u32 $0x7F, v58;
	v44 =	vld.idx.msk [tilespmem:v54+s16+$0x0], $0xffff  }
0x416: {  	v40 =	vor.u32 v22, v40;
	v45 =	vld.idx.msk [tilespmem:v55+s16+$0x0], $0xffff;
	v60 =	vor.u32 v50, v39  }
0x417: {  	v61 =	vor.u32 v50, v41;
	v48 =	vld.idx.msk [tilespmem:v63+s16+$0x0], $0xffff  }
0x418: {  	v46 =	vld.idx.msk [tilespmem:v56+s16+$0x0], $0xffff;
	v62 =	vor.u32 s13, v38;
	v63 =	vor.u32 v50, v42  }
0x419: {  	v49 =	vld.idx.msk [tilespmem:v57+s16+$0x0], $0xffff;
	v50 =	vor.u32 v50, v43;
	v54 =	vand.u32 $0x7F, v62  }
0x41a: {  	v39 =	vor.u32 v54, v39;
	v51 =	vld.idx.msk [tilespmem:v59+s16+$0x0], $0xffff  }
0x41b: {  	v41 =	vor.u32 v54, v41;
	v40 =	vld.idx.msk [tilespmem:v40+s16+$0x0], $0xffff;
	[tilespmem:v60+s30+$0x0] =	vst.idx.msk $0xffff, v47  }
0x41c: {  	v42 =	vor.u32 v54, v42;
	[tilespmem:v61+s30+$0x0] =	vst.idx.msk $0xffff, v48  }
0x41d: {  	p0 =	sne.s32 s12, $0x780;
	v43 =	vor.u32 v54, v43;
	[tilespmem:v63+s30+$0x0] =	vst.idx.msk $0xffff, v44  }
.Ltmp6:
0x41e: {  	[tilespmem:v50+s30+$0x0] =	vst.idx.msk $0xffff, v45;
	(pc) =	sbr.rel @p0 .LBB2_14-.Ltmp6, $4  }
0x41f: {  	[tilespmem:v39+s30+$0x0] =	vst.idx.msk $0xffff, v46  }
0x420: {  	[tilespmem:v41+s30+$0x0] =	vst.idx.msk $0xffff, v49  }
0x421: {  	[tilespmem:v42+s30+$0x0] =	vst.idx.msk $0xffff, v51  }
0x422: {  	s11 =	sadd.s32 $0x10, s11;
	s12 =	sadd.s32 $0x80, s12;
	[tilespmem:v43+s30+$0x0] =	vst.idx.msk $0xffff, v40  }
0x423: {  	s11 =	rddreg [dreg:$0x1c]  }
0x424: {  	s21 =	rddreg [dreg:$0x1d]  }
0x425: {  	[hbm4b:s11+s2] =	stream.linear.scatter [tilespmem:s30], [sflag:$0x4], $0x800, $0x38;
	[tilespmem:$0x1E400] =	vst v63  }
0x426: {  	s24 =	rddreg [dreg:$0x1e]  }
0x427: {  	[hbm4b:s21+s2] =	stream.linear.scatter [tilespmem:s31], [sflag:$0x4], $0x800, $0x38;
	[tilespmem:$0x1E400] =	vst v63  }
0x428: {  	s12 =	rddreg [dreg:$0x1f]  }
0x429: {  	[hbm4b:s24+s2] =	stream.linear.scatter [tilespmem:s3], [sflag:$0x4], $0x800, $0x38;
	[tilespmem:$0x1E400] =	vst v63  }
0x42a: {  	s13 =	sld [smem:$0x7F9]  }
0x42b: {  	[hbm4b:s12+s2] =	stream.linear.scatter [tilespmem:s0], [sflag:$0x4], $0x800, $0x38;
	[tilespmem:$0x1E400] =	vst v63  }
0x42c: {  	s19 =	sld [smem:$0x7FA]  }
0x42d: {  	[hbm4b:s13+s2] =	stream.linear.scatter [tilespmem:s5], [sflag:$0x4], $0x800, $0x38;
	[tilespmem:$0x1E400] =	vst v63  }
0x42e: {  	s20 =	sld [smem:$0x7FB]  }
0x42f: {  	[hbm4b:s19+s2] =	stream.linear.scatter [tilespmem:s6], [sflag:$0x4], $0x800, $0x38;
	[tilespmem:$0x1E400] =	vst v63  }
0x430: {  	s21 =	sld [smem:$0x7FC]  }
0x431: {  	[hbm4b:s20+s2] =	stream.linear.scatter [tilespmem:s7], [sflag:$0x4], $0x800, $0x38;
	[tilespmem:$0x1E400] =	vst v63  }
0x432: {  	_ = 	snop  }
0x433: {  	[hbm4b:s21+s2] =	stream.linear.scatter [tilespmem:s8], [sflag:$0x4], $0x800, $0x38;
	[tilespmem:$0x1E400] =	vst v63  }
0x434: {  	_ =	swait.ge [sflag:s9], $0x4000  }
0x435: {  	[sflag:s9] =	ssyncset.done $0x0  }
0x436: {  	[sflag:s9] =	ssyncadd.s32 $0xFFFFC000  }
0x437: {  	_ =	swait.ge [sflag:s10], $0x4000  }
0x438: {  	s12 =	sld [smem:$0x7F8]  }
0x439: {  	s24 =	sld [smem:$0x7FD];
	_ =	sdelay $0x1  }
0x43a: {  	s12 =	sadd.s32 $0x1, s12  }
0x43b: {  	p0 =	sne.s32 s12, s24  }
.Ltmp7:
0x43c: {  	_ = 	snop;
	(pc) =	sbr.rel @p0 .LBB2_1-.Ltmp7, $3  }
0x43d: {  	_ =	sdelay $0x1  }
0x43e: {  	[sflag:s10] =	ssyncset.done $0x0  }
0x43f: {  	[sflag:s10] =	ssyncadd.s32 $0xFFFFC000  }
0x440: {  	_ =	sfence.sel $0x180000  }
0x441: {  	[bflag:$0x0] =	sbarrier.arrive $0xFFFF  }
0x442: {  	_ =	strace $0x90000047  }
0x443: {  	s0 =	stileid.u32;
	[bflag:$0x2] =	sbarrier.arrive $0xFFFF  }
0x444: {  	p0 =	sne.s32 s0, $0x0;
	s0 =	rddreg [dreg:$0x2]  }
0x445: {  	s0 =	sadd.s32 @!p0 $0x100000, s0  }
0x446: {  	[sflag:s0] =	ssyncadd.tile.s32 @!p0 $0x1;
	_ =	shalt  }
.Lfunc_end2:
_tile_overlayer_lowered:
.L_overlay_start_2:
0x447: {  	(tag) =	ssettag $0x2  }
0x448: {  	s0 =	rddreg [dreg:$0x0];
	s2 =	stileid.u32  }
0x449: {  	s1 =	rddreg [dreg:$0x1];
	p0 =	sne.s32 s2, $0x0  }
0x44a: {  	s3 =	rddreg [dreg:$0x2];
	[bflag:$0x3] =	sbarrier.arrive $0xFFFF;
	s2 =	simm.s32 @!p0 $0x1C05  }
0x44b: {  	[timem:s3], [sflag:s2] =	dma.local @!p0 [hbm:s0], s1  }
0x44c: {  	s0 =	simm.s32 @!p0 $0x5  }
0x44d: {  	_ =	swait.ge @!p0 [sflag:s0], s1  }
0x44e: {  	s1 =	ssub.s32 @!p0 $0x0, s1;
	[sflag:s0] =	ssyncset.done @!p0 $0x0  }
0x44f: {  	[sflag:s0] =	ssyncadd.s32 @!p0 s1  }
0x450: {  	[bflag:$0x3] =	sbarrier.arrive $0xFFFF  }
0x451: {  	_ =	shalt  }

</sc_bundles>
